<compile_context>
chip_gen: v7x
topology: tpu7x:2x2x1
jax: 0.10.2.dev20260603
libtpu: 0.0.44.dev20260713+nightly
codegen_flags: <defaults>
</compile_context>

<pallas_src>
import jax
import jax.numpy as jnp
from jax import lax
from jax.experimental import pallas as pl
from jax.experimental.pallas import tpu as pltpu
from jax.experimental.pallas import tpu_sc as plsc

_INPUT_WIDTH = 100
_MAX_DEPTH = 20
_N_NODES = 2 ** _MAX_DEPTH + 1
_BATCH = 16384
_NC = 2
_NS = 16
_NW = _NC * _NS
_RPW = _BATCH // _NW
_LANES = 16
_NROWS = 24


def _tree_body(xt_hbm, choices_hbm, ptail_hbm, out_hbm,
               rows_v, ridx_v, choices_v, ptail_v, out_v,
               sem_x, sem_x2, sem_c):
    wid = lax.axis_index("c") * _NS + lax.axis_index("s")
    col0 = wid * _RPW

    lane = lax.iota(jnp.int32, _LANES)
    one = jnp.ones((_LANES,), jnp.int32)
    idx_lo = jnp.where(lane >= 1, (one << jnp.maximum(lane - 1, 0)) - 1, 0)
    idx_hi = jnp.where(lane < _MAX_DEPTH - _LANES + 1,
                       (one << (lane + _LANES - 1)) - 1, 0)
    cp_lo = pltpu.async_copy(choices_hbm.at[idx_lo],
                             choices_v.at[pl.ds(0, _LANES)], sem_c)
    cp_hi = pltpu.async_copy(choices_hbm.at[idx_hi],
                             choices_v.at[pl.ds(_LANES, _LANES)], sem_c)
    pltpu.sync_copy(ptail_hbm, ptail_v)
    cp_lo.wait()
    cp_hi.wait()

    onev = jnp.full((_LANES,), 1, jnp.int32)
    pa = plsc.load_gather(ptail_v, [onev])
    pb = plsc.load_gather(ptail_v, [onev + 1])

    c_lo = plsc.load_gather(choices_v, [lane + 1])
    c_hi = plsc.load_gather(choices_v, [lane + 9])
    c_lo = jnp.minimum(jnp.maximum(c_lo, 0), _INPUT_WIDTH - 1)
    c_hi = jnp.minimum(jnp.maximum(c_hi, 0), _INPUT_WIDTH - 1)
    ridx_v[pl.ds(0, _LANES)] = c_lo
    ridx_v[pl.ds(8, _LANES)] = c_hi

    quarter = _RPW // 4
    ridx20 = ridx_v.at[pl.ds(0, _MAX_DEPTH)]
    cps = []
    for q in range(4):
        cps.append(pltpu.async_copy(
            xt_hbm.at[ridx20, pl.ds(col0 + q * quarter, quarter)],
            rows_v.at[:, pl.ds(q * quarter, quarter)],
            sem_x if q % 2 == 0 else sem_x2))
    cps[0].wait()

    groups_per_q = quarter // _LANES
    out_cps = []
    for g in range(_RPW // _LANES):
        if g in (groups_per_q, 2 * groups_per_q, 3 * groups_per_q):
            cps[g // groups_per_q].wait()
        sl = pl.ds(g * _LANES, _LANES)
        vals = [rows_v[k, sl] for k in range(_MAX_DEPTH - 1)]
        while len(vals) > 1:
            nxt = [jnp.maximum(vals[i], vals[i + 1])
                   for i in range(0, len(vals) - 1, 2)]
            if len(vals) % 2:
                nxt.append(vals[-1])
            vals = nxt
        acc = vals[0]
        b_last = rows_v[_MAX_DEPTH - 1, sl]
        out_v[sl] = jnp.where(acc > 0.0, onev,
                              jnp.where(b_last > 0.0, pb, pa))
        if (g + 1) % groups_per_q == 0:
            q = g // groups_per_q
            out_cps.append(pltpu.async_copy(
                out_v.at[pl.ds(q * quarter, quarter)],
                out_hbm.at[pl.ds(col0 + q * quarter, quarter)], sem_c))

    for cp in out_cps:
        cp.wait()


@jax.jit
def _tree_sc(xt, node_choices, ptail):
    mesh = plsc.VectorSubcoreMesh(core_axis_name="c", subcore_axis_name="s")
    return pl.kernel(
        _tree_body,
        out_type=jax.ShapeDtypeStruct((_BATCH,), jnp.int32),
        mesh=mesh,
        compiler_params=pltpu.CompilerParams(needs_layout_passes=False,
                                             use_tc_tiling_on_sc=True),
        scratch_types=[
            pltpu.VMEM((_MAX_DEPTH, _RPW), jnp.float32),
            pltpu.VMEM((_NROWS,), jnp.int32),
            pltpu.VMEM((2 * _LANES,), jnp.int32),
            pltpu.VMEM((_LANES,), jnp.int32),
            pltpu.VMEM((_RPW,), jnp.int32),
            pltpu.SemaphoreType.DMA,
            pltpu.SemaphoreType.DMA,
            pltpu.SemaphoreType.DMA,
        ],
    )(xt, node_choices, ptail)


def kernel(x, node_choices, node_predictions):
    ptail = lax.slice(node_predictions, (_N_NODES - 2,),
                      (_N_NODES,)).astype(jnp.int32)
    ptail = jnp.pad(ptail, (1, _LANES - 3))
    out = _tree_sc(x.T, node_choices, ptail)
    return out.astype(jnp.bool_)

# --- scband reference (transcript-rebuilt; emitter-appended) ---
"""Pipeline reference for scband-tree-17867063951635 (READ-ONLY COPY).

The authoritative reference and input builder live on the scoring server;
editing this copy changes nothing except your own understanding.
"""

import jax, jax.numpy as jnp
import numpy as np

INPUT_WIDTH = 100
MAX_DEPTH = 20
N_NODES = 2 ** MAX_DEPTH + 1  # matches module: self.n_nodes = 2**max_depth + 1
BATCH = 16384


def setup_inputs(seed: int = 0) -> dict:
    key = jax.random.key(seed)
    k1, k2, k3 = jax.random.split(key, 3)
    # binary input features (module gathers them and casts to long as left/right decisions)
    x = jax.random.randint(k1, (BATCH, INPUT_WIDTH), 0, 2).astype(jnp.float32)
    # learned (non-grad) tree parameters, materialized as a *built* tree:
    # node_choices[i] = which input column node i tests; valid column ids in [0, INPUT_WIDTH)
    node_choices = jax.random.randint(k2, (N_NODES,), 0, INPUT_WIDTH).astype(jnp.int32)
    # node_predictions[i] = boolean prediction stored at node i
    node_predictions = jax.random.randint(k3, (N_NODES,), 0, 2).astype(jnp.bool_)
    return {"x": x, "node_choices": node_choices, "node_predictions": node_predictions}


def reference(x, node_choices, node_predictions):
    # Faithful translation of Tree.forward for a fully built tree
    # (after Tree.build, self.current_depth == max_depth).
    current_nodes = jnp.zeros((x.shape[0],), dtype=jnp.int32)
    for d in range(MAX_DEPTH):
        # current_choices = self.node_choices[current_nodes]
        current_choices = jnp.take(node_choices, current_nodes, axis=0)
        # decisions = x.gather(1, current_choices.unsqueeze(-1)).squeeze(-1).long()
        decisions = jnp.take_along_axis(x, current_choices[:, None].astype(jnp.int32), axis=1)[:, 0]
        decisions = decisions.astype(jnp.int32)
        # current_nodes = current_nodes * 2 + decisions + 1
        current_nodes = current_nodes * 2 + decisions + 1
    # return self.node_predictions[current_nodes]  (jnp gather clamps any OOB node ids)
    return jnp.take(node_predictions, current_nodes, axis=0)

if __name__ == "__main__":
    import jax
    _d = setup_inputs()
    print(jax.jit(kernel)(*tuple(_d.values())))

</pallas_src>

<mosaic_0001>
#map = affine_map<(d0, d1) -> (0, 0)>
#map1 = affine_map<(d0, d1) -> (0)>
module attributes {stable_mosaic.version = 14 : i64} {
  func.func @_tree_body(%arg0: i32, %arg1: i32, %arg2: memref<100x16384xf32, #tpu.memory_space<hbm>>, %arg3: memref<1048577xi32, #tpu.memory_space<hbm>>, %arg4: memref<16xi32, #tpu.memory_space<hbm>>, %arg5: memref<16384xi32, #tpu.memory_space<hbm>>, %arg6: memref<20x512xf32, #tpu.memory_space<vmem>>, %arg7: memref<24xi32, #tpu.memory_space<vmem>>, %arg8: memref<32xi32, #tpu.memory_space<vmem>>, %arg9: memref<16xi32, #tpu.memory_space<vmem>>, %arg10: memref<512xi32, #tpu.memory_space<vmem>>, %arg11: memref<!tpu.dma_semaphore, #tpu.memory_space<semaphore_mem>>, %arg12: memref<!tpu.dma_semaphore, #tpu.memory_space<semaphore_mem>>, %arg13: memref<!tpu.dma_semaphore, #tpu.memory_space<semaphore_mem>>) attributes {dimension_semantics = [#tpu.dimension_semantics<core_parallel>, #tpu.dimension_semantics<subcore_parallel>], iteration_bounds = array<i64: 2, 16>, scalar_prefetch = 0 : i64, scratch_operands = 8 : i64, tpu.core_type = #tpu.core_type<sc_vector_subcore>, window_params = [{transform_indices = #map}, {transform_indices = #map1}, {transform_indices = #map1}, {transform_indices = #map1}]} {
    %mul3A = arith.constant 16 : i32
    %mul3A_0 = arith.muli %arg0, %mul3A : i32
    %add3A = arith.addi %mul3A_0, %arg1 : i32
    %mul3A_1 = arith.constant 512 : i32
    %mul3A_2 = arith.muli %add3A, %mul3A_1 : i32
    %iota3A = tpu.iota {dimensions = array<i32: 0>} : vector<16xi32>
    %broadcast_in_dim3A = arith.constant 1 : i32
    %broadcast_in_dim3A_3 = vector.broadcast %broadcast_in_dim3A : i32 to vector<16xi32>
    %ge3A = arith.constant 1 : i32
    %ge3A_4 = vector.broadcast %ge3A : i32 to vector<16xi32>
    %ge3A_5 = arith.cmpi sge, %iota3A, %ge3A_4 : vector<16xi32>
    %sub3A = arith.constant 1 : i32
    %sub3A_6 = vector.broadcast %sub3A : i32 to vector<16xi32>
    %sub3A_7 = arith.subi %iota3A, %sub3A_6 : vector<16xi32>
    %max3A = arith.constant 0 : i32
    %max3A_8 = vector.broadcast %max3A : i32 to vector<16xi32>
    %max3A_9 = arith.maxsi %sub3A_7, %max3A_8 : vector<16xi32>
    %shift_left3A = arith.shli %broadcast_in_dim3A_3, %max3A_9 : vector<16xi32>
    %sub3A_10 = arith.constant 1 : i32
    %sub3A_11 = vector.broadcast %sub3A_10 : i32 to vector<16xi32>
    %sub3A_12 = arith.subi %shift_left3A, %sub3A_11 : vector<16xi32>
    %jit3A = arith.constant 0 : i32
    %broadcast_in_dim3A_13 = vector.broadcast %jit3A : i32 to vector<16xi32>
    %select_n3A = arith.select %ge3A_5, %sub3A_12, %broadcast_in_dim3A_13 : vector<16xi1>, vector<16xi32>
    %lt3A = arith.constant 5 : i32
    %lt3A_14 = vector.broadcast %lt3A : i32 to vector<16xi32>
    %lt3A_15 = arith.cmpi slt, %iota3A, %lt3A_14 : vector<16xi32>
    %add3A_16 = arith.constant 16 : i32
    %add3A_17 = vector.broadcast %add3A_16 : i32 to vector<16xi32>
    %add3A_18 = arith.addi %iota3A, %add3A_17 : vector<16xi32>
    %sub3A_19 = arith.constant 1 : i32
    %sub3A_20 = vector.broadcast %sub3A_19 : i32 to vector<16xi32>
    %sub3A_21 = arith.subi %add3A_18, %sub3A_20 : vector<16xi32>
    %shift_left3A_22 = arith.shli %broadcast_in_dim3A_3, %sub3A_21 : vector<16xi32>
    %sub3A_23 = arith.constant 1 : i32
    %sub3A_24 = vector.broadcast %sub3A_23 : i32 to vector<16xi32>
    %sub3A_25 = arith.subi %shift_left3A_22, %sub3A_24 : vector<16xi32>
    %jit3A_26 = arith.constant 0 : i32
    %broadcast_in_dim3A_27 = vector.broadcast %jit3A_26 : i32 to vector<16xi32>
    %select_n3A_28 = arith.select %lt3A_15, %sub3A_25, %broadcast_in_dim3A_27 : vector<16xi1>, vector<16xi32>
    %dma_start3A = arith.constant 0 : i32
    %dma_start3A_29 = tpu.memref_slice %arg8[%dma_start3A] : memref<32xi32, #tpu.memory_space<vmem>> -> memref<16xi32, #tpu.memory_space<vmem>>
    %dma_start3A_30 = arith.constant 0 : i32
    %dma_start3A_31 = tpu.memref_slice %arg3[%dma_start3A_30] : memref<1048577xi32, #tpu.memory_space<hbm>> -> memref<1048577xi32, #tpu.memory_space<hbm>>
    tpu.enqueue_indirect_dma source(%dma_start3A_31 : memref<1048577xi32, #tpu.memory_space<hbm>>) target(%dma_start3A_29 : memref<16xi32, #tpu.memory_space<vmem>>) offsets(%select_n3A : vector<16xi32>) semaphore(%arg13 : memref<!tpu.dma_semaphore, #tpu.memory_space<semaphore_mem>>)
    %dma_start3A_32 = arith.constant 16 : i32
    %dma_start3A_33 = tpu.memref_slice %arg8[%dma_start3A_32] : memref<32xi32, #tpu.memory_space<vmem>> -> memref<16xi32, #tpu.memory_space<vmem>>
    %dma_start3A_34 = arith.constant 0 : i32
    %dma_start3A_35 = tpu.memref_slice %arg3[%dma_start3A_34] : memref<1048577xi32, #tpu.memory_space<hbm>> -> memref<1048577xi32, #tpu.memory_space<hbm>>
    tpu.enqueue_indirect_dma source(%dma_start3A_35 : memref<1048577xi32, #tpu.memory_space<hbm>>) target(%dma_start3A_33 : memref<16xi32, #tpu.memory_space<vmem>>) offsets(%select_n3A_28 : vector<16xi32>) semaphore(%arg13 : memref<!tpu.dma_semaphore, #tpu.memory_space<semaphore_mem>>)
    "tpu.region"() ({
      %run_scoped3A = tpu.sem_alloc : memref<!tpu.dma_semaphore, #tpu.memory_space<semaphore_mem>>
      tpu.enqueue_dma source(%arg4 : memref<16xi32, #tpu.memory_space<hbm>>) target(%arg9 : memref<16xi32, #tpu.memory_space<vmem>>) target_semaphore(%run_scoped3A : memref<!tpu.dma_semaphore, #tpu.memory_space<semaphore_mem>>)
      tpu.wait_dma2 semaphore(%run_scoped3A : memref<!tpu.dma_semaphore, #tpu.memory_space<semaphore_mem>>) src(%arg4 : memref<16xi32, #tpu.memory_space<hbm>>) dst(%arg9 : memref<16xi32, #tpu.memory_space<vmem>>)
      tpu.yield
    }) : () -> ()
    %dma_wait3A = arith.constant 0 : i32
    %dma_wait3A_36 = tpu.memref_slice %arg8[%dma_wait3A] : memref<32xi32, #tpu.memory_space<vmem>> -> memref<16xi32, #tpu.memory_space<vmem>>
    %dma_wait3A_37 = arith.constant 0 : i32
    %dma_wait3A_38 = tpu.memref_slice %arg3[%dma_wait3A_37] : memref<1048577xi32, #tpu.memory_space<hbm>> -> memref<1048577xi32, #tpu.memory_space<hbm>>
    tpu.wait_indirect_dma semaphore(%arg13 : memref<!tpu.dma_semaphore, #tpu.memory_space<semaphore_mem>>) src(%dma_wait3A_38 : memref<1048577xi32, #tpu.memory_space<hbm>>) dst(%dma_wait3A_36 : memref<16xi32, #tpu.memory_space<vmem>>)
    %dma_wait3A_39 = arith.constant 16 : i32
    %dma_wait3A_40 = tpu.memref_slice %arg8[%dma_wait3A_39] : memref<32xi32, #tpu.memory_space<vmem>> -> memref<16xi32, #tpu.memory_space<vmem>>
    %dma_wait3A_41 = arith.constant 0 : i32
    %dma_wait3A_42 = tpu.memref_slice %arg3[%dma_wait3A_41] : memref<1048577xi32, #tpu.memory_space<hbm>> -> memref<1048577xi32, #tpu.memory_space<hbm>>
    tpu.wait_indirect_dma semaphore(%arg13 : memref<!tpu.dma_semaphore, #tpu.memory_space<semaphore_mem>>) src(%dma_wait3A_42 : memref<1048577xi32, #tpu.memory_space<hbm>>) dst(%dma_wait3A_40 : memref<16xi32, #tpu.memory_space<vmem>>)
    %broadcast_in_dim3A_43 = arith.constant 1 : i32
    %broadcast_in_dim3A_44 = vector.broadcast %broadcast_in_dim3A_43 : i32 to vector<16xi32>
    %gather3A = tpu.vector_load_idx %arg9[%broadcast_in_dim3A_44] : memref<16xi32, #tpu.memory_space<vmem>>[vector<16xi32>], vector<16xi32>,
    %add3A_45 = arith.constant 1 : i32
    %add3A_46 = vector.broadcast %add3A_45 : i32 to vector<16xi32>
    %add3A_47 = arith.addi %broadcast_in_dim3A_44, %add3A_46 : vector<16xi32>
    %gather3A_48 = tpu.vector_load_idx %arg9[%add3A_47] : memref<16xi32, #tpu.memory_space<vmem>>[vector<16xi32>], vector<16xi32>,
    %add3A_49 = arith.constant 1 : i32
    %add3A_50 = vector.broadcast %add3A_49 : i32 to vector<16xi32>
    %add3A_51 = arith.addi %iota3A, %add3A_50 : vector<16xi32>
    %gather3A_52 = tpu.vector_load_idx %arg8[%add3A_51] : memref<32xi32, #tpu.memory_space<vmem>>[vector<16xi32>], vector<16xi32>,
    %add3A_53 = arith.constant 9 : i32
    %add3A_54 = vector.broadcast %add3A_53 : i32 to vector<16xi32>
    %add3A_55 = arith.addi %iota3A, %add3A_54 : vector<16xi32>
    %gather3A_56 = tpu.vector_load_idx %arg8[%add3A_55] : memref<32xi32, #tpu.memory_space<vmem>>[vector<16xi32>], vector<16xi32>,
    %max3A_57 = arith.constant 0 : i32
    %max3A_58 = vector.broadcast %max3A_57 : i32 to vector<16xi32>
    %max3A_59 = arith.maxsi %gather3A_52, %max3A_58 : vector<16xi32>
    %min3A = arith.constant 99 : i32
    %min3A_60 = vector.broadcast %min3A : i32 to vector<16xi32>
    %min3A_61 = arith.minsi %max3A_59, %min3A_60 : vector<16xi32>
    %max3A_62 = arith.constant 0 : i32
    %max3A_63 = vector.broadcast %max3A_62 : i32 to vector<16xi32>
    %max3A_64 = arith.maxsi %gather3A_56, %max3A_63 : vector<16xi32>
    %min3A_65 = arith.constant 99 : i32
    %min3A_66 = vector.broadcast %min3A_65 : i32 to vector<16xi32>
    %min3A_67 = arith.minsi %max3A_64, %min3A_66 : vector<16xi32>
    %swap3A = arith.constant 0 : index
    %swap3A_68 = tpu.vector_load %arg7[%swap3A] {strides = array<i32>} : memref<24xi32, #tpu.memory_space<vmem>>, vector<16xi32>,
    tpu.vector_store %arg7[%swap3A], %min3A_61 {strides = array<i32>} : memref<24xi32, #tpu.memory_space<vmem>>, vector<16xi32>,
    %swap3A_69 = arith.constant 8 : index
    %swap3A_70 = tpu.vector_load %arg7[%swap3A_69] {strides = array<i32>} : memref<24xi32, #tpu.memory_space<vmem>>, vector<16xi32>,
    tpu.vector_store %arg7[%swap3A_69], %min3A_67 {strides = array<i32>} : memref<24xi32, #tpu.memory_space<vmem>>, vector<16xi32>,
    %add3A_71 = arith.constant 0 : i32
    %add3A_72 = arith.addi %mul3A_2, %add3A_71 : i32
    %dma_start3A_73 = arith.constant 0 : i32
    %dma_start3A_74 = arith.constant 0 : i32
    %dma_start3A_75 = tpu.memref_slice %arg6[%dma_start3A_73, %dma_start3A_74] : memref<20x512xf32, #tpu.memory_space<vmem>> -> memref<20x128xf32, #tpu.memory_space<vmem>>
    %dma_start3A_76 = arith.constant 0 : i32
    %dma_start3A_77 = tpu.memref_slice %arg7[%dma_start3A_76] : memref<24xi32, #tpu.memory_space<vmem>> -> memref<20xi32, #tpu.memory_space<vmem>>
    %dma_start3A_78 = arith.constant 0 : i32
    %dma_start3A_79 = tpu.memref_slice %arg2[%dma_start3A_78, %add3A_72] : memref<100x16384xf32, #tpu.memory_space<hbm>> -> memref<100x128xf32, #tpu.memory_space<hbm>>
    tpu.enqueue_indirect_dma source(%dma_start3A_79 : memref<100x128xf32, #tpu.memory_space<hbm>>) target(%dma_start3A_75 : memref<20x128xf32, #tpu.memory_space<vmem>>) offsets(%dma_start3A_77 : memref<20xi32, #tpu.memory_space<vmem>>) semaphore(%arg11 : memref<!tpu.dma_semaphore, #tpu.memory_space<semaphore_mem>>)
    %add3A_80 = arith.constant 128 : i32
    %add3A_81 = arith.addi %mul3A_2, %add3A_80 : i32
    %dma_start3A_82 = arith.constant 0 : i32
    %dma_start3A_83 = arith.constant 128 : i32
    %dma_start3A_84 = tpu.memref_slice %arg6[%dma_start3A_82, %dma_start3A_83] : memref<20x512xf32, #tpu.memory_space<vmem>> -> memref<20x128xf32, #tpu.memory_space<vmem>>
    %dma_start3A_85 = arith.constant 0 : i32
    %dma_start3A_86 = tpu.memref_slice %arg7[%dma_start3A_85] : memref<24xi32, #tpu.memory_space<vmem>> -> memref<20xi32, #tpu.memory_space<vmem>>
    %dma_start3A_87 = arith.constant 0 : i32
    %dma_start3A_88 = tpu.memref_slice %arg2[%dma_start3A_87, %add3A_81] : memref<100x16384xf32, #tpu.memory_space<hbm>> -> memref<100x128xf32, #tpu.memory_space<hbm>>
    tpu.enqueue_indirect_dma source(%dma_start3A_88 : memref<100x128xf32, #tpu.memory_space<hbm>>) target(%dma_start3A_84 : memref<20x128xf32, #tpu.memory_space<vmem>>) offsets(%dma_start3A_86 : memref<20xi32, #tpu.memory_space<vmem>>) semaphore(%arg12 : memref<!tpu.dma_semaphore, #tpu.memory_space<semaphore_mem>>)
    %add3A_89 = arith.constant 256 : i32
    %add3A_90 = arith.addi %mul3A_2, %add3A_89 : i32
    %dma_start3A_91 = arith.constant 0 : i32
    %dma_start3A_92 = arith.constant 256 : i32
    %dma_start3A_93 = tpu.memref_slice %arg6[%dma_start3A_91, %dma_start3A_92] : memref<20x512xf32, #tpu.memory_space<vmem>> -> memref<20x128xf32, #tpu.memory_space<vmem>>
    %dma_start3A_94 = arith.constant 0 : i32
    %dma_start3A_95 = tpu.memref_slice %arg7[%dma_start3A_94] : memref<24xi32, #tpu.memory_space<vmem>> -> memref<20xi32, #tpu.memory_space<vmem>>
    %dma_start3A_96 = arith.constant 0 : i32
    %dma_start3A_97 = tpu.memref_slice %arg2[%dma_start3A_96, %add3A_90] : memref<100x16384xf32, #tpu.memory_space<hbm>> -> memref<100x128xf32, #tpu.memory_space<hbm>>
    tpu.enqueue_indirect_dma source(%dma_start3A_97 : memref<100x128xf32, #tpu.memory_space<hbm>>) target(%dma_start3A_93 : memref<20x128xf32, #tpu.memory_space<vmem>>) offsets(%dma_start3A_95 : memref<20xi32, #tpu.memory_space<vmem>>) semaphore(%arg11 : memref<!tpu.dma_semaphore, #tpu.memory_space<semaphore_mem>>)
    %add3A_98 = arith.constant 384 : i32
    %add3A_99 = arith.addi %mul3A_2, %add3A_98 : i32
    %dma_start3A_100 = arith.constant 0 : i32
    %dma_start3A_101 = arith.constant 384 : i32
    %dma_start3A_102 = tpu.memref_slice %arg6[%dma_start3A_100, %dma_start3A_101] : memref<20x512xf32, #tpu.memory_space<vmem>> -> memref<20x128xf32, #tpu.memory_space<vmem>>
    %dma_start3A_103 = arith.constant 0 : i32
    %dma_start3A_104 = tpu.memref_slice %arg7[%dma_start3A_103] : memref<24xi32, #tpu.memory_space<vmem>> -> memref<20xi32, #tpu.memory_space<vmem>>
    %dma_start3A_105 = arith.constant 0 : i32
    %dma_start3A_106 = tpu.memref_slice %arg2[%dma_start3A_105, %add3A_99] : memref<100x16384xf32, #tpu.memory_space<hbm>> -> memref<100x128xf32, #tpu.memory_space<hbm>>
    tpu.enqueue_indirect_dma source(%dma_start3A_106 : memref<100x128xf32, #tpu.memory_space<hbm>>) target(%dma_start3A_102 : memref<20x128xf32, #tpu.memory_space<vmem>>) offsets(%dma_start3A_104 : memref<20xi32, #tpu.memory_space<vmem>>) semaphore(%arg12 : memref<!tpu.dma_semaphore, #tpu.memory_space<semaphore_mem>>)
    %dma_wait3A_107 = arith.constant 0 : i32
    %dma_wait3A_108 = arith.constant 0 : i32
    %dma_wait3A_109 = tpu.memref_slice %arg6[%dma_wait3A_107, %dma_wait3A_108] : memref<20x512xf32, #tpu.memory_space<vmem>> -> memref<20x128xf32, #tpu.memory_space<vmem>>
    %dma_wait3A_110 = arith.constant 0 : i32
    %dma_wait3A_111 = tpu.memref_slice %arg7[%dma_wait3A_110] : memref<24xi32, #tpu.memory_space<vmem>> -> memref<20xi32, #tpu.memory_space<vmem>>
    %dma_wait3A_112 = arith.constant 0 : i32
    %dma_wait3A_113 = tpu.memref_slice %arg2[%dma_wait3A_112, %add3A_72] : memref<100x16384xf32, #tpu.memory_space<hbm>> -> memref<100x128xf32, #tpu.memory_space<hbm>>
    tpu.wait_indirect_dma semaphore(%arg11 : memref<!tpu.dma_semaphore, #tpu.memory_space<semaphore_mem>>) src(%dma_wait3A_113 : memref<100x128xf32, #tpu.memory_space<hbm>>) dst(%dma_wait3A_109 : memref<20x128xf32, #tpu.memory_space<vmem>>)
    %get3A = arith.constant 0 : i32
    %get3A_114 = arith.index_cast %get3A : i32 to index
    %get3A_115 = arith.constant 0 : index
    %get3A_116 = tpu.vector_load %arg6[%get3A_114, %get3A_115] {strides = array<i32>} : memref<20x512xf32, #tpu.memory_space<vmem>>, vector<16xf32>,
    %get3A_117 = arith.constant 1 : i32
    %get3A_118 = arith.index_cast %get3A_117 : i32 to index
    %get3A_119 = arith.constant 0 : index
    %get3A_120 = tpu.vector_load %arg6[%get3A_118, %get3A_119] {strides = array<i32>} : memref<20x512xf32, #tpu.memory_space<vmem>>, vector<16xf32>,
    %get3A_121 = arith.constant 2 : i32
    %get3A_122 = arith.index_cast %get3A_121 : i32 to index
    %get3A_123 = arith.constant 0 : index
    %get3A_124 = tpu.vector_load %arg6[%get3A_122, %get3A_123] {strides = array<i32>} : memref<20x512xf32, #tpu.memory_space<vmem>>, vector<16xf32>,
    %get3A_125 = arith.constant 3 : i32
    %get3A_126 = arith.index_cast %get3A_125 : i32 to index
    %get3A_127 = arith.constant 0 : index
    %get3A_128 = tpu.vector_load %arg6[%get3A_126, %get3A_127] {strides = array<i32>} : memref<20x512xf32, #tpu.memory_space<vmem>>, vector<16xf32>,
    %get3A_129 = arith.constant 4 : i32
    %get3A_130 = arith.index_cast %get3A_129 : i32 to index
    %get3A_131 = arith.constant 0 : index
    %get3A_132 = tpu.vector_load %arg6[%get3A_130, %get3A_131] {strides = array<i32>} : memref<20x512xf32, #tpu.memory_space<vmem>>, vector<16xf32>,
    %get3A_133 = arith.constant 5 : i32
    %get3A_134 = arith.index_cast %get3A_133 : i32 to index
    %get3A_135 = arith.constant 0 : index
    %get3A_136 = tpu.vector_load %arg6[%get3A_134, %get3A_135] {strides = array<i32>} : memref<20x512xf32, #tpu.memory_space<vmem>>, vector<16xf32>,
    %get3A_137 = arith.constant 6 : i32
    %get3A_138 = arith.index_cast %get3A_137 : i32 to index
    %get3A_139 = arith.constant 0 : index
    %get3A_140 = tpu.vector_load %arg6[%get3A_138, %get3A_139] {strides = array<i32>} : memref<20x512xf32, #tpu.memory_space<vmem>>, vector<16xf32>,
    %get3A_141 = arith.constant 7 : i32
    %get3A_142 = arith.index_cast %get3A_141 : i32 to index
    %get3A_143 = arith.constant 0 : index
    %get3A_144 = tpu.vector_load %arg6[%get3A_142, %get3A_143] {strides = array<i32>} : memref<20x512xf32, #tpu.memory_space<vmem>>, vector<16xf32>,
    %get3A_145 = arith.constant 8 : i32
    %get3A_146 = arith.index_cast %get3A_145 : i32 to index
    %get3A_147 = arith.constant 0 : index
    %get3A_148 = tpu.vector_load %arg6[%get3A_146, %get3A_147] {strides = array<i32>} : memref<20x512xf32, #tpu.memory_space<vmem>>, vector<16xf32>,
    %get3A_149 = arith.constant 9 : i32
    %get3A_150 = arith.index_cast %get3A_149 : i32 to index
    %get3A_151 = arith.constant 0 : index
    %get3A_152 = tpu.vector_load %arg6[%get3A_150, %get3A_151] {strides = array<i32>} : memref<20x512xf32, #tpu.memory_space<vmem>>, vector<16xf32>,
    %get3A_153 = arith.constant 10 : i32
    %get3A_154 = arith.index_cast %get3A_153 : i32 to index
    %get3A_155 = arith.constant 0 : index
    %get3A_156 = tpu.vector_load %arg6[%get3A_154, %get3A_155] {strides = array<i32>} : memref<20x512xf32, #tpu.memory_space<vmem>>, vector<16xf32>,
    %get3A_157 = arith.constant 11 : i32
    %get3A_158 = arith.index_cast %get3A_157 : i32 to index
    %get3A_159 = arith.constant 0 : index
    %get3A_160 = tpu.vector_load %arg6[%get3A_158, %get3A_159] {strides = array<i32>} : memref<20x512xf32, #tpu.memory_space<vmem>>, vector<16xf32>,
    %get3A_161 = arith.constant 12 : i32
    %get3A_162 = arith.index_cast %get3A_161 : i32 to index
    %get3A_163 = arith.constant 0 : index
    %get3A_164 = tpu.vector_load %arg6[%get3A_162, %get3A_163] {strides = array<i32>} : memref<20x512xf32, #tpu.memory_space<vmem>>, vector<16xf32>,
    %get3A_165 = arith.constant 13 : i32
    %get3A_166 = arith.index_cast %get3A_165 : i32 to index
    %get3A_167 = arith.constant 0 : index
    %get3A_168 = tpu.vector_load %arg6[%get3A_166, %get3A_167] {strides = array<i32>} : memref<20x512xf32, #tpu.memory_space<vmem>>, vector<16xf32>,
    %get3A_169 = arith.constant 14 : i32
    %get3A_170 = arith.index_cast %get3A_169 : i32 to index
    %get3A_171 = arith.constant 0 : index
    %get3A_172 = tpu.vector_load %arg6[%get3A_170, %get3A_171] {strides = array<i32>} : memref<20x512xf32, #tpu.memory_space<vmem>>, vector<16xf32>,
    %get3A_173 = arith.constant 15 : i32
    %get3A_174 = arith.index_cast %get3A_173 : i32 to index
    %get3A_175 = arith.constant 0 : index
    %get3A_176 = tpu.vector_load %arg6[%get3A_174, %get3A_175] {strides = array<i32>} : memref<20x512xf32, #tpu.memory_space<vmem>>, vector<16xf32>,
    %get3A_177 = arith.constant 16 : i32
    %get3A_178 = arith.index_cast %get3A_177 : i32 to index
    %get3A_179 = arith.constant 0 : index
    %get3A_180 = tpu.vector_load %arg6[%get3A_178, %get3A_179] {strides = array<i32>} : memref<20x512xf32, #tpu.memory_space<vmem>>, vector<16xf32>,
    %get3A_181 = arith.constant 17 : i32
    %get3A_182 = arith.index_cast %get3A_181 : i32 to index
    %get3A_183 = arith.constant 0 : index
    %get3A_184 = tpu.vector_load %arg6[%get3A_182, %get3A_183] {strides = array<i32>} : memref<20x512xf32, #tpu.memory_space<vmem>>, vector<16xf32>,
    %get3A_185 = arith.constant 18 : i32
    %get3A_186 = arith.index_cast %get3A_185 : i32 to index
    %get3A_187 = arith.constant 0 : index
    %get3A_188 = tpu.vector_load %arg6[%get3A_186, %get3A_187] {strides = array<i32>} : memref<20x512xf32, #tpu.memory_space<vmem>>, vector<16xf32>,
    %max3A_189 = arith.maximumf %get3A_116, %get3A_120 : vector<16xf32>
    %max3A_190 = arith.maximumf %get3A_124, %get3A_128 : vector<16xf32>
    %max3A_191 = arith.maximumf %get3A_132, %get3A_136 : vector<16xf32>
    %max3A_192 = arith.maximumf %get3A_140, %get3A_144 : vector<16xf32>
    %max3A_193 = arith.maximumf %get3A_148, %get3A_152 : vector<16xf32>
    %max3A_194 = arith.maximumf %get3A_156, %get3A_160 : vector<16xf32>
    %max3A_195 = arith.maximumf %get3A_164, %get3A_168 : vector<16xf32>
    %max3A_196 = arith.maximumf %get3A_172, %get3A_176 : vector<16xf32>
    %max3A_197 = arith.maximumf %get3A_180, %get3A_184 : vector<16xf32>
    %max3A_198 = arith.maximumf %max3A_189, %max3A_190 : vector<16xf32>
    %max3A_199 = arith.maximumf %max3A_191, %max3A_192 : vector<16xf32>
    %max3A_200 = arith.maximumf %max3A_193, %max3A_194 : vector<16xf32>
    %max3A_201 = arith.maximumf %max3A_195, %max3A_196 : vector<16xf32>
    %max3A_202 = arith.maximumf %max3A_197, %get3A_188 : vector<16xf32>
    %max3A_203 = arith.maximumf %max3A_198, %max3A_199 : vector<16xf32>
    %max3A_204 = arith.maximumf %max3A_200, %max3A_201 : vector<16xf32>
    %max3A_205 = arith.maximumf %max3A_203, %max3A_204 : vector<16xf32>
    %max3A_206 = arith.maximumf %max3A_205, %max3A_202 : vector<16xf32>
    %get3A_207 = arith.constant 19 : i32
    %get3A_208 = arith.index_cast %get3A_207 : i32 to index
    %get3A_209 = arith.constant 0 : index
    %get3A_210 = tpu.vector_load %arg6[%get3A_208, %get3A_209] {strides = array<i32>} : memref<20x512xf32, #tpu.memory_space<vmem>>, vector<16xf32>,
    %gt3A = arith.constant 0.000000e+00 : f32
    %gt3A_211 = vector.broadcast %gt3A : f32 to vector<16xf32>
    %gt3A_212 = arith.cmpf ogt, %max3A_206, %gt3A_211 : vector<16xf32>
    %gt3A_213 = arith.constant 0.000000e+00 : f32
    %gt3A_214 = vector.broadcast %gt3A_213 : f32 to vector<16xf32>
    %gt3A_215 = arith.cmpf ogt, %get3A_210, %gt3A_214 : vector<16xf32>
    %select_n3A_216 = arith.select %gt3A_215, %gather3A_48, %gather3A : vector<16xi1>, vector<16xi32>
    %select_n3A_217 = arith.select %gt3A_212, %broadcast_in_dim3A_44, %select_n3A_216 : vector<16xi1>, vector<16xi32>
    %swap3A_218 = arith.constant 0 : index
    %swap3A_219 = tpu.vector_load %arg10[%swap3A_218] {strides = array<i32>} : memref<512xi32, #tpu.memory_space<vmem>>, vector<16xi32>,
    tpu.vector_store %arg10[%swap3A_218], %select_n3A_217 {strides = array<i32>} : memref<512xi32, #tpu.memory_space<vmem>>, vector<16xi32>,
    %get3A_220 = arith.constant 0 : i32
    %get3A_221 = arith.index_cast %get3A_220 : i32 to index
    %get3A_222 = arith.constant 16 : index
    %get3A_223 = tpu.vector_load %arg6[%get3A_221, %get3A_222] {strides = array<i32>} : memref<20x512xf32, #tpu.memory_space<vmem>>, vector<16xf32>,
    %get3A_224 = arith.constant 1 : i32
    %get3A_225 = arith.index_cast %get3A_224 : i32 to index
    %get3A_226 = arith.constant 16 : index
    %get3A_227 = tpu.vector_load %arg6[%get3A_225, %get3A_226] {strides = array<i32>} : memref<20x512xf32, #tpu.memory_space<vmem>>, vector<16xf32>,
    %get3A_228 = arith.constant 2 : i32
    %get3A_229 = arith.index_cast %get3A_228 : i32 to index
    %get3A_230 = arith.constant 16 : index
    %get3A_231 = tpu.vector_load %arg6[%get3A_229, %get3A_230] {strides = array<i32>} : memref<20x512xf32, #tpu.memory_space<vmem>>, vector<16xf32>,
    %get3A_232 = arith.constant 3 : i32
    %get3A_233 = arith.index_cast %get3A_232 : i32 to index
    %get3A_234 = arith.constant 16 : index
    %get3A_235 = tpu.vector_load %arg6[%get3A_233, %get3A_234] {strides = array<i32>} : memref<20x512xf32, #tpu.memory_space<vmem>>, vector<16xf32>,
    %get3A_236 = arith.constant 4 : i32
    %get3A_237 = arith.index_cast %get3A_236 : i32 to index
    %get3A_238 = arith.constant 16 : index
    %get3A_239 = tpu.vector_load %arg6[%get3A_237, %get3A_238] {strides = array<i32>} : memref<20x512xf32, #tpu.memory_space<vmem>>, vector<16xf32>,
    %get3A_240 = arith.constant 5 : i32
    %get3A_241 = arith.index_cast %get3A_240 : i32 to index
    %get3A_242 = arith.constant 16 : index
    %get3A_243 = tpu.vector_load %arg6[%get3A_241, %get3A_242] {strides = array<i32>} : memref<20x512xf32, #tpu.memory_space<vmem>>, vector<16xf32>,
    %get3A_244 = arith.constant 6 : i32
    %get3A_245 = arith.index_cast %get3A_244 : i32 to index
    %get3A_246 = arith.constant 16 : index
    %get3A_247 = tpu.vector_load %arg6[%get3A_245, %get3A_246] {strides = array<i32>} : memref<20x512xf32, #tpu.memory_space<vmem>>, vector<16xf32>,
    %get3A_248 = arith.constant 7 : i32
    %get3A_249 = arith.index_cast %get3A_248 : i32 to index
    %get3A_250 = arith.constant 16 : index
    %get3A_251 = tpu.vector_load %arg6[%get3A_249, %get3A_250] {strides = array<i32>} : memref<20x512xf32, #tpu.memory_space<vmem>>, vector<16xf32>,
    %get3A_252 = arith.constant 8 : i32
    %get3A_253 = arith.index_cast %get3A_252 : i32 to index
    %get3A_254 = arith.constant 16 : index
    %get3A_255 = tpu.vector_load %arg6[%get3A_253, %get3A_254] {strides = array<i32>} : memref<20x512xf32, #tpu.memory_space<vmem>>, vector<16xf32>,
    %get3A_256 = arith.constant 9 : i32
    %get3A_257 = arith.index_cast %get3A_256 : i32 to index
    %get3A_258 = arith.constant 16 : index
    %get3A_259 = tpu.vector_load %arg6[%get3A_257, %get3A_258] {strides = array<i32>} : memref<20x512xf32, #tpu.memory_space<vmem>>, vector<16xf32>,
    %get3A_260 = arith.constant 10 : i32
    %get3A_261 = arith.index_cast %get3A_260 : i32 to index
    %get3A_262 = arith.constant 16 : index
    %get3A_263 = tpu.vector_load %arg6[%get3A_261, %get3A_262] {strides = array<i32>} : memref<20x512xf32, #tpu.memory_space<vmem>>, vector<16xf32>,
    %get3A_264 = arith.constant 11 : i32
    %get3A_265 = arith.index_cast %get3A_264 : i32 to index
    %get3A_266 = arith.constant 16 : index
    %get3A_267 = tpu.vector_load %arg6[%get3A_265, %get3A_266] {strides = array<i32>} : memref<20x512xf32, #tpu.memory_space<vmem>>, vector<16xf32>,
    %get3A_268 = arith.constant 12 : i32
    %get3A_269 = arith.index_cast %get3A_268 : i32 to index
    %get3A_270 = arith.constant 16 : index
    %get3A_271 = tpu.vector_load %arg6[%get3A_269, %get3A_270] {strides = array<i32>} : memref<20x512xf32, #tpu.memory_space<vmem>>, vector<16xf32>,
    %get3A_272 = arith.constant 13 : i32
    %get3A_273 = arith.index_cast %get3A_272 : i32 to index
    %get3A_274 = arith.constant 16 : index
    %get3A_275 = tpu.vector_load %arg6[%get3A_273, %get3A_274] {strides = array<i32>} : memref<20x512xf32, #tpu.memory_space<vmem>>, vector<16xf32>,
    %get3A_276 = arith.constant 14 : i32
    %get3A_277 = arith.index_cast %get3A_276 : i32 to index
    %get3A_278 = arith.constant 16 : index
    %get3A_279 = tpu.vector_load %arg6[%get3A_277, %get3A_278] {strides = array<i32>} : memref<20x512xf32, #tpu.memory_space<vmem>>, vector<16xf32>,
    %get3A_280 = arith.constant 15 : i32
    %get3A_281 = arith.index_cast %get3A_280 : i32 to index
    %get3A_282 = arith.constant 16 : index
    %get3A_283 = tpu.vector_load %arg6[%get3A_281, %get3A_282] {strides = array<i32>} : memref<20x512xf32, #tpu.memory_space<vmem>>, vector<16xf32>,
    %get3A_284 = arith.constant 16 : i32
    %get3A_285 = arith.index_cast %get3A_284 : i32 to index
    %get3A_286 = arith.constant 16 : index
    %get3A_287 = tpu.vector_load %arg6[%get3A_285, %get3A_286] {strides = array<i32>} : memref<20x512xf32, #tpu.memory_space<vmem>>, vector<16xf32>,
    %get3A_288 = arith.constant 17 : i32
    %get3A_289 = arith.index_cast %get3A_288 : i32 to index
    %get3A_290 = arith.constant 16 : index
    %get3A_291 = tpu.vector_load %arg6[%get3A_289, %get3A_290] {strides = array<i32>} : memref<20x512xf32, #tpu.memory_space<vmem>>, vector<16xf32>,
    %get3A_292 = arith.constant 18 : i32
    %get3A_293 = arith.index_cast %get3A_292 : i32 to index
    %get3A_294 = arith.constant 16 : index
    %get3A_295 = tpu.vector_load %arg6[%get3A_293, %get3A_294] {strides = array<i32>} : memref<20x512xf32, #tpu.memory_space<vmem>>, vector<16xf32>,
    %max3A_296 = arith.maximumf %get3A_223, %get3A_227 : vector<16xf32>
    %max3A_297 = arith.maximumf %get3A_231, %get3A_235 : vector<16xf32>
    %max3A_298 = arith.maximumf %get3A_239, %get3A_243 : vector<16xf32>
    %max3A_299 = arith.maximumf %get3A_247, %get3A_251 : vector<16xf32>
    %max3A_300 = arith.maximumf %get3A_255, %get3A_259 : vector<16xf32>
    %max3A_301 = arith.maximumf %get3A_263, %get3A_267 : vector<16xf32>
    %max3A_302 = arith.maximumf %get3A_271, %get3A_275 : vector<16xf32>
    %max3A_303 = arith.maximumf %get3A_279, %get3A_283 : vector<16xf32>
    %max3A_304 = arith.maximumf %get3A_287, %get3A_291 : vector<16xf32>
    %max3A_305 = arith.maximumf %max3A_296, %max3A_297 : vector<16xf32>
    %max3A_306 = arith.maximumf %max3A_298, %max3A_299 : vector<16xf32>
    %max3A_307 = arith.maximumf %max3A_300, %max3A_301 : vector<16xf32>
    %max3A_308 = arith.maximumf %max3A_302, %max3A_303 : vector<16xf32>
    %max3A_309 = arith.maximumf %max3A_304, %get3A_295 : vector<16xf32>
    %max3A_310 = arith.maximumf %max3A_305, %max3A_306 : vector<16xf32>
    %max3A_311 = arith.maximumf %max3A_307, %max3A_308 : vector<16xf32>
    %max3A_312 = arith.maximumf %max3A_310, %max3A_311 : vector<16xf32>
    %max3A_313 = arith.maximumf %max3A_312, %max3A_309 : vector<16xf32>
    %get3A_314 = arith.constant 19 : i32
    %get3A_315 = arith.index_cast %get3A_314 : i32 to index
    %get3A_316 = arith.constant 16 : index
    %get3A_317 = tpu.vector_load %arg6[%get3A_315, %get3A_316] {strides = array<i32>} : memref<20x512xf32, #tpu.memory_space<vmem>>, vector<16xf32>,
    %gt3A_318 = arith.constant 0.000000e+00 : f32
    %gt3A_319 = vector.broadcast %gt3A_318 : f32 to vector<16xf32>
    %gt3A_320 = arith.cmpf ogt, %max3A_313, %gt3A_319 : vector<16xf32>
    %gt3A_321 = arith.constant 0.000000e+00 : f32
    %gt3A_322 = vector.broadcast %gt3A_321 : f32 to vector<16xf32>
    %gt3A_323 = arith.cmpf ogt, %get3A_317, %gt3A_322 : vector<16xf32>
    %select_n3A_324 = arith.select %gt3A_323, %gather3A_48, %gather3A : vector<16xi1>, vector<16xi32>
    %select_n3A_325 = arith.select %gt3A_320, %broadcast_in_dim3A_44, %select_n3A_324 : vector<16xi1>, vector<16xi32>
    %swap3A_326 = arith.constant 16 : index
    %swap3A_327 = tpu.vector_load %arg10[%swap3A_326] {strides = array<i32>} : memref<512xi32, #tpu.memory_space<vmem>>, vector<16xi32>,
    tpu.vector_store %arg10[%swap3A_326], %select_n3A_325 {strides = array<i32>} : memref<512xi32, #tpu.memory_space<vmem>>, vector<16xi32>,
    %get3A_328 = arith.constant 0 : i32
    %get3A_329 = arith.index_cast %get3A_328 : i32 to index
    %get3A_330 = arith.constant 32 : index
    %get3A_331 = tpu.vector_load %arg6[%get3A_329, %get3A_330] {strides = array<i32>} : memref<20x512xf32, #tpu.memory_space<vmem>>, vector<16xf32>,
    %get3A_332 = arith.constant 1 : i32
    %get3A_333 = arith.index_cast %get3A_332 : i32 to index
    %get3A_334 = arith.constant 32 : index
    %get3A_335 = tpu.vector_load %arg6[%get3A_333, %get3A_334] {strides = array<i32>} : memref<20x512xf32, #tpu.memory_space<vmem>>, vector<16xf32>,
    %get3A_336 = arith.constant 2 : i32
    %get3A_337 = arith.index_cast %get3A_336 : i32 to index
    %get3A_338 = arith.constant 32 : index
    %get3A_339 = tpu.vector_load %arg6[%get3A_337, %get3A_338] {strides = array<i32>} : memref<20x512xf32, #tpu.memory_space<vmem>>, vector<16xf32>,
    %get3A_340 = arith.constant 3 : i32
    %get3A_341 = arith.index_cast %get3A_340 : i32 to index
    %get3A_342 = arith.constant 32 : index
    %get3A_343 = tpu.vector_load %arg6[%get3A_341, %get3A_342] {strides = array<i32>} : memref<20x512xf32, #tpu.memory_space<vmem>>, vector<16xf32>,
    %get3A_344 = arith.constant 4 : i32
    %get3A_345 = arith.index_cast %get3A_344 : i32 to index
    %get3A_346 = arith.constant 32 : index
    %get3A_347 = tpu.vector_load %arg6[%get3A_345, %get3A_346] {strides = array<i32>} : memref<20x512xf32, #tpu.memory_space<vmem>>, vector<16xf32>,
    %get3A_348 = arith.constant 5 : i32
    %get3A_349 = arith.index_cast %get3A_348 : i32 to index
    %get3A_350 = arith.constant 32 : index
    %get3A_351 = tpu.vector_load %arg6[%get3A_349, %get3A_350] {strides = array<i32>} : memref<20x512xf32, #tpu.memory_space<vmem>>, vector<16xf32>,
    %get3A_352 = arith.constant 6 : i32
    %get3A_353 = arith.index_cast %get3A_352 : i32 to index
    %get3A_354 = arith.constant 32 : index
    %get3A_355 = tpu.vector_load %arg6[%get3A_353, %get3A_354] {strides = array<i32>} : memref<20x512xf32, #tpu.memory_space<vmem>>, vector<16xf32>,
    %get3A_356 = arith.constant 7 : i32
    %get3A_357 = arith.index_cast %get3A_356 : i32 to index
    %get3A_358 = arith.constant 32 : index
    %get3A_359 = tpu.vector_load %arg6[%get3A_357, %get3A_358] {strides = array<i32>} : memref<20x512xf32, #tpu.memory_space<vmem>>, vector<16xf32>,
    %get3A_360 = arith.constant 8 : i32
    %get3A_361 = arith.index_cast %get3A_360 : i32 to index
    %get3A_362 = arith.constant 32 : index
    %get3A_363 = tpu.vector_load %arg6[%get3A_361, %get3A_362] {strides = array<i32>} : memref<20x512xf32, #tpu.memory_space<vmem>>, vector<16xf32>,
    %get3A_364 = arith.constant 9 : i32
    %get3A_365 = arith.index_cast %get3A_364 : i32 to index
    %get3A_366 = arith.constant 32 : index
    %get3A_367 = tpu.vector_load %arg6[%get3A_365, %get3A_366] {strides = array<i32>} : memref<20x512xf32, #tpu.memory_space<vmem>>, vector<16xf32>,
    %get3A_368 = arith.constant 10 : i32
    %get3A_369 = arith.index_cast %get3A_368 : i32 to index
    %get3A_370 = arith.constant 32 : index
    %get3A_371 = tpu.vector_load %arg6[%get3A_369, %get3A_370] {strides = array<i32>} : memref<20x512xf32, #tpu.memory_space<vmem>>, vector<16xf32>,
    %get3A_372 = arith.constant 11 : i32
    %get3A_373 = arith.index_cast %get3A_372 : i32 to index
    %get3A_374 = arith.constant 32 : index
    %get3A_375 = tpu.vector_load %arg6[%get3A_373, %get3A_374] {strides = array<i32>} : memref<20x512xf32, #tpu.memory_space<vmem>>, vector<16xf32>,
    %get3A_376 = arith.constant 12 : i32
    %get3A_377 = arith.index_cast %get3A_376 : i32 to index
    %get3A_378 = arith.constant 32 : index
    %get3A_379 = tpu.vector_load %arg6[%get3A_377, %get3A_378] {strides = array<i32>} : memref<20x512xf32, #tpu.memory_space<vmem>>, vector<16xf32>,
    %get3A_380 = arith.constant 13 : i32
    %get3A_381 = arith.index_cast %get3A_380 : i32 to index
    %get3A_382 = arith.constant 32 : index
    %get3A_383 = tpu.vector_load %arg6[%get3A_381, %get3A_382] {strides = array<i32>} : memref<20x512xf32, #tpu.memory_space<vmem>>, vector<16xf32>,
    %get3A_384 = arith.constant 14 : i32
    %get3A_385 = arith.index_cast %get3A_384 : i32 to index
    %get3A_386 = arith.constant 32 : index
    %get3A_387 = tpu.vector_load %arg6[%get3A_385, %get3A_386] {strides = array<i32>} : memref<20x512xf32, #tpu.memory_space<vmem>>, vector<16xf32>,
    %get3A_388 = arith.constant 15 : i32
    %get3A_389 = arith.index_cast %get3A_388 : i32 to index
    %get3A_390 = arith.constant 32 : index
    %get3A_391 = tpu.vector_load %arg6[%get3A_389, %get3A_390] {strides = array<i32>} : memref<20x512xf32, #tpu.memory_space<vmem>>, vector<16xf32>,
    %get3A_392 = arith.constant 16 : i32
    %get3A_393 = arith.index_cast %get3A_392 : i32 to index
    %get3A_394 = arith.constant 32 : index
    %get3A_395 = tpu.vector_load %arg6[%get3A_393, %get3A_394] {strides = array<i32>} : memref<20x512xf32, #tpu.memory_space<vmem>>, vector<16xf32>,
    %get3A_396 = arith.constant 17 : i32
    %get3A_397 = arith.index_cast %get3A_396 : i32 to index
    %get3A_398 = arith.constant 32 : index
    %get3A_399 = tpu.vector_load %arg6[%get3A_397, %get3A_398] {strides = array<i32>} : memref<20x512xf32, #tpu.memory_space<vmem>>, vector<16xf32>,
    %get3A_400 = arith.constant 18 : i32
    %get3A_401 = arith.index_cast %get3A_400 : i32 to index
    %get3A_402 = arith.constant 32 : index
    %get3A_403 = tpu.vector_load %arg6[%get3A_401, %get3A_402] {strides = array<i32>} : memref<20x512xf32, #tpu.memory_space<vmem>>, vector<16xf32>,
    %max3A_404 = arith.maximumf %get3A_331, %get3A_335 : vector<16xf32>
    %max3A_405 = arith.maximumf %get3A_339, %get3A_343 : vector<16xf32>
    %max3A_406 = arith.maximumf %get3A_347, %get3A_351 : vector<16xf32>
    %max3A_407 = arith.maximumf %get3A_355, %get3A_359 : vector<16xf32>
    %max3A_408 = arith.maximumf %get3A_363, %get3A_367 : vector<16xf32>
    %max3A_409 = arith.maximumf %get3A_371, %get3A_375 : vector<16xf32>
    %max3A_410 = arith.maximumf %get3A_379, %get3A_383 : vector<16xf32>
    %max3A_411 = arith.maximumf %get3A_387, %get3A_391 : vector<16xf32>
    %max3A_412 = arith.maximumf %get3A_395, %get3A_399 : vector<16xf32>
    %max3A_413 = arith.maximumf %max3A_404, %max3A_405 : vector<16xf32>
    %max3A_414 = arith.maximumf %max3A_406, %max3A_407 : vector<16xf32>
    %max3A_415 = arith.maximumf %max3A_408, %max3A_409 : vector<16xf32>
    %max3A_416 = arith.maximumf %max3A_410, %max3A_411 : vector<16xf32>
    %max3A_417 = arith.maximumf %max3A_412, %get3A_403 : vector<16xf32>
    %max3A_418 = arith.maximumf %max3A_413, %max3A_414 : vector<16xf32>
    %max3A_419 = arith.maximumf %max3A_415, %max3A_416 : vector<16xf32>
    %max3A_420 = arith.maximumf %max3A_418, %max3A_419 : vector<16xf32>
    %max3A_421 = arith.maximumf %max3A_420, %max3A_417 : vector<16xf32>
    %get3A_422 = arith.constant 19 : i32
    %get3A_423 = arith.index_cast %get3A_422 : i32 to index
    %get3A_424 = arith.constant 32 : index
    %get3A_425 = tpu.vector_load %arg6[%get3A_423, %get3A_424] {strides = array<i32>} : memref<20x512xf32, #tpu.memory_space<vmem>>, vector<16xf32>,
    %gt3A_426 = arith.constant 0.000000e+00 : f32
    %gt3A_427 = vector.broadcast %gt3A_426 : f32 to vector<16xf32>
    %gt3A_428 = arith.cmpf ogt, %max3A_421, %gt3A_427 : vector<16xf32>
    %gt3A_429 = arith.constant 0.000000e+00 : f32
    %gt3A_430 = vector.broadcast %gt3A_429 : f32 to vector<16xf32>
    %gt3A_431 = arith.cmpf ogt, %get3A_425, %gt3A_430 : vector<16xf32>
    %select_n3A_432 = arith.select %gt3A_431, %gather3A_48, %gather3A : vector<16xi1>, vector<16xi32>
    %select_n3A_433 = arith.select %gt3A_428, %broadcast_in_dim3A_44, %select_n3A_432 : vector<16xi1>, vector<16xi32>
    %swap3A_434 = arith.constant 32 : index
    %swap3A_435 = tpu.vector_load %arg10[%swap3A_434] {strides = array<i32>} : memref<512xi32, #tpu.memory_space<vmem>>, vector<16xi32>,
    tpu.vector_store %arg10[%swap3A_434], %select_n3A_433 {strides = array<i32>} : memref<512xi32, #tpu.memory_space<vmem>>, vector<16xi32>,
    %get3A_436 = arith.constant 0 : i32
    %get3A_437 = arith.index_cast %get3A_436 : i32 to index
    %get3A_438 = arith.constant 48 : index
    %get3A_439 = tpu.vector_load %arg6[%get3A_437, %get3A_438] {strides = array<i32>} : memref<20x512xf32, #tpu.memory_space<vmem>>, vector<16xf32>,
    %get3A_440 = arith.constant 1 : i32
    %get3A_441 = arith.index_cast %get3A_440 : i32 to index
    %get3A_442 = arith.constant 48 : index
    %get3A_443 = tpu.vector_load %arg6[%get3A_441, %get3A_442] {strides = array<i32>} : memref<20x512xf32, #tpu.memory_space<vmem>>, vector<16xf32>,
    %get3A_444 = arith.constant 2 : i32
    %get3A_445 = arith.index_cast %get3A_444 : i32 to index
    %get3A_446 = arith.constant 48 : index
    %get3A_447 = tpu.vector_load %arg6[%get3A_445, %get3A_446] {strides = array<i32>} : memref<20x512xf32, #tpu.memory_space<vmem>>, vector<16xf32>,
    %get3A_448 = arith.constant 3 : i32
    %get3A_449 = arith.index_cast %get3A_448 : i32 to index
    %get3A_450 = arith.constant 48 : index
    %get3A_451 = tpu.vector_load %arg6[%get3A_449, %get3A_450] {strides = array<i32>} : memref<20x512xf32, #tpu.memory_space<vmem>>, vector<16xf32>,
    %get3A_452 = arith.constant 4 : i32
    %get3A_453 = arith.index_cast %get3A_452 : i32 to index
    %get3A_454 = arith.constant 48 : index
    %get3A_455 = tpu.vector_load %arg6[%get3A_453, %get3A_454] {strides = array<i32>} : memref<20x512xf32, #tpu.memory_space<vmem>>, vector<16xf32>,
    %get3A_456 = arith.constant 5 : i32
    %get3A_457 = arith.index_cast %get3A_456 : i32 to index
    %get3A_458 = arith.constant 48 : index
    %get3A_459 = tpu.vector_load %arg6[%get3A_457, %get3A_458] {strides = array<i32>} : memref<20x512xf32, #tpu.memory_space<vmem>>, vector<16xf32>,
    %get3A_460 = arith.constant 6 : i32
    %get3A_461 = arith.index_cast %get3A_460 : i32 to index
    %get3A_462 = arith.constant 48 : index
    %get3A_463 = tpu.vector_load %arg6[%get3A_461, %get3A_462] {strides = array<i32>} : memref<20x512xf32, #tpu.memory_space<vmem>>, vector<16xf32>,
    %get3A_464 = arith.constant 7 : i32
    %get3A_465 = arith.index_cast %get3A_464 : i32 to index
    %get3A_466 = arith.constant 48 : index
    %get3A_467 = tpu.vector_load %arg6[%get3A_465, %get3A_466] {strides = array<i32>} : memref<20x512xf32, #tpu.memory_space<vmem>>, vector<16xf32>,
    %get3A_468 = arith.constant 8 : i32
    %get3A_469 = arith.index_cast %get3A_468 : i32 to index
    %get3A_470 = arith.constant 48 : index
    %get3A_471 = tpu.vector_load %arg6[%get3A_469, %get3A_470] {strides = array<i32>} : memref<20x512xf32, #tpu.memory_space<vmem>>, vector<16xf32>,
    %get3A_472 = arith.constant 9 : i32
    %get3A_473 = arith.index_cast %get3A_472 : i32 to index
    %get3A_474 = arith.constant 48 : index
    %get3A_475 = tpu.vector_load %arg6[%get3A_473, %get3A_474] {strides = array<i32>} : memref<20x512xf32, #tpu.memory_space<vmem>>, vector<16xf32>,
    %get3A_476 = arith.constant 10 : i32
    %get3A_477 = arith.index_cast %get3A_476 : i32 to index
    %get3A_478 = arith.constant 48 : index
    %get3A_479 = tpu.vector_load %arg6[%get3A_477, %get3A_478] {strides = array<i32>} : memref<20x512xf32, #tpu.memory_space<vmem>>, vector<16xf32>,
    %get3A_480 = arith.constant 11 : i32
    %get3A_481 = arith.index_cast %get3A_480 : i32 to index
    %get3A_482 = arith.constant 48 : index
    %get3A_483 = tpu.vector_load %arg6[%get3A_481, %get3A_482] {strides = array<i32>} : memref<20x512xf32, #tpu.memory_space<vmem>>, vector<16xf32>,
    %get3A_484 = arith.constant 12 : i32
    %get3A_485 = arith.index_cast %get3A_484 : i32 to index
    %get3A_486 = arith.constant 48 : index
    %get3A_487 = tpu.vector_load %arg6[%get3A_485, %get3A_486] {strides = array<i32>} : memref<20x512xf32, #tpu.memory_space<vmem>>, vector<16xf32>,
    %get3A_488 = arith.constant 13 : i32
    %get3A_489 = arith.index_cast %get3A_488 : i32 to index
    %get3A_490 = arith.constant 48 : index
    %get3A_491 = tpu.vector_load %arg6[%get3A_489, %get3A_490] {strides = array<i32>} : memref<20x512xf32, #tpu.memory_space<vmem>>, vector<16xf32>,
    %get3A_492 = arith.constant 14 : i32
    %get3A_493 = arith.index_cast %get3A_492 : i32 to index
    %get3A_494 = arith.constant 48 : index
    %get3A_495 = tpu.vector_load %arg6[%get3A_493, %get3A_494] {strides = array<i32>} : memref<20x512xf32, #tpu.memory_space<vmem>>, vector<16xf32>,
    %get3A_496 = arith.constant 15 : i32
    %get3A_497 = arith.index_cast %get3A_496 : i32 to index
    %get3A_498 = arith.constant 48 : index
    %get3A_499 = tpu.vector_load %arg6[%get3A_497, %get3A_498] {strides = array<i32>} : memref<20x512xf32, #tpu.memory_space<vmem>>, vector<16xf32>,
    %get3A_500 = arith.constant 16 : i32
    %get3A_501 = arith.index_cast %get3A_500 : i32 to index
    %get3A_502 = arith.constant 48 : index
    %get3A_503 = tpu.vector_load %arg6[%get3A_501, %get3A_502] {strides = array<i32>} : memref<20x512xf32, #tpu.memory_space<vmem>>, vector<16xf32>,
    %get3A_504 = arith.constant 17 : i32
    %get3A_505 = arith.index_cast %get3A_504 : i32 to index
    %get3A_506 = arith.constant 48 : index
    %get3A_507 = tpu.vector_load %arg6[%get3A_505, %get3A_506] {strides = array<i32>} : memref<20x512xf32, #tpu.memory_space<vmem>>, vector<16xf32>,
    %get3A_508 = arith.constant 18 : i32
    %get3A_509 = arith.index_cast %get3A_508 : i32 to index
    %get3A_510 = arith.constant 48 : index
    %get3A_511 = tpu.vector_load %arg6[%get3A_509, %get3A_510] {strides = array<i32>} : memref<20x512xf32, #tpu.memory_space<vmem>>, vector<16xf32>,
    %max3A_512 = arith.maximumf %get3A_439, %get3A_443 : vector<16xf32>
    %max3A_513 = arith.maximumf %get3A_447, %get3A_451 : vector<16xf32>
    %max3A_514 = arith.maximumf %get3A_455, %get3A_459 : vector<16xf32>
    %max3A_515 = arith.maximumf %get3A_463, %get3A_467 : vector<16xf32>
    %max3A_516 = arith.maximumf %get3A_471, %get3A_475 : vector<16xf32>
    %max3A_517 = arith.maximumf %get3A_479, %get3A_483 : vector<16xf32>
    %max3A_518 = arith.maximumf %get3A_487, %get3A_491 : vector<16xf32>
    %max3A_519 = arith.maximumf %get3A_495, %get3A_499 : vector<16xf32>
    %max3A_520 = arith.maximumf %get3A_503, %get3A_507 : vector<16xf32>
    %max3A_521 = arith.maximumf %max3A_512, %max3A_513 : vector<16xf32>
    %max3A_522 = arith.maximumf %max3A_514, %max3A_515 : vector<16xf32>
    %max3A_523 = arith.maximumf %max3A_516, %max3A_517 : vector<16xf32>
    %max3A_524 = arith.maximumf %max3A_518, %max3A_519 : vector<16xf32>
    %max3A_525 = arith.maximumf %max3A_520, %get3A_511 : vector<16xf32>
    %max3A_526 = arith.maximumf %max3A_521, %max3A_522 : vector<16xf32>
    %max3A_527 = arith.maximumf %max3A_523, %max3A_524 : vector<16xf32>
    %max3A_528 = arith.maximumf %max3A_526, %max3A_527 : vector<16xf32>
    %max3A_529 = arith.maximumf %max3A_528, %max3A_525 : vector<16xf32>
    %get3A_530 = arith.constant 19 : i32
    %get3A_531 = arith.index_cast %get3A_530 : i32 to index
    %get3A_532 = arith.constant 48 : index
    %get3A_533 = tpu.vector_load %arg6[%get3A_531, %get3A_532] {strides = array<i32>} : memref<20x512xf32, #tpu.memory_space<vmem>>, vector<16xf32>,
    %gt3A_534 = arith.constant 0.000000e+00 : f32
    %gt3A_535 = vector.broadcast %gt3A_534 : f32 to vector<16xf32>
    %gt3A_536 = arith.cmpf ogt, %max3A_529, %gt3A_535 : vector<16xf32>
    %gt3A_537 = arith.constant 0.000000e+00 : f32
    %gt3A_538 = vector.broadcast %gt3A_537 : f32 to vector<16xf32>
    %gt3A_539 = arith.cmpf ogt, %get3A_533, %gt3A_538 : vector<16xf32>
    %select_n3A_540 = arith.select %gt3A_539, %gather3A_48, %gather3A : vector<16xi1>, vector<16xi32>
    %select_n3A_541 = arith.select %gt3A_536, %broadcast_in_dim3A_44, %select_n3A_540 : vector<16xi1>, vector<16xi32>
    %swap3A_542 = arith.constant 48 : index
    %swap3A_543 = tpu.vector_load %arg10[%swap3A_542] {strides = array<i32>} : memref<512xi32, #tpu.memory_space<vmem>>, vector<16xi32>,
    tpu.vector_store %arg10[%swap3A_542], %select_n3A_541 {strides = array<i32>} : memref<512xi32, #tpu.memory_space<vmem>>, vector<16xi32>,
    %get3A_544 = arith.constant 0 : i32
    %get3A_545 = arith.index_cast %get3A_544 : i32 to index
    %get3A_546 = arith.constant 64 : index
    %get3A_547 = tpu.vector_load %arg6[%get3A_545, %get3A_546] {strides = array<i32>} : memref<20x512xf32, #tpu.memory_space<vmem>>, vector<16xf32>,
    %get3A_548 = arith.constant 1 : i32
    %get3A_549 = arith.index_cast %get3A_548 : i32 to index
    %get3A_550 = arith.constant 64 : index
    %get3A_551 = tpu.vector_load %arg6[%get3A_549, %get3A_550] {strides = array<i32>} : memref<20x512xf32, #tpu.memory_space<vmem>>, vector<16xf32>,
    %get3A_552 = arith.constant 2 : i32
    %get3A_553 = arith.index_cast %get3A_552 : i32 to index
    %get3A_554 = arith.constant 64 : index
    %get3A_555 = tpu.vector_load %arg6[%get3A_553, %get3A_554] {strides = array<i32>} : memref<20x512xf32, #tpu.memory_space<vmem>>, vector<16xf32>,
    %get3A_556 = arith.constant 3 : i32
    %get3A_557 = arith.index_cast %get3A_556 : i32 to index
    %get3A_558 = arith.constant 64 : index
    %get3A_559 = tpu.vector_load %arg6[%get3A_557, %get3A_558] {strides = array<i32>} : memref<20x512xf32, #tpu.memory_space<vmem>>, vector<16xf32>,
    %get3A_560 = arith.constant 4 : i32
    %get3A_561 = arith.index_cast %get3A_560 : i32 to index
    %get3A_562 = arith.constant 64 : index
    %get3A_563 = tpu.vector_load %arg6[%get3A_561, %get3A_562] {strides = array<i32>} : memref<20x512xf32, #tpu.memory_space<vmem>>, vector<16xf32>,
    %get3A_564 = arith.constant 5 : i32
    %get3A_565 = arith.index_cast %get3A_564 : i32 to index
    %get3A_566 = arith.constant 64 : index
    %get3A_567 = tpu.vector_load %arg6[%get3A_565, %get3A_566] {strides = array<i32>} : memref<20x512xf32, #tpu.memory_space<vmem>>, vector<16xf32>,
    %get3A_568 = arith.constant 6 : i32
    %get3A_569 = arith.index_cast %get3A_568 : i32 to index
    %get3A_570 = arith.constant 64 : index
    %get3A_571 = tpu.vector_load %arg6[%get3A_569, %get3A_570] {strides = array<i32>} : memref<20x512xf32, #tpu.memory_space<vmem>>, vector<16xf32>,
    %get3A_572 = arith.constant 7 : i32
    %get3A_573 = arith.index_cast %get3A_572 : i32 to index
    %get3A_574 = arith.constant 64 : index
    %get3A_575 = tpu.vector_load %arg6[%get3A_573, %get3A_574] {strides = array<i32>} : memref<20x512xf32, #tpu.memory_space<vmem>>, vector<16xf32>,
    %get3A_576 = arith.constant 8 : i32
    %get3A_577 = arith.index_cast %get3A_576 : i32 to index
    %get3A_578 = arith.constant 64 : index
    %get3A_579 = tpu.vector_load %arg6[%get3A_577, %get3A_578] {strides = array<i32>} : memref<20x512xf32, #tpu.memory_space<vmem>>, vector<16xf32>,
    %get3A_580 = arith.constant 9 : i32
    %get3A_581 = arith.index_cast %get3A_580 : i32 to index
    %get3A_582 = arith.constant 64 : index
    %get3A_583 = tpu.vector_load %arg6[%get3A_581, %get3A_582] {strides = array<i32>} : memref<20x512xf32, #tpu.memory_space<vmem>>, vector<16xf32>,
    %get3A_584 = arith.constant 10 : i32
    %get3A_585 = arith.index_cast %get3A_584 : i32 to index
    %get3A_586 = arith.constant 64 : index
    %get3A_587 = tpu.vector_load %arg6[%get3A_585, %get3A_586] {strides = array<i32>} : memref<20x512xf32, #tpu.memory_space<vmem>>, vector<16xf32>,
    %get3A_588 = arith.constant 11 : i32
    %get3A_589 = arith.index_cast %get3A_588 : i32 to index
    %get3A_590 = arith.constant 64 : index
    %get3A_591 = tpu.vector_load %arg6[%get3A_589, %get3A_590] {strides = array<i32>} : memref<20x512xf32, #tpu.memory_space<vmem>>, vector<16xf32>,
    %get3A_592 = arith.constant 12 : i32
    %get3A_593 = arith.index_cast %get3A_592 : i32 to index
    %get3A_594 = arith.constant 64 : index
    %get3A_595 = tpu.vector_load %arg6[%get3A_593, %get3A_594] {strides = array<i32>} : memref<20x512xf32, #tpu.memory_space<vmem>>, vector<16xf32>,
    %get3A_596 = arith.constant 13 : i32
    %get3A_597 = arith.index_cast %get3A_596 : i32 to index
    %get3A_598 = arith.constant 64 : index
    %get3A_599 = tpu.vector_load %arg6[%get3A_597, %get3A_598] {strides = array<i32>} : memref<20x512xf32, #tpu.memory_space<vmem>>, vector<16xf32>,
    %get3A_600 = arith.constant 14 : i32
    %get3A_601 = arith.index_cast %get3A_600 : i32 to index
    %get3A_602 = arith.constant 64 : index
    %get3A_603 = tpu.vector_load %arg6[%get3A_601, %get3A_602] {strides = array<i32>} : memref<20x512xf32, #tpu.memory_space<vmem>>, vector<16xf32>,
    %get3A_604 = arith.constant 15 : i32
    %get3A_605 = arith.index_cast %get3A_604 : i32 to index
    %get3A_606 = arith.constant 64 : index
    %get3A_607 = tpu.vector_load %arg6[%get3A_605, %get3A_606] {strides = array<i32>} : memref<20x512xf32, #tpu.memory_space<vmem>>, vector<16xf32>,
    %get3A_608 = arith.constant 16 : i32
    %get3A_609 = arith.index_cast %get3A_608 : i32 to index
    %get3A_610 = arith.constant 64 : index
    %get3A_611 = tpu.vector_load %arg6[%get3A_609, %get3A_610] {strides = array<i32>} : memref<20x512xf32, #tpu.memory_space<vmem>>, vector<16xf32>,
    %get3A_612 = arith.constant 17 : i32
    %get3A_613 = arith.index_cast %get3A_612 : i32 to index
    %get3A_614 = arith.constant 64 : index
    %get3A_615 = tpu.vector_load %arg6[%get3A_613, %get3A_614] {strides = array<i32>} : memref<20x512xf32, #tpu.memory_space<vmem>>, vector<16xf32>,
    %get3A_616 = arith.constant 18 : i32
    %get3A_617 = arith.index_cast %get3A_616 : i32 to index
    %get3A_618 = arith.constant 64 : index
    %get3A_619 = tpu.vector_load %arg6[%get3A_617, %get3A_618] {strides = array<i32>} : memref<20x512xf32, #tpu.memory_space<vmem>>, vector<16xf32>,
    %max3A_620 = arith.maximumf %get3A_547, %get3A_551 : vector<16xf32>
    %max3A_621 = arith.maximumf %get3A_555, %get3A_559 : vector<16xf32>
    %max3A_622 = arith.maximumf %get3A_563, %get3A_567 : vector<16xf32>
    %max3A_623 = arith.maximumf %get3A_571, %get3A_575 : vector<16xf32>
    %max3A_624 = arith.maximumf %get3A_579, %get3A_583 : vector<16xf32>
    %max3A_625 = arith.maximumf %get3A_587, %get3A_591 : vector<16xf32>
    %max3A_626 = arith.maximumf %get3A_595, %get3A_599 : vector<16xf32>
    %max3A_627 = arith.maximumf %get3A_603, %get3A_607 : vector<16xf32>
    %max3A_628 = arith.maximumf %get3A_611, %get3A_615 : vector<16xf32>
    %max3A_629 = arith.maximumf %max3A_620, %max3A_621 : vector<16xf32>
    %max3A_630 = arith.maximumf %max3A_622, %max3A_623 : vector<16xf32>
    %max3A_631 = arith.maximumf %max3A_624, %max3A_625 : vector<16xf32>
    %max3A_632 = arith.maximumf %max3A_626, %max3A_627 : vector<16xf32>
    %max3A_633 = arith.maximumf %max3A_628, %get3A_619 : vector<16xf32>
    %max3A_634 = arith.maximumf %max3A_629, %max3A_630 : vector<16xf32>
    %max3A_635 = arith.maximumf %max3A_631, %max3A_632 : vector<16xf32>
    %max3A_636 = arith.maximumf %max3A_634, %max3A_635 : vector<16xf32>
    %max3A_637 = arith.maximumf %max3A_636, %max3A_633 : vector<16xf32>
    %get3A_638 = arith.constant 19 : i32
    %get3A_639 = arith.index_cast %get3A_638 : i32 to index
    %get3A_640 = arith.constant 64 : index
    %get3A_641 = tpu.vector_load %arg6[%get3A_639, %get3A_640] {strides = array<i32>} : memref<20x512xf32, #tpu.memory_space<vmem>>, vector<16xf32>,
    %gt3A_642 = arith.constant 0.000000e+00 : f32
    %gt3A_643 = vector.broadcast %gt3A_642 : f32 to vector<16xf32>
    %gt3A_644 = arith.cmpf ogt, %max3A_637, %gt3A_643 : vector<16xf32>
    %gt3A_645 = arith.constant 0.000000e+00 : f32
    %gt3A_646 = vector.broadcast %gt3A_645 : f32 to vector<16xf32>
    %gt3A_647 = arith.cmpf ogt, %get3A_641, %gt3A_646 : vector<16xf32>
    %select_n3A_648 = arith.select %gt3A_647, %gather3A_48, %gather3A : vector<16xi1>, vector<16xi32>
    %select_n3A_649 = arith.select %gt3A_644, %broadcast_in_dim3A_44, %select_n3A_648 : vector<16xi1>, vector<16xi32>
    %swap3A_650 = arith.constant 64 : index
    %swap3A_651 = tpu.vector_load %arg10[%swap3A_650] {strides = array<i32>} : memref<512xi32, #tpu.memory_space<vmem>>, vector<16xi32>,
    tpu.vector_store %arg10[%swap3A_650], %select_n3A_649 {strides = array<i32>} : memref<512xi32, #tpu.memory_space<vmem>>, vector<16xi32>,
    %get3A_652 = arith.constant 0 : i32
    %get3A_653 = arith.index_cast %get3A_652 : i32 to index
    %get3A_654 = arith.constant 80 : index
    %get3A_655 = tpu.vector_load %arg6[%get3A_653, %get3A_654] {strides = array<i32>} : memref<20x512xf32, #tpu.memory_space<vmem>>, vector<16xf32>,
    %get3A_656 = arith.constant 1 : i32
    %get3A_657 = arith.index_cast %get3A_656 : i32 to index
    %get3A_658 = arith.constant 80 : index
    %get3A_659 = tpu.vector_load %arg6[%get3A_657, %get3A_658] {strides = array<i32>} : memref<20x512xf32, #tpu.memory_space<vmem>>, vector<16xf32>,
    %get3A_660 = arith.constant 2 : i32
    %get3A_661 = arith.index_cast %get3A_660 : i32 to index
    %get3A_662 = arith.constant 80 : index
    %get3A_663 = tpu.vector_load %arg6[%get3A_661, %get3A_662] {strides = array<i32>} : memref<20x512xf32, #tpu.memory_space<vmem>>, vector<16xf32>,
    %get3A_664 = arith.constant 3 : i32
    %get3A_665 = arith.index_cast %get3A_664 : i32 to index
    %get3A_666 = arith.constant 80 : index
    %get3A_667 = tpu.vector_load %arg6[%get3A_665, %get3A_666] {strides = array<i32>} : memref<20x512xf32, #tpu.memory_space<vmem>>, vector<16xf32>,
    %get3A_668 = arith.constant 4 : i32
    %get3A_669 = arith.index_cast %get3A_668 : i32 to index
    %get3A_670 = arith.constant 80 : index
    %get3A_671 = tpu.vector_load %arg6[%get3A_669, %get3A_670] {strides = array<i32>} : memref<20x512xf32, #tpu.memory_space<vmem>>, vector<16xf32>,
    %get3A_672 = arith.constant 5 : i32
    %get3A_673 = arith.index_cast %get3A_672 : i32 to index
    %get3A_674 = arith.constant 80 : index
    %get3A_675 = tpu.vector_load %arg6[%get3A_673, %get3A_674] {strides = array<i32>} : memref<20x512xf32, #tpu.memory_space<vmem>>, vector<16xf32>,
    %get3A_676 = arith.constant 6 : i32
    %get3A_677 = arith.index_cast %get3A_676 : i32 to index
    %get3A_678 = arith.constant 80 : index
    %get3A_679 = tpu.vector_load %arg6[%get3A_677, %get3A_678] {strides = array<i32>} : memref<20x512xf32, #tpu.memory_space<vmem>>, vector<16xf32>,
    %get3A_680 = arith.constant 7 : i32
    %get3A_681 = arith.index_cast %get3A_680 : i32 to index
    %get3A_682 = arith.constant 80 : index
    %get3A_683 = tpu.vector_load %arg6[%get3A_681, %get3A_682] {strides = array<i32>} : memref<20x512xf32, #tpu.memory_space<vmem>>, vector<16xf32>,
    %get3A_684 = arith.constant 8 : i32
    %get3A_685 = arith.index_cast %get3A_684 : i32 to index
    %get3A_686 = arith.constant 80 : index
    %get3A_687 = tpu.vector_load %arg6[%get3A_685, %get3A_686] {strides = array<i32>} : memref<20x512xf32, #tpu.memory_space<vmem>>, vector<16xf32>,
    %get3A_688 = arith.constant 9 : i32
    %get3A_689 = arith.index_cast %get3A_688 : i32 to index
    %get3A_690 = arith.constant 80 : index
    %get3A_691 = tpu.vector_load %arg6[%get3A_689, %get3A_690] {strides = array<i32>} : memref<20x512xf32, #tpu.memory_space<vmem>>, vector<16xf32>,
    %get3A_692 = arith.constant 10 : i32
    %get3A_693 = arith.index_cast %get3A_692 : i32 to index
    %get3A_694 = arith.constant 80 : index
    %get3A_695 = tpu.vector_load %arg6[%get3A_693, %get3A_694] {strides = array<i32>} : memref<20x512xf32, #tpu.memory_space<vmem>>, vector<16xf32>,
    %get3A_696 = arith.constant 11 : i32
    %get3A_697 = arith.index_cast %get3A_696 : i32 to index
    %get3A_698 = arith.constant 80 : index
    %get3A_699 = tpu.vector_load %arg6[%get3A_697, %get3A_698] {strides = array<i32>} : memref<20x512xf32, #tpu.memory_space<vmem>>, vector<16xf32>,
    %get3A_700 = arith.constant 12 : i32
    %get3A_701 = arith.index_cast %get3A_700 : i32 to index
    %get3A_702 = arith.constant 80 : index
    %get3A_703 = tpu.vector_load %arg6[%get3A_701, %get3A_702] {strides = array<i32>} : memref<20x512xf32, #tpu.memory_space<vmem>>, vector<16xf32>,
    %get3A_704 = arith.constant 13 : i32
    %get3A_705 = arith.index_cast %get3A_704 : i32 to index
    %get3A_706 = arith.constant 80 : index
    %get3A_707 = tpu.vector_load %arg6[%get3A_705, %get3A_706] {strides = array<i32>} : memref<20x512xf32, #tpu.memory_space<vmem>>, vector<16xf32>,
    %get3A_708 = arith.constant 14 : i32
    %get3A_709 = arith.index_cast %get3A_708 : i32 to index
    %get3A_710 = arith.constant 80 : index
    %get3A_711 = tpu.vector_load %arg6[%get3A_709, %get3A_710] {strides = array<i32>} : memref<20x512xf32, #tpu.memory_space<vmem>>, vector<16xf32>,
    %get3A_712 = arith.constant 15 : i32
    %get3A_713 = arith.index_cast %get3A_712 : i32 to index
    %get3A_714 = arith.constant 80 : index
    %get3A_715 = tpu.vector_load %arg6[%get3A_713, %get3A_714] {strides = array<i32>} : memref<20x512xf32, #tpu.memory_space<vmem>>, vector<16xf32>,
    %get3A_716 = arith.constant 16 : i32
    %get3A_717 = arith.index_cast %get3A_716 : i32 to index
    %get3A_718 = arith.constant 80 : index
    %get3A_719 = tpu.vector_load %arg6[%get3A_717, %get3A_718] {strides = array<i32>} : memref<20x512xf32, #tpu.memory_space<vmem>>, vector<16xf32>,
    %get3A_720 = arith.constant 17 : i32
    %get3A_721 = arith.index_cast %get3A_720 : i32 to index
    %get3A_722 = arith.constant 80 : index
    %get3A_723 = tpu.vector_load %arg6[%get3A_721, %get3A_722] {strides = array<i32>} : memref<20x512xf32, #tpu.memory_space<vmem>>, vector<16xf32>,
    %get3A_724 = arith.constant 18 : i32
    %get3A_725 = arith.index_cast %get3A_724 : i32 to index
    %get3A_726 = arith.constant 80 : index
    %get3A_727 = tpu.vector_load %arg6[%get3A_725, %get3A_726] {strides = array<i32>} : memref<20x512xf32, #tpu.memory_space<vmem>>, vector<16xf32>,
    %max3A_728 = arith.maximumf %get3A_655, %get3A_659 : vector<16xf32>
    %max3A_729 = arith.maximumf %get3A_663, %get3A_667 : vector<16xf32>
    %max3A_730 = arith.maximumf %get3A_671, %get3A_675 : vector<16xf32>
    %max3A_731 = arith.maximumf %get3A_679, %get3A_683 : vector<16xf32>
    %max3A_732 = arith.maximumf %get3A_687, %get3A_691 : vector<16xf32>
    %max3A_733 = arith.maximumf %get3A_695, %get3A_699 : vector<16xf32>
    %max3A_734 = arith.maximumf %get3A_703, %get3A_707 : vector<16xf32>
    %max3A_735 = arith.maximumf %get3A_711, %get3A_715 : vector<16xf32>
    %max3A_736 = arith.maximumf %get3A_719, %get3A_723 : vector<16xf32>
    %max3A_737 = arith.maximumf %max3A_728, %max3A_729 : vector<16xf32>
    %max3A_738 = arith.maximumf %max3A_730, %max3A_731 : vector<16xf32>
    %max3A_739 = arith.maximumf %max3A_732, %max3A_733 : vector<16xf32>
    %max3A_740 = arith.maximumf %max3A_734, %max3A_735 : vector<16xf32>
    %max3A_741 = arith.maximumf %max3A_736, %get3A_727 : vector<16xf32>
    %max3A_742 = arith.maximumf %max3A_737, %max3A_738 : vector<16xf32>
    %max3A_743 = arith.maximumf %max3A_739, %max3A_740 : vector<16xf32>
    %max3A_744 = arith.maximumf %max3A_742, %max3A_743 : vector<16xf32>
    %max3A_745 = arith.maximumf %max3A_744, %max3A_741 : vector<16xf32>
    %get3A_746 = arith.constant 19 : i32
    %get3A_747 = arith.index_cast %get3A_746 : i32 to index
    %get3A_748 = arith.constant 80 : index
    %get3A_749 = tpu.vector_load %arg6[%get3A_747, %get3A_748] {strides = array<i32>} : memref<20x512xf32, #tpu.memory_space<vmem>>, vector<16xf32>,
    %gt3A_750 = arith.constant 0.000000e+00 : f32
    %gt3A_751 = vector.broadcast %gt3A_750 : f32 to vector<16xf32>
    %gt3A_752 = arith.cmpf ogt, %max3A_745, %gt3A_751 : vector<16xf32>
    %gt3A_753 = arith.constant 0.000000e+00 : f32
    %gt3A_754 = vector.broadcast %gt3A_753 : f32 to vector<16xf32>
    %gt3A_755 = arith.cmpf ogt, %get3A_749, %gt3A_754 : vector<16xf32>
    %select_n3A_756 = arith.select %gt3A_755, %gather3A_48, %gather3A : vector<16xi1>, vector<16xi32>
    %select_n3A_757 = arith.select %gt3A_752, %broadcast_in_dim3A_44, %select_n3A_756 : vector<16xi1>, vector<16xi32>
    %swap3A_758 = arith.constant 80 : index
    %swap3A_759 = tpu.vector_load %arg10[%swap3A_758] {strides = array<i32>} : memref<512xi32, #tpu.memory_space<vmem>>, vector<16xi32>,
    tpu.vector_store %arg10[%swap3A_758], %select_n3A_757 {strides = array<i32>} : memref<512xi32, #tpu.memory_space<vmem>>, vector<16xi32>,
    %get3A_760 = arith.constant 0 : i32
    %get3A_761 = arith.index_cast %get3A_760 : i32 to index
    %get3A_762 = arith.constant 96 : index
    %get3A_763 = tpu.vector_load %arg6[%get3A_761, %get3A_762] {strides = array<i32>} : memref<20x512xf32, #tpu.memory_space<vmem>>, vector<16xf32>,
    %get3A_764 = arith.constant 1 : i32
    %get3A_765 = arith.index_cast %get3A_764 : i32 to index
    %get3A_766 = arith.constant 96 : index
    %get3A_767 = tpu.vector_load %arg6[%get3A_765, %get3A_766] {strides = array<i32>} : memref<20x512xf32, #tpu.memory_space<vmem>>, vector<16xf32>,
    %get3A_768 = arith.constant 2 : i32
    %get3A_769 = arith.index_cast %get3A_768 : i32 to index
    %get3A_770 = arith.constant 96 : index
    %get3A_771 = tpu.vector_load %arg6[%get3A_769, %get3A_770] {strides = array<i32>} : memref<20x512xf32, #tpu.memory_space<vmem>>, vector<16xf32>,
    %get3A_772 = arith.constant 3 : i32
    %get3A_773 = arith.index_cast %get3A_772 : i32 to index
    %get3A_774 = arith.constant 96 : index
    %get3A_775 = tpu.vector_load %arg6[%get3A_773, %get3A_774] {strides = array<i32>} : memref<20x512xf32, #tpu.memory_space<vmem>>, vector<16xf32>,
    %get3A_776 = arith.constant 4 : i32
    %get3A_777 = arith.index_cast %get3A_776 : i32 to index
    %get3A_778 = arith.constant 96 : index
    %get3A_779 = tpu.vector_load %arg6[%get3A_777, %get3A_778] {strides = array<i32>} : memref<20x512xf32, #tpu.memory_space<vmem>>, vector<16xf32>,
    %get3A_780 = arith.constant 5 : i32
    %get3A_781 = arith.index_cast %get3A_780 : i32 to index
    %get3A_782 = arith.constant 96 : index
    %get3A_783 = tpu.vector_load %arg6[%get3A_781, %get3A_782] {strides = array<i32>} : memref<20x512xf32, #tpu.memory_space<vmem>>, vector<16xf32>,
    %get3A_784 = arith.constant 6 : i32
    %get3A_785 = arith.index_cast %get3A_784 : i32 to index
    %get3A_786 = arith.constant 96 : index
    %get3A_787 = tpu.vector_load %arg6[%get3A_785, %get3A_786] {strides = array<i32>} : memref<20x512xf32, #tpu.memory_space<vmem>>, vector<16xf32>,
    %get3A_788 = arith.constant 7 : i32
    %get3A_789 = arith.index_cast %get3A_788 : i32 to index
    %get3A_790 = arith.constant 96 : index
    %get3A_791 = tpu.vector_load %arg6[%get3A_789, %get3A_790] {strides = array<i32>} : memref<20x512xf32, #tpu.memory_space<vmem>>, vector<16xf32>,
    %get3A_792 = arith.constant 8 : i32
    %get3A_793 = arith.index_cast %get3A_792 : i32 to index
    %get3A_794 = arith.constant 96 : index
    %get3A_795 = tpu.vector_load %arg6[%get3A_793, %get3A_794] {strides = array<i32>} : memref<20x512xf32, #tpu.memory_space<vmem>>, vector<16xf32>,
    %get3A_796 = arith.constant 9 : i32
    %get3A_797 = arith.index_cast %get3A_796 : i32 to index
    %get3A_798 = arith.constant 96 : index
    %get3A_799 = tpu.vector_load %arg6[%get3A_797, %get3A_798] {strides = array<i32>} : memref<20x512xf32, #tpu.memory_space<vmem>>, vector<16xf32>,
    %get3A_800 = arith.constant 10 : i32
    %get3A_801 = arith.index_cast %get3A_800 : i32 to index
    %get3A_802 = arith.constant 96 : index
    %get3A_803 = tpu.vector_load %arg6[%get3A_801, %get3A_802] {strides = array<i32>} : memref<20x512xf32, #tpu.memory_space<vmem>>, vector<16xf32>,
    %get3A_804 = arith.constant 11 : i32
    %get3A_805 = arith.index_cast %get3A_804 : i32 to index
    %get3A_806 = arith.constant 96 : index
    %get3A_807 = tpu.vector_load %arg6[%get3A_805, %get3A_806] {strides = array<i32>} : memref<20x512xf32, #tpu.memory_space<vmem>>, vector<16xf32>,
    %get3A_808 = arith.constant 12 : i32
    %get3A_809 = arith.index_cast %get3A_808 : i32 to index
    %get3A_810 = arith.constant 96 : index
    %get3A_811 = tpu.vector_load %arg6[%get3A_809, %get3A_810] {strides = array<i32>} : memref<20x512xf32, #tpu.memory_space<vmem>>, vector<16xf32>,
    %get3A_812 = arith.constant 13 : i32
    %get3A_813 = arith.index_cast %get3A_812 : i32 to index
    %get3A_814 = arith.constant 96 : index
    %get3A_815 = tpu.vector_load %arg6[%get3A_813, %get3A_814] {strides = array<i32>} : memref<20x512xf32, #tpu.memory_space<vmem>>, vector<16xf32>,
    %get3A_816 = arith.constant 14 : i32
    %get3A_817 = arith.index_cast %get3A_816 : i32 to index
    %get3A_818 = arith.constant 96 : index
    %get3A_819 = tpu.vector_load %arg6[%get3A_817, %get3A_818] {strides = array<i32>} : memref<20x512xf32, #tpu.memory_space<vmem>>, vector<16xf32>,
    %get3A_820 = arith.constant 15 : i32
    %get3A_821 = arith.index_cast %get3A_820 : i32 to index
    %get3A_822 = arith.constant 96 : index
    %get3A_823 = tpu.vector_load %arg6[%get3A_821, %get3A_822] {strides = array<i32>} : memref<20x512xf32, #tpu.memory_space<vmem>>, vector<16xf32>,
    %get3A_824 = arith.constant 16 : i32
    %get3A_825 = arith.index_cast %get3A_824 : i32 to index
    %get3A_826 = arith.constant 96 : index
    %get3A_827 = tpu.vector_load %arg6[%get3A_825, %get3A_826] {strides = array<i32>} : memref<20x512xf32, #tpu.memory_space<vmem>>, vector<16xf32>,
    %get3A_828 = arith.constant 17 : i32
    %get3A_829 = arith.index_cast %get3A_828 : i32 to index
    %get3A_830 = arith.constant 96 : index
    %get3A_831 = tpu.vector_load %arg6[%get3A_829, %get3A_830] {strides = array<i32>} : memref<20x512xf32, #tpu.memory_space<vmem>>, vector<16xf32>,
    %get3A_832 = arith.constant 18 : i32
    %get3A_833 = arith.index_cast %get3A_832 : i32 to index
    %get3A_834 = arith.constant 96 : index
    %get3A_835 = tpu.vector_load %arg6[%get3A_833, %get3A_834] {strides = array<i32>} : memref<20x512xf32, #tpu.memory_space<vmem>>, vector<16xf32>,
    %max3A_836 = arith.maximumf %get3A_763, %get3A_767 : vector<16xf32>
    %max3A_837 = arith.maximumf %get3A_771, %get3A_775 : vector<16xf32>
    %max3A_838 = arith.maximumf %get3A_779, %get3A_783 : vector<16xf32>
    %max3A_839 = arith.maximumf %get3A_787, %get3A_791 : vector<16xf32>
    %max3A_840 = arith.maximumf %get3A_795, %get3A_799 : vector<16xf32>
    %max3A_841 = arith.maximumf %get3A_803, %get3A_807 : vector<16xf32>
    %max3A_842 = arith.maximumf %get3A_811, %get3A_815 : vector<16xf32>
    %max3A_843 = arith.maximumf %get3A_819, %get3A_823 : vector<16xf32>
    %max3A_844 = arith.maximumf %get3A_827, %get3A_831 : vector<16xf32>
    %max3A_845 = arith.maximumf %max3A_836, %max3A_837 : vector<16xf32>
    %max3A_846 = arith.maximumf %max3A_838, %max3A_839 : vector<16xf32>
    %max3A_847 = arith.maximumf %max3A_840, %max3A_841 : vector<16xf32>
    %max3A_848 = arith.maximumf %max3A_842, %max3A_843 : vector<16xf32>
    %max3A_849 = arith.maximumf %max3A_844, %get3A_835 : vector<16xf32>
    %max3A_850 = arith.maximumf %max3A_845, %max3A_846 : vector<16xf32>
    %max3A_851 = arith.maximumf %max3A_847, %max3A_848 : vector<16xf32>
    %max3A_852 = arith.maximumf %max3A_850, %max3A_851 : vector<16xf32>
    %max3A_853 = arith.maximumf %max3A_852, %max3A_849 : vector<16xf32>
    %get3A_854 = arith.constant 19 : i32
    %get3A_855 = arith.index_cast %get3A_854 : i32 to index
    %get3A_856 = arith.constant 96 : index
    %get3A_857 = tpu.vector_load %arg6[%get3A_855, %get3A_856] {strides = array<i32>} : memref<20x512xf32, #tpu.memory_space<vmem>>, vector<16xf32>,
    %gt3A_858 = arith.constant 0.000000e+00 : f32
    %gt3A_859 = vector.broadcast %gt3A_858 : f32 to vector<16xf32>
    %gt3A_860 = arith.cmpf ogt, %max3A_853, %gt3A_859 : vector<16xf32>
    %gt3A_861 = arith.constant 0.000000e+00 : f32
    %gt3A_862 = vector.broadcast %gt3A_861 : f32 to vector<16xf32>
    %gt3A_863 = arith.cmpf ogt, %get3A_857, %gt3A_862 : vector<16xf32>
    %select_n3A_864 = arith.select %gt3A_863, %gather3A_48, %gather3A : vector<16xi1>, vector<16xi32>
    %select_n3A_865 = arith.select %gt3A_860, %broadcast_in_dim3A_44, %select_n3A_864 : vector<16xi1>, vector<16xi32>
    %swap3A_866 = arith.constant 96 : index
    %swap3A_867 = tpu.vector_load %arg10[%swap3A_866] {strides = array<i32>} : memref<512xi32, #tpu.memory_space<vmem>>, vector<16xi32>,
    tpu.vector_store %arg10[%swap3A_866], %select_n3A_865 {strides = array<i32>} : memref<512xi32, #tpu.memory_space<vmem>>, vector<16xi32>,
    %get3A_868 = arith.constant 0 : i32
    %get3A_869 = arith.index_cast %get3A_868 : i32 to index
    %get3A_870 = arith.constant 112 : index
    %get3A_871 = tpu.vector_load %arg6[%get3A_869, %get3A_870] {strides = array<i32>} : memref<20x512xf32, #tpu.memory_space<vmem>>, vector<16xf32>,
    %get3A_872 = arith.constant 1 : i32
    %get3A_873 = arith.index_cast %get3A_872 : i32 to index
    %get3A_874 = arith.constant 112 : index
    %get3A_875 = tpu.vector_load %arg6[%get3A_873, %get3A_874] {strides = array<i32>} : memref<20x512xf32, #tpu.memory_space<vmem>>, vector<16xf32>,
    %get3A_876 = arith.constant 2 : i32
    %get3A_877 = arith.index_cast %get3A_876 : i32 to index
    %get3A_878 = arith.constant 112 : index
    %get3A_879 = tpu.vector_load %arg6[%get3A_877, %get3A_878] {strides = array<i32>} : memref<20x512xf32, #tpu.memory_space<vmem>>, vector<16xf32>,
    %get3A_880 = arith.constant 3 : i32
    %get3A_881 = arith.index_cast %get3A_880 : i32 to index
    %get3A_882 = arith.constant 112 : index
    %get3A_883 = tpu.vector_load %arg6[%get3A_881, %get3A_882] {strides = array<i32>} : memref<20x512xf32, #tpu.memory_space<vmem>>, vector<16xf32>,
    %get3A_884 = arith.constant 4 : i32
    %get3A_885 = arith.index_cast %get3A_884 : i32 to index
    %get3A_886 = arith.constant 112 : index
    %get3A_887 = tpu.vector_load %arg6[%get3A_885, %get3A_886] {strides = array<i32>} : memref<20x512xf32, #tpu.memory_space<vmem>>, vector<16xf32>,
    %get3A_888 = arith.constant 5 : i32
    %get3A_889 = arith.index_cast %get3A_888 : i32 to index
    %get3A_890 = arith.constant 112 : index
    %get3A_891 = tpu.vector_load %arg6[%get3A_889, %get3A_890] {strides = array<i32>} : memref<20x512xf32, #tpu.memory_space<vmem>>, vector<16xf32>,
    %get3A_892 = arith.constant 6 : i32
    %get3A_893 = arith.index_cast %get3A_892 : i32 to index
    %get3A_894 = arith.constant 112 : index
    %get3A_895 = tpu.vector_load %arg6[%get3A_893, %get3A_894] {strides = array<i32>} : memref<20x512xf32, #tpu.memory_space<vmem>>, vector<16xf32>,
    %get3A_896 = arith.constant 7 : i32
    %get3A_897 = arith.index_cast %get3A_896 : i32 to index
    %get3A_898 = arith.constant 112 : index
    %get3A_899 = tpu.vector_load %arg6[%get3A_897, %get3A_898] {strides = array<i32>} : memref<20x512xf32, #tpu.memory_space<vmem>>, vector<16xf32>,
    %get3A_900 = arith.constant 8 : i32
    %get3A_901 = arith.index_cast %get3A_900 : i32 to index
    %get3A_902 = arith.constant 112 : index
    %get3A_903 = tpu.vector_load %arg6[%get3A_901, %get3A_902] {strides = array<i32>} : memref<20x512xf32, #tpu.memory_space<vmem>>, vector<16xf32>,
    %get3A_904 = arith.constant 9 : i32
    %get3A_905 = arith.index_cast %get3A_904 : i32 to index
    %get3A_906 = arith.constant 112 : index
    %get3A_907 = tpu.vector_load %arg6[%get3A_905, %get3A_906] {strides = array<i32>} : memref<20x512xf32, #tpu.memory_space<vmem>>, vector<16xf32>,
    %get3A_908 = arith.constant 10 : i32
    %get3A_909 = arith.index_cast %get3A_908 : i32 to index
    %get3A_910 = arith.constant 112 : index
    %get3A_911 = tpu.vector_load %arg6[%get3A_909, %get3A_910] {strides = array<i32>} : memref<20x512xf32, #tpu.memory_space<vmem>>, vector<16xf32>,
    %get3A_912 = arith.constant 11 : i32
    %get3A_913 = arith.index_cast %get3A_912 : i32 to index
    %get3A_914 = arith.constant 112 : index
    %get3A_915 = tpu.vector_load %arg6[%get3A_913, %get3A_914] {strides = array<i32>} : memref<20x512xf32, #tpu.memory_space<vmem>>, vector<16xf32>,
    %get3A_916 = arith.constant 12 : i32
    %get3A_917 = arith.index_cast %get3A_916 : i32 to index
    %get3A_918 = arith.constant 112 : index
    %get3A_919 = tpu.vector_load %arg6[%get3A_917, %get3A_918] {strides = array<i32>} : memref<20x512xf32, #tpu.memory_space<vmem>>, vector<16xf32>,
    %get3A_920 = arith.constant 13 : i32
    %get3A_921 = arith.index_cast %get3A_920 : i32 to index
    %get3A_922 = arith.constant 112 : index
    %get3A_923 = tpu.vector_load %arg6[%get3A_921, %get3A_922] {strides = array<i32>} : memref<20x512xf32, #tpu.memory_space<vmem>>, vector<16xf32>,
    %get3A_924 = arith.constant 14 : i32
    %get3A_925 = arith.index_cast %get3A_924 : i32 to index
    %get3A_926 = arith.constant 112 : index
    %get3A_927 = tpu.vector_load %arg6[%get3A_925, %get3A_926] {strides = array<i32>} : memref<20x512xf32, #tpu.memory_space<vmem>>, vector<16xf32>,
    %get3A_928 = arith.constant 15 : i32
    %get3A_929 = arith.index_cast %get3A_928 : i32 to index
    %get3A_930 = arith.constant 112 : index
    %get3A_931 = tpu.vector_load %arg6[%get3A_929, %get3A_930] {strides = array<i32>} : memref<20x512xf32, #tpu.memory_space<vmem>>, vector<16xf32>,
    %get3A_932 = arith.constant 16 : i32
    %get3A_933 = arith.index_cast %get3A_932 : i32 to index
    %get3A_934 = arith.constant 112 : index
    %get3A_935 = tpu.vector_load %arg6[%get3A_933, %get3A_934] {strides = array<i32>} : memref<20x512xf32, #tpu.memory_space<vmem>>, vector<16xf32>,
    %get3A_936 = arith.constant 17 : i32
    %get3A_937 = arith.index_cast %get3A_936 : i32 to index
    %get3A_938 = arith.constant 112 : index
    %get3A_939 = tpu.vector_load %arg6[%get3A_937, %get3A_938] {strides = array<i32>} : memref<20x512xf32, #tpu.memory_space<vmem>>, vector<16xf32>,
    %get3A_940 = arith.constant 18 : i32
    %get3A_941 = arith.index_cast %get3A_940 : i32 to index
    %get3A_942 = arith.constant 112 : index
    %get3A_943 = tpu.vector_load %arg6[%get3A_941, %get3A_942] {strides = array<i32>} : memref<20x512xf32, #tpu.memory_space<vmem>>, vector<16xf32>,
    %max3A_944 = arith.maximumf %get3A_871, %get3A_875 : vector<16xf32>
    %max3A_945 = arith.maximumf %get3A_879, %get3A_883 : vector<16xf32>
    %max3A_946 = arith.maximumf %get3A_887, %get3A_891 : vector<16xf32>
    %max3A_947 = arith.maximumf %get3A_895, %get3A_899 : vector<16xf32>
    %max3A_948 = arith.maximumf %get3A_903, %get3A_907 : vector<16xf32>
    %max3A_949 = arith.maximumf %get3A_911, %get3A_915 : vector<16xf32>
    %max3A_950 = arith.maximumf %get3A_919, %get3A_923 : vector<16xf32>
    %max3A_951 = arith.maximumf %get3A_927, %get3A_931 : vector<16xf32>
    %max3A_952 = arith.maximumf %get3A_935, %get3A_939 : vector<16xf32>
    %max3A_953 = arith.maximumf %max3A_944, %max3A_945 : vector<16xf32>
    %max3A_954 = arith.maximumf %max3A_946, %max3A_947 : vector<16xf32>
    %max3A_955 = arith.maximumf %max3A_948, %max3A_949 : vector<16xf32>
    %max3A_956 = arith.maximumf %max3A_950, %max3A_951 : vector<16xf32>
    %max3A_957 = arith.maximumf %max3A_952, %get3A_943 : vector<16xf32>
    %max3A_958 = arith.maximumf %max3A_953, %max3A_954 : vector<16xf32>
    %max3A_959 = arith.maximumf %max3A_955, %max3A_956 : vector<16xf32>
    %max3A_960 = arith.maximumf %max3A_958, %max3A_959 : vector<16xf32>
    %max3A_961 = arith.maximumf %max3A_960, %max3A_957 : vector<16xf32>
    %get3A_962 = arith.constant 19 : i32
    %get3A_963 = arith.index_cast %get3A_962 : i32 to index
    %get3A_964 = arith.constant 112 : index
    %get3A_965 = tpu.vector_load %arg6[%get3A_963, %get3A_964] {strides = array<i32>} : memref<20x512xf32, #tpu.memory_space<vmem>>, vector<16xf32>,
    %gt3A_966 = arith.constant 0.000000e+00 : f32
    %gt3A_967 = vector.broadcast %gt3A_966 : f32 to vector<16xf32>
    %gt3A_968 = arith.cmpf ogt, %max3A_961, %gt3A_967 : vector<16xf32>
    %gt3A_969 = arith.constant 0.000000e+00 : f32
    %gt3A_970 = vector.broadcast %gt3A_969 : f32 to vector<16xf32>
    %gt3A_971 = arith.cmpf ogt, %get3A_965, %gt3A_970 : vector<16xf32>
    %select_n3A_972 = arith.select %gt3A_971, %gather3A_48, %gather3A : vector<16xi1>, vector<16xi32>
    %select_n3A_973 = arith.select %gt3A_968, %broadcast_in_dim3A_44, %select_n3A_972 : vector<16xi1>, vector<16xi32>
    %swap3A_974 = arith.constant 112 : index
    %swap3A_975 = tpu.vector_load %arg10[%swap3A_974] {strides = array<i32>} : memref<512xi32, #tpu.memory_space<vmem>>, vector<16xi32>,
    tpu.vector_store %arg10[%swap3A_974], %select_n3A_973 {strides = array<i32>} : memref<512xi32, #tpu.memory_space<vmem>>, vector<16xi32>,
    %add3A_976 = arith.constant 0 : i32
    %add3A_977 = arith.addi %mul3A_2, %add3A_976 : i32
    %dma_start3A_978 = arith.constant 0 : i32
    %dma_start3A_979 = tpu.memref_slice %arg10[%dma_start3A_978] : memref<512xi32, #tpu.memory_space<vmem>> -> memref<128xi32, #tpu.memory_space<vmem>>
    %dma_start3A_980 = tpu.memref_slice %arg5[%add3A_977] : memref<16384xi32, #tpu.memory_space<hbm>> -> memref<128xi32, #tpu.memory_space<hbm>>
    %dma_start3A_981 = tpu.memref_slice %arg5[%add3A_977] : memref<16384xi32, #tpu.memory_space<hbm>> -> memref<128xi32, #tpu.memory_space<hbm>>
    %dma_start3A_982 = arith.constant 0 : i32
    %dma_start3A_983 = tpu.memref_slice %arg10[%dma_start3A_982] : memref<512xi32, #tpu.memory_space<vmem>> -> memref<128xi32, #tpu.memory_space<vmem>>
    tpu.enqueue_dma source(%dma_start3A_983 : memref<128xi32, #tpu.memory_space<vmem>>) target(%dma_start3A_981 : memref<128xi32, #tpu.memory_space<hbm>>) target_semaphore(%arg13 : memref<!tpu.dma_semaphore, #tpu.memory_space<semaphore_mem>>)
    %dma_wait3A_984 = arith.constant 0 : i32
    %dma_wait3A_985 = arith.constant 128 : i32
    %dma_wait3A_986 = tpu.memref_slice %arg6[%dma_wait3A_984, %dma_wait3A_985] : memref<20x512xf32, #tpu.memory_space<vmem>> -> memref<20x128xf32, #tpu.memory_space<vmem>>
    %dma_wait3A_987 = arith.constant 0 : i32
    %dma_wait3A_988 = tpu.memref_slice %arg7[%dma_wait3A_987] : memref<24xi32, #tpu.memory_space<vmem>> -> memref<20xi32, #tpu.memory_space<vmem>>
    %dma_wait3A_989 = arith.constant 0 : i32
    %dma_wait3A_990 = tpu.memref_slice %arg2[%dma_wait3A_989, %add3A_81] : memref<100x16384xf32, #tpu.memory_space<hbm>> -> memref<100x128xf32, #tpu.memory_space<hbm>>
    tpu.wait_indirect_dma semaphore(%arg12 : memref<!tpu.dma_semaphore, #tpu.memory_space<semaphore_mem>>) src(%dma_wait3A_990 : memref<100x128xf32, #tpu.memory_space<hbm>>) dst(%dma_wait3A_986 : memref<20x128xf32, #tpu.memory_space<vmem>>)
    %get3A_991 = arith.constant 0 : i32
    %get3A_992 = arith.index_cast %get3A_991 : i32 to index
    %get3A_993 = arith.constant 128 : index
    %get3A_994 = tpu.vector_load %arg6[%get3A_992, %get3A_993] {strides = array<i32>} : memref<20x512xf32, #tpu.memory_space<vmem>>, vector<16xf32>,
    %get3A_995 = arith.constant 1 : i32
    %get3A_996 = arith.index_cast %get3A_995 : i32 to index
    %get3A_997 = arith.constant 128 : index
    %get3A_998 = tpu.vector_load %arg6[%get3A_996, %get3A_997] {strides = array<i32>} : memref<20x512xf32, #tpu.memory_space<vmem>>, vector<16xf32>,
    %get3A_999 = arith.constant 2 : i32
    %get3A_1000 = arith.index_cast %get3A_999 : i32 to index
    %get3A_1001 = arith.constant 128 : index
    %get3A_1002 = tpu.vector_load %arg6[%get3A_1000, %get3A_1001] {strides = array<i32>} : memref<20x512xf32, #tpu.memory_space<vmem>>, vector<16xf32>,
    %get3A_1003 = arith.constant 3 : i32
    %get3A_1004 = arith.index_cast %get3A_1003 : i32 to index
    %get3A_1005 = arith.constant 128 : index
    %get3A_1006 = tpu.vector_load %arg6[%get3A_1004, %get3A_1005] {strides = array<i32>} : memref<20x512xf32, #tpu.memory_space<vmem>>, vector<16xf32>,
    %get3A_1007 = arith.constant 4 : i32
    %get3A_1008 = arith.index_cast %get3A_1007 : i32 to index
    %get3A_1009 = arith.constant 128 : index
    %get3A_1010 = tpu.vector_load %arg6[%get3A_1008, %get3A_1009] {strides = array<i32>} : memref<20x512xf32, #tpu.memory_space<vmem>>, vector<16xf32>,
    %get3A_1011 = arith.constant 5 : i32
    %get3A_1012 = arith.index_cast %get3A_1011 : i32 to index
    %get3A_1013 = arith.constant 128 : index
    %get3A_1014 = tpu.vector_load %arg6[%get3A_1012, %get3A_1013] {strides = array<i32>} : memref<20x512xf32, #tpu.memory_space<vmem>>, vector<16xf32>,
    %get3A_1015 = arith.constant 6 : i32
    %get3A_1016 = arith.index_cast %get3A_1015 : i32 to index
    %get3A_1017 = arith.constant 128 : index
    %get3A_1018 = tpu.vector_load %arg6[%get3A_1016, %get3A_1017] {strides = array<i32>} : memref<20x512xf32, #tpu.memory_space<vmem>>, vector<16xf32>,
    %get3A_1019 = arith.constant 7 : i32
    %get3A_1020 = arith.index_cast %get3A_1019 : i32 to index
    %get3A_1021 = arith.constant 128 : index
    %get3A_1022 = tpu.vector_load %arg6[%get3A_1020, %get3A_1021] {strides = array<i32>} : memref<20x512xf32, #tpu.memory_space<vmem>>, vector<16xf32>,
    %get3A_1023 = arith.constant 8 : i32
    %get3A_1024 = arith.index_cast %get3A_1023 : i32 to index
    %get3A_1025 = arith.constant 128 : index
    %get3A_1026 = tpu.vector_load %arg6[%get3A_1024, %get3A_1025] {strides = array<i32>} : memref<20x512xf32, #tpu.memory_space<vmem>>, vector<16xf32>,
    %get3A_1027 = arith.constant 9 : i32
    %get3A_1028 = arith.index_cast %get3A_1027 : i32 to index
    %get3A_1029 = arith.constant 128 : index
    %get3A_1030 = tpu.vector_load %arg6[%get3A_1028, %get3A_1029] {strides = array<i32>} : memref<20x512xf32, #tpu.memory_space<vmem>>, vector<16xf32>,
    %get3A_1031 = arith.constant 10 : i32
    %get3A_1032 = arith.index_cast %get3A_1031 : i32 to index
    %get3A_1033 = arith.constant 128 : index
    %get3A_1034 = tpu.vector_load %arg6[%get3A_1032, %get3A_1033] {strides = array<i32>} : memref<20x512xf32, #tpu.memory_space<vmem>>, vector<16xf32>,
    %get3A_1035 = arith.constant 11 : i32
    %get3A_1036 = arith.index_cast %get3A_1035 : i32 to index
    %get3A_1037 = arith.constant 128 : index
    %get3A_1038 = tpu.vector_load %arg6[%get3A_1036, %get3A_1037] {strides = array<i32>} : memref<20x512xf32, #tpu.memory_space<vmem>>, vector<16xf32>,
    %get3A_1039 = arith.constant 12 : i32
    %get3A_1040 = arith.index_cast %get3A_1039 : i32 to index
    %get3A_1041 = arith.constant 128 : index
    %get3A_1042 = tpu.vector_load %arg6[%get3A_1040, %get3A_1041] {strides = array<i32>} : memref<20x512xf32, #tpu.memory_space<vmem>>, vector<16xf32>,
    %get3A_1043 = arith.constant 13 : i32
    %get3A_1044 = arith.index_cast %get3A_1043 : i32 to index
    %get3A_1045 = arith.constant 128 : index
    %get3A_1046 = tpu.vector_load %arg6[%get3A_1044, %get3A_1045] {strides = array<i32>} : memref<20x512xf32, #tpu.memory_space<vmem>>, vector<16xf32>,
    %get3A_1047 = arith.constant 14 : i32
    %get3A_1048 = arith.index_cast %get3A_1047 : i32 to index
    %get3A_1049 = arith.constant 128 : index
    %get3A_1050 = tpu.vector_load %arg6[%get3A_1048, %get3A_1049] {strides = array<i32>} : memref<20x512xf32, #tpu.memory_space<vmem>>, vector<16xf32>,
    %get3A_1051 = arith.constant 15 : i32
    %get3A_1052 = arith.index_cast %get3A_1051 : i32 to index
    %get3A_1053 = arith.constant 128 : index
    %get3A_1054 = tpu.vector_load %arg6[%get3A_1052, %get3A_1053] {strides = array<i32>} : memref<20x512xf32, #tpu.memory_space<vmem>>, vector<16xf32>,
    %get3A_1055 = arith.constant 16 : i32
    %get3A_1056 = arith.index_cast %get3A_1055 : i32 to index
    %get3A_1057 = arith.constant 128 : index
    %get3A_1058 = tpu.vector_load %arg6[%get3A_1056, %get3A_1057] {strides = array<i32>} : memref<20x512xf32, #tpu.memory_space<vmem>>, vector<16xf32>,
    %get3A_1059 = arith.constant 17 : i32
    %get3A_1060 = arith.index_cast %get3A_1059 : i32 to index
    %get3A_1061 = arith.constant 128 : index
    %get3A_1062 = tpu.vector_load %arg6[%get3A_1060, %get3A_1061] {strides = array<i32>} : memref<20x512xf32, #tpu.memory_space<vmem>>, vector<16xf32>,
    %get3A_1063 = arith.constant 18 : i32
    %get3A_1064 = arith.index_cast %get3A_1063 : i32 to index
    %get3A_1065 = arith.constant 128 : index
    %get3A_1066 = tpu.vector_load %arg6[%get3A_1064, %get3A_1065] {strides = array<i32>} : memref<20x512xf32, #tpu.memory_space<vmem>>, vector<16xf32>,
    %max3A_1067 = arith.maximumf %get3A_994, %get3A_998 : vector<16xf32>
    %max3A_1068 = arith.maximumf %get3A_1002, %get3A_1006 : vector<16xf32>
    %max3A_1069 = arith.maximumf %get3A_1010, %get3A_1014 : vector<16xf32>
    %max3A_1070 = arith.maximumf %get3A_1018, %get3A_1022 : vector<16xf32>
    %max3A_1071 = arith.maximumf %get3A_1026, %get3A_1030 : vector<16xf32>
    %max3A_1072 = arith.maximumf %get3A_1034, %get3A_1038 : vector<16xf32>
    %max3A_1073 = arith.maximumf %get3A_1042, %get3A_1046 : vector<16xf32>
    %max3A_1074 = arith.maximumf %get3A_1050, %get3A_1054 : vector<16xf32>
    %max3A_1075 = arith.maximumf %get3A_1058, %get3A_1062 : vector<16xf32>
    %max3A_1076 = arith.maximumf %max3A_1067, %max3A_1068 : vector<16xf32>
    %max3A_1077 = arith.maximumf %max3A_1069, %max3A_1070 : vector<16xf32>
    %max3A_1078 = arith.maximumf %max3A_1071, %max3A_1072 : vector<16xf32>
    %max3A_1079 = arith.maximumf %max3A_1073, %max3A_1074 : vector<16xf32>
    %max3A_1080 = arith.maximumf %max3A_1075, %get3A_1066 : vector<16xf32>
    %max3A_1081 = arith.maximumf %max3A_1076, %max3A_1077 : vector<16xf32>
    %max3A_1082 = arith.maximumf %max3A_1078, %max3A_1079 : vector<16xf32>
    %max3A_1083 = arith.maximumf %max3A_1081, %max3A_1082 : vector<16xf32>
    %max3A_1084 = arith.maximumf %max3A_1083, %max3A_1080 : vector<16xf32>
    %get3A_1085 = arith.constant 19 : i32
    %get3A_1086 = arith.index_cast %get3A_1085 : i32 to index
    %get3A_1087 = arith.constant 128 : index
    %get3A_1088 = tpu.vector_load %arg6[%get3A_1086, %get3A_1087] {strides = array<i32>} : memref<20x512xf32, #tpu.memory_space<vmem>>, vector<16xf32>,
    %gt3A_1089 = arith.constant 0.000000e+00 : f32
    %gt3A_1090 = vector.broadcast %gt3A_1089 : f32 to vector<16xf32>
    %gt3A_1091 = arith.cmpf ogt, %max3A_1084, %gt3A_1090 : vector<16xf32>
    %gt3A_1092 = arith.constant 0.000000e+00 : f32
    %gt3A_1093 = vector.broadcast %gt3A_1092 : f32 to vector<16xf32>
    %gt3A_1094 = arith.cmpf ogt, %get3A_1088, %gt3A_1093 : vector<16xf32>
    %select_n3A_1095 = arith.select %gt3A_1094, %gather3A_48, %gather3A : vector<16xi1>, vector<16xi32>
    %select_n3A_1096 = arith.select %gt3A_1091, %broadcast_in_dim3A_44, %select_n3A_1095 : vector<16xi1>, vector<16xi32>
    %swap3A_1097 = arith.constant 128 : index
    %swap3A_1098 = tpu.vector_load %arg10[%swap3A_1097] {strides = array<i32>} : memref<512xi32, #tpu.memory_space<vmem>>, vector<16xi32>,
    tpu.vector_store %arg10[%swap3A_1097], %select_n3A_1096 {strides = array<i32>} : memref<512xi32, #tpu.memory_space<vmem>>, vector<16xi32>,
    %get3A_1099 = arith.constant 0 : i32
    %get3A_1100 = arith.index_cast %get3A_1099 : i32 to index
    %get3A_1101 = arith.constant 144 : index
    %get3A_1102 = tpu.vector_load %arg6[%get3A_1100, %get3A_1101] {strides = array<i32>} : memref<20x512xf32, #tpu.memory_space<vmem>>, vector<16xf32>,
    %get3A_1103 = arith.constant 1 : i32
    %get3A_1104 = arith.index_cast %get3A_1103 : i32 to index
    %get3A_1105 = arith.constant 144 : index
    %get3A_1106 = tpu.vector_load %arg6[%get3A_1104, %get3A_1105] {strides = array<i32>} : memref<20x512xf32, #tpu.memory_space<vmem>>, vector<16xf32>,
    %get3A_1107 = arith.constant 2 : i32
    %get3A_1108 = arith.index_cast %get3A_1107 : i32 to index
    %get3A_1109 = arith.constant 144 : index
    %get3A_1110 = tpu.vector_load %arg6[%get3A_1108, %get3A_1109] {strides = array<i32>} : memref<20x512xf32, #tpu.memory_space<vmem>>, vector<16xf32>,
    %get3A_1111 = arith.constant 3 : i32
    %get3A_1112 = arith.index_cast %get3A_1111 : i32 to index
    %get3A_1113 = arith.constant 144 : index
    %get3A_1114 = tpu.vector_load %arg6[%get3A_1112, %get3A_1113] {strides = array<i32>} : memref<20x512xf32, #tpu.memory_space<vmem>>, vector<16xf32>,
    %get3A_1115 = arith.constant 4 : i32
    %get3A_1116 = arith.index_cast %get3A_1115 : i32 to index
    %get3A_1117 = arith.constant 144 : index
    %get3A_1118 = tpu.vector_load %arg6[%get3A_1116, %get3A_1117] {strides = array<i32>} : memref<20x512xf32, #tpu.memory_space<vmem>>, vector<16xf32>,
    %get3A_1119 = arith.constant 5 : i32
    %get3A_1120 = arith.index_cast %get3A_1119 : i32 to index
    %get3A_1121 = arith.constant 144 : index
    %get3A_1122 = tpu.vector_load %arg6[%get3A_1120, %get3A_1121] {strides = array<i32>} : memref<20x512xf32, #tpu.memory_space<vmem>>, vector<16xf32>,
    %get3A_1123 = arith.constant 6 : i32
    %get3A_1124 = arith.index_cast %get3A_1123 : i32 to index
    %get3A_1125 = arith.constant 144 : index
    %get3A_1126 = tpu.vector_load %arg6[%get3A_1124, %get3A_1125] {strides = array<i32>} : memref<20x512xf32, #tpu.memory_space<vmem>>, vector<16xf32>,
    %get3A_1127 = arith.constant 7 : i32
    %get3A_1128 = arith.index_cast %get3A_1127 : i32 to index
    %get3A_1129 = arith.constant 144 : index
    %get3A_1130 = tpu.vector_load %arg6[%get3A_1128, %get3A_1129] {strides = array<i32>} : memref<20x512xf32, #tpu.memory_space<vmem>>, vector<16xf32>,
    %get3A_1131 = arith.constant 8 : i32
    %get3A_1132 = arith.index_cast %get3A_1131 : i32 to index
    %get3A_1133 = arith.constant 144 : index
    %get3A_1134 = tpu.vector_load %arg6[%get3A_1132, %get3A_1133] {strides = array<i32>} : memref<20x512xf32, #tpu.memory_space<vmem>>, vector<16xf32>,
    %get3A_1135 = arith.constant 9 : i32
    %get3A_1136 = arith.index_cast %get3A_1135 : i32 to index
    %get3A_1137 = arith.constant 144 : index
    %get3A_1138 = tpu.vector_load %arg6[%get3A_1136, %get3A_1137] {strides = array<i32>} : memref<20x512xf32, #tpu.memory_space<vmem>>, vector<16xf32>,
    %get3A_1139 = arith.constant 10 : i32
    %get3A_1140 = arith.index_cast %get3A_1139 : i32 to index
    %get3A_1141 = arith.constant 144 : index
    %get3A_1142 = tpu.vector_load %arg6[%get3A_1140, %get3A_1141] {strides = array<i32>} : memref<20x512xf32, #tpu.memory_space<vmem>>, vector<16xf32>,
    %get3A_1143 = arith.constant 11 : i32
    %get3A_1144 = arith.index_cast %get3A_1143 : i32 to index
    %get3A_1145 = arith.constant 144 : index
    %get3A_1146 = tpu.vector_load %arg6[%get3A_1144, %get3A_1145] {strides = array<i32>} : memref<20x512xf32, #tpu.memory_space<vmem>>, vector<16xf32>,
    %get3A_1147 = arith.constant 12 : i32
    %get3A_1148 = arith.index_cast %get3A_1147 : i32 to index
    %get3A_1149 = arith.constant 144 : index
    %get3A_1150 = tpu.vector_load %arg6[%get3A_1148, %get3A_1149] {strides = array<i32>} : memref<20x512xf32, #tpu.memory_space<vmem>>, vector<16xf32>,
    %get3A_1151 = arith.constant 13 : i32
    %get3A_1152 = arith.index_cast %get3A_1151 : i32 to index
    %get3A_1153 = arith.constant 144 : index
    %get3A_1154 = tpu.vector_load %arg6[%get3A_1152, %get3A_1153] {strides = array<i32>} : memref<20x512xf32, #tpu.memory_space<vmem>>, vector<16xf32>,
    %get3A_1155 = arith.constant 14 : i32
    %get3A_1156 = arith.index_cast %get3A_1155 : i32 to index
    %get3A_1157 = arith.constant 144 : index
    %get3A_1158 = tpu.vector_load %arg6[%get3A_1156, %get3A_1157] {strides = array<i32>} : memref<20x512xf32, #tpu.memory_space<vmem>>, vector<16xf32>,
    %get3A_1159 = arith.constant 15 : i32
    %get3A_1160 = arith.index_cast %get3A_1159 : i32 to index
    %get3A_1161 = arith.constant 144 : index
    %get3A_1162 = tpu.vector_load %arg6[%get3A_1160, %get3A_1161] {strides = array<i32>} : memref<20x512xf32, #tpu.memory_space<vmem>>, vector<16xf32>,
    %get3A_1163 = arith.constant 16 : i32
    %get3A_1164 = arith.index_cast %get3A_1163 : i32 to index
    %get3A_1165 = arith.constant 144 : index
    %get3A_1166 = tpu.vector_load %arg6[%get3A_1164, %get3A_1165] {strides = array<i32>} : memref<20x512xf32, #tpu.memory_space<vmem>>, vector<16xf32>,
    %get3A_1167 = arith.constant 17 : i32
    %get3A_1168 = arith.index_cast %get3A_1167 : i32 to index
    %get3A_1169 = arith.constant 144 : index
    %get3A_1170 = tpu.vector_load %arg6[%get3A_1168, %get3A_1169] {strides = array<i32>} : memref<20x512xf32, #tpu.memory_space<vmem>>, vector<16xf32>,
    %get3A_1171 = arith.constant 18 : i32
    %get3A_1172 = arith.index_cast %get3A_1171 : i32 to index
    %get3A_1173 = arith.constant 144 : index
    %get3A_1174 = tpu.vector_load %arg6[%get3A_1172, %get3A_1173] {strides = array<i32>} : memref<20x512xf32, #tpu.memory_space<vmem>>, vector<16xf32>,
    %max3A_1175 = arith.maximumf %get3A_1102, %get3A_1106 : vector<16xf32>
    %max3A_1176 = arith.maximumf %get3A_1110, %get3A_1114 : vector<16xf32>
    %max3A_1177 = arith.maximumf %get3A_1118, %get3A_1122 : vector<16xf32>
    %max3A_1178 = arith.maximumf %get3A_1126, %get3A_1130 : vector<16xf32>
    %max3A_1179 = arith.maximumf %get3A_1134, %get3A_1138 : vector<16xf32>
    %max3A_1180 = arith.maximumf %get3A_1142, %get3A_1146 : vector<16xf32>
    %max3A_1181 = arith.maximumf %get3A_1150, %get3A_1154 : vector<16xf32>
    %max3A_1182 = arith.maximumf %get3A_1158, %get3A_1162 : vector<16xf32>
    %max3A_1183 = arith.maximumf %get3A_1166, %get3A_1170 : vector<16xf32>
    %max3A_1184 = arith.maximumf %max3A_1175, %max3A_1176 : vector<16xf32>
    %max3A_1185 = arith.maximumf %max3A_1177, %max3A_1178 : vector<16xf32>
    %max3A_1186 = arith.maximumf %max3A_1179, %max3A_1180 : vector<16xf32>
    %max3A_1187 = arith.maximumf %max3A_1181, %max3A_1182 : vector<16xf32>
    %max3A_1188 = arith.maximumf %max3A_1183, %get3A_1174 : vector<16xf32>
    %max3A_1189 = arith.maximumf %max3A_1184, %max3A_1185 : vector<16xf32>
    %max3A_1190 = arith.maximumf %max3A_1186, %max3A_1187 : vector<16xf32>
    %max3A_1191 = arith.maximumf %max3A_1189, %max3A_1190 : vector<16xf32>
    %max3A_1192 = arith.maximumf %max3A_1191, %max3A_1188 : vector<16xf32>
    %get3A_1193 = arith.constant 19 : i32
    %get3A_1194 = arith.index_cast %get3A_1193 : i32 to index
    %get3A_1195 = arith.constant 144 : index
    %get3A_1196 = tpu.vector_load %arg6[%get3A_1194, %get3A_1195] {strides = array<i32>} : memref<20x512xf32, #tpu.memory_space<vmem>>, vector<16xf32>,
    %gt3A_1197 = arith.constant 0.000000e+00 : f32
    %gt3A_1198 = vector.broadcast %gt3A_1197 : f32 to vector<16xf32>
    %gt3A_1199 = arith.cmpf ogt, %max3A_1192, %gt3A_1198 : vector<16xf32>
    %gt3A_1200 = arith.constant 0.000000e+00 : f32
    %gt3A_1201 = vector.broadcast %gt3A_1200 : f32 to vector<16xf32>
    %gt3A_1202 = arith.cmpf ogt, %get3A_1196, %gt3A_1201 : vector<16xf32>
    %select_n3A_1203 = arith.select %gt3A_1202, %gather3A_48, %gather3A : vector<16xi1>, vector<16xi32>
    %select_n3A_1204 = arith.select %gt3A_1199, %broadcast_in_dim3A_44, %select_n3A_1203 : vector<16xi1>, vector<16xi32>
    %swap3A_1205 = arith.constant 144 : index
    %swap3A_1206 = tpu.vector_load %arg10[%swap3A_1205] {strides = array<i32>} : memref<512xi32, #tpu.memory_space<vmem>>, vector<16xi32>,
    tpu.vector_store %arg10[%swap3A_1205], %select_n3A_1204 {strides = array<i32>} : memref<512xi32, #tpu.memory_space<vmem>>, vector<16xi32>,
    %get3A_1207 = arith.constant 0 : i32
    %get3A_1208 = arith.index_cast %get3A_1207 : i32 to index
    %get3A_1209 = arith.constant 160 : index
    %get3A_1210 = tpu.vector_load %arg6[%get3A_1208, %get3A_1209] {strides = array<i32>} : memref<20x512xf32, #tpu.memory_space<vmem>>, vector<16xf32>,
    %get3A_1211 = arith.constant 1 : i32
    %get3A_1212 = arith.index_cast %get3A_1211 : i32 to index
    %get3A_1213 = arith.constant 160 : index
    %get3A_1214 = tpu.vector_load %arg6[%get3A_1212, %get3A_1213] {strides = array<i32>} : memref<20x512xf32, #tpu.memory_space<vmem>>, vector<16xf32>,
    %get3A_1215 = arith.constant 2 : i32
    %get3A_1216 = arith.index_cast %get3A_1215 : i32 to index
    %get3A_1217 = arith.constant 160 : index
    %get3A_1218 = tpu.vector_load %arg6[%get3A_1216, %get3A_1217] {strides = array<i32>} : memref<20x512xf32, #tpu.memory_space<vmem>>, vector<16xf32>,
    %get3A_1219 = arith.constant 3 : i32
    %get3A_1220 = arith.index_cast %get3A_1219 : i32 to index
    %get3A_1221 = arith.constant 160 : index
    %get3A_1222 = tpu.vector_load %arg6[%get3A_1220, %get3A_1221] {strides = array<i32>} : memref<20x512xf32, #tpu.memory_space<vmem>>, vector<16xf32>,
    %get3A_1223 = arith.constant 4 : i32
    %get3A_1224 = arith.index_cast %get3A_1223 : i32 to index
    %get3A_1225 = arith.constant 160 : index
    %get3A_1226 = tpu.vector_load %arg6[%get3A_1224, %get3A_1225] {strides = array<i32>} : memref<20x512xf32, #tpu.memory_space<vmem>>, vector<16xf32>,
    %get3A_1227 = arith.constant 5 : i32
    %get3A_1228 = arith.index_cast %get3A_1227 : i32 to index
    %get3A_1229 = arith.constant 160 : index
    %get3A_1230 = tpu.vector_load %arg6[%get3A_1228, %get3A_1229] {strides = array<i32>} : memref<20x512xf32, #tpu.memory_space<vmem>>, vector<16xf32>,
    %get3A_1231 = arith.constant 6 : i32
    %get3A_1232 = arith.index_cast %get3A_1231 : i32 to index
    %get3A_1233 = arith.constant 160 : index
    %get3A_1234 = tpu.vector_load %arg6[%get3A_1232, %get3A_1233] {strides = array<i32>} : memref<20x512xf32, #tpu.memory_space<vmem>>, vector<16xf32>,
    %get3A_1235 = arith.constant 7 : i32
    %get3A_1236 = arith.index_cast %get3A_1235 : i32 to index
    %get3A_1237 = arith.constant 160 : index
    %get3A_1238 = tpu.vector_load %arg6[%get3A_1236, %get3A_1237] {strides = array<i32>} : memref<20x512xf32, #tpu.memory_space<vmem>>, vector<16xf32>,
    %get3A_1239 = arith.constant 8 : i32
    %get3A_1240 = arith.index_cast %get3A_1239 : i32 to index
    %get3A_1241 = arith.constant 160 : index
    %get3A_1242 = tpu.vector_load %arg6[%get3A_1240, %get3A_1241] {strides = array<i32>} : memref<20x512xf32, #tpu.memory_space<vmem>>, vector<16xf32>,
    %get3A_1243 = arith.constant 9 : i32
    %get3A_1244 = arith.index_cast %get3A_1243 : i32 to index
    %get3A_1245 = arith.constant 160 : index
    %get3A_1246 = tpu.vector_load %arg6[%get3A_1244, %get3A_1245] {strides = array<i32>} : memref<20x512xf32, #tpu.memory_space<vmem>>, vector<16xf32>,
    %get3A_1247 = arith.constant 10 : i32
    %get3A_1248 = arith.index_cast %get3A_1247 : i32 to index
    %get3A_1249 = arith.constant 160 : index
    %get3A_1250 = tpu.vector_load %arg6[%get3A_1248, %get3A_1249] {strides = array<i32>} : memref<20x512xf32, #tpu.memory_space<vmem>>, vector<16xf32>,
    %get3A_1251 = arith.constant 11 : i32
    %get3A_1252 = arith.index_cast %get3A_1251 : i32 to index
    %get3A_1253 = arith.constant 160 : index
    %get3A_1254 = tpu.vector_load %arg6[%get3A_1252, %get3A_1253] {strides = array<i32>} : memref<20x512xf32, #tpu.memory_space<vmem>>, vector<16xf32>,
    %get3A_1255 = arith.constant 12 : i32
    %get3A_1256 = arith.index_cast %get3A_1255 : i32 to index
    %get3A_1257 = arith.constant 160 : index
    %get3A_1258 = tpu.vector_load %arg6[%get3A_1256, %get3A_1257] {strides = array<i32>} : memref<20x512xf32, #tpu.memory_space<vmem>>, vector<16xf32>,
    %get3A_1259 = arith.constant 13 : i32
    %get3A_1260 = arith.index_cast %get3A_1259 : i32 to index
    %get3A_1261 = arith.constant 160 : index
    %get3A_1262 = tpu.vector_load %arg6[%get3A_1260, %get3A_1261] {strides = array<i32>} : memref<20x512xf32, #tpu.memory_space<vmem>>, vector<16xf32>,
    %get3A_1263 = arith.constant 14 : i32
    %get3A_1264 = arith.index_cast %get3A_1263 : i32 to index
    %get3A_1265 = arith.constant 160 : index
    %get3A_1266 = tpu.vector_load %arg6[%get3A_1264, %get3A_1265] {strides = array<i32>} : memref<20x512xf32, #tpu.memory_space<vmem>>, vector<16xf32>,
    %get3A_1267 = arith.constant 15 : i32
    %get3A_1268 = arith.index_cast %get3A_1267 : i32 to index
    %get3A_1269 = arith.constant 160 : index
    %get3A_1270 = tpu.vector_load %arg6[%get3A_1268, %get3A_1269] {strides = array<i32>} : memref<20x512xf32, #tpu.memory_space<vmem>>, vector<16xf32>,
    %get3A_1271 = arith.constant 16 : i32
    %get3A_1272 = arith.index_cast %get3A_1271 : i32 to index
    %get3A_1273 = arith.constant 160 : index
    %get3A_1274 = tpu.vector_load %arg6[%get3A_1272, %get3A_1273] {strides = array<i32>} : memref<20x512xf32, #tpu.memory_space<vmem>>, vector<16xf32>,
    %get3A_1275 = arith.constant 17 : i32
    %get3A_1276 = arith.index_cast %get3A_1275 : i32 to index
    %get3A_1277 = arith.constant 160 : index
    %get3A_1278 = tpu.vector_load %arg6[%get3A_1276, %get3A_1277] {strides = array<i32>} : memref<20x512xf32, #tpu.memory_space<vmem>>, vector<16xf32>,
    %get3A_1279 = arith.constant 18 : i32
    %get3A_1280 = arith.index_cast %get3A_1279 : i32 to index
    %get3A_1281 = arith.constant 160 : index
    %get3A_1282 = tpu.vector_load %arg6[%get3A_1280, %get3A_1281] {strides = array<i32>} : memref<20x512xf32, #tpu.memory_space<vmem>>, vector<16xf32>,
    %max3A_1283 = arith.maximumf %get3A_1210, %get3A_1214 : vector<16xf32>
    %max3A_1284 = arith.maximumf %get3A_1218, %get3A_1222 : vector<16xf32>
    %max3A_1285 = arith.maximumf %get3A_1226, %get3A_1230 : vector<16xf32>
    %max3A_1286 = arith.maximumf %get3A_1234, %get3A_1238 : vector<16xf32>
    %max3A_1287 = arith.maximumf %get3A_1242, %get3A_1246 : vector<16xf32>
    %max3A_1288 = arith.maximumf %get3A_1250, %get3A_1254 : vector<16xf32>
    %max3A_1289 = arith.maximumf %get3A_1258, %get3A_1262 : vector<16xf32>
    %max3A_1290 = arith.maximumf %get3A_1266, %get3A_1270 : vector<16xf32>
    %max3A_1291 = arith.maximumf %get3A_1274, %get3A_1278 : vector<16xf32>
    %max3A_1292 = arith.maximumf %max3A_1283, %max3A_1284 : vector<16xf32>
    %max3A_1293 = arith.maximumf %max3A_1285, %max3A_1286 : vector<16xf32>
    %max3A_1294 = arith.maximumf %max3A_1287, %max3A_1288 : vector<16xf32>
    %max3A_1295 = arith.maximumf %max3A_1289, %max3A_1290 : vector<16xf32>
    %max3A_1296 = arith.maximumf %max3A_1291, %get3A_1282 : vector<16xf32>
    %max3A_1297 = arith.maximumf %max3A_1292, %max3A_1293 : vector<16xf32>
    %max3A_1298 = arith.maximumf %max3A_1294, %max3A_1295 : vector<16xf32>
    %max3A_1299 = arith.maximumf %max3A_1297, %max3A_1298 : vector<16xf32>
    %max3A_1300 = arith.maximumf %max3A_1299, %max3A_1296 : vector<16xf32>
    %get3A_1301 = arith.constant 19 : i32
    %get3A_1302 = arith.index_cast %get3A_1301 : i32 to index
    %get3A_1303 = arith.constant 160 : index
    %get3A_1304 = tpu.vector_load %arg6[%get3A_1302, %get3A_1303] {strides = array<i32>} : memref<20x512xf32, #tpu.memory_space<vmem>>, vector<16xf32>,
    %gt3A_1305 = arith.constant 0.000000e+00 : f32
    %gt3A_1306 = vector.broadcast %gt3A_1305 : f32 to vector<16xf32>
    %gt3A_1307 = arith.cmpf ogt, %max3A_1300, %gt3A_1306 : vector<16xf32>
    %gt3A_1308 = arith.constant 0.000000e+00 : f32
    %gt3A_1309 = vector.broadcast %gt3A_1308 : f32 to vector<16xf32>
    %gt3A_1310 = arith.cmpf ogt, %get3A_1304, %gt3A_1309 : vector<16xf32>
    %select_n3A_1311 = arith.select %gt3A_1310, %gather3A_48, %gather3A : vector<16xi1>, vector<16xi32>
    %select_n3A_1312 = arith.select %gt3A_1307, %broadcast_in_dim3A_44, %select_n3A_1311 : vector<16xi1>, vector<16xi32>
    %swap3A_1313 = arith.constant 160 : index
    %swap3A_1314 = tpu.vector_load %arg10[%swap3A_1313] {strides = array<i32>} : memref<512xi32, #tpu.memory_space<vmem>>, vector<16xi32>,
    tpu.vector_store %arg10[%swap3A_1313], %select_n3A_1312 {strides = array<i32>} : memref<512xi32, #tpu.memory_space<vmem>>, vector<16xi32>,
    %get3A_1315 = arith.constant 0 : i32
    %get3A_1316 = arith.index_cast %get3A_1315 : i32 to index
    %get3A_1317 = arith.constant 176 : index
    %get3A_1318 = tpu.vector_load %arg6[%get3A_1316, %get3A_1317] {strides = array<i32>} : memref<20x512xf32, #tpu.memory_space<vmem>>, vector<16xf32>,
    %get3A_1319 = arith.constant 1 : i32
    %get3A_1320 = arith.index_cast %get3A_1319 : i32 to index
    %get3A_1321 = arith.constant 176 : index
    %get3A_1322 = tpu.vector_load %arg6[%get3A_1320, %get3A_1321] {strides = array<i32>} : memref<20x512xf32, #tpu.memory_space<vmem>>, vector<16xf32>,
    %get3A_1323 = arith.constant 2 : i32
    %get3A_1324 = arith.index_cast %get3A_1323 : i32 to index
    %get3A_1325 = arith.constant 176 : index
    %get3A_1326 = tpu.vector_load %arg6[%get3A_1324, %get3A_1325] {strides = array<i32>} : memref<20x512xf32, #tpu.memory_space<vmem>>, vector<16xf32>,
    %get3A_1327 = arith.constant 3 : i32
    %get3A_1328 = arith.index_cast %get3A_1327 : i32 to index
    %get3A_1329 = arith.constant 176 : index
    %get3A_1330 = tpu.vector_load %arg6[%get3A_1328, %get3A_1329] {strides = array<i32>} : memref<20x512xf32, #tpu.memory_space<vmem>>, vector<16xf32>,
    %get3A_1331 = arith.constant 4 : i32
    %get3A_1332 = arith.index_cast %get3A_1331 : i32 to index
    %get3A_1333 = arith.constant 176 : index
    %get3A_1334 = tpu.vector_load %arg6[%get3A_1332, %get3A_1333] {strides = array<i32>} : memref<20x512xf32, #tpu.memory_space<vmem>>, vector<16xf32>,
    %get3A_1335 = arith.constant 5 : i32
    %get3A_1336 = arith.index_cast %get3A_1335 : i32 to index
    %get3A_1337 = arith.constant 176 : index
    %get3A_1338 = tpu.vector_load %arg6[%get3A_1336, %get3A_1337] {strides = array<i32>} : memref<20x512xf32, #tpu.memory_space<vmem>>, vector<16xf32>,
    %get3A_1339 = arith.constant 6 : i32
    %get3A_1340 = arith.index_cast %get3A_1339 : i32 to index
    %get3A_1341 = arith.constant 176 : index
    %get3A_1342 = tpu.vector_load %arg6[%get3A_1340, %get3A_1341] {strides = array<i32>} : memref<20x512xf32, #tpu.memory_space<vmem>>, vector<16xf32>,
    %get3A_1343 = arith.constant 7 : i32
    %get3A_1344 = arith.index_cast %get3A_1343 : i32 to index
    %get3A_1345 = arith.constant 176 : index
    %get3A_1346 = tpu.vector_load %arg6[%get3A_1344, %get3A_1345] {strides = array<i32>} : memref<20x512xf32, #tpu.memory_space<vmem>>, vector<16xf32>,
    %get3A_1347 = arith.constant 8 : i32
    %get3A_1348 = arith.index_cast %get3A_1347 : i32 to index
    %get3A_1349 = arith.constant 176 : index
    %get3A_1350 = tpu.vector_load %arg6[%get3A_1348, %get3A_1349] {strides = array<i32>} : memref<20x512xf32, #tpu.memory_space<vmem>>, vector<16xf32>,
    %get3A_1351 = arith.constant 9 : i32
    %get3A_1352 = arith.index_cast %get3A_1351 : i32 to index
    %get3A_1353 = arith.constant 176 : index
    %get3A_1354 = tpu.vector_load %arg6[%get3A_1352, %get3A_1353] {strides = array<i32>} : memref<20x512xf32, #tpu.memory_space<vmem>>, vector<16xf32>,
    %get3A_1355 = arith.constant 10 : i32
    %get3A_1356 = arith.index_cast %get3A_1355 : i32 to index
    %get3A_1357 = arith.constant 176 : index
    %get3A_1358 = tpu.vector_load %arg6[%get3A_1356, %get3A_1357] {strides = array<i32>} : memref<20x512xf32, #tpu.memory_space<vmem>>, vector<16xf32>,
    %get3A_1359 = arith.constant 11 : i32
    %get3A_1360 = arith.index_cast %get3A_1359 : i32 to index
    %get3A_1361 = arith.constant 176 : index
    %get3A_1362 = tpu.vector_load %arg6[%get3A_1360, %get3A_1361] {strides = array<i32>} : memref<20x512xf32, #tpu.memory_space<vmem>>, vector<16xf32>,
    %get3A_1363 = arith.constant 12 : i32
    %get3A_1364 = arith.index_cast %get3A_1363 : i32 to index
    %get3A_1365 = arith.constant 176 : index
    %get3A_1366 = tpu.vector_load %arg6[%get3A_1364, %get3A_1365] {strides = array<i32>} : memref<20x512xf32, #tpu.memory_space<vmem>>, vector<16xf32>,
    %get3A_1367 = arith.constant 13 : i32
    %get3A_1368 = arith.index_cast %get3A_1367 : i32 to index
    %get3A_1369 = arith.constant 176 : index
    %get3A_1370 = tpu.vector_load %arg6[%get3A_1368, %get3A_1369] {strides = array<i32>} : memref<20x512xf32, #tpu.memory_space<vmem>>, vector<16xf32>,
    %get3A_1371 = arith.constant 14 : i32
    %get3A_1372 = arith.index_cast %get3A_1371 : i32 to index
    %get3A_1373 = arith.constant 176 : index
    %get3A_1374 = tpu.vector_load %arg6[%get3A_1372, %get3A_1373] {strides = array<i32>} : memref<20x512xf32, #tpu.memory_space<vmem>>, vector<16xf32>,
    %get3A_1375 = arith.constant 15 : i32
    %get3A_1376 = arith.index_cast %get3A_1375 : i32 to index
    %get3A_1377 = arith.constant 176 : index
    %get3A_1378 = tpu.vector_load %arg6[%get3A_1376, %get3A_1377] {strides = array<i32>} : memref<20x512xf32, #tpu.memory_space<vmem>>, vector<16xf32>,
    %get3A_1379 = arith.constant 16 : i32
    %get3A_1380 = arith.index_cast %get3A_1379 : i32 to index
    %get3A_1381 = arith.constant 176 : index
    %get3A_1382 = tpu.vector_load %arg6[%get3A_1380, %get3A_1381] {strides = array<i32>} : memref<20x512xf32, #tpu.memory_space<vmem>>, vector<16xf32>,
    %get3A_1383 = arith.constant 17 : i32
    %get3A_1384 = arith.index_cast %get3A_1383 : i32 to index
    %get3A_1385 = arith.constant 176 : index
    %get3A_1386 = tpu.vector_load %arg6[%get3A_1384, %get3A_1385] {strides = array<i32>} : memref<20x512xf32, #tpu.memory_space<vmem>>, vector<16xf32>,
    %get3A_1387 = arith.constant 18 : i32
    %get3A_1388 = arith.index_cast %get3A_1387 : i32 to index
    %get3A_1389 = arith.constant 176 : index
    %get3A_1390 = tpu.vector_load %arg6[%get3A_1388, %get3A_1389] {strides = array<i32>} : memref<20x512xf32, #tpu.memory_space<vmem>>, vector<16xf32>,
    %max3A_1391 = arith.maximumf %get3A_1318, %get3A_1322 : vector<16xf32>
    %max3A_1392 = arith.maximumf %get3A_1326, %get3A_1330 : vector<16xf32>
    %max3A_1393 = arith.maximumf %get3A_1334, %get3A_1338 : vector<16xf32>
    %max3A_1394 = arith.maximumf %get3A_1342, %get3A_1346 : vector<16xf32>
    %max3A_1395 = arith.maximumf %get3A_1350, %get3A_1354 : vector<16xf32>
    %max3A_1396 = arith.maximumf %get3A_1358, %get3A_1362 : vector<16xf32>
    %max3A_1397 = arith.maximumf %get3A_1366, %get3A_1370 : vector<16xf32>
    %max3A_1398 = arith.maximumf %get3A_1374, %get3A_1378 : vector<16xf32>
    %max3A_1399 = arith.maximumf %get3A_1382, %get3A_1386 : vector<16xf32>
    %max3A_1400 = arith.maximumf %max3A_1391, %max3A_1392 : vector<16xf32>
    %max3A_1401 = arith.maximumf %max3A_1393, %max3A_1394 : vector<16xf32>
    %max3A_1402 = arith.maximumf %max3A_1395, %max3A_1396 : vector<16xf32>
    %max3A_1403 = arith.maximumf %max3A_1397, %max3A_1398 : vector<16xf32>
    %max3A_1404 = arith.maximumf %max3A_1399, %get3A_1390 : vector<16xf32>
    %max3A_1405 = arith.maximumf %max3A_1400, %max3A_1401 : vector<16xf32>
    %max3A_1406 = arith.maximumf %max3A_1402, %max3A_1403 : vector<16xf32>
    %max3A_1407 = arith.maximumf %max3A_1405, %max3A_1406 : vector<16xf32>
    %max3A_1408 = arith.maximumf %max3A_1407, %max3A_1404 : vector<16xf32>
    %get3A_1409 = arith.constant 19 : i32
    %get3A_1410 = arith.index_cast %get3A_1409 : i32 to index
    %get3A_1411 = arith.constant 176 : index
    %get3A_1412 = tpu.vector_load %arg6[%get3A_1410, %get3A_1411] {strides = array<i32>} : memref<20x512xf32, #tpu.memory_space<vmem>>, vector<16xf32>,
    %gt3A_1413 = arith.constant 0.000000e+00 : f32
    %gt3A_1414 = vector.broadcast %gt3A_1413 : f32 to vector<16xf32>
    %gt3A_1415 = arith.cmpf ogt, %max3A_1408, %gt3A_1414 : vector<16xf32>
    %gt3A_1416 = arith.constant 0.000000e+00 : f32
    %gt3A_1417 = vector.broadcast %gt3A_1416 : f32 to vector<16xf32>
    %gt3A_1418 = arith.cmpf ogt, %get3A_1412, %gt3A_1417 : vector<16xf32>
    %select_n3A_1419 = arith.select %gt3A_1418, %gather3A_48, %gather3A : vector<16xi1>, vector<16xi32>
    %select_n3A_1420 = arith.select %gt3A_1415, %broadcast_in_dim3A_44, %select_n3A_1419 : vector<16xi1>, vector<16xi32>
    %swap3A_1421 = arith.constant 176 : index
    %swap3A_1422 = tpu.vector_load %arg10[%swap3A_1421] {strides = array<i32>} : memref<512xi32, #tpu.memory_space<vmem>>, vector<16xi32>,
    tpu.vector_store %arg10[%swap3A_1421], %select_n3A_1420 {strides = array<i32>} : memref<512xi32, #tpu.memory_space<vmem>>, vector<16xi32>,
    %get3A_1423 = arith.constant 0 : i32
    %get3A_1424 = arith.index_cast %get3A_1423 : i32 to index
    %get3A_1425 = arith.constant 192 : index
    %get3A_1426 = tpu.vector_load %arg6[%get3A_1424, %get3A_1425] {strides = array<i32>} : memref<20x512xf32, #tpu.memory_space<vmem>>, vector<16xf32>,
    %get3A_1427 = arith.constant 1 : i32
    %get3A_1428 = arith.index_cast %get3A_1427 : i32 to index
    %get3A_1429 = arith.constant 192 : index
    %get3A_1430 = tpu.vector_load %arg6[%get3A_1428, %get3A_1429] {strides = array<i32>} : memref<20x512xf32, #tpu.memory_space<vmem>>, vector<16xf32>,
    %get3A_1431 = arith.constant 2 : i32
    %get3A_1432 = arith.index_cast %get3A_1431 : i32 to index
    %get3A_1433 = arith.constant 192 : index
    %get3A_1434 = tpu.vector_load %arg6[%get3A_1432, %get3A_1433] {strides = array<i32>} : memref<20x512xf32, #tpu.memory_space<vmem>>, vector<16xf32>,
    %get3A_1435 = arith.constant 3 : i32
    %get3A_1436 = arith.index_cast %get3A_1435 : i32 to index
    %get3A_1437 = arith.constant 192 : index
    %get3A_1438 = tpu.vector_load %arg6[%get3A_1436, %get3A_1437] {strides = array<i32>} : memref<20x512xf32, #tpu.memory_space<vmem>>, vector<16xf32>,
    %get3A_1439 = arith.constant 4 : i32
    %get3A_1440 = arith.index_cast %get3A_1439 : i32 to index
    %get3A_1441 = arith.constant 192 : index
    %get3A_1442 = tpu.vector_load %arg6[%get3A_1440, %get3A_1441] {strides = array<i32>} : memref<20x512xf32, #tpu.memory_space<vmem>>, vector<16xf32>,
    %get3A_1443 = arith.constant 5 : i32
    %get3A_1444 = arith.index_cast %get3A_1443 : i32 to index
    %get3A_1445 = arith.constant 192 : index
    %get3A_1446 = tpu.vector_load %arg6[%get3A_1444, %get3A_1445] {strides = array<i32>} : memref<20x512xf32, #tpu.memory_space<vmem>>, vector<16xf32>,
    %get3A_1447 = arith.constant 6 : i32
    %get3A_1448 = arith.index_cast %get3A_1447 : i32 to index
    %get3A_1449 = arith.constant 192 : index
    %get3A_1450 = tpu.vector_load %arg6[%get3A_1448, %get3A_1449] {strides = array<i32>} : memref<20x512xf32, #tpu.memory_space<vmem>>, vector<16xf32>,
    %get3A_1451 = arith.constant 7 : i32
    %get3A_1452 = arith.index_cast %get3A_1451 : i32 to index
    %get3A_1453 = arith.constant 192 : index
    %get3A_1454 = tpu.vector_load %arg6[%get3A_1452, %get3A_1453] {strides = array<i32>} : memref<20x512xf32, #tpu.memory_space<vmem>>, vector<16xf32>,
    %get3A_1455 = arith.constant 8 : i32
    %get3A_1456 = arith.index_cast %get3A_1455 : i32 to index
    %get3A_1457 = arith.constant 192 : index
    %get3A_1458 = tpu.vector_load %arg6[%get3A_1456, %get3A_1457] {strides = array<i32>} : memref<20x512xf32, #tpu.memory_space<vmem>>, vector<16xf32>,
    %get3A_1459 = arith.constant 9 : i32
    %get3A_1460 = arith.index_cast %get3A_1459 : i32 to index
    %get3A_1461 = arith.constant 192 : index
    %get3A_1462 = tpu.vector_load %arg6[%get3A_1460, %get3A_1461] {strides = array<i32>} : memref<20x512xf32, #tpu.memory_space<vmem>>, vector<16xf32>,
    %get3A_1463 = arith.constant 10 : i32
    %get3A_1464 = arith.index_cast %get3A_1463 : i32 to index
    %get3A_1465 = arith.constant 192 : index
    %get3A_1466 = tpu.vector_load %arg6[%get3A_1464, %get3A_1465] {strides = array<i32>} : memref<20x512xf32, #tpu.memory_space<vmem>>, vector<16xf32>,
    %get3A_1467 = arith.constant 11 : i32
    %get3A_1468 = arith.index_cast %get3A_1467 : i32 to index
    %get3A_1469 = arith.constant 192 : index
    %get3A_1470 = tpu.vector_load %arg6[%get3A_1468, %get3A_1469] {strides = array<i32>} : memref<20x512xf32, #tpu.memory_space<vmem>>, vector<16xf32>,
    %get3A_1471 = arith.constant 12 : i32
    %get3A_1472 = arith.index_cast %get3A_1471 : i32 to index
    %get3A_1473 = arith.constant 192 : index
    %get3A_1474 = tpu.vector_load %arg6[%get3A_1472, %get3A_1473] {strides = array<i32>} : memref<20x512xf32, #tpu.memory_space<vmem>>, vector<16xf32>,
    %get3A_1475 = arith.constant 13 : i32
    %get3A_1476 = arith.index_cast %get3A_1475 : i32 to index
    %get3A_1477 = arith.constant 192 : index
    %get3A_1478 = tpu.vector_load %arg6[%get3A_1476, %get3A_1477] {strides = array<i32>} : memref<20x512xf32, #tpu.memory_space<vmem>>, vector<16xf32>,
    %get3A_1479 = arith.constant 14 : i32
    %get3A_1480 = arith.index_cast %get3A_1479 : i32 to index
    %get3A_1481 = arith.constant 192 : index
    %get3A_1482 = tpu.vector_load %arg6[%get3A_1480, %get3A_1481] {strides = array<i32>} : memref<20x512xf32, #tpu.memory_space<vmem>>, vector<16xf32>,
    %get3A_1483 = arith.constant 15 : i32
    %get3A_1484 = arith.index_cast %get3A_1483 : i32 to index
    %get3A_1485 = arith.constant 192 : index
    %get3A_1486 = tpu.vector_load %arg6[%get3A_1484, %get3A_1485] {strides = array<i32>} : memref<20x512xf32, #tpu.memory_space<vmem>>, vector<16xf32>,
    %get3A_1487 = arith.constant 16 : i32
    %get3A_1488 = arith.index_cast %get3A_1487 : i32 to index
    %get3A_1489 = arith.constant 192 : index
    %get3A_1490 = tpu.vector_load %arg6[%get3A_1488, %get3A_1489] {strides = array<i32>} : memref<20x512xf32, #tpu.memory_space<vmem>>, vector<16xf32>,
    %get3A_1491 = arith.constant 17 : i32
    %get3A_1492 = arith.index_cast %get3A_1491 : i32 to index
    %get3A_1493 = arith.constant 192 : index
    %get3A_1494 = tpu.vector_load %arg6[%get3A_1492, %get3A_1493] {strides = array<i32>} : memref<20x512xf32, #tpu.memory_space<vmem>>, vector<16xf32>,
    %get3A_1495 = arith.constant 18 : i32
    %get3A_1496 = arith.index_cast %get3A_1495 : i32 to index
    %get3A_1497 = arith.constant 192 : index
    %get3A_1498 = tpu.vector_load %arg6[%get3A_1496, %get3A_1497] {strides = array<i32>} : memref<20x512xf32, #tpu.memory_space<vmem>>, vector<16xf32>,
    %max3A_1499 = arith.maximumf %get3A_1426, %get3A_1430 : vector<16xf32>
    %max3A_1500 = arith.maximumf %get3A_1434, %get3A_1438 : vector<16xf32>
    %max3A_1501 = arith.maximumf %get3A_1442, %get3A_1446 : vector<16xf32>
    %max3A_1502 = arith.maximumf %get3A_1450, %get3A_1454 : vector<16xf32>
    %max3A_1503 = arith.maximumf %get3A_1458, %get3A_1462 : vector<16xf32>
    %max3A_1504 = arith.maximumf %get3A_1466, %get3A_1470 : vector<16xf32>
    %max3A_1505 = arith.maximumf %get3A_1474, %get3A_1478 : vector<16xf32>
    %max3A_1506 = arith.maximumf %get3A_1482, %get3A_1486 : vector<16xf32>
    %max3A_1507 = arith.maximumf %get3A_1490, %get3A_1494 : vector<16xf32>
    %max3A_1508 = arith.maximumf %max3A_1499, %max3A_1500 : vector<16xf32>
    %max3A_1509 = arith.maximumf %max3A_1501, %max3A_1502 : vector<16xf32>
    %max3A_1510 = arith.maximumf %max3A_1503, %max3A_1504 : vector<16xf32>
    %max3A_1511 = arith.maximumf %max3A_1505, %max3A_1506 : vector<16xf32>
    %max3A_1512 = arith.maximumf %max3A_1507, %get3A_1498 : vector<16xf32>
    %max3A_1513 = arith.maximumf %max3A_1508, %max3A_1509 : vector<16xf32>
    %max3A_1514 = arith.maximumf %max3A_1510, %max3A_1511 : vector<16xf32>
    %max3A_1515 = arith.maximumf %max3A_1513, %max3A_1514 : vector<16xf32>
    %max3A_1516 = arith.maximumf %max3A_1515, %max3A_1512 : vector<16xf32>
    %get3A_1517 = arith.constant 19 : i32
    %get3A_1518 = arith.index_cast %get3A_1517 : i32 to index
    %get3A_1519 = arith.constant 192 : index
    %get3A_1520 = tpu.vector_load %arg6[%get3A_1518, %get3A_1519] {strides = array<i32>} : memref<20x512xf32, #tpu.memory_space<vmem>>, vector<16xf32>,
    %gt3A_1521 = arith.constant 0.000000e+00 : f32
    %gt3A_1522 = vector.broadcast %gt3A_1521 : f32 to vector<16xf32>
    %gt3A_1523 = arith.cmpf ogt, %max3A_1516, %gt3A_1522 : vector<16xf32>
    %gt3A_1524 = arith.constant 0.000000e+00 : f32
    %gt3A_1525 = vector.broadcast %gt3A_1524 : f32 to vector<16xf32>
    %gt3A_1526 = arith.cmpf ogt, %get3A_1520, %gt3A_1525 : vector<16xf32>
    %select_n3A_1527 = arith.select %gt3A_1526, %gather3A_48, %gather3A : vector<16xi1>, vector<16xi32>
    %select_n3A_1528 = arith.select %gt3A_1523, %broadcast_in_dim3A_44, %select_n3A_1527 : vector<16xi1>, vector<16xi32>
    %swap3A_1529 = arith.constant 192 : index
    %swap3A_1530 = tpu.vector_load %arg10[%swap3A_1529] {strides = array<i32>} : memref<512xi32, #tpu.memory_space<vmem>>, vector<16xi32>,
    tpu.vector_store %arg10[%swap3A_1529], %select_n3A_1528 {strides = array<i32>} : memref<512xi32, #tpu.memory_space<vmem>>, vector<16xi32>,
    %get3A_1531 = arith.constant 0 : i32
    %get3A_1532 = arith.index_cast %get3A_1531 : i32 to index
    %get3A_1533 = arith.constant 208 : index
    %get3A_1534 = tpu.vector_load %arg6[%get3A_1532, %get3A_1533] {strides = array<i32>} : memref<20x512xf32, #tpu.memory_space<vmem>>, vector<16xf32>,
    %get3A_1535 = arith.constant 1 : i32
    %get3A_1536 = arith.index_cast %get3A_1535 : i32 to index
    %get3A_1537 = arith.constant 208 : index
    %get3A_1538 = tpu.vector_load %arg6[%get3A_1536, %get3A_1537] {strides = array<i32>} : memref<20x512xf32, #tpu.memory_space<vmem>>, vector<16xf32>,
    %get3A_1539 = arith.constant 2 : i32
    %get3A_1540 = arith.index_cast %get3A_1539 : i32 to index
    %get3A_1541 = arith.constant 208 : index
    %get3A_1542 = tpu.vector_load %arg6[%get3A_1540, %get3A_1541] {strides = array<i32>} : memref<20x512xf32, #tpu.memory_space<vmem>>, vector<16xf32>,
    %get3A_1543 = arith.constant 3 : i32
    %get3A_1544 = arith.index_cast %get3A_1543 : i32 to index
    %get3A_1545 = arith.constant 208 : index
    %get3A_1546 = tpu.vector_load %arg6[%get3A_1544, %get3A_1545] {strides = array<i32>} : memref<20x512xf32, #tpu.memory_space<vmem>>, vector<16xf32>,
    %get3A_1547 = arith.constant 4 : i32
    %get3A_1548 = arith.index_cast %get3A_1547 : i32 to index
    %get3A_1549 = arith.constant 208 : index
    %get3A_1550 = tpu.vector_load %arg6[%get3A_1548, %get3A_1549] {strides = array<i32>} : memref<20x512xf32, #tpu.memory_space<vmem>>, vector<16xf32>,
    %get3A_1551 = arith.constant 5 : i32
    %get3A_1552 = arith.index_cast %get3A_1551 : i32 to index
    %get3A_1553 = arith.constant 208 : index
    %get3A_1554 = tpu.vector_load %arg6[%get3A_1552, %get3A_1553] {strides = array<i32>} : memref<20x512xf32, #tpu.memory_space<vmem>>, vector<16xf32>,
    %get3A_1555 = arith.constant 6 : i32
    %get3A_1556 = arith.index_cast %get3A_1555 : i32 to index
    %get3A_1557 = arith.constant 208 : index
    %get3A_1558 = tpu.vector_load %arg6[%get3A_1556, %get3A_1557] {strides = array<i32>} : memref<20x512xf32, #tpu.memory_space<vmem>>, vector<16xf32>,
    %get3A_1559 = arith.constant 7 : i32
    %get3A_1560 = arith.index_cast %get3A_1559 : i32 to index
    %get3A_1561 = arith.constant 208 : index
    %get3A_1562 = tpu.vector_load %arg6[%get3A_1560, %get3A_1561] {strides = array<i32>} : memref<20x512xf32, #tpu.memory_space<vmem>>, vector<16xf32>,
    %get3A_1563 = arith.constant 8 : i32
    %get3A_1564 = arith.index_cast %get3A_1563 : i32 to index
    %get3A_1565 = arith.constant 208 : index
    %get3A_1566 = tpu.vector_load %arg6[%get3A_1564, %get3A_1565] {strides = array<i32>} : memref<20x512xf32, #tpu.memory_space<vmem>>, vector<16xf32>,
    %get3A_1567 = arith.constant 9 : i32
    %get3A_1568 = arith.index_cast %get3A_1567 : i32 to index
    %get3A_1569 = arith.constant 208 : index
    %get3A_1570 = tpu.vector_load %arg6[%get3A_1568, %get3A_1569] {strides = array<i32>} : memref<20x512xf32, #tpu.memory_space<vmem>>, vector<16xf32>,
    %get3A_1571 = arith.constant 10 : i32
    %get3A_1572 = arith.index_cast %get3A_1571 : i32 to index
    %get3A_1573 = arith.constant 208 : index
    %get3A_1574 = tpu.vector_load %arg6[%get3A_1572, %get3A_1573] {strides = array<i32>} : memref<20x512xf32, #tpu.memory_space<vmem>>, vector<16xf32>,
    %get3A_1575 = arith.constant 11 : i32
    %get3A_1576 = arith.index_cast %get3A_1575 : i32 to index
    %get3A_1577 = arith.constant 208 : index
    %get3A_1578 = tpu.vector_load %arg6[%get3A_1576, %get3A_1577] {strides = array<i32>} : memref<20x512xf32, #tpu.memory_space<vmem>>, vector<16xf32>,
    %get3A_1579 = arith.constant 12 : i32
    %get3A_1580 = arith.index_cast %get3A_1579 : i32 to index
    %get3A_1581 = arith.constant 208 : index
    %get3A_1582 = tpu.vector_load %arg6[%get3A_1580, %get3A_1581] {strides = array<i32>} : memref<20x512xf32, #tpu.memory_space<vmem>>, vector<16xf32>,
    %get3A_1583 = arith.constant 13 : i32
    %get3A_1584 = arith.index_cast %get3A_1583 : i32 to index
    %get3A_1585 = arith.constant 208 : index
    %get3A_1586 = tpu.vector_load %arg6[%get3A_1584, %get3A_1585] {strides = array<i32>} : memref<20x512xf32, #tpu.memory_space<vmem>>, vector<16xf32>,
    %get3A_1587 = arith.constant 14 : i32
    %get3A_1588 = arith.index_cast %get3A_1587 : i32 to index
    %get3A_1589 = arith.constant 208 : index
    %get3A_1590 = tpu.vector_load %arg6[%get3A_1588, %get3A_1589] {strides = array<i32>} : memref<20x512xf32, #tpu.memory_space<vmem>>, vector<16xf32>,
    %get3A_1591 = arith.constant 15 : i32
    %get3A_1592 = arith.index_cast %get3A_1591 : i32 to index
    %get3A_1593 = arith.constant 208 : index
    %get3A_1594 = tpu.vector_load %arg6[%get3A_1592, %get3A_1593] {strides = array<i32>} : memref<20x512xf32, #tpu.memory_space<vmem>>, vector<16xf32>,
    %get3A_1595 = arith.constant 16 : i32
    %get3A_1596 = arith.index_cast %get3A_1595 : i32 to index
    %get3A_1597 = arith.constant 208 : index
    %get3A_1598 = tpu.vector_load %arg6[%get3A_1596, %get3A_1597] {strides = array<i32>} : memref<20x512xf32, #tpu.memory_space<vmem>>, vector<16xf32>,
    %get3A_1599 = arith.constant 17 : i32
    %get3A_1600 = arith.index_cast %get3A_1599 : i32 to index
    %get3A_1601 = arith.constant 208 : index
    %get3A_1602 = tpu.vector_load %arg6[%get3A_1600, %get3A_1601] {strides = array<i32>} : memref<20x512xf32, #tpu.memory_space<vmem>>, vector<16xf32>,
    %get3A_1603 = arith.constant 18 : i32
    %get3A_1604 = arith.index_cast %get3A_1603 : i32 to index
    %get3A_1605 = arith.constant 208 : index
    %get3A_1606 = tpu.vector_load %arg6[%get3A_1604, %get3A_1605] {strides = array<i32>} : memref<20x512xf32, #tpu.memory_space<vmem>>, vector<16xf32>,
    %max3A_1607 = arith.maximumf %get3A_1534, %get3A_1538 : vector<16xf32>
    %max3A_1608 = arith.maximumf %get3A_1542, %get3A_1546 : vector<16xf32>
    %max3A_1609 = arith.maximumf %get3A_1550, %get3A_1554 : vector<16xf32>
    %max3A_1610 = arith.maximumf %get3A_1558, %get3A_1562 : vector<16xf32>
    %max3A_1611 = arith.maximumf %get3A_1566, %get3A_1570 : vector<16xf32>
    %max3A_1612 = arith.maximumf %get3A_1574, %get3A_1578 : vector<16xf32>
    %max3A_1613 = arith.maximumf %get3A_1582, %get3A_1586 : vector<16xf32>
    %max3A_1614 = arith.maximumf %get3A_1590, %get3A_1594 : vector<16xf32>
    %max3A_1615 = arith.maximumf %get3A_1598, %get3A_1602 : vector<16xf32>
    %max3A_1616 = arith.maximumf %max3A_1607, %max3A_1608 : vector<16xf32>
    %max3A_1617 = arith.maximumf %max3A_1609, %max3A_1610 : vector<16xf32>
    %max3A_1618 = arith.maximumf %max3A_1611, %max3A_1612 : vector<16xf32>
    %max3A_1619 = arith.maximumf %max3A_1613, %max3A_1614 : vector<16xf32>
    %max3A_1620 = arith.maximumf %max3A_1615, %get3A_1606 : vector<16xf32>
    %max3A_1621 = arith.maximumf %max3A_1616, %max3A_1617 : vector<16xf32>
    %max3A_1622 = arith.maximumf %max3A_1618, %max3A_1619 : vector<16xf32>
    %max3A_1623 = arith.maximumf %max3A_1621, %max3A_1622 : vector<16xf32>
    %max3A_1624 = arith.maximumf %max3A_1623, %max3A_1620 : vector<16xf32>
    %get3A_1625 = arith.constant 19 : i32
    %get3A_1626 = arith.index_cast %get3A_1625 : i32 to index
    %get3A_1627 = arith.constant 208 : index
    %get3A_1628 = tpu.vector_load %arg6[%get3A_1626, %get3A_1627] {strides = array<i32>} : memref<20x512xf32, #tpu.memory_space<vmem>>, vector<16xf32>,
    %gt3A_1629 = arith.constant 0.000000e+00 : f32
    %gt3A_1630 = vector.broadcast %gt3A_1629 : f32 to vector<16xf32>
    %gt3A_1631 = arith.cmpf ogt, %max3A_1624, %gt3A_1630 : vector<16xf32>
    %gt3A_1632 = arith.constant 0.000000e+00 : f32
    %gt3A_1633 = vector.broadcast %gt3A_1632 : f32 to vector<16xf32>
    %gt3A_1634 = arith.cmpf ogt, %get3A_1628, %gt3A_1633 : vector<16xf32>
    %select_n3A_1635 = arith.select %gt3A_1634, %gather3A_48, %gather3A : vector<16xi1>, vector<16xi32>
    %select_n3A_1636 = arith.select %gt3A_1631, %broadcast_in_dim3A_44, %select_n3A_1635 : vector<16xi1>, vector<16xi32>
    %swap3A_1637 = arith.constant 208 : index
    %swap3A_1638 = tpu.vector_load %arg10[%swap3A_1637] {strides = array<i32>} : memref<512xi32, #tpu.memory_space<vmem>>, vector<16xi32>,
    tpu.vector_store %arg10[%swap3A_1637], %select_n3A_1636 {strides = array<i32>} : memref<512xi32, #tpu.memory_space<vmem>>, vector<16xi32>,
    %get3A_1639 = arith.constant 0 : i32
    %get3A_1640 = arith.index_cast %get3A_1639 : i32 to index
    %get3A_1641 = arith.constant 224 : index
    %get3A_1642 = tpu.vector_load %arg6[%get3A_1640, %get3A_1641] {strides = array<i32>} : memref<20x512xf32, #tpu.memory_space<vmem>>, vector<16xf32>,
    %get3A_1643 = arith.constant 1 : i32
    %get3A_1644 = arith.index_cast %get3A_1643 : i32 to index
    %get3A_1645 = arith.constant 224 : index
    %get3A_1646 = tpu.vector_load %arg6[%get3A_1644, %get3A_1645] {strides = array<i32>} : memref<20x512xf32, #tpu.memory_space<vmem>>, vector<16xf32>,
    %get3A_1647 = arith.constant 2 : i32
    %get3A_1648 = arith.index_cast %get3A_1647 : i32 to index
    %get3A_1649 = arith.constant 224 : index
    %get3A_1650 = tpu.vector_load %arg6[%get3A_1648, %get3A_1649] {strides = array<i32>} : memref<20x512xf32, #tpu.memory_space<vmem>>, vector<16xf32>,
    %get3A_1651 = arith.constant 3 : i32
    %get3A_1652 = arith.index_cast %get3A_1651 : i32 to index
    %get3A_1653 = arith.constant 224 : index
    %get3A_1654 = tpu.vector_load %arg6[%get3A_1652, %get3A_1653] {strides = array<i32>} : memref<20x512xf32, #tpu.memory_space<vmem>>, vector<16xf32>,
    %get3A_1655 = arith.constant 4 : i32
    %get3A_1656 = arith.index_cast %get3A_1655 : i32 to index
    %get3A_1657 = arith.constant 224 : index
    %get3A_1658 = tpu.vector_load %arg6[%get3A_1656, %get3A_1657] {strides = array<i32>} : memref<20x512xf32, #tpu.memory_space<vmem>>, vector<16xf32>,
    %get3A_1659 = arith.constant 5 : i32
    %get3A_1660 = arith.index_cast %get3A_1659 : i32 to index
    %get3A_1661 = arith.constant 224 : index
    %get3A_1662 = tpu.vector_load %arg6[%get3A_1660, %get3A_1661] {strides = array<i32>} : memref<20x512xf32, #tpu.memory_space<vmem>>, vector<16xf32>,
    %get3A_1663 = arith.constant 6 : i32
    %get3A_1664 = arith.index_cast %get3A_1663 : i32 to index
    %get3A_1665 = arith.constant 224 : index
    %get3A_1666 = tpu.vector_load %arg6[%get3A_1664, %get3A_1665] {strides = array<i32>} : memref<20x512xf32, #tpu.memory_space<vmem>>, vector<16xf32>,
    %get3A_1667 = arith.constant 7 : i32
    %get3A_1668 = arith.index_cast %get3A_1667 : i32 to index
    %get3A_1669 = arith.constant 224 : index
    %get3A_1670 = tpu.vector_load %arg6[%get3A_1668, %get3A_1669] {strides = array<i32>} : memref<20x512xf32, #tpu.memory_space<vmem>>, vector<16xf32>,
    %get3A_1671 = arith.constant 8 : i32
    %get3A_1672 = arith.index_cast %get3A_1671 : i32 to index
    %get3A_1673 = arith.constant 224 : index
    %get3A_1674 = tpu.vector_load %arg6[%get3A_1672, %get3A_1673] {strides = array<i32>} : memref<20x512xf32, #tpu.memory_space<vmem>>, vector<16xf32>,
    %get3A_1675 = arith.constant 9 : i32
    %get3A_1676 = arith.index_cast %get3A_1675 : i32 to index
    %get3A_1677 = arith.constant 224 : index
    %get3A_1678 = tpu.vector_load %arg6[%get3A_1676, %get3A_1677] {strides = array<i32>} : memref<20x512xf32, #tpu.memory_space<vmem>>, vector<16xf32>,
    %get3A_1679 = arith.constant 10 : i32
    %get3A_1680 = arith.index_cast %get3A_1679 : i32 to index
    %get3A_1681 = arith.constant 224 : index
    %get3A_1682 = tpu.vector_load %arg6[%get3A_1680, %get3A_1681] {strides = array<i32>} : memref<20x512xf32, #tpu.memory_space<vmem>>, vector<16xf32>,
    %get3A_1683 = arith.constant 11 : i32
    %get3A_1684 = arith.index_cast %get3A_1683 : i32 to index
    %get3A_1685 = arith.constant 224 : index
    %get3A_1686 = tpu.vector_load %arg6[%get3A_1684, %get3A_1685] {strides = array<i32>} : memref<20x512xf32, #tpu.memory_space<vmem>>, vector<16xf32>,
    %get3A_1687 = arith.constant 12 : i32
    %get3A_1688 = arith.index_cast %get3A_1687 : i32 to index
    %get3A_1689 = arith.constant 224 : index
    %get3A_1690 = tpu.vector_load %arg6[%get3A_1688, %get3A_1689] {strides = array<i32>} : memref<20x512xf32, #tpu.memory_space<vmem>>, vector<16xf32>,
    %get3A_1691 = arith.constant 13 : i32
    %get3A_1692 = arith.index_cast %get3A_1691 : i32 to index
    %get3A_1693 = arith.constant 224 : index
    %get3A_1694 = tpu.vector_load %arg6[%get3A_1692, %get3A_1693] {strides = array<i32>} : memref<20x512xf32, #tpu.memory_space<vmem>>, vector<16xf32>,
    %get3A_1695 = arith.constant 14 : i32
    %get3A_1696 = arith.index_cast %get3A_1695 : i32 to index
    %get3A_1697 = arith.constant 224 : index
    %get3A_1698 = tpu.vector_load %arg6[%get3A_1696, %get3A_1697] {strides = array<i32>} : memref<20x512xf32, #tpu.memory_space<vmem>>, vector<16xf32>,
    %get3A_1699 = arith.constant 15 : i32
    %get3A_1700 = arith.index_cast %get3A_1699 : i32 to index
    %get3A_1701 = arith.constant 224 : index
    %get3A_1702 = tpu.vector_load %arg6[%get3A_1700, %get3A_1701] {strides = array<i32>} : memref<20x512xf32, #tpu.memory_space<vmem>>, vector<16xf32>,
    %get3A_1703 = arith.constant 16 : i32
    %get3A_1704 = arith.index_cast %get3A_1703 : i32 to index
    %get3A_1705 = arith.constant 224 : index
    %get3A_1706 = tpu.vector_load %arg6[%get3A_1704, %get3A_1705] {strides = array<i32>} : memref<20x512xf32, #tpu.memory_space<vmem>>, vector<16xf32>,
    %get3A_1707 = arith.constant 17 : i32
    %get3A_1708 = arith.index_cast %get3A_1707 : i32 to index
    %get3A_1709 = arith.constant 224 : index
    %get3A_1710 = tpu.vector_load %arg6[%get3A_1708, %get3A_1709] {strides = array<i32>} : memref<20x512xf32, #tpu.memory_space<vmem>>, vector<16xf32>,
    %get3A_1711 = arith.constant 18 : i32
    %get3A_1712 = arith.index_cast %get3A_1711 : i32 to index
    %get3A_1713 = arith.constant 224 : index
    %get3A_1714 = tpu.vector_load %arg6[%get3A_1712, %get3A_1713] {strides = array<i32>} : memref<20x512xf32, #tpu.memory_space<vmem>>, vector<16xf32>,
    %max3A_1715 = arith.maximumf %get3A_1642, %get3A_1646 : vector<16xf32>
    %max3A_1716 = arith.maximumf %get3A_1650, %get3A_1654 : vector<16xf32>
    %max3A_1717 = arith.maximumf %get3A_1658, %get3A_1662 : vector<16xf32>
    %max3A_1718 = arith.maximumf %get3A_1666, %get3A_1670 : vector<16xf32>
    %max3A_1719 = arith.maximumf %get3A_1674, %get3A_1678 : vector<16xf32>
    %max3A_1720 = arith.maximumf %get3A_1682, %get3A_1686 : vector<16xf32>
    %max3A_1721 = arith.maximumf %get3A_1690, %get3A_1694 : vector<16xf32>
    %max3A_1722 = arith.maximumf %get3A_1698, %get3A_1702 : vector<16xf32>
    %max3A_1723 = arith.maximumf %get3A_1706, %get3A_1710 : vector<16xf32>
    %max3A_1724 = arith.maximumf %max3A_1715, %max3A_1716 : vector<16xf32>
    %max3A_1725 = arith.maximumf %max3A_1717, %max3A_1718 : vector<16xf32>
    %max3A_1726 = arith.maximumf %max3A_1719, %max3A_1720 : vector<16xf32>
    %max3A_1727 = arith.maximumf %max3A_1721, %max3A_1722 : vector<16xf32>
    %max3A_1728 = arith.maximumf %max3A_1723, %get3A_1714 : vector<16xf32>
    %max3A_1729 = arith.maximumf %max3A_1724, %max3A_1725 : vector<16xf32>
    %max3A_1730 = arith.maximumf %max3A_1726, %max3A_1727 : vector<16xf32>
    %max3A_1731 = arith.maximumf %max3A_1729, %max3A_1730 : vector<16xf32>
    %max3A_1732 = arith.maximumf %max3A_1731, %max3A_1728 : vector<16xf32>
    %get3A_1733 = arith.constant 19 : i32
    %get3A_1734 = arith.index_cast %get3A_1733 : i32 to index
    %get3A_1735 = arith.constant 224 : index
    %get3A_1736 = tpu.vector_load %arg6[%get3A_1734, %get3A_1735] {strides = array<i32>} : memref<20x512xf32, #tpu.memory_space<vmem>>, vector<16xf32>,
    %gt3A_1737 = arith.constant 0.000000e+00 : f32
    %gt3A_1738 = vector.broadcast %gt3A_1737 : f32 to vector<16xf32>
    %gt3A_1739 = arith.cmpf ogt, %max3A_1732, %gt3A_1738 : vector<16xf32>
    %gt3A_1740 = arith.constant 0.000000e+00 : f32
    %gt3A_1741 = vector.broadcast %gt3A_1740 : f32 to vector<16xf32>
    %gt3A_1742 = arith.cmpf ogt, %get3A_1736, %gt3A_1741 : vector<16xf32>
    %select_n3A_1743 = arith.select %gt3A_1742, %gather3A_48, %gather3A : vector<16xi1>, vector<16xi32>
    %select_n3A_1744 = arith.select %gt3A_1739, %broadcast_in_dim3A_44, %select_n3A_1743 : vector<16xi1>, vector<16xi32>
    %swap3A_1745 = arith.constant 224 : index
    %swap3A_1746 = tpu.vector_load %arg10[%swap3A_1745] {strides = array<i32>} : memref<512xi32, #tpu.memory_space<vmem>>, vector<16xi32>,
    tpu.vector_store %arg10[%swap3A_1745], %select_n3A_1744 {strides = array<i32>} : memref<512xi32, #tpu.memory_space<vmem>>, vector<16xi32>,
    %get3A_1747 = arith.constant 0 : i32
    %get3A_1748 = arith.index_cast %get3A_1747 : i32 to index
    %get3A_1749 = arith.constant 240 : index
    %get3A_1750 = tpu.vector_load %arg6[%get3A_1748, %get3A_1749] {strides = array<i32>} : memref<20x512xf32, #tpu.memory_space<vmem>>, vector<16xf32>,
    %get3A_1751 = arith.constant 1 : i32
    %get3A_1752 = arith.index_cast %get3A_1751 : i32 to index
    %get3A_1753 = arith.constant 240 : index
    %get3A_1754 = tpu.vector_load %arg6[%get3A_1752, %get3A_1753] {strides = array<i32>} : memref<20x512xf32, #tpu.memory_space<vmem>>, vector<16xf32>,
    %get3A_1755 = arith.constant 2 : i32
    %get3A_1756 = arith.index_cast %get3A_1755 : i32 to index
    %get3A_1757 = arith.constant 240 : index
    %get3A_1758 = tpu.vector_load %arg6[%get3A_1756, %get3A_1757] {strides = array<i32>} : memref<20x512xf32, #tpu.memory_space<vmem>>, vector<16xf32>,
    %get3A_1759 = arith.constant 3 : i32
    %get3A_1760 = arith.index_cast %get3A_1759 : i32 to index
    %get3A_1761 = arith.constant 240 : index
    %get3A_1762 = tpu.vector_load %arg6[%get3A_1760, %get3A_1761] {strides = array<i32>} : memref<20x512xf32, #tpu.memory_space<vmem>>, vector<16xf32>,
    %get3A_1763 = arith.constant 4 : i32
    %get3A_1764 = arith.index_cast %get3A_1763 : i32 to index
    %get3A_1765 = arith.constant 240 : index
    %get3A_1766 = tpu.vector_load %arg6[%get3A_1764, %get3A_1765] {strides = array<i32>} : memref<20x512xf32, #tpu.memory_space<vmem>>, vector<16xf32>,
    %get3A_1767 = arith.constant 5 : i32
    %get3A_1768 = arith.index_cast %get3A_1767 : i32 to index
    %get3A_1769 = arith.constant 240 : index
    %get3A_1770 = tpu.vector_load %arg6[%get3A_1768, %get3A_1769] {strides = array<i32>} : memref<20x512xf32, #tpu.memory_space<vmem>>, vector<16xf32>,
    %get3A_1771 = arith.constant 6 : i32
    %get3A_1772 = arith.index_cast %get3A_1771 : i32 to index
    %get3A_1773 = arith.constant 240 : index
    %get3A_1774 = tpu.vector_load %arg6[%get3A_1772, %get3A_1773] {strides = array<i32>} : memref<20x512xf32, #tpu.memory_space<vmem>>, vector<16xf32>,
    %get3A_1775 = arith.constant 7 : i32
    %get3A_1776 = arith.index_cast %get3A_1775 : i32 to index
    %get3A_1777 = arith.constant 240 : index
    %get3A_1778 = tpu.vector_load %arg6[%get3A_1776, %get3A_1777] {strides = array<i32>} : memref<20x512xf32, #tpu.memory_space<vmem>>, vector<16xf32>,
    %get3A_1779 = arith.constant 8 : i32
    %get3A_1780 = arith.index_cast %get3A_1779 : i32 to index
    %get3A_1781 = arith.constant 240 : index
    %get3A_1782 = tpu.vector_load %arg6[%get3A_1780, %get3A_1781] {strides = array<i32>} : memref<20x512xf32, #tpu.memory_space<vmem>>, vector<16xf32>,
    %get3A_1783 = arith.constant 9 : i32
    %get3A_1784 = arith.index_cast %get3A_1783 : i32 to index
    %get3A_1785 = arith.constant 240 : index
    %get3A_1786 = tpu.vector_load %arg6[%get3A_1784, %get3A_1785] {strides = array<i32>} : memref<20x512xf32, #tpu.memory_space<vmem>>, vector<16xf32>,
    %get3A_1787 = arith.constant 10 : i32
    %get3A_1788 = arith.index_cast %get3A_1787 : i32 to index
    %get3A_1789 = arith.constant 240 : index
    %get3A_1790 = tpu.vector_load %arg6[%get3A_1788, %get3A_1789] {strides = array<i32>} : memref<20x512xf32, #tpu.memory_space<vmem>>, vector<16xf32>,
    %get3A_1791 = arith.constant 11 : i32
    %get3A_1792 = arith.index_cast %get3A_1791 : i32 to index
    %get3A_1793 = arith.constant 240 : index
    %get3A_1794 = tpu.vector_load %arg6[%get3A_1792, %get3A_1793] {strides = array<i32>} : memref<20x512xf32, #tpu.memory_space<vmem>>, vector<16xf32>,
    %get3A_1795 = arith.constant 12 : i32
    %get3A_1796 = arith.index_cast %get3A_1795 : i32 to index
    %get3A_1797 = arith.constant 240 : index
    %get3A_1798 = tpu.vector_load %arg6[%get3A_1796, %get3A_1797] {strides = array<i32>} : memref<20x512xf32, #tpu.memory_space<vmem>>, vector<16xf32>,
    %get3A_1799 = arith.constant 13 : i32
    %get3A_1800 = arith.index_cast %get3A_1799 : i32 to index
    %get3A_1801 = arith.constant 240 : index
    %get3A_1802 = tpu.vector_load %arg6[%get3A_1800, %get3A_1801] {strides = array<i32>} : memref<20x512xf32, #tpu.memory_space<vmem>>, vector<16xf32>,
    %get3A_1803 = arith.constant 14 : i32
    %get3A_1804 = arith.index_cast %get3A_1803 : i32 to index
    %get3A_1805 = arith.constant 240 : index
    %get3A_1806 = tpu.vector_load %arg6[%get3A_1804, %get3A_1805] {strides = array<i32>} : memref<20x512xf32, #tpu.memory_space<vmem>>, vector<16xf32>,
    %get3A_1807 = arith.constant 15 : i32
    %get3A_1808 = arith.index_cast %get3A_1807 : i32 to index
    %get3A_1809 = arith.constant 240 : index
    %get3A_1810 = tpu.vector_load %arg6[%get3A_1808, %get3A_1809] {strides = array<i32>} : memref<20x512xf32, #tpu.memory_space<vmem>>, vector<16xf32>,
    %get3A_1811 = arith.constant 16 : i32
    %get3A_1812 = arith.index_cast %get3A_1811 : i32 to index
    %get3A_1813 = arith.constant 240 : index
    %get3A_1814 = tpu.vector_load %arg6[%get3A_1812, %get3A_1813] {strides = array<i32>} : memref<20x512xf32, #tpu.memory_space<vmem>>, vector<16xf32>,
    %get3A_1815 = arith.constant 17 : i32
    %get3A_1816 = arith.index_cast %get3A_1815 : i32 to index
    %get3A_1817 = arith.constant 240 : index
    %get3A_1818 = tpu.vector_load %arg6[%get3A_1816, %get3A_1817] {strides = array<i32>} : memref<20x512xf32, #tpu.memory_space<vmem>>, vector<16xf32>,
    %get3A_1819 = arith.constant 18 : i32
    %get3A_1820 = arith.index_cast %get3A_1819 : i32 to index
    %get3A_1821 = arith.constant 240 : index
    %get3A_1822 = tpu.vector_load %arg6[%get3A_1820, %get3A_1821] {strides = array<i32>} : memref<20x512xf32, #tpu.memory_space<vmem>>, vector<16xf32>,
    %max3A_1823 = arith.maximumf %get3A_1750, %get3A_1754 : vector<16xf32>
    %max3A_1824 = arith.maximumf %get3A_1758, %get3A_1762 : vector<16xf32>
    %max3A_1825 = arith.maximumf %get3A_1766, %get3A_1770 : vector<16xf32>
    %max3A_1826 = arith.maximumf %get3A_1774, %get3A_1778 : vector<16xf32>
    %max3A_1827 = arith.maximumf %get3A_1782, %get3A_1786 : vector<16xf32>
    %max3A_1828 = arith.maximumf %get3A_1790, %get3A_1794 : vector<16xf32>
    %max3A_1829 = arith.maximumf %get3A_1798, %get3A_1802 : vector<16xf32>
    %max3A_1830 = arith.maximumf %get3A_1806, %get3A_1810 : vector<16xf32>
    %max3A_1831 = arith.maximumf %get3A_1814, %get3A_1818 : vector<16xf32>
    %max3A_1832 = arith.maximumf %max3A_1823, %max3A_1824 : vector<16xf32>
    %max3A_1833 = arith.maximumf %max3A_1825, %max3A_1826 : vector<16xf32>
    %max3A_1834 = arith.maximumf %max3A_1827, %max3A_1828 : vector<16xf32>
    %max3A_1835 = arith.maximumf %max3A_1829, %max3A_1830 : vector<16xf32>
    %max3A_1836 = arith.maximumf %max3A_1831, %get3A_1822 : vector<16xf32>
    %max3A_1837 = arith.maximumf %max3A_1832, %max3A_1833 : vector<16xf32>
    %max3A_1838 = arith.maximumf %max3A_1834, %max3A_1835 : vector<16xf32>
    %max3A_1839 = arith.maximumf %max3A_1837, %max3A_1838 : vector<16xf32>
    %max3A_1840 = arith.maximumf %max3A_1839, %max3A_1836 : vector<16xf32>
    %get3A_1841 = arith.constant 19 : i32
    %get3A_1842 = arith.index_cast %get3A_1841 : i32 to index
    %get3A_1843 = arith.constant 240 : index
    %get3A_1844 = tpu.vector_load %arg6[%get3A_1842, %get3A_1843] {strides = array<i32>} : memref<20x512xf32, #tpu.memory_space<vmem>>, vector<16xf32>,
    %gt3A_1845 = arith.constant 0.000000e+00 : f32
    %gt3A_1846 = vector.broadcast %gt3A_1845 : f32 to vector<16xf32>
    %gt3A_1847 = arith.cmpf ogt, %max3A_1840, %gt3A_1846 : vector<16xf32>
    %gt3A_1848 = arith.constant 0.000000e+00 : f32
    %gt3A_1849 = vector.broadcast %gt3A_1848 : f32 to vector<16xf32>
    %gt3A_1850 = arith.cmpf ogt, %get3A_1844, %gt3A_1849 : vector<16xf32>
    %select_n3A_1851 = arith.select %gt3A_1850, %gather3A_48, %gather3A : vector<16xi1>, vector<16xi32>
    %select_n3A_1852 = arith.select %gt3A_1847, %broadcast_in_dim3A_44, %select_n3A_1851 : vector<16xi1>, vector<16xi32>
    %swap3A_1853 = arith.constant 240 : index
    %swap3A_1854 = tpu.vector_load %arg10[%swap3A_1853] {strides = array<i32>} : memref<512xi32, #tpu.memory_space<vmem>>, vector<16xi32>,
    tpu.vector_store %arg10[%swap3A_1853], %select_n3A_1852 {strides = array<i32>} : memref<512xi32, #tpu.memory_space<vmem>>, vector<16xi32>,
    %add3A_1855 = arith.constant 128 : i32
    %add3A_1856 = arith.addi %mul3A_2, %add3A_1855 : i32
    %dma_start3A_1857 = arith.constant 128 : i32
    %dma_start3A_1858 = tpu.memref_slice %arg10[%dma_start3A_1857] : memref<512xi32, #tpu.memory_space<vmem>> -> memref<128xi32, #tpu.memory_space<vmem>>
    %dma_start3A_1859 = tpu.memref_slice %arg5[%add3A_1856] : memref<16384xi32, #tpu.memory_space<hbm>> -> memref<128xi32, #tpu.memory_space<hbm>>
    %dma_start3A_1860 = tpu.memref_slice %arg5[%add3A_1856] : memref<16384xi32, #tpu.memory_space<hbm>> -> memref<128xi32, #tpu.memory_space<hbm>>
    %dma_start3A_1861 = arith.constant 128 : i32
    %dma_start3A_1862 = tpu.memref_slice %arg10[%dma_start3A_1861] : memref<512xi32, #tpu.memory_space<vmem>> -> memref<128xi32, #tpu.memory_space<vmem>>
    tpu.enqueue_dma source(%dma_start3A_1862 : memref<128xi32, #tpu.memory_space<vmem>>) target(%dma_start3A_1860 : memref<128xi32, #tpu.memory_space<hbm>>) target_semaphore(%arg13 : memref<!tpu.dma_semaphore, #tpu.memory_space<semaphore_mem>>)
    %dma_wait3A_1863 = arith.constant 0 : i32
    %dma_wait3A_1864 = arith.constant 256 : i32
    %dma_wait3A_1865 = tpu.memref_slice %arg6[%dma_wait3A_1863, %dma_wait3A_1864] : memref<20x512xf32, #tpu.memory_space<vmem>> -> memref<20x128xf32, #tpu.memory_space<vmem>>
    %dma_wait3A_1866 = arith.constant 0 : i32
    %dma_wait3A_1867 = tpu.memref_slice %arg7[%dma_wait3A_1866] : memref<24xi32, #tpu.memory_space<vmem>> -> memref<20xi32, #tpu.memory_space<vmem>>
    %dma_wait3A_1868 = arith.constant 0 : i32
    %dma_wait3A_1869 = tpu.memref_slice %arg2[%dma_wait3A_1868, %add3A_90] : memref<100x16384xf32, #tpu.memory_space<hbm>> -> memref<100x128xf32, #tpu.memory_space<hbm>>
    tpu.wait_indirect_dma semaphore(%arg11 : memref<!tpu.dma_semaphore, #tpu.memory_space<semaphore_mem>>) src(%dma_wait3A_1869 : memref<100x128xf32, #tpu.memory_space<hbm>>) dst(%dma_wait3A_1865 : memref<20x128xf32, #tpu.memory_space<vmem>>)
    %get3A_1870 = arith.constant 0 : i32
    %get3A_1871 = arith.index_cast %get3A_1870 : i32 to index
    %get3A_1872 = arith.constant 256 : index
    %get3A_1873 = tpu.vector_load %arg6[%get3A_1871, %get3A_1872] {strides = array<i32>} : memref<20x512xf32, #tpu.memory_space<vmem>>, vector<16xf32>,
    %get3A_1874 = arith.constant 1 : i32
    %get3A_1875 = arith.index_cast %get3A_1874 : i32 to index
    %get3A_1876 = arith.constant 256 : index
    %get3A_1877 = tpu.vector_load %arg6[%get3A_1875, %get3A_1876] {strides = array<i32>} : memref<20x512xf32, #tpu.memory_space<vmem>>, vector<16xf32>,
    %get3A_1878 = arith.constant 2 : i32
    %get3A_1879 = arith.index_cast %get3A_1878 : i32 to index
    %get3A_1880 = arith.constant 256 : index
    %get3A_1881 = tpu.vector_load %arg6[%get3A_1879, %get3A_1880] {strides = array<i32>} : memref<20x512xf32, #tpu.memory_space<vmem>>, vector<16xf32>,
    %get3A_1882 = arith.constant 3 : i32
    %get3A_1883 = arith.index_cast %get3A_1882 : i32 to index
    %get3A_1884 = arith.constant 256 : index
    %get3A_1885 = tpu.vector_load %arg6[%get3A_1883, %get3A_1884] {strides = array<i32>} : memref<20x512xf32, #tpu.memory_space<vmem>>, vector<16xf32>,
    %get3A_1886 = arith.constant 4 : i32
    %get3A_1887 = arith.index_cast %get3A_1886 : i32 to index
    %get3A_1888 = arith.constant 256 : index
    %get3A_1889 = tpu.vector_load %arg6[%get3A_1887, %get3A_1888] {strides = array<i32>} : memref<20x512xf32, #tpu.memory_space<vmem>>, vector<16xf32>,
    %get3A_1890 = arith.constant 5 : i32
    %get3A_1891 = arith.index_cast %get3A_1890 : i32 to index
    %get3A_1892 = arith.constant 256 : index
    %get3A_1893 = tpu.vector_load %arg6[%get3A_1891, %get3A_1892] {strides = array<i32>} : memref<20x512xf32, #tpu.memory_space<vmem>>, vector<16xf32>,
    %get3A_1894 = arith.constant 6 : i32
    %get3A_1895 = arith.index_cast %get3A_1894 : i32 to index
    %get3A_1896 = arith.constant 256 : index
    %get3A_1897 = tpu.vector_load %arg6[%get3A_1895, %get3A_1896] {strides = array<i32>} : memref<20x512xf32, #tpu.memory_space<vmem>>, vector<16xf32>,
    %get3A_1898 = arith.constant 7 : i32
    %get3A_1899 = arith.index_cast %get3A_1898 : i32 to index
    %get3A_1900 = arith.constant 256 : index
    %get3A_1901 = tpu.vector_load %arg6[%get3A_1899, %get3A_1900] {strides = array<i32>} : memref<20x512xf32, #tpu.memory_space<vmem>>, vector<16xf32>,
    %get3A_1902 = arith.constant 8 : i32
    %get3A_1903 = arith.index_cast %get3A_1902 : i32 to index
    %get3A_1904 = arith.constant 256 : index
    %get3A_1905 = tpu.vector_load %arg6[%get3A_1903, %get3A_1904] {strides = array<i32>} : memref<20x512xf32, #tpu.memory_space<vmem>>, vector<16xf32>,
    %get3A_1906 = arith.constant 9 : i32
    %get3A_1907 = arith.index_cast %get3A_1906 : i32 to index
    %get3A_1908 = arith.constant 256 : index
    %get3A_1909 = tpu.vector_load %arg6[%get3A_1907, %get3A_1908] {strides = array<i32>} : memref<20x512xf32, #tpu.memory_space<vmem>>, vector<16xf32>,
    %get3A_1910 = arith.constant 10 : i32
    %get3A_1911 = arith.index_cast %get3A_1910 : i32 to index
    %get3A_1912 = arith.constant 256 : index
    %get3A_1913 = tpu.vector_load %arg6[%get3A_1911, %get3A_1912] {strides = array<i32>} : memref<20x512xf32, #tpu.memory_space<vmem>>, vector<16xf32>,
    %get3A_1914 = arith.constant 11 : i32
    %get3A_1915 = arith.index_cast %get3A_1914 : i32 to index
    %get3A_1916 = arith.constant 256 : index
    %get3A_1917 = tpu.vector_load %arg6[%get3A_1915, %get3A_1916] {strides = array<i32>} : memref<20x512xf32, #tpu.memory_space<vmem>>, vector<16xf32>,
    %get3A_1918 = arith.constant 12 : i32
    %get3A_1919 = arith.index_cast %get3A_1918 : i32 to index
    %get3A_1920 = arith.constant 256 : index
    %get3A_1921 = tpu.vector_load %arg6[%get3A_1919, %get3A_1920] {strides = array<i32>} : memref<20x512xf32, #tpu.memory_space<vmem>>, vector<16xf32>,
    %get3A_1922 = arith.constant 13 : i32
    %get3A_1923 = arith.index_cast %get3A_1922 : i32 to index
    %get3A_1924 = arith.constant 256 : index
    %get3A_1925 = tpu.vector_load %arg6[%get3A_1923, %get3A_1924] {strides = array<i32>} : memref<20x512xf32, #tpu.memory_space<vmem>>, vector<16xf32>,
    %get3A_1926 = arith.constant 14 : i32
    %get3A_1927 = arith.index_cast %get3A_1926 : i32 to index
    %get3A_1928 = arith.constant 256 : index
    %get3A_1929 = tpu.vector_load %arg6[%get3A_1927, %get3A_1928] {strides = array<i32>} : memref<20x512xf32, #tpu.memory_space<vmem>>, vector<16xf32>,
    %get3A_1930 = arith.constant 15 : i32
    %get3A_1931 = arith.index_cast %get3A_1930 : i32 to index
    %get3A_1932 = arith.constant 256 : index
    %get3A_1933 = tpu.vector_load %arg6[%get3A_1931, %get3A_1932] {strides = array<i32>} : memref<20x512xf32, #tpu.memory_space<vmem>>, vector<16xf32>,
    %get3A_1934 = arith.constant 16 : i32
    %get3A_1935 = arith.index_cast %get3A_1934 : i32 to index
    %get3A_1936 = arith.constant 256 : index
    %get3A_1937 = tpu.vector_load %arg6[%get3A_1935, %get3A_1936] {strides = array<i32>} : memref<20x512xf32, #tpu.memory_space<vmem>>, vector<16xf32>,
    %get3A_1938 = arith.constant 17 : i32
    %get3A_1939 = arith.index_cast %get3A_1938 : i32 to index
    %get3A_1940 = arith.constant 256 : index
    %get3A_1941 = tpu.vector_load %arg6[%get3A_1939, %get3A_1940] {strides = array<i32>} : memref<20x512xf32, #tpu.memory_space<vmem>>, vector<16xf32>,
    %get3A_1942 = arith.constant 18 : i32
    %get3A_1943 = arith.index_cast %get3A_1942 : i32 to index
    %get3A_1944 = arith.constant 256 : index
    %get3A_1945 = tpu.vector_load %arg6[%get3A_1943, %get3A_1944] {strides = array<i32>} : memref<20x512xf32, #tpu.memory_space<vmem>>, vector<16xf32>,
    %max3A_1946 = arith.maximumf %get3A_1873, %get3A_1877 : vector<16xf32>
    %max3A_1947 = arith.maximumf %get3A_1881, %get3A_1885 : vector<16xf32>
    %max3A_1948 = arith.maximumf %get3A_1889, %get3A_1893 : vector<16xf32>
    %max3A_1949 = arith.maximumf %get3A_1897, %get3A_1901 : vector<16xf32>
    %max3A_1950 = arith.maximumf %get3A_1905, %get3A_1909 : vector<16xf32>
    %max3A_1951 = arith.maximumf %get3A_1913, %get3A_1917 : vector<16xf32>
    %max3A_1952 = arith.maximumf %get3A_1921, %get3A_1925 : vector<16xf32>
    %max3A_1953 = arith.maximumf %get3A_1929, %get3A_1933 : vector<16xf32>
    %max3A_1954 = arith.maximumf %get3A_1937, %get3A_1941 : vector<16xf32>
    %max3A_1955 = arith.maximumf %max3A_1946, %max3A_1947 : vector<16xf32>
    %max3A_1956 = arith.maximumf %max3A_1948, %max3A_1949 : vector<16xf32>
    %max3A_1957 = arith.maximumf %max3A_1950, %max3A_1951 : vector<16xf32>
    %max3A_1958 = arith.maximumf %max3A_1952, %max3A_1953 : vector<16xf32>
    %max3A_1959 = arith.maximumf %max3A_1954, %get3A_1945 : vector<16xf32>
    %max3A_1960 = arith.maximumf %max3A_1955, %max3A_1956 : vector<16xf32>
    %max3A_1961 = arith.maximumf %max3A_1957, %max3A_1958 : vector<16xf32>
    %max3A_1962 = arith.maximumf %max3A_1960, %max3A_1961 : vector<16xf32>
    %max3A_1963 = arith.maximumf %max3A_1962, %max3A_1959 : vector<16xf32>
    %get3A_1964 = arith.constant 19 : i32
    %get3A_1965 = arith.index_cast %get3A_1964 : i32 to index
    %get3A_1966 = arith.constant 256 : index
    %get3A_1967 = tpu.vector_load %arg6[%get3A_1965, %get3A_1966] {strides = array<i32>} : memref<20x512xf32, #tpu.memory_space<vmem>>, vector<16xf32>,
    %gt3A_1968 = arith.constant 0.000000e+00 : f32
    %gt3A_1969 = vector.broadcast %gt3A_1968 : f32 to vector<16xf32>
    %gt3A_1970 = arith.cmpf ogt, %max3A_1963, %gt3A_1969 : vector<16xf32>
    %gt3A_1971 = arith.constant 0.000000e+00 : f32
    %gt3A_1972 = vector.broadcast %gt3A_1971 : f32 to vector<16xf32>
    %gt3A_1973 = arith.cmpf ogt, %get3A_1967, %gt3A_1972 : vector<16xf32>
    %select_n3A_1974 = arith.select %gt3A_1973, %gather3A_48, %gather3A : vector<16xi1>, vector<16xi32>
    %select_n3A_1975 = arith.select %gt3A_1970, %broadcast_in_dim3A_44, %select_n3A_1974 : vector<16xi1>, vector<16xi32>
    %swap3A_1976 = arith.constant 256 : index
    %swap3A_1977 = tpu.vector_load %arg10[%swap3A_1976] {strides = array<i32>} : memref<512xi32, #tpu.memory_space<vmem>>, vector<16xi32>,
    tpu.vector_store %arg10[%swap3A_1976], %select_n3A_1975 {strides = array<i32>} : memref<512xi32, #tpu.memory_space<vmem>>, vector<16xi32>,
    %get3A_1978 = arith.constant 0 : i32
    %get3A_1979 = arith.index_cast %get3A_1978 : i32 to index
    %get3A_1980 = arith.constant 272 : index
    %get3A_1981 = tpu.vector_load %arg6[%get3A_1979, %get3A_1980] {strides = array<i32>} : memref<20x512xf32, #tpu.memory_space<vmem>>, vector<16xf32>,
    %get3A_1982 = arith.constant 1 : i32
    %get3A_1983 = arith.index_cast %get3A_1982 : i32 to index
    %get3A_1984 = arith.constant 272 : index
    %get3A_1985 = tpu.vector_load %arg6[%get3A_1983, %get3A_1984] {strides = array<i32>} : memref<20x512xf32, #tpu.memory_space<vmem>>, vector<16xf32>,
    %get3A_1986 = arith.constant 2 : i32
    %get3A_1987 = arith.index_cast %get3A_1986 : i32 to index
    %get3A_1988 = arith.constant 272 : index
    %get3A_1989 = tpu.vector_load %arg6[%get3A_1987, %get3A_1988] {strides = array<i32>} : memref<20x512xf32, #tpu.memory_space<vmem>>, vector<16xf32>,
    %get3A_1990 = arith.constant 3 : i32
    %get3A_1991 = arith.index_cast %get3A_1990 : i32 to index
    %get3A_1992 = arith.constant 272 : index
    %get3A_1993 = tpu.vector_load %arg6[%get3A_1991, %get3A_1992] {strides = array<i32>} : memref<20x512xf32, #tpu.memory_space<vmem>>, vector<16xf32>,
    %get3A_1994 = arith.constant 4 : i32
    %get3A_1995 = arith.index_cast %get3A_1994 : i32 to index
    %get3A_1996 = arith.constant 272 : index
    %get3A_1997 = tpu.vector_load %arg6[%get3A_1995, %get3A_1996] {strides = array<i32>} : memref<20x512xf32, #tpu.memory_space<vmem>>, vector<16xf32>,
    %get3A_1998 = arith.constant 5 : i32
    %get3A_1999 = arith.index_cast %get3A_1998 : i32 to index
    %get3A_2000 = arith.constant 272 : index
    %get3A_2001 = tpu.vector_load %arg6[%get3A_1999, %get3A_2000] {strides = array<i32>} : memref<20x512xf32, #tpu.memory_space<vmem>>, vector<16xf32>,
    %get3A_2002 = arith.constant 6 : i32
    %get3A_2003 = arith.index_cast %get3A_2002 : i32 to index
    %get3A_2004 = arith.constant 272 : index
    %get3A_2005 = tpu.vector_load %arg6[%get3A_2003, %get3A_2004] {strides = array<i32>} : memref<20x512xf32, #tpu.memory_space<vmem>>, vector<16xf32>,
    %get3A_2006 = arith.constant 7 : i32
    %get3A_2007 = arith.index_cast %get3A_2006 : i32 to index
    %get3A_2008 = arith.constant 272 : index
    %get3A_2009 = tpu.vector_load %arg6[%get3A_2007, %get3A_2008] {strides = array<i32>} : memref<20x512xf32, #tpu.memory_space<vmem>>, vector<16xf32>,
    %get3A_2010 = arith.constant 8 : i32
    %get3A_2011 = arith.index_cast %get3A_2010 : i32 to index
    %get3A_2012 = arith.constant 272 : index
    %get3A_2013 = tpu.vector_load %arg6[%get3A_2011, %get3A_2012] {strides = array<i32>} : memref<20x512xf32, #tpu.memory_space<vmem>>, vector<16xf32>,
    %get3A_2014 = arith.constant 9 : i32
    %get3A_2015 = arith.index_cast %get3A_2014 : i32 to index
    %get3A_2016 = arith.constant 272 : index
    %get3A_2017 = tpu.vector_load %arg6[%get3A_2015, %get3A_2016] {strides = array<i32>} : memref<20x512xf32, #tpu.memory_space<vmem>>, vector<16xf32>,
    %get3A_2018 = arith.constant 10 : i32
    %get3A_2019 = arith.index_cast %get3A_2018 : i32 to index
    %get3A_2020 = arith.constant 272 : index
    %get3A_2021 = tpu.vector_load %arg6[%get3A_2019, %get3A_2020] {strides = array<i32>} : memref<20x512xf32, #tpu.memory_space<vmem>>, vector<16xf32>,
    %get3A_2022 = arith.constant 11 : i32
    %get3A_2023 = arith.index_cast %get3A_2022 : i32 to index
    %get3A_2024 = arith.constant 272 : index
    %get3A_2025 = tpu.vector_load %arg6[%get3A_2023, %get3A_2024] {strides = array<i32>} : memref<20x512xf32, #tpu.memory_space<vmem>>, vector<16xf32>,
    %get3A_2026 = arith.constant 12 : i32
    %get3A_2027 = arith.index_cast %get3A_2026 : i32 to index
    %get3A_2028 = arith.constant 272 : index
    %get3A_2029 = tpu.vector_load %arg6[%get3A_2027, %get3A_2028] {strides = array<i32>} : memref<20x512xf32, #tpu.memory_space<vmem>>, vector<16xf32>,
    %get3A_2030 = arith.constant 13 : i32
    %get3A_2031 = arith.index_cast %get3A_2030 : i32 to index
    %get3A_2032 = arith.constant 272 : index
    %get3A_2033 = tpu.vector_load %arg6[%get3A_2031, %get3A_2032] {strides = array<i32>} : memref<20x512xf32, #tpu.memory_space<vmem>>, vector<16xf32>,
    %get3A_2034 = arith.constant 14 : i32
    %get3A_2035 = arith.index_cast %get3A_2034 : i32 to index
    %get3A_2036 = arith.constant 272 : index
    %get3A_2037 = tpu.vector_load %arg6[%get3A_2035, %get3A_2036] {strides = array<i32>} : memref<20x512xf32, #tpu.memory_space<vmem>>, vector<16xf32>,
    %get3A_2038 = arith.constant 15 : i32
    %get3A_2039 = arith.index_cast %get3A_2038 : i32 to index
    %get3A_2040 = arith.constant 272 : index
    %get3A_2041 = tpu.vector_load %arg6[%get3A_2039, %get3A_2040] {strides = array<i32>} : memref<20x512xf32, #tpu.memory_space<vmem>>, vector<16xf32>,
    %get3A_2042 = arith.constant 16 : i32
    %get3A_2043 = arith.index_cast %get3A_2042 : i32 to index
    %get3A_2044 = arith.constant 272 : index
    %get3A_2045 = tpu.vector_load %arg6[%get3A_2043, %get3A_2044] {strides = array<i32>} : memref<20x512xf32, #tpu.memory_space<vmem>>, vector<16xf32>,
    %get3A_2046 = arith.constant 17 : i32
    %get3A_2047 = arith.index_cast %get3A_2046 : i32 to index
    %get3A_2048 = arith.constant 272 : index
    %get3A_2049 = tpu.vector_load %arg6[%get3A_2047, %get3A_2048] {strides = array<i32>} : memref<20x512xf32, #tpu.memory_space<vmem>>, vector<16xf32>,
    %get3A_2050 = arith.constant 18 : i32
    %get3A_2051 = arith.index_cast %get3A_2050 : i32 to index
    %get3A_2052 = arith.constant 272 : index
    %get3A_2053 = tpu.vector_load %arg6[%get3A_2051, %get3A_2052] {strides = array<i32>} : memref<20x512xf32, #tpu.memory_space<vmem>>, vector<16xf32>,
    %max3A_2054 = arith.maximumf %get3A_1981, %get3A_1985 : vector<16xf32>
    %max3A_2055 = arith.maximumf %get3A_1989, %get3A_1993 : vector<16xf32>
    %max3A_2056 = arith.maximumf %get3A_1997, %get3A_2001 : vector<16xf32>
    %max3A_2057 = arith.maximumf %get3A_2005, %get3A_2009 : vector<16xf32>
    %max3A_2058 = arith.maximumf %get3A_2013, %get3A_2017 : vector<16xf32>
    %max3A_2059 = arith.maximumf %get3A_2021, %get3A_2025 : vector<16xf32>
    %max3A_2060 = arith.maximumf %get3A_2029, %get3A_2033 : vector<16xf32>
    %max3A_2061 = arith.maximumf %get3A_2037, %get3A_2041 : vector<16xf32>
    %max3A_2062 = arith.maximumf %get3A_2045, %get3A_2049 : vector<16xf32>
    %max3A_2063 = arith.maximumf %max3A_2054, %max3A_2055 : vector<16xf32>
    %max3A_2064 = arith.maximumf %max3A_2056, %max3A_2057 : vector<16xf32>
    %max3A_2065 = arith.maximumf %max3A_2058, %max3A_2059 : vector<16xf32>
    %max3A_2066 = arith.maximumf %max3A_2060, %max3A_2061 : vector<16xf32>
    %max3A_2067 = arith.maximumf %max3A_2062, %get3A_2053 : vector<16xf32>
    %max3A_2068 = arith.maximumf %max3A_2063, %max3A_2064 : vector<16xf32>
    %max3A_2069 = arith.maximumf %max3A_2065, %max3A_2066 : vector<16xf32>
    %max3A_2070 = arith.maximumf %max3A_2068, %max3A_2069 : vector<16xf32>
    %max3A_2071 = arith.maximumf %max3A_2070, %max3A_2067 : vector<16xf32>
    %get3A_2072 = arith.constant 19 : i32
    %get3A_2073 = arith.index_cast %get3A_2072 : i32 to index
    %get3A_2074 = arith.constant 272 : index
    %get3A_2075 = tpu.vector_load %arg6[%get3A_2073, %get3A_2074] {strides = array<i32>} : memref<20x512xf32, #tpu.memory_space<vmem>>, vector<16xf32>,
    %gt3A_2076 = arith.constant 0.000000e+00 : f32
    %gt3A_2077 = vector.broadcast %gt3A_2076 : f32 to vector<16xf32>
    %gt3A_2078 = arith.cmpf ogt, %max3A_2071, %gt3A_2077 : vector<16xf32>
    %gt3A_2079 = arith.constant 0.000000e+00 : f32
    %gt3A_2080 = vector.broadcast %gt3A_2079 : f32 to vector<16xf32>
    %gt3A_2081 = arith.cmpf ogt, %get3A_2075, %gt3A_2080 : vector<16xf32>
    %select_n3A_2082 = arith.select %gt3A_2081, %gather3A_48, %gather3A : vector<16xi1>, vector<16xi32>
    %select_n3A_2083 = arith.select %gt3A_2078, %broadcast_in_dim3A_44, %select_n3A_2082 : vector<16xi1>, vector<16xi32>
    %swap3A_2084 = arith.constant 272 : index
    %swap3A_2085 = tpu.vector_load %arg10[%swap3A_2084] {strides = array<i32>} : memref<512xi32, #tpu.memory_space<vmem>>, vector<16xi32>,
    tpu.vector_store %arg10[%swap3A_2084], %select_n3A_2083 {strides = array<i32>} : memref<512xi32, #tpu.memory_space<vmem>>, vector<16xi32>,
    %get3A_2086 = arith.constant 0 : i32
    %get3A_2087 = arith.index_cast %get3A_2086 : i32 to index
    %get3A_2088 = arith.constant 288 : index
    %get3A_2089 = tpu.vector_load %arg6[%get3A_2087, %get3A_2088] {strides = array<i32>} : memref<20x512xf32, #tpu.memory_space<vmem>>, vector<16xf32>,
    %get3A_2090 = arith.constant 1 : i32
    %get3A_2091 = arith.index_cast %get3A_2090 : i32 to index
    %get3A_2092 = arith.constant 288 : index
    %get3A_2093 = tpu.vector_load %arg6[%get3A_2091, %get3A_2092] {strides = array<i32>} : memref<20x512xf32, #tpu.memory_space<vmem>>, vector<16xf32>,
    %get3A_2094 = arith.constant 2 : i32
    %get3A_2095 = arith.index_cast %get3A_2094 : i32 to index
    %get3A_2096 = arith.constant 288 : index
    %get3A_2097 = tpu.vector_load %arg6[%get3A_2095, %get3A_2096] {strides = array<i32>} : memref<20x512xf32, #tpu.memory_space<vmem>>, vector<16xf32>,
    %get3A_2098 = arith.constant 3 : i32
    %get3A_2099 = arith.index_cast %get3A_2098 : i32 to index
    %get3A_2100 = arith.constant 288 : index
    %get3A_2101 = tpu.vector_load %arg6[%get3A_2099, %get3A_2100] {strides = array<i32>} : memref<20x512xf32, #tpu.memory_space<vmem>>, vector<16xf32>,
    %get3A_2102 = arith.constant 4 : i32
    %get3A_2103 = arith.index_cast %get3A_2102 : i32 to index
    %get3A_2104 = arith.constant 288 : index
    %get3A_2105 = tpu.vector_load %arg6[%get3A_2103, %get3A_2104] {strides = array<i32>} : memref<20x512xf32, #tpu.memory_space<vmem>>, vector<16xf32>,
    %get3A_2106 = arith.constant 5 : i32
    %get3A_2107 = arith.index_cast %get3A_2106 : i32 to index
    %get3A_2108 = arith.constant 288 : index
    %get3A_2109 = tpu.vector_load %arg6[%get3A_2107, %get3A_2108] {strides = array<i32>} : memref<20x512xf32, #tpu.memory_space<vmem>>, vector<16xf32>,
    %get3A_2110 = arith.constant 6 : i32
    %get3A_2111 = arith.index_cast %get3A_2110 : i32 to index
    %get3A_2112 = arith.constant 288 : index
    %get3A_2113 = tpu.vector_load %arg6[%get3A_2111, %get3A_2112] {strides = array<i32>} : memref<20x512xf32, #tpu.memory_space<vmem>>, vector<16xf32>,
    %get3A_2114 = arith.constant 7 : i32
    %get3A_2115 = arith.index_cast %get3A_2114 : i32 to index
    %get3A_2116 = arith.constant 288 : index
    %get3A_2117 = tpu.vector_load %arg6[%get3A_2115, %get3A_2116] {strides = array<i32>} : memref<20x512xf32, #tpu.memory_space<vmem>>, vector<16xf32>,
    %get3A_2118 = arith.constant 8 : i32
    %get3A_2119 = arith.index_cast %get3A_2118 : i32 to index
    %get3A_2120 = arith.constant 288 : index
    %get3A_2121 = tpu.vector_load %arg6[%get3A_2119, %get3A_2120] {strides = array<i32>} : memref<20x512xf32, #tpu.memory_space<vmem>>, vector<16xf32>,
    %get3A_2122 = arith.constant 9 : i32
    %get3A_2123 = arith.index_cast %get3A_2122 : i32 to index
    %get3A_2124 = arith.constant 288 : index
    %get3A_2125 = tpu.vector_load %arg6[%get3A_2123, %get3A_2124] {strides = array<i32>} : memref<20x512xf32, #tpu.memory_space<vmem>>, vector<16xf32>,
    %get3A_2126 = arith.constant 10 : i32
    %get3A_2127 = arith.index_cast %get3A_2126 : i32 to index
    %get3A_2128 = arith.constant 288 : index
    %get3A_2129 = tpu.vector_load %arg6[%get3A_2127, %get3A_2128] {strides = array<i32>} : memref<20x512xf32, #tpu.memory_space<vmem>>, vector<16xf32>,
    %get3A_2130 = arith.constant 11 : i32
    %get3A_2131 = arith.index_cast %get3A_2130 : i32 to index
    %get3A_2132 = arith.constant 288 : index
    %get3A_2133 = tpu.vector_load %arg6[%get3A_2131, %get3A_2132] {strides = array<i32>} : memref<20x512xf32, #tpu.memory_space<vmem>>, vector<16xf32>,
    %get3A_2134 = arith.constant 12 : i32
    %get3A_2135 = arith.index_cast %get3A_2134 : i32 to index
    %get3A_2136 = arith.constant 288 : index
    %get3A_2137 = tpu.vector_load %arg6[%get3A_2135, %get3A_2136] {strides = array<i32>} : memref<20x512xf32, #tpu.memory_space<vmem>>, vector<16xf32>,
    %get3A_2138 = arith.constant 13 : i32
    %get3A_2139 = arith.index_cast %get3A_2138 : i32 to index
    %get3A_2140 = arith.constant 288 : index
    %get3A_2141 = tpu.vector_load %arg6[%get3A_2139, %get3A_2140] {strides = array<i32>} : memref<20x512xf32, #tpu.memory_space<vmem>>, vector<16xf32>,
    %get3A_2142 = arith.constant 14 : i32
    %get3A_2143 = arith.index_cast %get3A_2142 : i32 to index
    %get3A_2144 = arith.constant 288 : index
    %get3A_2145 = tpu.vector_load %arg6[%get3A_2143, %get3A_2144] {strides = array<i32>} : memref<20x512xf32, #tpu.memory_space<vmem>>, vector<16xf32>,
    %get3A_2146 = arith.constant 15 : i32
    %get3A_2147 = arith.index_cast %get3A_2146 : i32 to index
    %get3A_2148 = arith.constant 288 : index
    %get3A_2149 = tpu.vector_load %arg6[%get3A_2147, %get3A_2148] {strides = array<i32>} : memref<20x512xf32, #tpu.memory_space<vmem>>, vector<16xf32>,
    %get3A_2150 = arith.constant 16 : i32
    %get3A_2151 = arith.index_cast %get3A_2150 : i32 to index
    %get3A_2152 = arith.constant 288 : index
    %get3A_2153 = tpu.vector_load %arg6[%get3A_2151, %get3A_2152] {strides = array<i32>} : memref<20x512xf32, #tpu.memory_space<vmem>>, vector<16xf32>,
    %get3A_2154 = arith.constant 17 : i32
    %get3A_2155 = arith.index_cast %get3A_2154 : i32 to index
    %get3A_2156 = arith.constant 288 : index
    %get3A_2157 = tpu.vector_load %arg6[%get3A_2155, %get3A_2156] {strides = array<i32>} : memref<20x512xf32, #tpu.memory_space<vmem>>, vector<16xf32>,
    %get3A_2158 = arith.constant 18 : i32
    %get3A_2159 = arith.index_cast %get3A_2158 : i32 to index
    %get3A_2160 = arith.constant 288 : index
    %get3A_2161 = tpu.vector_load %arg6[%get3A_2159, %get3A_2160] {strides = array<i32>} : memref<20x512xf32, #tpu.memory_space<vmem>>, vector<16xf32>,
    %max3A_2162 = arith.maximumf %get3A_2089, %get3A_2093 : vector<16xf32>
    %max3A_2163 = arith.maximumf %get3A_2097, %get3A_2101 : vector<16xf32>
    %max3A_2164 = arith.maximumf %get3A_2105, %get3A_2109 : vector<16xf32>
    %max3A_2165 = arith.maximumf %get3A_2113, %get3A_2117 : vector<16xf32>
    %max3A_2166 = arith.maximumf %get3A_2121, %get3A_2125 : vector<16xf32>
    %max3A_2167 = arith.maximumf %get3A_2129, %get3A_2133 : vector<16xf32>
    %max3A_2168 = arith.maximumf %get3A_2137, %get3A_2141 : vector<16xf32>
    %max3A_2169 = arith.maximumf %get3A_2145, %get3A_2149 : vector<16xf32>
    %max3A_2170 = arith.maximumf %get3A_2153, %get3A_2157 : vector<16xf32>
    %max3A_2171 = arith.maximumf %max3A_2162, %max3A_2163 : vector<16xf32>
    %max3A_2172 = arith.maximumf %max3A_2164, %max3A_2165 : vector<16xf32>
    %max3A_2173 = arith.maximumf %max3A_2166, %max3A_2167 : vector<16xf32>
    %max3A_2174 = arith.maximumf %max3A_2168, %max3A_2169 : vector<16xf32>
    %max3A_2175 = arith.maximumf %max3A_2170, %get3A_2161 : vector<16xf32>
    %max3A_2176 = arith.maximumf %max3A_2171, %max3A_2172 : vector<16xf32>
    %max3A_2177 = arith.maximumf %max3A_2173, %max3A_2174 : vector<16xf32>
    %max3A_2178 = arith.maximumf %max3A_2176, %max3A_2177 : vector<16xf32>
    %max3A_2179 = arith.maximumf %max3A_2178, %max3A_2175 : vector<16xf32>
    %get3A_2180 = arith.constant 19 : i32
    %get3A_2181 = arith.index_cast %get3A_2180 : i32 to index
    %get3A_2182 = arith.constant 288 : index
    %get3A_2183 = tpu.vector_load %arg6[%get3A_2181, %get3A_2182] {strides = array<i32>} : memref<20x512xf32, #tpu.memory_space<vmem>>, vector<16xf32>,
    %gt3A_2184 = arith.constant 0.000000e+00 : f32
    %gt3A_2185 = vector.broadcast %gt3A_2184 : f32 to vector<16xf32>
    %gt3A_2186 = arith.cmpf ogt, %max3A_2179, %gt3A_2185 : vector<16xf32>
    %gt3A_2187 = arith.constant 0.000000e+00 : f32
    %gt3A_2188 = vector.broadcast %gt3A_2187 : f32 to vector<16xf32>
    %gt3A_2189 = arith.cmpf ogt, %get3A_2183, %gt3A_2188 : vector<16xf32>
    %select_n3A_2190 = arith.select %gt3A_2189, %gather3A_48, %gather3A : vector<16xi1>, vector<16xi32>
    %select_n3A_2191 = arith.select %gt3A_2186, %broadcast_in_dim3A_44, %select_n3A_2190 : vector<16xi1>, vector<16xi32>
    %swap3A_2192 = arith.constant 288 : index
    %swap3A_2193 = tpu.vector_load %arg10[%swap3A_2192] {strides = array<i32>} : memref<512xi32, #tpu.memory_space<vmem>>, vector<16xi32>,
    tpu.vector_store %arg10[%swap3A_2192], %select_n3A_2191 {strides = array<i32>} : memref<512xi32, #tpu.memory_space<vmem>>, vector<16xi32>,
    %get3A_2194 = arith.constant 0 : i32
    %get3A_2195 = arith.index_cast %get3A_2194 : i32 to index
    %get3A_2196 = arith.constant 304 : index
    %get3A_2197 = tpu.vector_load %arg6[%get3A_2195, %get3A_2196] {strides = array<i32>} : memref<20x512xf32, #tpu.memory_space<vmem>>, vector<16xf32>,
    %get3A_2198 = arith.constant 1 : i32
    %get3A_2199 = arith.index_cast %get3A_2198 : i32 to index
    %get3A_2200 = arith.constant 304 : index
    %get3A_2201 = tpu.vector_load %arg6[%get3A_2199, %get3A_2200] {strides = array<i32>} : memref<20x512xf32, #tpu.memory_space<vmem>>, vector<16xf32>,
    %get3A_2202 = arith.constant 2 : i32
    %get3A_2203 = arith.index_cast %get3A_2202 : i32 to index
    %get3A_2204 = arith.constant 304 : index
    %get3A_2205 = tpu.vector_load %arg6[%get3A_2203, %get3A_2204] {strides = array<i32>} : memref<20x512xf32, #tpu.memory_space<vmem>>, vector<16xf32>,
    %get3A_2206 = arith.constant 3 : i32
    %get3A_2207 = arith.index_cast %get3A_2206 : i32 to index
    %get3A_2208 = arith.constant 304 : index
    %get3A_2209 = tpu.vector_load %arg6[%get3A_2207, %get3A_2208] {strides = array<i32>} : memref<20x512xf32, #tpu.memory_space<vmem>>, vector<16xf32>,
    %get3A_2210 = arith.constant 4 : i32
    %get3A_2211 = arith.index_cast %get3A_2210 : i32 to index
    %get3A_2212 = arith.constant 304 : index
    %get3A_2213 = tpu.vector_load %arg6[%get3A_2211, %get3A_2212] {strides = array<i32>} : memref<20x512xf32, #tpu.memory_space<vmem>>, vector<16xf32>,
    %get3A_2214 = arith.constant 5 : i32
    %get3A_2215 = arith.index_cast %get3A_2214 : i32 to index
    %get3A_2216 = arith.constant 304 : index
    %get3A_2217 = tpu.vector_load %arg6[%get3A_2215, %get3A_2216] {strides = array<i32>} : memref<20x512xf32, #tpu.memory_space<vmem>>, vector<16xf32>,
    %get3A_2218 = arith.constant 6 : i32
    %get3A_2219 = arith.index_cast %get3A_2218 : i32 to index
    %get3A_2220 = arith.constant 304 : index
    %get3A_2221 = tpu.vector_load %arg6[%get3A_2219, %get3A_2220] {strides = array<i32>} : memref<20x512xf32, #tpu.memory_space<vmem>>, vector<16xf32>,
    %get3A_2222 = arith.constant 7 : i32
    %get3A_2223 = arith.index_cast %get3A_2222 : i32 to index
    %get3A_2224 = arith.constant 304 : index
    %get3A_2225 = tpu.vector_load %arg6[%get3A_2223, %get3A_2224] {strides = array<i32>} : memref<20x512xf32, #tpu.memory_space<vmem>>, vector<16xf32>,
    %get3A_2226 = arith.constant 8 : i32
    %get3A_2227 = arith.index_cast %get3A_2226 : i32 to index
    %get3A_2228 = arith.constant 304 : index
    %get3A_2229 = tpu.vector_load %arg6[%get3A_2227, %get3A_2228] {strides = array<i32>} : memref<20x512xf32, #tpu.memory_space<vmem>>, vector<16xf32>,
    %get3A_2230 = arith.constant 9 : i32
    %get3A_2231 = arith.index_cast %get3A_2230 : i32 to index
    %get3A_2232 = arith.constant 304 : index
    %get3A_2233 = tpu.vector_load %arg6[%get3A_2231, %get3A_2232] {strides = array<i32>} : memref<20x512xf32, #tpu.memory_space<vmem>>, vector<16xf32>,
    %get3A_2234 = arith.constant 10 : i32
    %get3A_2235 = arith.index_cast %get3A_2234 : i32 to index
    %get3A_2236 = arith.constant 304 : index
    %get3A_2237 = tpu.vector_load %arg6[%get3A_2235, %get3A_2236] {strides = array<i32>} : memref<20x512xf32, #tpu.memory_space<vmem>>, vector<16xf32>,
    %get3A_2238 = arith.constant 11 : i32
    %get3A_2239 = arith.index_cast %get3A_2238 : i32 to index
    %get3A_2240 = arith.constant 304 : index
    %get3A_2241 = tpu.vector_load %arg6[%get3A_2239, %get3A_2240] {strides = array<i32>} : memref<20x512xf32, #tpu.memory_space<vmem>>, vector<16xf32>,
    %get3A_2242 = arith.constant 12 : i32
    %get3A_2243 = arith.index_cast %get3A_2242 : i32 to index
    %get3A_2244 = arith.constant 304 : index
    %get3A_2245 = tpu.vector_load %arg6[%get3A_2243, %get3A_2244] {strides = array<i32>} : memref<20x512xf32, #tpu.memory_space<vmem>>, vector<16xf32>,
    %get3A_2246 = arith.constant 13 : i32
    %get3A_2247 = arith.index_cast %get3A_2246 : i32 to index
    %get3A_2248 = arith.constant 304 : index
    %get3A_2249 = tpu.vector_load %arg6[%get3A_2247, %get3A_2248] {strides = array<i32>} : memref<20x512xf32, #tpu.memory_space<vmem>>, vector<16xf32>,
    %get3A_2250 = arith.constant 14 : i32
    %get3A_2251 = arith.index_cast %get3A_2250 : i32 to index
    %get3A_2252 = arith.constant 304 : index
    %get3A_2253 = tpu.vector_load %arg6[%get3A_2251, %get3A_2252] {strides = array<i32>} : memref<20x512xf32, #tpu.memory_space<vmem>>, vector<16xf32>,
    %get3A_2254 = arith.constant 15 : i32
    %get3A_2255 = arith.index_cast %get3A_2254 : i32 to index
    %get3A_2256 = arith.constant 304 : index
    %get3A_2257 = tpu.vector_load %arg6[%get3A_2255, %get3A_2256] {strides = array<i32>} : memref<20x512xf32, #tpu.memory_space<vmem>>, vector<16xf32>,
    %get3A_2258 = arith.constant 16 : i32
    %get3A_2259 = arith.index_cast %get3A_2258 : i32 to index
    %get3A_2260 = arith.constant 304 : index
    %get3A_2261 = tpu.vector_load %arg6[%get3A_2259, %get3A_2260] {strides = array<i32>} : memref<20x512xf32, #tpu.memory_space<vmem>>, vector<16xf32>,
    %get3A_2262 = arith.constant 17 : i32
    %get3A_2263 = arith.index_cast %get3A_2262 : i32 to index
    %get3A_2264 = arith.constant 304 : index
    %get3A_2265 = tpu.vector_load %arg6[%get3A_2263, %get3A_2264] {strides = array<i32>} : memref<20x512xf32, #tpu.memory_space<vmem>>, vector<16xf32>,
    %get3A_2266 = arith.constant 18 : i32
    %get3A_2267 = arith.index_cast %get3A_2266 : i32 to index
    %get3A_2268 = arith.constant 304 : index
    %get3A_2269 = tpu.vector_load %arg6[%get3A_2267, %get3A_2268] {strides = array<i32>} : memref<20x512xf32, #tpu.memory_space<vmem>>, vector<16xf32>,
    %max3A_2270 = arith.maximumf %get3A_2197, %get3A_2201 : vector<16xf32>
    %max3A_2271 = arith.maximumf %get3A_2205, %get3A_2209 : vector<16xf32>
    %max3A_2272 = arith.maximumf %get3A_2213, %get3A_2217 : vector<16xf32>
    %max3A_2273 = arith.maximumf %get3A_2221, %get3A_2225 : vector<16xf32>
    %max3A_2274 = arith.maximumf %get3A_2229, %get3A_2233 : vector<16xf32>
    %max3A_2275 = arith.maximumf %get3A_2237, %get3A_2241 : vector<16xf32>
    %max3A_2276 = arith.maximumf %get3A_2245, %get3A_2249 : vector<16xf32>
    %max3A_2277 = arith.maximumf %get3A_2253, %get3A_2257 : vector<16xf32>
    %max3A_2278 = arith.maximumf %get3A_2261, %get3A_2265 : vector<16xf32>
    %max3A_2279 = arith.maximumf %max3A_2270, %max3A_2271 : vector<16xf32>
    %max3A_2280 = arith.maximumf %max3A_2272, %max3A_2273 : vector<16xf32>
    %max3A_2281 = arith.maximumf %max3A_2274, %max3A_2275 : vector<16xf32>
    %max3A_2282 = arith.maximumf %max3A_2276, %max3A_2277 : vector<16xf32>
    %max3A_2283 = arith.maximumf %max3A_2278, %get3A_2269 : vector<16xf32>
    %max3A_2284 = arith.maximumf %max3A_2279, %max3A_2280 : vector<16xf32>
    %max3A_2285 = arith.maximumf %max3A_2281, %max3A_2282 : vector<16xf32>
    %max3A_2286 = arith.maximumf %max3A_2284, %max3A_2285 : vector<16xf32>
    %max3A_2287 = arith.maximumf %max3A_2286, %max3A_2283 : vector<16xf32>
    %get3A_2288 = arith.constant 19 : i32
    %get3A_2289 = arith.index_cast %get3A_2288 : i32 to index
    %get3A_2290 = arith.constant 304 : index
    %get3A_2291 = tpu.vector_load %arg6[%get3A_2289, %get3A_2290] {strides = array<i32>} : memref<20x512xf32, #tpu.memory_space<vmem>>, vector<16xf32>,
    %gt3A_2292 = arith.constant 0.000000e+00 : f32
    %gt3A_2293 = vector.broadcast %gt3A_2292 : f32 to vector<16xf32>
    %gt3A_2294 = arith.cmpf ogt, %max3A_2287, %gt3A_2293 : vector<16xf32>
    %gt3A_2295 = arith.constant 0.000000e+00 : f32
    %gt3A_2296 = vector.broadcast %gt3A_2295 : f32 to vector<16xf32>
    %gt3A_2297 = arith.cmpf ogt, %get3A_2291, %gt3A_2296 : vector<16xf32>
    %select_n3A_2298 = arith.select %gt3A_2297, %gather3A_48, %gather3A : vector<16xi1>, vector<16xi32>
    %select_n3A_2299 = arith.select %gt3A_2294, %broadcast_in_dim3A_44, %select_n3A_2298 : vector<16xi1>, vector<16xi32>
    %swap3A_2300 = arith.constant 304 : index
    %swap3A_2301 = tpu.vector_load %arg10[%swap3A_2300] {strides = array<i32>} : memref<512xi32, #tpu.memory_space<vmem>>, vector<16xi32>,
    tpu.vector_store %arg10[%swap3A_2300], %select_n3A_2299 {strides = array<i32>} : memref<512xi32, #tpu.memory_space<vmem>>, vector<16xi32>,
    %get3A_2302 = arith.constant 0 : i32
    %get3A_2303 = arith.index_cast %get3A_2302 : i32 to index
    %get3A_2304 = arith.constant 320 : index
    %get3A_2305 = tpu.vector_load %arg6[%get3A_2303, %get3A_2304] {strides = array<i32>} : memref<20x512xf32, #tpu.memory_space<vmem>>, vector<16xf32>,
    %get3A_2306 = arith.constant 1 : i32
    %get3A_2307 = arith.index_cast %get3A_2306 : i32 to index
    %get3A_2308 = arith.constant 320 : index
    %get3A_2309 = tpu.vector_load %arg6[%get3A_2307, %get3A_2308] {strides = array<i32>} : memref<20x512xf32, #tpu.memory_space<vmem>>, vector<16xf32>,
    %get3A_2310 = arith.constant 2 : i32
    %get3A_2311 = arith.index_cast %get3A_2310 : i32 to index
    %get3A_2312 = arith.constant 320 : index
    %get3A_2313 = tpu.vector_load %arg6[%get3A_2311, %get3A_2312] {strides = array<i32>} : memref<20x512xf32, #tpu.memory_space<vmem>>, vector<16xf32>,
    %get3A_2314 = arith.constant 3 : i32
    %get3A_2315 = arith.index_cast %get3A_2314 : i32 to index
    %get3A_2316 = arith.constant 320 : index
    %get3A_2317 = tpu.vector_load %arg6[%get3A_2315, %get3A_2316] {strides = array<i32>} : memref<20x512xf32, #tpu.memory_space<vmem>>, vector<16xf32>,
    %get3A_2318 = arith.constant 4 : i32
    %get3A_2319 = arith.index_cast %get3A_2318 : i32 to index
    %get3A_2320 = arith.constant 320 : index
    %get3A_2321 = tpu.vector_load %arg6[%get3A_2319, %get3A_2320] {strides = array<i32>} : memref<20x512xf32, #tpu.memory_space<vmem>>, vector<16xf32>,
    %get3A_2322 = arith.constant 5 : i32
    %get3A_2323 = arith.index_cast %get3A_2322 : i32 to index
    %get3A_2324 = arith.constant 320 : index
    %get3A_2325 = tpu.vector_load %arg6[%get3A_2323, %get3A_2324] {strides = array<i32>} : memref<20x512xf32, #tpu.memory_space<vmem>>, vector<16xf32>,
    %get3A_2326 = arith.constant 6 : i32
    %get3A_2327 = arith.index_cast %get3A_2326 : i32 to index
    %get3A_2328 = arith.constant 320 : index
    %get3A_2329 = tpu.vector_load %arg6[%get3A_2327, %get3A_2328] {strides = array<i32>} : memref<20x512xf32, #tpu.memory_space<vmem>>, vector<16xf32>,
    %get3A_2330 = arith.constant 7 : i32
    %get3A_2331 = arith.index_cast %get3A_2330 : i32 to index
    %get3A_2332 = arith.constant 320 : index
    %get3A_2333 = tpu.vector_load %arg6[%get3A_2331, %get3A_2332] {strides = array<i32>} : memref<20x512xf32, #tpu.memory_space<vmem>>, vector<16xf32>,
    %get3A_2334 = arith.constant 8 : i32
    %get3A_2335 = arith.index_cast %get3A_2334 : i32 to index
    %get3A_2336 = arith.constant 320 : index
    %get3A_2337 = tpu.vector_load %arg6[%get3A_2335, %get3A_2336] {strides = array<i32>} : memref<20x512xf32, #tpu.memory_space<vmem>>, vector<16xf32>,
    %get3A_2338 = arith.constant 9 : i32
    %get3A_2339 = arith.index_cast %get3A_2338 : i32 to index
    %get3A_2340 = arith.constant 320 : index
    %get3A_2341 = tpu.vector_load %arg6[%get3A_2339, %get3A_2340] {strides = array<i32>} : memref<20x512xf32, #tpu.memory_space<vmem>>, vector<16xf32>,
    %get3A_2342 = arith.constant 10 : i32
    %get3A_2343 = arith.index_cast %get3A_2342 : i32 to index
    %get3A_2344 = arith.constant 320 : index
    %get3A_2345 = tpu.vector_load %arg6[%get3A_2343, %get3A_2344] {strides = array<i32>} : memref<20x512xf32, #tpu.memory_space<vmem>>, vector<16xf32>,
    %get3A_2346 = arith.constant 11 : i32
    %get3A_2347 = arith.index_cast %get3A_2346 : i32 to index
    %get3A_2348 = arith.constant 320 : index
    %get3A_2349 = tpu.vector_load %arg6[%get3A_2347, %get3A_2348] {strides = array<i32>} : memref<20x512xf32, #tpu.memory_space<vmem>>, vector<16xf32>,
    %get3A_2350 = arith.constant 12 : i32
    %get3A_2351 = arith.index_cast %get3A_2350 : i32 to index
    %get3A_2352 = arith.constant 320 : index
    %get3A_2353 = tpu.vector_load %arg6[%get3A_2351, %get3A_2352] {strides = array<i32>} : memref<20x512xf32, #tpu.memory_space<vmem>>, vector<16xf32>,
    %get3A_2354 = arith.constant 13 : i32
    %get3A_2355 = arith.index_cast %get3A_2354 : i32 to index
    %get3A_2356 = arith.constant 320 : index
    %get3A_2357 = tpu.vector_load %arg6[%get3A_2355, %get3A_2356] {strides = array<i32>} : memref<20x512xf32, #tpu.memory_space<vmem>>, vector<16xf32>,
    %get3A_2358 = arith.constant 14 : i32
    %get3A_2359 = arith.index_cast %get3A_2358 : i32 to index
    %get3A_2360 = arith.constant 320 : index
    %get3A_2361 = tpu.vector_load %arg6[%get3A_2359, %get3A_2360] {strides = array<i32>} : memref<20x512xf32, #tpu.memory_space<vmem>>, vector<16xf32>,
    %get3A_2362 = arith.constant 15 : i32
    %get3A_2363 = arith.index_cast %get3A_2362 : i32 to index
    %get3A_2364 = arith.constant 320 : index
    %get3A_2365 = tpu.vector_load %arg6[%get3A_2363, %get3A_2364] {strides = array<i32>} : memref<20x512xf32, #tpu.memory_space<vmem>>, vector<16xf32>,
    %get3A_2366 = arith.constant 16 : i32
    %get3A_2367 = arith.index_cast %get3A_2366 : i32 to index
    %get3A_2368 = arith.constant 320 : index
    %get3A_2369 = tpu.vector_load %arg6[%get3A_2367, %get3A_2368] {strides = array<i32>} : memref<20x512xf32, #tpu.memory_space<vmem>>, vector<16xf32>,
    %get3A_2370 = arith.constant 17 : i32
    %get3A_2371 = arith.index_cast %get3A_2370 : i32 to index
    %get3A_2372 = arith.constant 320 : index
    %get3A_2373 = tpu.vector_load %arg6[%get3A_2371, %get3A_2372] {strides = array<i32>} : memref<20x512xf32, #tpu.memory_space<vmem>>, vector<16xf32>,
    %get3A_2374 = arith.constant 18 : i32
    %get3A_2375 = arith.index_cast %get3A_2374 : i32 to index
    %get3A_2376 = arith.constant 320 : index
    %get3A_2377 = tpu.vector_load %arg6[%get3A_2375, %get3A_2376] {strides = array<i32>} : memref<20x512xf32, #tpu.memory_space<vmem>>, vector<16xf32>,
    %max3A_2378 = arith.maximumf %get3A_2305, %get3A_2309 : vector<16xf32>
    %max3A_2379 = arith.maximumf %get3A_2313, %get3A_2317 : vector<16xf32>
    %max3A_2380 = arith.maximumf %get3A_2321, %get3A_2325 : vector<16xf32>
    %max3A_2381 = arith.maximumf %get3A_2329, %get3A_2333 : vector<16xf32>
    %max3A_2382 = arith.maximumf %get3A_2337, %get3A_2341 : vector<16xf32>
    %max3A_2383 = arith.maximumf %get3A_2345, %get3A_2349 : vector<16xf32>
    %max3A_2384 = arith.maximumf %get3A_2353, %get3A_2357 : vector<16xf32>
    %max3A_2385 = arith.maximumf %get3A_2361, %get3A_2365 : vector<16xf32>
    %max3A_2386 = arith.maximumf %get3A_2369, %get3A_2373 : vector<16xf32>
    %max3A_2387 = arith.maximumf %max3A_2378, %max3A_2379 : vector<16xf32>
    %max3A_2388 = arith.maximumf %max3A_2380, %max3A_2381 : vector<16xf32>
    %max3A_2389 = arith.maximumf %max3A_2382, %max3A_2383 : vector<16xf32>
    %max3A_2390 = arith.maximumf %max3A_2384, %max3A_2385 : vector<16xf32>
    %max3A_2391 = arith.maximumf %max3A_2386, %get3A_2377 : vector<16xf32>
    %max3A_2392 = arith.maximumf %max3A_2387, %max3A_2388 : vector<16xf32>
    %max3A_2393 = arith.maximumf %max3A_2389, %max3A_2390 : vector<16xf32>
    %max3A_2394 = arith.maximumf %max3A_2392, %max3A_2393 : vector<16xf32>
    %max3A_2395 = arith.maximumf %max3A_2394, %max3A_2391 : vector<16xf32>
    %get3A_2396 = arith.constant 19 : i32
    %get3A_2397 = arith.index_cast %get3A_2396 : i32 to index
    %get3A_2398 = arith.constant 320 : index
    %get3A_2399 = tpu.vector_load %arg6[%get3A_2397, %get3A_2398] {strides = array<i32>} : memref<20x512xf32, #tpu.memory_space<vmem>>, vector<16xf32>,
    %gt3A_2400 = arith.constant 0.000000e+00 : f32
    %gt3A_2401 = vector.broadcast %gt3A_2400 : f32 to vector<16xf32>
    %gt3A_2402 = arith.cmpf ogt, %max3A_2395, %gt3A_2401 : vector<16xf32>
    %gt3A_2403 = arith.constant 0.000000e+00 : f32
    %gt3A_2404 = vector.broadcast %gt3A_2403 : f32 to vector<16xf32>
    %gt3A_2405 = arith.cmpf ogt, %get3A_2399, %gt3A_2404 : vector<16xf32>
    %select_n3A_2406 = arith.select %gt3A_2405, %gather3A_48, %gather3A : vector<16xi1>, vector<16xi32>
    %select_n3A_2407 = arith.select %gt3A_2402, %broadcast_in_dim3A_44, %select_n3A_2406 : vector<16xi1>, vector<16xi32>
    %swap3A_2408 = arith.constant 320 : index
    %swap3A_2409 = tpu.vector_load %arg10[%swap3A_2408] {strides = array<i32>} : memref<512xi32, #tpu.memory_space<vmem>>, vector<16xi32>,
    tpu.vector_store %arg10[%swap3A_2408], %select_n3A_2407 {strides = array<i32>} : memref<512xi32, #tpu.memory_space<vmem>>, vector<16xi32>,
    %get3A_2410 = arith.constant 0 : i32
    %get3A_2411 = arith.index_cast %get3A_2410 : i32 to index
    %get3A_2412 = arith.constant 336 : index
    %get3A_2413 = tpu.vector_load %arg6[%get3A_2411, %get3A_2412] {strides = array<i32>} : memref<20x512xf32, #tpu.memory_space<vmem>>, vector<16xf32>,
    %get3A_2414 = arith.constant 1 : i32
    %get3A_2415 = arith.index_cast %get3A_2414 : i32 to index
    %get3A_2416 = arith.constant 336 : index
    %get3A_2417 = tpu.vector_load %arg6[%get3A_2415, %get3A_2416] {strides = array<i32>} : memref<20x512xf32, #tpu.memory_space<vmem>>, vector<16xf32>,
    %get3A_2418 = arith.constant 2 : i32
    %get3A_2419 = arith.index_cast %get3A_2418 : i32 to index
    %get3A_2420 = arith.constant 336 : index
    %get3A_2421 = tpu.vector_load %arg6[%get3A_2419, %get3A_2420] {strides = array<i32>} : memref<20x512xf32, #tpu.memory_space<vmem>>, vector<16xf32>,
    %get3A_2422 = arith.constant 3 : i32
    %get3A_2423 = arith.index_cast %get3A_2422 : i32 to index
    %get3A_2424 = arith.constant 336 : index
    %get3A_2425 = tpu.vector_load %arg6[%get3A_2423, %get3A_2424] {strides = array<i32>} : memref<20x512xf32, #tpu.memory_space<vmem>>, vector<16xf32>,
    %get3A_2426 = arith.constant 4 : i32
    %get3A_2427 = arith.index_cast %get3A_2426 : i32 to index
    %get3A_2428 = arith.constant 336 : index
    %get3A_2429 = tpu.vector_load %arg6[%get3A_2427, %get3A_2428] {strides = array<i32>} : memref<20x512xf32, #tpu.memory_space<vmem>>, vector<16xf32>,
    %get3A_2430 = arith.constant 5 : i32
    %get3A_2431 = arith.index_cast %get3A_2430 : i32 to index
    %get3A_2432 = arith.constant 336 : index
    %get3A_2433 = tpu.vector_load %arg6[%get3A_2431, %get3A_2432] {strides = array<i32>} : memref<20x512xf32, #tpu.memory_space<vmem>>, vector<16xf32>,
    %get3A_2434 = arith.constant 6 : i32
    %get3A_2435 = arith.index_cast %get3A_2434 : i32 to index
    %get3A_2436 = arith.constant 336 : index
    %get3A_2437 = tpu.vector_load %arg6[%get3A_2435, %get3A_2436] {strides = array<i32>} : memref<20x512xf32, #tpu.memory_space<vmem>>, vector<16xf32>,
    %get3A_2438 = arith.constant 7 : i32
    %get3A_2439 = arith.index_cast %get3A_2438 : i32 to index
    %get3A_2440 = arith.constant 336 : index
    %get3A_2441 = tpu.vector_load %arg6[%get3A_2439, %get3A_2440] {strides = array<i32>} : memref<20x512xf32, #tpu.memory_space<vmem>>, vector<16xf32>,
    %get3A_2442 = arith.constant 8 : i32
    %get3A_2443 = arith.index_cast %get3A_2442 : i32 to index
    %get3A_2444 = arith.constant 336 : index
    %get3A_2445 = tpu.vector_load %arg6[%get3A_2443, %get3A_2444] {strides = array<i32>} : memref<20x512xf32, #tpu.memory_space<vmem>>, vector<16xf32>,
    %get3A_2446 = arith.constant 9 : i32
    %get3A_2447 = arith.index_cast %get3A_2446 : i32 to index
    %get3A_2448 = arith.constant 336 : index
    %get3A_2449 = tpu.vector_load %arg6[%get3A_2447, %get3A_2448] {strides = array<i32>} : memref<20x512xf32, #tpu.memory_space<vmem>>, vector<16xf32>,
    %get3A_2450 = arith.constant 10 : i32
    %get3A_2451 = arith.index_cast %get3A_2450 : i32 to index
    %get3A_2452 = arith.constant 336 : index
    %get3A_2453 = tpu.vector_load %arg6[%get3A_2451, %get3A_2452] {strides = array<i32>} : memref<20x512xf32, #tpu.memory_space<vmem>>, vector<16xf32>,
    %get3A_2454 = arith.constant 11 : i32
    %get3A_2455 = arith.index_cast %get3A_2454 : i32 to index
    %get3A_2456 = arith.constant 336 : index
    %get3A_2457 = tpu.vector_load %arg6[%get3A_2455, %get3A_2456] {strides = array<i32>} : memref<20x512xf32, #tpu.memory_space<vmem>>, vector<16xf32>,
    %get3A_2458 = arith.constant 12 : i32
    %get3A_2459 = arith.index_cast %get3A_2458 : i32 to index
    %get3A_2460 = arith.constant 336 : index
    %get3A_2461 = tpu.vector_load %arg6[%get3A_2459, %get3A_2460] {strides = array<i32>} : memref<20x512xf32, #tpu.memory_space<vmem>>, vector<16xf32>,
    %get3A_2462 = arith.constant 13 : i32
    %get3A_2463 = arith.index_cast %get3A_2462 : i32 to index
    %get3A_2464 = arith.constant 336 : index
    %get3A_2465 = tpu.vector_load %arg6[%get3A_2463, %get3A_2464] {strides = array<i32>} : memref<20x512xf32, #tpu.memory_space<vmem>>, vector<16xf32>,
    %get3A_2466 = arith.constant 14 : i32
    %get3A_2467 = arith.index_cast %get3A_2466 : i32 to index
    %get3A_2468 = arith.constant 336 : index
    %get3A_2469 = tpu.vector_load %arg6[%get3A_2467, %get3A_2468] {strides = array<i32>} : memref<20x512xf32, #tpu.memory_space<vmem>>, vector<16xf32>,
    %get3A_2470 = arith.constant 15 : i32
    %get3A_2471 = arith.index_cast %get3A_2470 : i32 to index
    %get3A_2472 = arith.constant 336 : index
    %get3A_2473 = tpu.vector_load %arg6[%get3A_2471, %get3A_2472] {strides = array<i32>} : memref<20x512xf32, #tpu.memory_space<vmem>>, vector<16xf32>,
    %get3A_2474 = arith.constant 16 : i32
    %get3A_2475 = arith.index_cast %get3A_2474 : i32 to index
    %get3A_2476 = arith.constant 336 : index
    %get3A_2477 = tpu.vector_load %arg6[%get3A_2475, %get3A_2476] {strides = array<i32>} : memref<20x512xf32, #tpu.memory_space<vmem>>, vector<16xf32>,
    %get3A_2478 = arith.constant 17 : i32
    %get3A_2479 = arith.index_cast %get3A_2478 : i32 to index
    %get3A_2480 = arith.constant 336 : index
    %get3A_2481 = tpu.vector_load %arg6[%get3A_2479, %get3A_2480] {strides = array<i32>} : memref<20x512xf32, #tpu.memory_space<vmem>>, vector<16xf32>,
    %get3A_2482 = arith.constant 18 : i32
    %get3A_2483 = arith.index_cast %get3A_2482 : i32 to index
    %get3A_2484 = arith.constant 336 : index
    %get3A_2485 = tpu.vector_load %arg6[%get3A_2483, %get3A_2484] {strides = array<i32>} : memref<20x512xf32, #tpu.memory_space<vmem>>, vector<16xf32>,
    %max3A_2486 = arith.maximumf %get3A_2413, %get3A_2417 : vector<16xf32>
    %max3A_2487 = arith.maximumf %get3A_2421, %get3A_2425 : vector<16xf32>
    %max3A_2488 = arith.maximumf %get3A_2429, %get3A_2433 : vector<16xf32>
    %max3A_2489 = arith.maximumf %get3A_2437, %get3A_2441 : vector<16xf32>
    %max3A_2490 = arith.maximumf %get3A_2445, %get3A_2449 : vector<16xf32>
    %max3A_2491 = arith.maximumf %get3A_2453, %get3A_2457 : vector<16xf32>
    %max3A_2492 = arith.maximumf %get3A_2461, %get3A_2465 : vector<16xf32>
    %max3A_2493 = arith.maximumf %get3A_2469, %get3A_2473 : vector<16xf32>
    %max3A_2494 = arith.maximumf %get3A_2477, %get3A_2481 : vector<16xf32>
    %max3A_2495 = arith.maximumf %max3A_2486, %max3A_2487 : vector<16xf32>
    %max3A_2496 = arith.maximumf %max3A_2488, %max3A_2489 : vector<16xf32>
    %max3A_2497 = arith.maximumf %max3A_2490, %max3A_2491 : vector<16xf32>
    %max3A_2498 = arith.maximumf %max3A_2492, %max3A_2493 : vector<16xf32>
    %max3A_2499 = arith.maximumf %max3A_2494, %get3A_2485 : vector<16xf32>
    %max3A_2500 = arith.maximumf %max3A_2495, %max3A_2496 : vector<16xf32>
    %max3A_2501 = arith.maximumf %max3A_2497, %max3A_2498 : vector<16xf32>
    %max3A_2502 = arith.maximumf %max3A_2500, %max3A_2501 : vector<16xf32>
    %max3A_2503 = arith.maximumf %max3A_2502, %max3A_2499 : vector<16xf32>
    %get3A_2504 = arith.constant 19 : i32
    %get3A_2505 = arith.index_cast %get3A_2504 : i32 to index
    %get3A_2506 = arith.constant 336 : index
    %get3A_2507 = tpu.vector_load %arg6[%get3A_2505, %get3A_2506] {strides = array<i32>} : memref<20x512xf32, #tpu.memory_space<vmem>>, vector<16xf32>,
    %gt3A_2508 = arith.constant 0.000000e+00 : f32
    %gt3A_2509 = vector.broadcast %gt3A_2508 : f32 to vector<16xf32>
    %gt3A_2510 = arith.cmpf ogt, %max3A_2503, %gt3A_2509 : vector<16xf32>
    %gt3A_2511 = arith.constant 0.000000e+00 : f32
    %gt3A_2512 = vector.broadcast %gt3A_2511 : f32 to vector<16xf32>
    %gt3A_2513 = arith.cmpf ogt, %get3A_2507, %gt3A_2512 : vector<16xf32>
    %select_n3A_2514 = arith.select %gt3A_2513, %gather3A_48, %gather3A : vector<16xi1>, vector<16xi32>
    %select_n3A_2515 = arith.select %gt3A_2510, %broadcast_in_dim3A_44, %select_n3A_2514 : vector<16xi1>, vector<16xi32>
    %swap3A_2516 = arith.constant 336 : index
    %swap3A_2517 = tpu.vector_load %arg10[%swap3A_2516] {strides = array<i32>} : memref<512xi32, #tpu.memory_space<vmem>>, vector<16xi32>,
    tpu.vector_store %arg10[%swap3A_2516], %select_n3A_2515 {strides = array<i32>} : memref<512xi32, #tpu.memory_space<vmem>>, vector<16xi32>,
    %get3A_2518 = arith.constant 0 : i32
    %get3A_2519 = arith.index_cast %get3A_2518 : i32 to index
    %get3A_2520 = arith.constant 352 : index
    %get3A_2521 = tpu.vector_load %arg6[%get3A_2519, %get3A_2520] {strides = array<i32>} : memref<20x512xf32, #tpu.memory_space<vmem>>, vector<16xf32>,
    %get3A_2522 = arith.constant 1 : i32
    %get3A_2523 = arith.index_cast %get3A_2522 : i32 to index
    %get3A_2524 = arith.constant 352 : index
    %get3A_2525 = tpu.vector_load %arg6[%get3A_2523, %get3A_2524] {strides = array<i32>} : memref<20x512xf32, #tpu.memory_space<vmem>>, vector<16xf32>,
    %get3A_2526 = arith.constant 2 : i32
    %get3A_2527 = arith.index_cast %get3A_2526 : i32 to index
    %get3A_2528 = arith.constant 352 : index
    %get3A_2529 = tpu.vector_load %arg6[%get3A_2527, %get3A_2528] {strides = array<i32>} : memref<20x512xf32, #tpu.memory_space<vmem>>, vector<16xf32>,
    %get3A_2530 = arith.constant 3 : i32
    %get3A_2531 = arith.index_cast %get3A_2530 : i32 to index
    %get3A_2532 = arith.constant 352 : index
    %get3A_2533 = tpu.vector_load %arg6[%get3A_2531, %get3A_2532] {strides = array<i32>} : memref<20x512xf32, #tpu.memory_space<vmem>>, vector<16xf32>,
    %get3A_2534 = arith.constant 4 : i32
    %get3A_2535 = arith.index_cast %get3A_2534 : i32 to index
    %get3A_2536 = arith.constant 352 : index
    %get3A_2537 = tpu.vector_load %arg6[%get3A_2535, %get3A_2536] {strides = array<i32>} : memref<20x512xf32, #tpu.memory_space<vmem>>, vector<16xf32>,
    %get3A_2538 = arith.constant 5 : i32
    %get3A_2539 = arith.index_cast %get3A_2538 : i32 to index
    %get3A_2540 = arith.constant 352 : index
    %get3A_2541 = tpu.vector_load %arg6[%get3A_2539, %get3A_2540] {strides = array<i32>} : memref<20x512xf32, #tpu.memory_space<vmem>>, vector<16xf32>,
    %get3A_2542 = arith.constant 6 : i32
    %get3A_2543 = arith.index_cast %get3A_2542 : i32 to index
    %get3A_2544 = arith.constant 352 : index
    %get3A_2545 = tpu.vector_load %arg6[%get3A_2543, %get3A_2544] {strides = array<i32>} : memref<20x512xf32, #tpu.memory_space<vmem>>, vector<16xf32>,
    %get3A_2546 = arith.constant 7 : i32
    %get3A_2547 = arith.index_cast %get3A_2546 : i32 to index
    %get3A_2548 = arith.constant 352 : index
    %get3A_2549 = tpu.vector_load %arg6[%get3A_2547, %get3A_2548] {strides = array<i32>} : memref<20x512xf32, #tpu.memory_space<vmem>>, vector<16xf32>,
    %get3A_2550 = arith.constant 8 : i32
    %get3A_2551 = arith.index_cast %get3A_2550 : i32 to index
    %get3A_2552 = arith.constant 352 : index
    %get3A_2553 = tpu.vector_load %arg6[%get3A_2551, %get3A_2552] {strides = array<i32>} : memref<20x512xf32, #tpu.memory_space<vmem>>, vector<16xf32>,
    %get3A_2554 = arith.constant 9 : i32
    %get3A_2555 = arith.index_cast %get3A_2554 : i32 to index
    %get3A_2556 = arith.constant 352 : index
    %get3A_2557 = tpu.vector_load %arg6[%get3A_2555, %get3A_2556] {strides = array<i32>} : memref<20x512xf32, #tpu.memory_space<vmem>>, vector<16xf32>,
    %get3A_2558 = arith.constant 10 : i32
    %get3A_2559 = arith.index_cast %get3A_2558 : i32 to index
    %get3A_2560 = arith.constant 352 : index
    %get3A_2561 = tpu.vector_load %arg6[%get3A_2559, %get3A_2560] {strides = array<i32>} : memref<20x512xf32, #tpu.memory_space<vmem>>, vector<16xf32>,
    %get3A_2562 = arith.constant 11 : i32
    %get3A_2563 = arith.index_cast %get3A_2562 : i32 to index
    %get3A_2564 = arith.constant 352 : index
    %get3A_2565 = tpu.vector_load %arg6[%get3A_2563, %get3A_2564] {strides = array<i32>} : memref<20x512xf32, #tpu.memory_space<vmem>>, vector<16xf32>,
    %get3A_2566 = arith.constant 12 : i32
    %get3A_2567 = arith.index_cast %get3A_2566 : i32 to index
    %get3A_2568 = arith.constant 352 : index
    %get3A_2569 = tpu.vector_load %arg6[%get3A_2567, %get3A_2568] {strides = array<i32>} : memref<20x512xf32, #tpu.memory_space<vmem>>, vector<16xf32>,
    %get3A_2570 = arith.constant 13 : i32
    %get3A_2571 = arith.index_cast %get3A_2570 : i32 to index
    %get3A_2572 = arith.constant 352 : index
    %get3A_2573 = tpu.vector_load %arg6[%get3A_2571, %get3A_2572] {strides = array<i32>} : memref<20x512xf32, #tpu.memory_space<vmem>>, vector<16xf32>,
    %get3A_2574 = arith.constant 14 : i32
    %get3A_2575 = arith.index_cast %get3A_2574 : i32 to index
    %get3A_2576 = arith.constant 352 : index
    %get3A_2577 = tpu.vector_load %arg6[%get3A_2575, %get3A_2576] {strides = array<i32>} : memref<20x512xf32, #tpu.memory_space<vmem>>, vector<16xf32>,
    %get3A_2578 = arith.constant 15 : i32
    %get3A_2579 = arith.index_cast %get3A_2578 : i32 to index
    %get3A_2580 = arith.constant 352 : index
    %get3A_2581 = tpu.vector_load %arg6[%get3A_2579, %get3A_2580] {strides = array<i32>} : memref<20x512xf32, #tpu.memory_space<vmem>>, vector<16xf32>,
    %get3A_2582 = arith.constant 16 : i32
    %get3A_2583 = arith.index_cast %get3A_2582 : i32 to index
    %get3A_2584 = arith.constant 352 : index
    %get3A_2585 = tpu.vector_load %arg6[%get3A_2583, %get3A_2584] {strides = array<i32>} : memref<20x512xf32, #tpu.memory_space<vmem>>, vector<16xf32>,
    %get3A_2586 = arith.constant 17 : i32
    %get3A_2587 = arith.index_cast %get3A_2586 : i32 to index
    %get3A_2588 = arith.constant 352 : index
    %get3A_2589 = tpu.vector_load %arg6[%get3A_2587, %get3A_2588] {strides = array<i32>} : memref<20x512xf32, #tpu.memory_space<vmem>>, vector<16xf32>,
    %get3A_2590 = arith.constant 18 : i32
    %get3A_2591 = arith.index_cast %get3A_2590 : i32 to index
    %get3A_2592 = arith.constant 352 : index
    %get3A_2593 = tpu.vector_load %arg6[%get3A_2591, %get3A_2592] {strides = array<i32>} : memref<20x512xf32, #tpu.memory_space<vmem>>, vector<16xf32>,
    %max3A_2594 = arith.maximumf %get3A_2521, %get3A_2525 : vector<16xf32>
    %max3A_2595 = arith.maximumf %get3A_2529, %get3A_2533 : vector<16xf32>
    %max3A_2596 = arith.maximumf %get3A_2537, %get3A_2541 : vector<16xf32>
    %max3A_2597 = arith.maximumf %get3A_2545, %get3A_2549 : vector<16xf32>
    %max3A_2598 = arith.maximumf %get3A_2553, %get3A_2557 : vector<16xf32>
    %max3A_2599 = arith.maximumf %get3A_2561, %get3A_2565 : vector<16xf32>
    %max3A_2600 = arith.maximumf %get3A_2569, %get3A_2573 : vector<16xf32>
    %max3A_2601 = arith.maximumf %get3A_2577, %get3A_2581 : vector<16xf32>
    %max3A_2602 = arith.maximumf %get3A_2585, %get3A_2589 : vector<16xf32>
    %max3A_2603 = arith.maximumf %max3A_2594, %max3A_2595 : vector<16xf32>
    %max3A_2604 = arith.maximumf %max3A_2596, %max3A_2597 : vector<16xf32>
    %max3A_2605 = arith.maximumf %max3A_2598, %max3A_2599 : vector<16xf32>
    %max3A_2606 = arith.maximumf %max3A_2600, %max3A_2601 : vector<16xf32>
    %max3A_2607 = arith.maximumf %max3A_2602, %get3A_2593 : vector<16xf32>
    %max3A_2608 = arith.maximumf %max3A_2603, %max3A_2604 : vector<16xf32>
    %max3A_2609 = arith.maximumf %max3A_2605, %max3A_2606 : vector<16xf32>
    %max3A_2610 = arith.maximumf %max3A_2608, %max3A_2609 : vector<16xf32>
    %max3A_2611 = arith.maximumf %max3A_2610, %max3A_2607 : vector<16xf32>
    %get3A_2612 = arith.constant 19 : i32
    %get3A_2613 = arith.index_cast %get3A_2612 : i32 to index
    %get3A_2614 = arith.constant 352 : index
    %get3A_2615 = tpu.vector_load %arg6[%get3A_2613, %get3A_2614] {strides = array<i32>} : memref<20x512xf32, #tpu.memory_space<vmem>>, vector<16xf32>,
    %gt3A_2616 = arith.constant 0.000000e+00 : f32
    %gt3A_2617 = vector.broadcast %gt3A_2616 : f32 to vector<16xf32>
    %gt3A_2618 = arith.cmpf ogt, %max3A_2611, %gt3A_2617 : vector<16xf32>
    %gt3A_2619 = arith.constant 0.000000e+00 : f32
    %gt3A_2620 = vector.broadcast %gt3A_2619 : f32 to vector<16xf32>
    %gt3A_2621 = arith.cmpf ogt, %get3A_2615, %gt3A_2620 : vector<16xf32>
    %select_n3A_2622 = arith.select %gt3A_2621, %gather3A_48, %gather3A : vector<16xi1>, vector<16xi32>
    %select_n3A_2623 = arith.select %gt3A_2618, %broadcast_in_dim3A_44, %select_n3A_2622 : vector<16xi1>, vector<16xi32>
    %swap3A_2624 = arith.constant 352 : index
    %swap3A_2625 = tpu.vector_load %arg10[%swap3A_2624] {strides = array<i32>} : memref<512xi32, #tpu.memory_space<vmem>>, vector<16xi32>,
    tpu.vector_store %arg10[%swap3A_2624], %select_n3A_2623 {strides = array<i32>} : memref<512xi32, #tpu.memory_space<vmem>>, vector<16xi32>,
    %get3A_2626 = arith.constant 0 : i32
    %get3A_2627 = arith.index_cast %get3A_2626 : i32 to index
    %get3A_2628 = arith.constant 368 : index
    %get3A_2629 = tpu.vector_load %arg6[%get3A_2627, %get3A_2628] {strides = array<i32>} : memref<20x512xf32, #tpu.memory_space<vmem>>, vector<16xf32>,
    %get3A_2630 = arith.constant 1 : i32
    %get3A_2631 = arith.index_cast %get3A_2630 : i32 to index
    %get3A_2632 = arith.constant 368 : index
    %get3A_2633 = tpu.vector_load %arg6[%get3A_2631, %get3A_2632] {strides = array<i32>} : memref<20x512xf32, #tpu.memory_space<vmem>>, vector<16xf32>,
    %get3A_2634 = arith.constant 2 : i32
    %get3A_2635 = arith.index_cast %get3A_2634 : i32 to index
    %get3A_2636 = arith.constant 368 : index
    %get3A_2637 = tpu.vector_load %arg6[%get3A_2635, %get3A_2636] {strides = array<i32>} : memref<20x512xf32, #tpu.memory_space<vmem>>, vector<16xf32>,
    %get3A_2638 = arith.constant 3 : i32
    %get3A_2639 = arith.index_cast %get3A_2638 : i32 to index
    %get3A_2640 = arith.constant 368 : index
    %get3A_2641 = tpu.vector_load %arg6[%get3A_2639, %get3A_2640] {strides = array<i32>} : memref<20x512xf32, #tpu.memory_space<vmem>>, vector<16xf32>,
    %get3A_2642 = arith.constant 4 : i32
    %get3A_2643 = arith.index_cast %get3A_2642 : i32 to index
    %get3A_2644 = arith.constant 368 : index
    %get3A_2645 = tpu.vector_load %arg6[%get3A_2643, %get3A_2644] {strides = array<i32>} : memref<20x512xf32, #tpu.memory_space<vmem>>, vector<16xf32>,
    %get3A_2646 = arith.constant 5 : i32
    %get3A_2647 = arith.index_cast %get3A_2646 : i32 to index
    %get3A_2648 = arith.constant 368 : index
    %get3A_2649 = tpu.vector_load %arg6[%get3A_2647, %get3A_2648] {strides = array<i32>} : memref<20x512xf32, #tpu.memory_space<vmem>>, vector<16xf32>,
    %get3A_2650 = arith.constant 6 : i32
    %get3A_2651 = arith.index_cast %get3A_2650 : i32 to index
    %get3A_2652 = arith.constant 368 : index
    %get3A_2653 = tpu.vector_load %arg6[%get3A_2651, %get3A_2652] {strides = array<i32>} : memref<20x512xf32, #tpu.memory_space<vmem>>, vector<16xf32>,
    %get3A_2654 = arith.constant 7 : i32
    %get3A_2655 = arith.index_cast %get3A_2654 : i32 to index
    %get3A_2656 = arith.constant 368 : index
    %get3A_2657 = tpu.vector_load %arg6[%get3A_2655, %get3A_2656] {strides = array<i32>} : memref<20x512xf32, #tpu.memory_space<vmem>>, vector<16xf32>,
    %get3A_2658 = arith.constant 8 : i32
    %get3A_2659 = arith.index_cast %get3A_2658 : i32 to index
    %get3A_2660 = arith.constant 368 : index
    %get3A_2661 = tpu.vector_load %arg6[%get3A_2659, %get3A_2660] {strides = array<i32>} : memref<20x512xf32, #tpu.memory_space<vmem>>, vector<16xf32>,
    %get3A_2662 = arith.constant 9 : i32
    %get3A_2663 = arith.index_cast %get3A_2662 : i32 to index
    %get3A_2664 = arith.constant 368 : index
    %get3A_2665 = tpu.vector_load %arg6[%get3A_2663, %get3A_2664] {strides = array<i32>} : memref<20x512xf32, #tpu.memory_space<vmem>>, vector<16xf32>,
    %get3A_2666 = arith.constant 10 : i32
    %get3A_2667 = arith.index_cast %get3A_2666 : i32 to index
    %get3A_2668 = arith.constant 368 : index
    %get3A_2669 = tpu.vector_load %arg6[%get3A_2667, %get3A_2668] {strides = array<i32>} : memref<20x512xf32, #tpu.memory_space<vmem>>, vector<16xf32>,
    %get3A_2670 = arith.constant 11 : i32
    %get3A_2671 = arith.index_cast %get3A_2670 : i32 to index
    %get3A_2672 = arith.constant 368 : index
    %get3A_2673 = tpu.vector_load %arg6[%get3A_2671, %get3A_2672] {strides = array<i32>} : memref<20x512xf32, #tpu.memory_space<vmem>>, vector<16xf32>,
    %get3A_2674 = arith.constant 12 : i32
    %get3A_2675 = arith.index_cast %get3A_2674 : i32 to index
    %get3A_2676 = arith.constant 368 : index
    %get3A_2677 = tpu.vector_load %arg6[%get3A_2675, %get3A_2676] {strides = array<i32>} : memref<20x512xf32, #tpu.memory_space<vmem>>, vector<16xf32>,
    %get3A_2678 = arith.constant 13 : i32
    %get3A_2679 = arith.index_cast %get3A_2678 : i32 to index
    %get3A_2680 = arith.constant 368 : index
    %get3A_2681 = tpu.vector_load %arg6[%get3A_2679, %get3A_2680] {strides = array<i32>} : memref<20x512xf32, #tpu.memory_space<vmem>>, vector<16xf32>,
    %get3A_2682 = arith.constant 14 : i32
    %get3A_2683 = arith.index_cast %get3A_2682 : i32 to index
    %get3A_2684 = arith.constant 368 : index
    %get3A_2685 = tpu.vector_load %arg6[%get3A_2683, %get3A_2684] {strides = array<i32>} : memref<20x512xf32, #tpu.memory_space<vmem>>, vector<16xf32>,
    %get3A_2686 = arith.constant 15 : i32
    %get3A_2687 = arith.index_cast %get3A_2686 : i32 to index
    %get3A_2688 = arith.constant 368 : index
    %get3A_2689 = tpu.vector_load %arg6[%get3A_2687, %get3A_2688] {strides = array<i32>} : memref<20x512xf32, #tpu.memory_space<vmem>>, vector<16xf32>,
    %get3A_2690 = arith.constant 16 : i32
    %get3A_2691 = arith.index_cast %get3A_2690 : i32 to index
    %get3A_2692 = arith.constant 368 : index
    %get3A_2693 = tpu.vector_load %arg6[%get3A_2691, %get3A_2692] {strides = array<i32>} : memref<20x512xf32, #tpu.memory_space<vmem>>, vector<16xf32>,
    %get3A_2694 = arith.constant 17 : i32
    %get3A_2695 = arith.index_cast %get3A_2694 : i32 to index
    %get3A_2696 = arith.constant 368 : index
    %get3A_2697 = tpu.vector_load %arg6[%get3A_2695, %get3A_2696] {strides = array<i32>} : memref<20x512xf32, #tpu.memory_space<vmem>>, vector<16xf32>,
    %get3A_2698 = arith.constant 18 : i32
    %get3A_2699 = arith.index_cast %get3A_2698 : i32 to index
    %get3A_2700 = arith.constant 368 : index
    %get3A_2701 = tpu.vector_load %arg6[%get3A_2699, %get3A_2700] {strides = array<i32>} : memref<20x512xf32, #tpu.memory_space<vmem>>, vector<16xf32>,
    %max3A_2702 = arith.maximumf %get3A_2629, %get3A_2633 : vector<16xf32>
    %max3A_2703 = arith.maximumf %get3A_2637, %get3A_2641 : vector<16xf32>
    %max3A_2704 = arith.maximumf %get3A_2645, %get3A_2649 : vector<16xf32>
    %max3A_2705 = arith.maximumf %get3A_2653, %get3A_2657 : vector<16xf32>
    %max3A_2706 = arith.maximumf %get3A_2661, %get3A_2665 : vector<16xf32>
    %max3A_2707 = arith.maximumf %get3A_2669, %get3A_2673 : vector<16xf32>
    %max3A_2708 = arith.maximumf %get3A_2677, %get3A_2681 : vector<16xf32>
    %max3A_2709 = arith.maximumf %get3A_2685, %get3A_2689 : vector<16xf32>
    %max3A_2710 = arith.maximumf %get3A_2693, %get3A_2697 : vector<16xf32>
    %max3A_2711 = arith.maximumf %max3A_2702, %max3A_2703 : vector<16xf32>
    %max3A_2712 = arith.maximumf %max3A_2704, %max3A_2705 : vector<16xf32>
    %max3A_2713 = arith.maximumf %max3A_2706, %max3A_2707 : vector<16xf32>
    %max3A_2714 = arith.maximumf %max3A_2708, %max3A_2709 : vector<16xf32>
    %max3A_2715 = arith.maximumf %max3A_2710, %get3A_2701 : vector<16xf32>
    %max3A_2716 = arith.maximumf %max3A_2711, %max3A_2712 : vector<16xf32>
    %max3A_2717 = arith.maximumf %max3A_2713, %max3A_2714 : vector<16xf32>
    %max3A_2718 = arith.maximumf %max3A_2716, %max3A_2717 : vector<16xf32>
    %max3A_2719 = arith.maximumf %max3A_2718, %max3A_2715 : vector<16xf32>
    %get3A_2720 = arith.constant 19 : i32
    %get3A_2721 = arith.index_cast %get3A_2720 : i32 to index
    %get3A_2722 = arith.constant 368 : index
    %get3A_2723 = tpu.vector_load %arg6[%get3A_2721, %get3A_2722] {strides = array<i32>} : memref<20x512xf32, #tpu.memory_space<vmem>>, vector<16xf32>,
    %gt3A_2724 = arith.constant 0.000000e+00 : f32
    %gt3A_2725 = vector.broadcast %gt3A_2724 : f32 to vector<16xf32>
    %gt3A_2726 = arith.cmpf ogt, %max3A_2719, %gt3A_2725 : vector<16xf32>
    %gt3A_2727 = arith.constant 0.000000e+00 : f32
    %gt3A_2728 = vector.broadcast %gt3A_2727 : f32 to vector<16xf32>
    %gt3A_2729 = arith.cmpf ogt, %get3A_2723, %gt3A_2728 : vector<16xf32>
    %select_n3A_2730 = arith.select %gt3A_2729, %gather3A_48, %gather3A : vector<16xi1>, vector<16xi32>
    %select_n3A_2731 = arith.select %gt3A_2726, %broadcast_in_dim3A_44, %select_n3A_2730 : vector<16xi1>, vector<16xi32>
    %swap3A_2732 = arith.constant 368 : index
    %swap3A_2733 = tpu.vector_load %arg10[%swap3A_2732] {strides = array<i32>} : memref<512xi32, #tpu.memory_space<vmem>>, vector<16xi32>,
    tpu.vector_store %arg10[%swap3A_2732], %select_n3A_2731 {strides = array<i32>} : memref<512xi32, #tpu.memory_space<vmem>>, vector<16xi32>,
    %add3A_2734 = arith.constant 256 : i32
    %add3A_2735 = arith.addi %mul3A_2, %add3A_2734 : i32
    %dma_start3A_2736 = arith.constant 256 : i32
    %dma_start3A_2737 = tpu.memref_slice %arg10[%dma_start3A_2736] : memref<512xi32, #tpu.memory_space<vmem>> -> memref<128xi32, #tpu.memory_space<vmem>>
    %dma_start3A_2738 = tpu.memref_slice %arg5[%add3A_2735] : memref<16384xi32, #tpu.memory_space<hbm>> -> memref<128xi32, #tpu.memory_space<hbm>>
    %dma_start3A_2739 = tpu.memref_slice %arg5[%add3A_2735] : memref<16384xi32, #tpu.memory_space<hbm>> -> memref<128xi32, #tpu.memory_space<hbm>>
    %dma_start3A_2740 = arith.constant 256 : i32
    %dma_start3A_2741 = tpu.memref_slice %arg10[%dma_start3A_2740] : memref<512xi32, #tpu.memory_space<vmem>> -> memref<128xi32, #tpu.memory_space<vmem>>
    tpu.enqueue_dma source(%dma_start3A_2741 : memref<128xi32, #tpu.memory_space<vmem>>) target(%dma_start3A_2739 : memref<128xi32, #tpu.memory_space<hbm>>) target_semaphore(%arg13 : memref<!tpu.dma_semaphore, #tpu.memory_space<semaphore_mem>>)
    %dma_wait3A_2742 = arith.constant 0 : i32
    %dma_wait3A_2743 = arith.constant 384 : i32
    %dma_wait3A_2744 = tpu.memref_slice %arg6[%dma_wait3A_2742, %dma_wait3A_2743] : memref<20x512xf32, #tpu.memory_space<vmem>> -> memref<20x128xf32, #tpu.memory_space<vmem>>
    %dma_wait3A_2745 = arith.constant 0 : i32
    %dma_wait3A_2746 = tpu.memref_slice %arg7[%dma_wait3A_2745] : memref<24xi32, #tpu.memory_space<vmem>> -> memref<20xi32, #tpu.memory_space<vmem>>
    %dma_wait3A_2747 = arith.constant 0 : i32
    %dma_wait3A_2748 = tpu.memref_slice %arg2[%dma_wait3A_2747, %add3A_99] : memref<100x16384xf32, #tpu.memory_space<hbm>> -> memref<100x128xf32, #tpu.memory_space<hbm>>
    tpu.wait_indirect_dma semaphore(%arg12 : memref<!tpu.dma_semaphore, #tpu.memory_space<semaphore_mem>>) src(%dma_wait3A_2748 : memref<100x128xf32, #tpu.memory_space<hbm>>) dst(%dma_wait3A_2744 : memref<20x128xf32, #tpu.memory_space<vmem>>)
    %get3A_2749 = arith.constant 0 : i32
    %get3A_2750 = arith.index_cast %get3A_2749 : i32 to index
    %get3A_2751 = arith.constant 384 : index
    %get3A_2752 = tpu.vector_load %arg6[%get3A_2750, %get3A_2751] {strides = array<i32>} : memref<20x512xf32, #tpu.memory_space<vmem>>, vector<16xf32>,
    %get3A_2753 = arith.constant 1 : i32
    %get3A_2754 = arith.index_cast %get3A_2753 : i32 to index
    %get3A_2755 = arith.constant 384 : index
    %get3A_2756 = tpu.vector_load %arg6[%get3A_2754, %get3A_2755] {strides = array<i32>} : memref<20x512xf32, #tpu.memory_space<vmem>>, vector<16xf32>,
    %get3A_2757 = arith.constant 2 : i32
    %get3A_2758 = arith.index_cast %get3A_2757 : i32 to index
    %get3A_2759 = arith.constant 384 : index
    %get3A_2760 = tpu.vector_load %arg6[%get3A_2758, %get3A_2759] {strides = array<i32>} : memref<20x512xf32, #tpu.memory_space<vmem>>, vector<16xf32>,
    %get3A_2761 = arith.constant 3 : i32
    %get3A_2762 = arith.index_cast %get3A_2761 : i32 to index
    %get3A_2763 = arith.constant 384 : index
    %get3A_2764 = tpu.vector_load %arg6[%get3A_2762, %get3A_2763] {strides = array<i32>} : memref<20x512xf32, #tpu.memory_space<vmem>>, vector<16xf32>,
    %get3A_2765 = arith.constant 4 : i32
    %get3A_2766 = arith.index_cast %get3A_2765 : i32 to index
    %get3A_2767 = arith.constant 384 : index
    %get3A_2768 = tpu.vector_load %arg6[%get3A_2766, %get3A_2767] {strides = array<i32>} : memref<20x512xf32, #tpu.memory_space<vmem>>, vector<16xf32>,
    %get3A_2769 = arith.constant 5 : i32
    %get3A_2770 = arith.index_cast %get3A_2769 : i32 to index
    %get3A_2771 = arith.constant 384 : index
    %get3A_2772 = tpu.vector_load %arg6[%get3A_2770, %get3A_2771] {strides = array<i32>} : memref<20x512xf32, #tpu.memory_space<vmem>>, vector<16xf32>,
    %get3A_2773 = arith.constant 6 : i32
    %get3A_2774 = arith.index_cast %get3A_2773 : i32 to index
    %get3A_2775 = arith.constant 384 : index
    %get3A_2776 = tpu.vector_load %arg6[%get3A_2774, %get3A_2775] {strides = array<i32>} : memref<20x512xf32, #tpu.memory_space<vmem>>, vector<16xf32>,
    %get3A_2777 = arith.constant 7 : i32
    %get3A_2778 = arith.index_cast %get3A_2777 : i32 to index
    %get3A_2779 = arith.constant 384 : index
    %get3A_2780 = tpu.vector_load %arg6[%get3A_2778, %get3A_2779] {strides = array<i32>} : memref<20x512xf32, #tpu.memory_space<vmem>>, vector<16xf32>,
    %get3A_2781 = arith.constant 8 : i32
    %get3A_2782 = arith.index_cast %get3A_2781 : i32 to index
    %get3A_2783 = arith.constant 384 : index
    %get3A_2784 = tpu.vector_load %arg6[%get3A_2782, %get3A_2783] {strides = array<i32>} : memref<20x512xf32, #tpu.memory_space<vmem>>, vector<16xf32>,
    %get3A_2785 = arith.constant 9 : i32
    %get3A_2786 = arith.index_cast %get3A_2785 : i32 to index
    %get3A_2787 = arith.constant 384 : index
    %get3A_2788 = tpu.vector_load %arg6[%get3A_2786, %get3A_2787] {strides = array<i32>} : memref<20x512xf32, #tpu.memory_space<vmem>>, vector<16xf32>,
    %get3A_2789 = arith.constant 10 : i32
    %get3A_2790 = arith.index_cast %get3A_2789 : i32 to index
    %get3A_2791 = arith.constant 384 : index
    %get3A_2792 = tpu.vector_load %arg6[%get3A_2790, %get3A_2791] {strides = array<i32>} : memref<20x512xf32, #tpu.memory_space<vmem>>, vector<16xf32>,
    %get3A_2793 = arith.constant 11 : i32
    %get3A_2794 = arith.index_cast %get3A_2793 : i32 to index
    %get3A_2795 = arith.constant 384 : index
    %get3A_2796 = tpu.vector_load %arg6[%get3A_2794, %get3A_2795] {strides = array<i32>} : memref<20x512xf32, #tpu.memory_space<vmem>>, vector<16xf32>,
    %get3A_2797 = arith.constant 12 : i32
    %get3A_2798 = arith.index_cast %get3A_2797 : i32 to index
    %get3A_2799 = arith.constant 384 : index
    %get3A_2800 = tpu.vector_load %arg6[%get3A_2798, %get3A_2799] {strides = array<i32>} : memref<20x512xf32, #tpu.memory_space<vmem>>, vector<16xf32>,
    %get3A_2801 = arith.constant 13 : i32
    %get3A_2802 = arith.index_cast %get3A_2801 : i32 to index
    %get3A_2803 = arith.constant 384 : index
    %get3A_2804 = tpu.vector_load %arg6[%get3A_2802, %get3A_2803] {strides = array<i32>} : memref<20x512xf32, #tpu.memory_space<vmem>>, vector<16xf32>,
    %get3A_2805 = arith.constant 14 : i32
    %get3A_2806 = arith.index_cast %get3A_2805 : i32 to index
    %get3A_2807 = arith.constant 384 : index
    %get3A_2808 = tpu.vector_load %arg6[%get3A_2806, %get3A_2807] {strides = array<i32>} : memref<20x512xf32, #tpu.memory_space<vmem>>, vector<16xf32>,
    %get3A_2809 = arith.constant 15 : i32
    %get3A_2810 = arith.index_cast %get3A_2809 : i32 to index
    %get3A_2811 = arith.constant 384 : index
    %get3A_2812 = tpu.vector_load %arg6[%get3A_2810, %get3A_2811] {strides = array<i32>} : memref<20x512xf32, #tpu.memory_space<vmem>>, vector<16xf32>,
    %get3A_2813 = arith.constant 16 : i32
    %get3A_2814 = arith.index_cast %get3A_2813 : i32 to index
    %get3A_2815 = arith.constant 384 : index
    %get3A_2816 = tpu.vector_load %arg6[%get3A_2814, %get3A_2815] {strides = array<i32>} : memref<20x512xf32, #tpu.memory_space<vmem>>, vector<16xf32>,
    %get3A_2817 = arith.constant 17 : i32
    %get3A_2818 = arith.index_cast %get3A_2817 : i32 to index
    %get3A_2819 = arith.constant 384 : index
    %get3A_2820 = tpu.vector_load %arg6[%get3A_2818, %get3A_2819] {strides = array<i32>} : memref<20x512xf32, #tpu.memory_space<vmem>>, vector<16xf32>,
    %get3A_2821 = arith.constant 18 : i32
    %get3A_2822 = arith.index_cast %get3A_2821 : i32 to index
    %get3A_2823 = arith.constant 384 : index
    %get3A_2824 = tpu.vector_load %arg6[%get3A_2822, %get3A_2823] {strides = array<i32>} : memref<20x512xf32, #tpu.memory_space<vmem>>, vector<16xf32>,
    %max3A_2825 = arith.maximumf %get3A_2752, %get3A_2756 : vector<16xf32>
    %max3A_2826 = arith.maximumf %get3A_2760, %get3A_2764 : vector<16xf32>
    %max3A_2827 = arith.maximumf %get3A_2768, %get3A_2772 : vector<16xf32>
    %max3A_2828 = arith.maximumf %get3A_2776, %get3A_2780 : vector<16xf32>
    %max3A_2829 = arith.maximumf %get3A_2784, %get3A_2788 : vector<16xf32>
    %max3A_2830 = arith.maximumf %get3A_2792, %get3A_2796 : vector<16xf32>
    %max3A_2831 = arith.maximumf %get3A_2800, %get3A_2804 : vector<16xf32>
    %max3A_2832 = arith.maximumf %get3A_2808, %get3A_2812 : vector<16xf32>
    %max3A_2833 = arith.maximumf %get3A_2816, %get3A_2820 : vector<16xf32>
    %max3A_2834 = arith.maximumf %max3A_2825, %max3A_2826 : vector<16xf32>
    %max3A_2835 = arith.maximumf %max3A_2827, %max3A_2828 : vector<16xf32>
    %max3A_2836 = arith.maximumf %max3A_2829, %max3A_2830 : vector<16xf32>
    %max3A_2837 = arith.maximumf %max3A_2831, %max3A_2832 : vector<16xf32>
    %max3A_2838 = arith.maximumf %max3A_2833, %get3A_2824 : vector<16xf32>
    %max3A_2839 = arith.maximumf %max3A_2834, %max3A_2835 : vector<16xf32>
    %max3A_2840 = arith.maximumf %max3A_2836, %max3A_2837 : vector<16xf32>
    %max3A_2841 = arith.maximumf %max3A_2839, %max3A_2840 : vector<16xf32>
    %max3A_2842 = arith.maximumf %max3A_2841, %max3A_2838 : vector<16xf32>
    %get3A_2843 = arith.constant 19 : i32
    %get3A_2844 = arith.index_cast %get3A_2843 : i32 to index
    %get3A_2845 = arith.constant 384 : index
    %get3A_2846 = tpu.vector_load %arg6[%get3A_2844, %get3A_2845] {strides = array<i32>} : memref<20x512xf32, #tpu.memory_space<vmem>>, vector<16xf32>,
    %gt3A_2847 = arith.constant 0.000000e+00 : f32
    %gt3A_2848 = vector.broadcast %gt3A_2847 : f32 to vector<16xf32>
    %gt3A_2849 = arith.cmpf ogt, %max3A_2842, %gt3A_2848 : vector<16xf32>
    %gt3A_2850 = arith.constant 0.000000e+00 : f32
    %gt3A_2851 = vector.broadcast %gt3A_2850 : f32 to vector<16xf32>
    %gt3A_2852 = arith.cmpf ogt, %get3A_2846, %gt3A_2851 : vector<16xf32>
    %select_n3A_2853 = arith.select %gt3A_2852, %gather3A_48, %gather3A : vector<16xi1>, vector<16xi32>
    %select_n3A_2854 = arith.select %gt3A_2849, %broadcast_in_dim3A_44, %select_n3A_2853 : vector<16xi1>, vector<16xi32>
    %swap3A_2855 = arith.constant 384 : index
    %swap3A_2856 = tpu.vector_load %arg10[%swap3A_2855] {strides = array<i32>} : memref<512xi32, #tpu.memory_space<vmem>>, vector<16xi32>,
    tpu.vector_store %arg10[%swap3A_2855], %select_n3A_2854 {strides = array<i32>} : memref<512xi32, #tpu.memory_space<vmem>>, vector<16xi32>,
    %get3A_2857 = arith.constant 0 : i32
    %get3A_2858 = arith.index_cast %get3A_2857 : i32 to index
    %get3A_2859 = arith.constant 400 : index
    %get3A_2860 = tpu.vector_load %arg6[%get3A_2858, %get3A_2859] {strides = array<i32>} : memref<20x512xf32, #tpu.memory_space<vmem>>, vector<16xf32>,
    %get3A_2861 = arith.constant 1 : i32
    %get3A_2862 = arith.index_cast %get3A_2861 : i32 to index
    %get3A_2863 = arith.constant 400 : index
    %get3A_2864 = tpu.vector_load %arg6[%get3A_2862, %get3A_2863] {strides = array<i32>} : memref<20x512xf32, #tpu.memory_space<vmem>>, vector<16xf32>,
    %get3A_2865 = arith.constant 2 : i32
    %get3A_2866 = arith.index_cast %get3A_2865 : i32 to index
    %get3A_2867 = arith.constant 400 : index
    %get3A_2868 = tpu.vector_load %arg6[%get3A_2866, %get3A_2867] {strides = array<i32>} : memref<20x512xf32, #tpu.memory_space<vmem>>, vector<16xf32>,
    %get3A_2869 = arith.constant 3 : i32
    %get3A_2870 = arith.index_cast %get3A_2869 : i32 to index
    %get3A_2871 = arith.constant 400 : index
    %get3A_2872 = tpu.vector_load %arg6[%get3A_2870, %get3A_2871] {strides = array<i32>} : memref<20x512xf32, #tpu.memory_space<vmem>>, vector<16xf32>,
    %get3A_2873 = arith.constant 4 : i32
    %get3A_2874 = arith.index_cast %get3A_2873 : i32 to index
    %get3A_2875 = arith.constant 400 : index
    %get3A_2876 = tpu.vector_load %arg6[%get3A_2874, %get3A_2875] {strides = array<i32>} : memref<20x512xf32, #tpu.memory_space<vmem>>, vector<16xf32>,
    %get3A_2877 = arith.constant 5 : i32
    %get3A_2878 = arith.index_cast %get3A_2877 : i32 to index
    %get3A_2879 = arith.constant 400 : index
    %get3A_2880 = tpu.vector_load %arg6[%get3A_2878, %get3A_2879] {strides = array<i32>} : memref<20x512xf32, #tpu.memory_space<vmem>>, vector<16xf32>,
    %get3A_2881 = arith.constant 6 : i32
    %get3A_2882 = arith.index_cast %get3A_2881 : i32 to index
    %get3A_2883 = arith.constant 400 : index
    %get3A_2884 = tpu.vector_load %arg6[%get3A_2882, %get3A_2883] {strides = array<i32>} : memref<20x512xf32, #tpu.memory_space<vmem>>, vector<16xf32>,
    %get3A_2885 = arith.constant 7 : i32
    %get3A_2886 = arith.index_cast %get3A_2885 : i32 to index
    %get3A_2887 = arith.constant 400 : index
    %get3A_2888 = tpu.vector_load %arg6[%get3A_2886, %get3A_2887] {strides = array<i32>} : memref<20x512xf32, #tpu.memory_space<vmem>>, vector<16xf32>,
    %get3A_2889 = arith.constant 8 : i32
    %get3A_2890 = arith.index_cast %get3A_2889 : i32 to index
    %get3A_2891 = arith.constant 400 : index
    %get3A_2892 = tpu.vector_load %arg6[%get3A_2890, %get3A_2891] {strides = array<i32>} : memref<20x512xf32, #tpu.memory_space<vmem>>, vector<16xf32>,
    %get3A_2893 = arith.constant 9 : i32
    %get3A_2894 = arith.index_cast %get3A_2893 : i32 to index
    %get3A_2895 = arith.constant 400 : index
    %get3A_2896 = tpu.vector_load %arg6[%get3A_2894, %get3A_2895] {strides = array<i32>} : memref<20x512xf32, #tpu.memory_space<vmem>>, vector<16xf32>,
    %get3A_2897 = arith.constant 10 : i32
    %get3A_2898 = arith.index_cast %get3A_2897 : i32 to index
    %get3A_2899 = arith.constant 400 : index
    %get3A_2900 = tpu.vector_load %arg6[%get3A_2898, %get3A_2899] {strides = array<i32>} : memref<20x512xf32, #tpu.memory_space<vmem>>, vector<16xf32>,
    %get3A_2901 = arith.constant 11 : i32
    %get3A_2902 = arith.index_cast %get3A_2901 : i32 to index
    %get3A_2903 = arith.constant 400 : index
    %get3A_2904 = tpu.vector_load %arg6[%get3A_2902, %get3A_2903] {strides = array<i32>} : memref<20x512xf32, #tpu.memory_space<vmem>>, vector<16xf32>,
    %get3A_2905 = arith.constant 12 : i32
    %get3A_2906 = arith.index_cast %get3A_2905 : i32 to index
    %get3A_2907 = arith.constant 400 : index
    %get3A_2908 = tpu.vector_load %arg6[%get3A_2906, %get3A_2907] {strides = array<i32>} : memref<20x512xf32, #tpu.memory_space<vmem>>, vector<16xf32>,
    %get3A_2909 = arith.constant 13 : i32
    %get3A_2910 = arith.index_cast %get3A_2909 : i32 to index
    %get3A_2911 = arith.constant 400 : index
    %get3A_2912 = tpu.vector_load %arg6[%get3A_2910, %get3A_2911] {strides = array<i32>} : memref<20x512xf32, #tpu.memory_space<vmem>>, vector<16xf32>,
    %get3A_2913 = arith.constant 14 : i32
    %get3A_2914 = arith.index_cast %get3A_2913 : i32 to index
    %get3A_2915 = arith.constant 400 : index
    %get3A_2916 = tpu.vector_load %arg6[%get3A_2914, %get3A_2915] {strides = array<i32>} : memref<20x512xf32, #tpu.memory_space<vmem>>, vector<16xf32>,
    %get3A_2917 = arith.constant 15 : i32
    %get3A_2918 = arith.index_cast %get3A_2917 : i32 to index
    %get3A_2919 = arith.constant 400 : index
    %get3A_2920 = tpu.vector_load %arg6[%get3A_2918, %get3A_2919] {strides = array<i32>} : memref<20x512xf32, #tpu.memory_space<vmem>>, vector<16xf32>,
    %get3A_2921 = arith.constant 16 : i32
    %get3A_2922 = arith.index_cast %get3A_2921 : i32 to index
    %get3A_2923 = arith.constant 400 : index
    %get3A_2924 = tpu.vector_load %arg6[%get3A_2922, %get3A_2923] {strides = array<i32>} : memref<20x512xf32, #tpu.memory_space<vmem>>, vector<16xf32>,
    %get3A_2925 = arith.constant 17 : i32
    %get3A_2926 = arith.index_cast %get3A_2925 : i32 to index
    %get3A_2927 = arith.constant 400 : index
    %get3A_2928 = tpu.vector_load %arg6[%get3A_2926, %get3A_2927] {strides = array<i32>} : memref<20x512xf32, #tpu.memory_space<vmem>>, vector<16xf32>,
    %get3A_2929 = arith.constant 18 : i32
    %get3A_2930 = arith.index_cast %get3A_2929 : i32 to index
    %get3A_2931 = arith.constant 400 : index
    %get3A_2932 = tpu.vector_load %arg6[%get3A_2930, %get3A_2931] {strides = array<i32>} : memref<20x512xf32, #tpu.memory_space<vmem>>, vector<16xf32>,
    %max3A_2933 = arith.maximumf %get3A_2860, %get3A_2864 : vector<16xf32>
    %max3A_2934 = arith.maximumf %get3A_2868, %get3A_2872 : vector<16xf32>
    %max3A_2935 = arith.maximumf %get3A_2876, %get3A_2880 : vector<16xf32>
    %max3A_2936 = arith.maximumf %get3A_2884, %get3A_2888 : vector<16xf32>
    %max3A_2937 = arith.maximumf %get3A_2892, %get3A_2896 : vector<16xf32>
    %max3A_2938 = arith.maximumf %get3A_2900, %get3A_2904 : vector<16xf32>
    %max3A_2939 = arith.maximumf %get3A_2908, %get3A_2912 : vector<16xf32>
    %max3A_2940 = arith.maximumf %get3A_2916, %get3A_2920 : vector<16xf32>
    %max3A_2941 = arith.maximumf %get3A_2924, %get3A_2928 : vector<16xf32>
    %max3A_2942 = arith.maximumf %max3A_2933, %max3A_2934 : vector<16xf32>
    %max3A_2943 = arith.maximumf %max3A_2935, %max3A_2936 : vector<16xf32>
    %max3A_2944 = arith.maximumf %max3A_2937, %max3A_2938 : vector<16xf32>
    %max3A_2945 = arith.maximumf %max3A_2939, %max3A_2940 : vector<16xf32>
    %max3A_2946 = arith.maximumf %max3A_2941, %get3A_2932 : vector<16xf32>
    %max3A_2947 = arith.maximumf %max3A_2942, %max3A_2943 : vector<16xf32>
    %max3A_2948 = arith.maximumf %max3A_2944, %max3A_2945 : vector<16xf32>
    %max3A_2949 = arith.maximumf %max3A_2947, %max3A_2948 : vector<16xf32>
    %max3A_2950 = arith.maximumf %max3A_2949, %max3A_2946 : vector<16xf32>
    %get3A_2951 = arith.constant 19 : i32
    %get3A_2952 = arith.index_cast %get3A_2951 : i32 to index
    %get3A_2953 = arith.constant 400 : index
    %get3A_2954 = tpu.vector_load %arg6[%get3A_2952, %get3A_2953] {strides = array<i32>} : memref<20x512xf32, #tpu.memory_space<vmem>>, vector<16xf32>,
    %gt3A_2955 = arith.constant 0.000000e+00 : f32
    %gt3A_2956 = vector.broadcast %gt3A_2955 : f32 to vector<16xf32>
    %gt3A_2957 = arith.cmpf ogt, %max3A_2950, %gt3A_2956 : vector<16xf32>
    %gt3A_2958 = arith.constant 0.000000e+00 : f32
    %gt3A_2959 = vector.broadcast %gt3A_2958 : f32 to vector<16xf32>
    %gt3A_2960 = arith.cmpf ogt, %get3A_2954, %gt3A_2959 : vector<16xf32>
    %select_n3A_2961 = arith.select %gt3A_2960, %gather3A_48, %gather3A : vector<16xi1>, vector<16xi32>
    %select_n3A_2962 = arith.select %gt3A_2957, %broadcast_in_dim3A_44, %select_n3A_2961 : vector<16xi1>, vector<16xi32>
    %swap3A_2963 = arith.constant 400 : index
    %swap3A_2964 = tpu.vector_load %arg10[%swap3A_2963] {strides = array<i32>} : memref<512xi32, #tpu.memory_space<vmem>>, vector<16xi32>,
    tpu.vector_store %arg10[%swap3A_2963], %select_n3A_2962 {strides = array<i32>} : memref<512xi32, #tpu.memory_space<vmem>>, vector<16xi32>,
    %get3A_2965 = arith.constant 0 : i32
    %get3A_2966 = arith.index_cast %get3A_2965 : i32 to index
    %get3A_2967 = arith.constant 416 : index
    %get3A_2968 = tpu.vector_load %arg6[%get3A_2966, %get3A_2967] {strides = array<i32>} : memref<20x512xf32, #tpu.memory_space<vmem>>, vector<16xf32>,
    %get3A_2969 = arith.constant 1 : i32
    %get3A_2970 = arith.index_cast %get3A_2969 : i32 to index
    %get3A_2971 = arith.constant 416 : index
    %get3A_2972 = tpu.vector_load %arg6[%get3A_2970, %get3A_2971] {strides = array<i32>} : memref<20x512xf32, #tpu.memory_space<vmem>>, vector<16xf32>,
    %get3A_2973 = arith.constant 2 : i32
    %get3A_2974 = arith.index_cast %get3A_2973 : i32 to index
    %get3A_2975 = arith.constant 416 : index
    %get3A_2976 = tpu.vector_load %arg6[%get3A_2974, %get3A_2975] {strides = array<i32>} : memref<20x512xf32, #tpu.memory_space<vmem>>, vector<16xf32>,
    %get3A_2977 = arith.constant 3 : i32
    %get3A_2978 = arith.index_cast %get3A_2977 : i32 to index
    %get3A_2979 = arith.constant 416 : index
    %get3A_2980 = tpu.vector_load %arg6[%get3A_2978, %get3A_2979] {strides = array<i32>} : memref<20x512xf32, #tpu.memory_space<vmem>>, vector<16xf32>,
    %get3A_2981 = arith.constant 4 : i32
    %get3A_2982 = arith.index_cast %get3A_2981 : i32 to index
    %get3A_2983 = arith.constant 416 : index
    %get3A_2984 = tpu.vector_load %arg6[%get3A_2982, %get3A_2983] {strides = array<i32>} : memref<20x512xf32, #tpu.memory_space<vmem>>, vector<16xf32>,
    %get3A_2985 = arith.constant 5 : i32
    %get3A_2986 = arith.index_cast %get3A_2985 : i32 to index
    %get3A_2987 = arith.constant 416 : index
    %get3A_2988 = tpu.vector_load %arg6[%get3A_2986, %get3A_2987] {strides = array<i32>} : memref<20x512xf32, #tpu.memory_space<vmem>>, vector<16xf32>,
    %get3A_2989 = arith.constant 6 : i32
    %get3A_2990 = arith.index_cast %get3A_2989 : i32 to index
    %get3A_2991 = arith.constant 416 : index
    %get3A_2992 = tpu.vector_load %arg6[%get3A_2990, %get3A_2991] {strides = array<i32>} : memref<20x512xf32, #tpu.memory_space<vmem>>, vector<16xf32>,
    %get3A_2993 = arith.constant 7 : i32
    %get3A_2994 = arith.index_cast %get3A_2993 : i32 to index
    %get3A_2995 = arith.constant 416 : index
    %get3A_2996 = tpu.vector_load %arg6[%get3A_2994, %get3A_2995] {strides = array<i32>} : memref<20x512xf32, #tpu.memory_space<vmem>>, vector<16xf32>,
    %get3A_2997 = arith.constant 8 : i32
    %get3A_2998 = arith.index_cast %get3A_2997 : i32 to index
    %get3A_2999 = arith.constant 416 : index
    %get3A_3000 = tpu.vector_load %arg6[%get3A_2998, %get3A_2999] {strides = array<i32>} : memref<20x512xf32, #tpu.memory_space<vmem>>, vector<16xf32>,
    %get3A_3001 = arith.constant 9 : i32
    %get3A_3002 = arith.index_cast %get3A_3001 : i32 to index
    %get3A_3003 = arith.constant 416 : index
    %get3A_3004 = tpu.vector_load %arg6[%get3A_3002, %get3A_3003] {strides = array<i32>} : memref<20x512xf32, #tpu.memory_space<vmem>>, vector<16xf32>,
    %get3A_3005 = arith.constant 10 : i32
    %get3A_3006 = arith.index_cast %get3A_3005 : i32 to index
    %get3A_3007 = arith.constant 416 : index
    %get3A_3008 = tpu.vector_load %arg6[%get3A_3006, %get3A_3007] {strides = array<i32>} : memref<20x512xf32, #tpu.memory_space<vmem>>, vector<16xf32>,
    %get3A_3009 = arith.constant 11 : i32
    %get3A_3010 = arith.index_cast %get3A_3009 : i32 to index
    %get3A_3011 = arith.constant 416 : index
    %get3A_3012 = tpu.vector_load %arg6[%get3A_3010, %get3A_3011] {strides = array<i32>} : memref<20x512xf32, #tpu.memory_space<vmem>>, vector<16xf32>,
    %get3A_3013 = arith.constant 12 : i32
    %get3A_3014 = arith.index_cast %get3A_3013 : i32 to index
    %get3A_3015 = arith.constant 416 : index
    %get3A_3016 = tpu.vector_load %arg6[%get3A_3014, %get3A_3015] {strides = array<i32>} : memref<20x512xf32, #tpu.memory_space<vmem>>, vector<16xf32>,
    %get3A_3017 = arith.constant 13 : i32
    %get3A_3018 = arith.index_cast %get3A_3017 : i32 to index
    %get3A_3019 = arith.constant 416 : index
    %get3A_3020 = tpu.vector_load %arg6[%get3A_3018, %get3A_3019] {strides = array<i32>} : memref<20x512xf32, #tpu.memory_space<vmem>>, vector<16xf32>,
    %get3A_3021 = arith.constant 14 : i32
    %get3A_3022 = arith.index_cast %get3A_3021 : i32 to index
    %get3A_3023 = arith.constant 416 : index
    %get3A_3024 = tpu.vector_load %arg6[%get3A_3022, %get3A_3023] {strides = array<i32>} : memref<20x512xf32, #tpu.memory_space<vmem>>, vector<16xf32>,
    %get3A_3025 = arith.constant 15 : i32
    %get3A_3026 = arith.index_cast %get3A_3025 : i32 to index
    %get3A_3027 = arith.constant 416 : index
    %get3A_3028 = tpu.vector_load %arg6[%get3A_3026, %get3A_3027] {strides = array<i32>} : memref<20x512xf32, #tpu.memory_space<vmem>>, vector<16xf32>,
    %get3A_3029 = arith.constant 16 : i32
    %get3A_3030 = arith.index_cast %get3A_3029 : i32 to index
    %get3A_3031 = arith.constant 416 : index
    %get3A_3032 = tpu.vector_load %arg6[%get3A_3030, %get3A_3031] {strides = array<i32>} : memref<20x512xf32, #tpu.memory_space<vmem>>, vector<16xf32>,
    %get3A_3033 = arith.constant 17 : i32
    %get3A_3034 = arith.index_cast %get3A_3033 : i32 to index
    %get3A_3035 = arith.constant 416 : index
    %get3A_3036 = tpu.vector_load %arg6[%get3A_3034, %get3A_3035] {strides = array<i32>} : memref<20x512xf32, #tpu.memory_space<vmem>>, vector<16xf32>,
    %get3A_3037 = arith.constant 18 : i32
    %get3A_3038 = arith.index_cast %get3A_3037 : i32 to index
    %get3A_3039 = arith.constant 416 : index
    %get3A_3040 = tpu.vector_load %arg6[%get3A_3038, %get3A_3039] {strides = array<i32>} : memref<20x512xf32, #tpu.memory_space<vmem>>, vector<16xf32>,
    %max3A_3041 = arith.maximumf %get3A_2968, %get3A_2972 : vector<16xf32>
    %max3A_3042 = arith.maximumf %get3A_2976, %get3A_2980 : vector<16xf32>
    %max3A_3043 = arith.maximumf %get3A_2984, %get3A_2988 : vector<16xf32>
    %max3A_3044 = arith.maximumf %get3A_2992, %get3A_2996 : vector<16xf32>
    %max3A_3045 = arith.maximumf %get3A_3000, %get3A_3004 : vector<16xf32>
    %max3A_3046 = arith.maximumf %get3A_3008, %get3A_3012 : vector<16xf32>
    %max3A_3047 = arith.maximumf %get3A_3016, %get3A_3020 : vector<16xf32>
    %max3A_3048 = arith.maximumf %get3A_3024, %get3A_3028 : vector<16xf32>
    %max3A_3049 = arith.maximumf %get3A_3032, %get3A_3036 : vector<16xf32>
    %max3A_3050 = arith.maximumf %max3A_3041, %max3A_3042 : vector<16xf32>
    %max3A_3051 = arith.maximumf %max3A_3043, %max3A_3044 : vector<16xf32>
    %max3A_3052 = arith.maximumf %max3A_3045, %max3A_3046 : vector<16xf32>
    %max3A_3053 = arith.maximumf %max3A_3047, %max3A_3048 : vector<16xf32>
    %max3A_3054 = arith.maximumf %max3A_3049, %get3A_3040 : vector<16xf32>
    %max3A_3055 = arith.maximumf %max3A_3050, %max3A_3051 : vector<16xf32>
    %max3A_3056 = arith.maximumf %max3A_3052, %max3A_3053 : vector<16xf32>
    %max3A_3057 = arith.maximumf %max3A_3055, %max3A_3056 : vector<16xf32>
    %max3A_3058 = arith.maximumf %max3A_3057, %max3A_3054 : vector<16xf32>
    %get3A_3059 = arith.constant 19 : i32
    %get3A_3060 = arith.index_cast %get3A_3059 : i32 to index
    %get3A_3061 = arith.constant 416 : index
    %get3A_3062 = tpu.vector_load %arg6[%get3A_3060, %get3A_3061] {strides = array<i32>} : memref<20x512xf32, #tpu.memory_space<vmem>>, vector<16xf32>,
    %gt3A_3063 = arith.constant 0.000000e+00 : f32
    %gt3A_3064 = vector.broadcast %gt3A_3063 : f32 to vector<16xf32>
    %gt3A_3065 = arith.cmpf ogt, %max3A_3058, %gt3A_3064 : vector<16xf32>
    %gt3A_3066 = arith.constant 0.000000e+00 : f32
    %gt3A_3067 = vector.broadcast %gt3A_3066 : f32 to vector<16xf32>
    %gt3A_3068 = arith.cmpf ogt, %get3A_3062, %gt3A_3067 : vector<16xf32>
    %select_n3A_3069 = arith.select %gt3A_3068, %gather3A_48, %gather3A : vector<16xi1>, vector<16xi32>
    %select_n3A_3070 = arith.select %gt3A_3065, %broadcast_in_dim3A_44, %select_n3A_3069 : vector<16xi1>, vector<16xi32>
    %swap3A_3071 = arith.constant 416 : index
    %swap3A_3072 = tpu.vector_load %arg10[%swap3A_3071] {strides = array<i32>} : memref<512xi32, #tpu.memory_space<vmem>>, vector<16xi32>,
    tpu.vector_store %arg10[%swap3A_3071], %select_n3A_3070 {strides = array<i32>} : memref<512xi32, #tpu.memory_space<vmem>>, vector<16xi32>,
    %get3A_3073 = arith.constant 0 : i32
    %get3A_3074 = arith.index_cast %get3A_3073 : i32 to index
    %get3A_3075 = arith.constant 432 : index
    %get3A_3076 = tpu.vector_load %arg6[%get3A_3074, %get3A_3075] {strides = array<i32>} : memref<20x512xf32, #tpu.memory_space<vmem>>, vector<16xf32>,
    %get3A_3077 = arith.constant 1 : i32
    %get3A_3078 = arith.index_cast %get3A_3077 : i32 to index
    %get3A_3079 = arith.constant 432 : index
    %get3A_3080 = tpu.vector_load %arg6[%get3A_3078, %get3A_3079] {strides = array<i32>} : memref<20x512xf32, #tpu.memory_space<vmem>>, vector<16xf32>,
    %get3A_3081 = arith.constant 2 : i32
    %get3A_3082 = arith.index_cast %get3A_3081 : i32 to index
    %get3A_3083 = arith.constant 432 : index
    %get3A_3084 = tpu.vector_load %arg6[%get3A_3082, %get3A_3083] {strides = array<i32>} : memref<20x512xf32, #tpu.memory_space<vmem>>, vector<16xf32>,
    %get3A_3085 = arith.constant 3 : i32
    %get3A_3086 = arith.index_cast %get3A_3085 : i32 to index
    %get3A_3087 = arith.constant 432 : index
    %get3A_3088 = tpu.vector_load %arg6[%get3A_3086, %get3A_3087] {strides = array<i32>} : memref<20x512xf32, #tpu.memory_space<vmem>>, vector<16xf32>,
    %get3A_3089 = arith.constant 4 : i32
    %get3A_3090 = arith.index_cast %get3A_3089 : i32 to index
    %get3A_3091 = arith.constant 432 : index
    %get3A_3092 = tpu.vector_load %arg6[%get3A_3090, %get3A_3091] {strides = array<i32>} : memref<20x512xf32, #tpu.memory_space<vmem>>, vector<16xf32>,
    %get3A_3093 = arith.constant 5 : i32
    %get3A_3094 = arith.index_cast %get3A_3093 : i32 to index
    %get3A_3095 = arith.constant 432 : index
    %get3A_3096 = tpu.vector_load %arg6[%get3A_3094, %get3A_3095] {strides = array<i32>} : memref<20x512xf32, #tpu.memory_space<vmem>>, vector<16xf32>,
    %get3A_3097 = arith.constant 6 : i32
    %get3A_3098 = arith.index_cast %get3A_3097 : i32 to index
    %get3A_3099 = arith.constant 432 : index
    %get3A_3100 = tpu.vector_load %arg6[%get3A_3098, %get3A_3099] {strides = array<i32>} : memref<20x512xf32, #tpu.memory_space<vmem>>, vector<16xf32>,
    %get3A_3101 = arith.constant 7 : i32
    %get3A_3102 = arith.index_cast %get3A_3101 : i32 to index
    %get3A_3103 = arith.constant 432 : index
    %get3A_3104 = tpu.vector_load %arg6[%get3A_3102, %get3A_3103] {strides = array<i32>} : memref<20x512xf32, #tpu.memory_space<vmem>>, vector<16xf32>,
    %get3A_3105 = arith.constant 8 : i32
    %get3A_3106 = arith.index_cast %get3A_3105 : i32 to index
    %get3A_3107 = arith.constant 432 : index
    %get3A_3108 = tpu.vector_load %arg6[%get3A_3106, %get3A_3107] {strides = array<i32>} : memref<20x512xf32, #tpu.memory_space<vmem>>, vector<16xf32>,
    %get3A_3109 = arith.constant 9 : i32
    %get3A_3110 = arith.index_cast %get3A_3109 : i32 to index
    %get3A_3111 = arith.constant 432 : index
    %get3A_3112 = tpu.vector_load %arg6[%get3A_3110, %get3A_3111] {strides = array<i32>} : memref<20x512xf32, #tpu.memory_space<vmem>>, vector<16xf32>,
    %get3A_3113 = arith.constant 10 : i32
    %get3A_3114 = arith.index_cast %get3A_3113 : i32 to index
    %get3A_3115 = arith.constant 432 : index
    %get3A_3116 = tpu.vector_load %arg6[%get3A_3114, %get3A_3115] {strides = array<i32>} : memref<20x512xf32, #tpu.memory_space<vmem>>, vector<16xf32>,
    %get3A_3117 = arith.constant 11 : i32
    %get3A_3118 = arith.index_cast %get3A_3117 : i32 to index
    %get3A_3119 = arith.constant 432 : index
    %get3A_3120 = tpu.vector_load %arg6[%get3A_3118, %get3A_3119] {strides = array<i32>} : memref<20x512xf32, #tpu.memory_space<vmem>>, vector<16xf32>,
    %get3A_3121 = arith.constant 12 : i32
    %get3A_3122 = arith.index_cast %get3A_3121 : i32 to index
    %get3A_3123 = arith.constant 432 : index
    %get3A_3124 = tpu.vector_load %arg6[%get3A_3122, %get3A_3123] {strides = array<i32>} : memref<20x512xf32, #tpu.memory_space<vmem>>, vector<16xf32>,
    %get3A_3125 = arith.constant 13 : i32
    %get3A_3126 = arith.index_cast %get3A_3125 : i32 to index
    %get3A_3127 = arith.constant 432 : index
    %get3A_3128 = tpu.vector_load %arg6[%get3A_3126, %get3A_3127] {strides = array<i32>} : memref<20x512xf32, #tpu.memory_space<vmem>>, vector<16xf32>,
    %get3A_3129 = arith.constant 14 : i32
    %get3A_3130 = arith.index_cast %get3A_3129 : i32 to index
    %get3A_3131 = arith.constant 432 : index
    %get3A_3132 = tpu.vector_load %arg6[%get3A_3130, %get3A_3131] {strides = array<i32>} : memref<20x512xf32, #tpu.memory_space<vmem>>, vector<16xf32>,
    %get3A_3133 = arith.constant 15 : i32
    %get3A_3134 = arith.index_cast %get3A_3133 : i32 to index
    %get3A_3135 = arith.constant 432 : index
    %get3A_3136 = tpu.vector_load %arg6[%get3A_3134, %get3A_3135] {strides = array<i32>} : memref<20x512xf32, #tpu.memory_space<vmem>>, vector<16xf32>,
    %get3A_3137 = arith.constant 16 : i32
    %get3A_3138 = arith.index_cast %get3A_3137 : i32 to index
    %get3A_3139 = arith.constant 432 : index
    %get3A_3140 = tpu.vector_load %arg6[%get3A_3138, %get3A_3139] {strides = array<i32>} : memref<20x512xf32, #tpu.memory_space<vmem>>, vector<16xf32>,
    %get3A_3141 = arith.constant 17 : i32
    %get3A_3142 = arith.index_cast %get3A_3141 : i32 to index
    %get3A_3143 = arith.constant 432 : index
    %get3A_3144 = tpu.vector_load %arg6[%get3A_3142, %get3A_3143] {strides = array<i32>} : memref<20x512xf32, #tpu.memory_space<vmem>>, vector<16xf32>,
    %get3A_3145 = arith.constant 18 : i32
    %get3A_3146 = arith.index_cast %get3A_3145 : i32 to index
    %get3A_3147 = arith.constant 432 : index
    %get3A_3148 = tpu.vector_load %arg6[%get3A_3146, %get3A_3147] {strides = array<i32>} : memref<20x512xf32, #tpu.memory_space<vmem>>, vector<16xf32>,
    %max3A_3149 = arith.maximumf %get3A_3076, %get3A_3080 : vector<16xf32>
    %max3A_3150 = arith.maximumf %get3A_3084, %get3A_3088 : vector<16xf32>
    %max3A_3151 = arith.maximumf %get3A_3092, %get3A_3096 : vector<16xf32>
    %max3A_3152 = arith.maximumf %get3A_3100, %get3A_3104 : vector<16xf32>
    %max3A_3153 = arith.maximumf %get3A_3108, %get3A_3112 : vector<16xf32>
    %max3A_3154 = arith.maximumf %get3A_3116, %get3A_3120 : vector<16xf32>
    %max3A_3155 = arith.maximumf %get3A_3124, %get3A_3128 : vector<16xf32>
    %max3A_3156 = arith.maximumf %get3A_3132, %get3A_3136 : vector<16xf32>
    %max3A_3157 = arith.maximumf %get3A_3140, %get3A_3144 : vector<16xf32>
    %max3A_3158 = arith.maximumf %max3A_3149, %max3A_3150 : vector<16xf32>
    %max3A_3159 = arith.maximumf %max3A_3151, %max3A_3152 : vector<16xf32>
    %max3A_3160 = arith.maximumf %max3A_3153, %max3A_3154 : vector<16xf32>
    %max3A_3161 = arith.maximumf %max3A_3155, %max3A_3156 : vector<16xf32>
    %max3A_3162 = arith.maximumf %max3A_3157, %get3A_3148 : vector<16xf32>
    %max3A_3163 = arith.maximumf %max3A_3158, %max3A_3159 : vector<16xf32>
    %max3A_3164 = arith.maximumf %max3A_3160, %max3A_3161 : vector<16xf32>
    %max3A_3165 = arith.maximumf %max3A_3163, %max3A_3164 : vector<16xf32>
    %max3A_3166 = arith.maximumf %max3A_3165, %max3A_3162 : vector<16xf32>
    %get3A_3167 = arith.constant 19 : i32
    %get3A_3168 = arith.index_cast %get3A_3167 : i32 to index
    %get3A_3169 = arith.constant 432 : index
    %get3A_3170 = tpu.vector_load %arg6[%get3A_3168, %get3A_3169] {strides = array<i32>} : memref<20x512xf32, #tpu.memory_space<vmem>>, vector<16xf32>,
    %gt3A_3171 = arith.constant 0.000000e+00 : f32
    %gt3A_3172 = vector.broadcast %gt3A_3171 : f32 to vector<16xf32>
    %gt3A_3173 = arith.cmpf ogt, %max3A_3166, %gt3A_3172 : vector<16xf32>
    %gt3A_3174 = arith.constant 0.000000e+00 : f32
    %gt3A_3175 = vector.broadcast %gt3A_3174 : f32 to vector<16xf32>
    %gt3A_3176 = arith.cmpf ogt, %get3A_3170, %gt3A_3175 : vector<16xf32>
    %select_n3A_3177 = arith.select %gt3A_3176, %gather3A_48, %gather3A : vector<16xi1>, vector<16xi32>
    %select_n3A_3178 = arith.select %gt3A_3173, %broadcast_in_dim3A_44, %select_n3A_3177 : vector<16xi1>, vector<16xi32>
    %swap3A_3179 = arith.constant 432 : index
    %swap3A_3180 = tpu.vector_load %arg10[%swap3A_3179] {strides = array<i32>} : memref<512xi32, #tpu.memory_space<vmem>>, vector<16xi32>,
    tpu.vector_store %arg10[%swap3A_3179], %select_n3A_3178 {strides = array<i32>} : memref<512xi32, #tpu.memory_space<vmem>>, vector<16xi32>,
    %get3A_3181 = arith.constant 0 : i32
    %get3A_3182 = arith.index_cast %get3A_3181 : i32 to index
    %get3A_3183 = arith.constant 448 : index
    %get3A_3184 = tpu.vector_load %arg6[%get3A_3182, %get3A_3183] {strides = array<i32>} : memref<20x512xf32, #tpu.memory_space<vmem>>, vector<16xf32>,
    %get3A_3185 = arith.constant 1 : i32
    %get3A_3186 = arith.index_cast %get3A_3185 : i32 to index
    %get3A_3187 = arith.constant 448 : index
    %get3A_3188 = tpu.vector_load %arg6[%get3A_3186, %get3A_3187] {strides = array<i32>} : memref<20x512xf32, #tpu.memory_space<vmem>>, vector<16xf32>,
    %get3A_3189 = arith.constant 2 : i32
    %get3A_3190 = arith.index_cast %get3A_3189 : i32 to index
    %get3A_3191 = arith.constant 448 : index
    %get3A_3192 = tpu.vector_load %arg6[%get3A_3190, %get3A_3191] {strides = array<i32>} : memref<20x512xf32, #tpu.memory_space<vmem>>, vector<16xf32>,
    %get3A_3193 = arith.constant 3 : i32
    %get3A_3194 = arith.index_cast %get3A_3193 : i32 to index
    %get3A_3195 = arith.constant 448 : index
    %get3A_3196 = tpu.vector_load %arg6[%get3A_3194, %get3A_3195] {strides = array<i32>} : memref<20x512xf32, #tpu.memory_space<vmem>>, vector<16xf32>,
    %get3A_3197 = arith.constant 4 : i32
    %get3A_3198 = arith.index_cast %get3A_3197 : i32 to index
    %get3A_3199 = arith.constant 448 : index
    %get3A_3200 = tpu.vector_load %arg6[%get3A_3198, %get3A_3199] {strides = array<i32>} : memref<20x512xf32, #tpu.memory_space<vmem>>, vector<16xf32>,
    %get3A_3201 = arith.constant 5 : i32
    %get3A_3202 = arith.index_cast %get3A_3201 : i32 to index
    %get3A_3203 = arith.constant 448 : index
    %get3A_3204 = tpu.vector_load %arg6[%get3A_3202, %get3A_3203] {strides = array<i32>} : memref<20x512xf32, #tpu.memory_space<vmem>>, vector<16xf32>,
    %get3A_3205 = arith.constant 6 : i32
    %get3A_3206 = arith.index_cast %get3A_3205 : i32 to index
    %get3A_3207 = arith.constant 448 : index
    %get3A_3208 = tpu.vector_load %arg6[%get3A_3206, %get3A_3207] {strides = array<i32>} : memref<20x512xf32, #tpu.memory_space<vmem>>, vector<16xf32>,
    %get3A_3209 = arith.constant 7 : i32
    %get3A_3210 = arith.index_cast %get3A_3209 : i32 to index
    %get3A_3211 = arith.constant 448 : index
    %get3A_3212 = tpu.vector_load %arg6[%get3A_3210, %get3A_3211] {strides = array<i32>} : memref<20x512xf32, #tpu.memory_space<vmem>>, vector<16xf32>,
    %get3A_3213 = arith.constant 8 : i32
    %get3A_3214 = arith.index_cast %get3A_3213 : i32 to index
    %get3A_3215 = arith.constant 448 : index
    %get3A_3216 = tpu.vector_load %arg6[%get3A_3214, %get3A_3215] {strides = array<i32>} : memref<20x512xf32, #tpu.memory_space<vmem>>, vector<16xf32>,
    %get3A_3217 = arith.constant 9 : i32
    %get3A_3218 = arith.index_cast %get3A_3217 : i32 to index
    %get3A_3219 = arith.constant 448 : index
    %get3A_3220 = tpu.vector_load %arg6[%get3A_3218, %get3A_3219] {strides = array<i32>} : memref<20x512xf32, #tpu.memory_space<vmem>>, vector<16xf32>,
    %get3A_3221 = arith.constant 10 : i32
    %get3A_3222 = arith.index_cast %get3A_3221 : i32 to index
    %get3A_3223 = arith.constant 448 : index
    %get3A_3224 = tpu.vector_load %arg6[%get3A_3222, %get3A_3223] {strides = array<i32>} : memref<20x512xf32, #tpu.memory_space<vmem>>, vector<16xf32>,
    %get3A_3225 = arith.constant 11 : i32
    %get3A_3226 = arith.index_cast %get3A_3225 : i32 to index
    %get3A_3227 = arith.constant 448 : index
    %get3A_3228 = tpu.vector_load %arg6[%get3A_3226, %get3A_3227] {strides = array<i32>} : memref<20x512xf32, #tpu.memory_space<vmem>>, vector<16xf32>,
    %get3A_3229 = arith.constant 12 : i32
    %get3A_3230 = arith.index_cast %get3A_3229 : i32 to index
    %get3A_3231 = arith.constant 448 : index
    %get3A_3232 = tpu.vector_load %arg6[%get3A_3230, %get3A_3231] {strides = array<i32>} : memref<20x512xf32, #tpu.memory_space<vmem>>, vector<16xf32>,
    %get3A_3233 = arith.constant 13 : i32
    %get3A_3234 = arith.index_cast %get3A_3233 : i32 to index
    %get3A_3235 = arith.constant 448 : index
    %get3A_3236 = tpu.vector_load %arg6[%get3A_3234, %get3A_3235] {strides = array<i32>} : memref<20x512xf32, #tpu.memory_space<vmem>>, vector<16xf32>,
    %get3A_3237 = arith.constant 14 : i32
    %get3A_3238 = arith.index_cast %get3A_3237 : i32 to index
    %get3A_3239 = arith.constant 448 : index
    %get3A_3240 = tpu.vector_load %arg6[%get3A_3238, %get3A_3239] {strides = array<i32>} : memref<20x512xf32, #tpu.memory_space<vmem>>, vector<16xf32>,
    %get3A_3241 = arith.constant 15 : i32
    %get3A_3242 = arith.index_cast %get3A_3241 : i32 to index
    %get3A_3243 = arith.constant 448 : index
    %get3A_3244 = tpu.vector_load %arg6[%get3A_3242, %get3A_3243] {strides = array<i32>} : memref<20x512xf32, #tpu.memory_space<vmem>>, vector<16xf32>,
    %get3A_3245 = arith.constant 16 : i32
    %get3A_3246 = arith.index_cast %get3A_3245 : i32 to index
    %get3A_3247 = arith.constant 448 : index
    %get3A_3248 = tpu.vector_load %arg6[%get3A_3246, %get3A_3247] {strides = array<i32>} : memref<20x512xf32, #tpu.memory_space<vmem>>, vector<16xf32>,
    %get3A_3249 = arith.constant 17 : i32
    %get3A_3250 = arith.index_cast %get3A_3249 : i32 to index
    %get3A_3251 = arith.constant 448 : index
    %get3A_3252 = tpu.vector_load %arg6[%get3A_3250, %get3A_3251] {strides = array<i32>} : memref<20x512xf32, #tpu.memory_space<vmem>>, vector<16xf32>,
    %get3A_3253 = arith.constant 18 : i32
    %get3A_3254 = arith.index_cast %get3A_3253 : i32 to index
    %get3A_3255 = arith.constant 448 : index
    %get3A_3256 = tpu.vector_load %arg6[%get3A_3254, %get3A_3255] {strides = array<i32>} : memref<20x512xf32, #tpu.memory_space<vmem>>, vector<16xf32>,
    %max3A_3257 = arith.maximumf %get3A_3184, %get3A_3188 : vector<16xf32>
    %max3A_3258 = arith.maximumf %get3A_3192, %get3A_3196 : vector<16xf32>
    %max3A_3259 = arith.maximumf %get3A_3200, %get3A_3204 : vector<16xf32>
    %max3A_3260 = arith.maximumf %get3A_3208, %get3A_3212 : vector<16xf32>
    %max3A_3261 = arith.maximumf %get3A_3216, %get3A_3220 : vector<16xf32>
    %max3A_3262 = arith.maximumf %get3A_3224, %get3A_3228 : vector<16xf32>
    %max3A_3263 = arith.maximumf %get3A_3232, %get3A_3236 : vector<16xf32>
    %max3A_3264 = arith.maximumf %get3A_3240, %get3A_3244 : vector<16xf32>
    %max3A_3265 = arith.maximumf %get3A_3248, %get3A_3252 : vector<16xf32>
    %max3A_3266 = arith.maximumf %max3A_3257, %max3A_3258 : vector<16xf32>
    %max3A_3267 = arith.maximumf %max3A_3259, %max3A_3260 : vector<16xf32>
    %max3A_3268 = arith.maximumf %max3A_3261, %max3A_3262 : vector<16xf32>
    %max3A_3269 = arith.maximumf %max3A_3263, %max3A_3264 : vector<16xf32>
    %max3A_3270 = arith.maximumf %max3A_3265, %get3A_3256 : vector<16xf32>
    %max3A_3271 = arith.maximumf %max3A_3266, %max3A_3267 : vector<16xf32>
    %max3A_3272 = arith.maximumf %max3A_3268, %max3A_3269 : vector<16xf32>
    %max3A_3273 = arith.maximumf %max3A_3271, %max3A_3272 : vector<16xf32>
    %max3A_3274 = arith.maximumf %max3A_3273, %max3A_3270 : vector<16xf32>
    %get3A_3275 = arith.constant 19 : i32
    %get3A_3276 = arith.index_cast %get3A_3275 : i32 to index
    %get3A_3277 = arith.constant 448 : index
    %get3A_3278 = tpu.vector_load %arg6[%get3A_3276, %get3A_3277] {strides = array<i32>} : memref<20x512xf32, #tpu.memory_space<vmem>>, vector<16xf32>,
    %gt3A_3279 = arith.constant 0.000000e+00 : f32
    %gt3A_3280 = vector.broadcast %gt3A_3279 : f32 to vector<16xf32>
    %gt3A_3281 = arith.cmpf ogt, %max3A_3274, %gt3A_3280 : vector<16xf32>
    %gt3A_3282 = arith.constant 0.000000e+00 : f32
    %gt3A_3283 = vector.broadcast %gt3A_3282 : f32 to vector<16xf32>
    %gt3A_3284 = arith.cmpf ogt, %get3A_3278, %gt3A_3283 : vector<16xf32>
    %select_n3A_3285 = arith.select %gt3A_3284, %gather3A_48, %gather3A : vector<16xi1>, vector<16xi32>
    %select_n3A_3286 = arith.select %gt3A_3281, %broadcast_in_dim3A_44, %select_n3A_3285 : vector<16xi1>, vector<16xi32>
    %swap3A_3287 = arith.constant 448 : index
    %swap3A_3288 = tpu.vector_load %arg10[%swap3A_3287] {strides = array<i32>} : memref<512xi32, #tpu.memory_space<vmem>>, vector<16xi32>,
    tpu.vector_store %arg10[%swap3A_3287], %select_n3A_3286 {strides = array<i32>} : memref<512xi32, #tpu.memory_space<vmem>>, vector<16xi32>,
    %get3A_3289 = arith.constant 0 : i32
    %get3A_3290 = arith.index_cast %get3A_3289 : i32 to index
    %get3A_3291 = arith.constant 464 : index
    %get3A_3292 = tpu.vector_load %arg6[%get3A_3290, %get3A_3291] {strides = array<i32>} : memref<20x512xf32, #tpu.memory_space<vmem>>, vector<16xf32>,
    %get3A_3293 = arith.constant 1 : i32
    %get3A_3294 = arith.index_cast %get3A_3293 : i32 to index
    %get3A_3295 = arith.constant 464 : index
    %get3A_3296 = tpu.vector_load %arg6[%get3A_3294, %get3A_3295] {strides = array<i32>} : memref<20x512xf32, #tpu.memory_space<vmem>>, vector<16xf32>,
    %get3A_3297 = arith.constant 2 : i32
    %get3A_3298 = arith.index_cast %get3A_3297 : i32 to index
    %get3A_3299 = arith.constant 464 : index
    %get3A_3300 = tpu.vector_load %arg6[%get3A_3298, %get3A_3299] {strides = array<i32>} : memref<20x512xf32, #tpu.memory_space<vmem>>, vector<16xf32>,
    %get3A_3301 = arith.constant 3 : i32
    %get3A_3302 = arith.index_cast %get3A_3301 : i32 to index
    %get3A_3303 = arith.constant 464 : index
    %get3A_3304 = tpu.vector_load %arg6[%get3A_3302, %get3A_3303] {strides = array<i32>} : memref<20x512xf32, #tpu.memory_space<vmem>>, vector<16xf32>,
    %get3A_3305 = arith.constant 4 : i32
    %get3A_3306 = arith.index_cast %get3A_3305 : i32 to index
    %get3A_3307 = arith.constant 464 : index
    %get3A_3308 = tpu.vector_load %arg6[%get3A_3306, %get3A_3307] {strides = array<i32>} : memref<20x512xf32, #tpu.memory_space<vmem>>, vector<16xf32>,
    %get3A_3309 = arith.constant 5 : i32
    %get3A_3310 = arith.index_cast %get3A_3309 : i32 to index
    %get3A_3311 = arith.constant 464 : index
    %get3A_3312 = tpu.vector_load %arg6[%get3A_3310, %get3A_3311] {strides = array<i32>} : memref<20x512xf32, #tpu.memory_space<vmem>>, vector<16xf32>,
    %get3A_3313 = arith.constant 6 : i32
    %get3A_3314 = arith.index_cast %get3A_3313 : i32 to index
    %get3A_3315 = arith.constant 464 : index
    %get3A_3316 = tpu.vector_load %arg6[%get3A_3314, %get3A_3315] {strides = array<i32>} : memref<20x512xf32, #tpu.memory_space<vmem>>, vector<16xf32>,
    %get3A_3317 = arith.constant 7 : i32
    %get3A_3318 = arith.index_cast %get3A_3317 : i32 to index
    %get3A_3319 = arith.constant 464 : index
    %get3A_3320 = tpu.vector_load %arg6[%get3A_3318, %get3A_3319] {strides = array<i32>} : memref<20x512xf32, #tpu.memory_space<vmem>>, vector<16xf32>,
    %get3A_3321 = arith.constant 8 : i32
    %get3A_3322 = arith.index_cast %get3A_3321 : i32 to index
    %get3A_3323 = arith.constant 464 : index
    %get3A_3324 = tpu.vector_load %arg6[%get3A_3322, %get3A_3323] {strides = array<i32>} : memref<20x512xf32, #tpu.memory_space<vmem>>, vector<16xf32>,
    %get3A_3325 = arith.constant 9 : i32
    %get3A_3326 = arith.index_cast %get3A_3325 : i32 to index
    %get3A_3327 = arith.constant 464 : index
    %get3A_3328 = tpu.vector_load %arg6[%get3A_3326, %get3A_3327] {strides = array<i32>} : memref<20x512xf32, #tpu.memory_space<vmem>>, vector<16xf32>,
    %get3A_3329 = arith.constant 10 : i32
    %get3A_3330 = arith.index_cast %get3A_3329 : i32 to index
    %get3A_3331 = arith.constant 464 : index
    %get3A_3332 = tpu.vector_load %arg6[%get3A_3330, %get3A_3331] {strides = array<i32>} : memref<20x512xf32, #tpu.memory_space<vmem>>, vector<16xf32>,
    %get3A_3333 = arith.constant 11 : i32
    %get3A_3334 = arith.index_cast %get3A_3333 : i32 to index
    %get3A_3335 = arith.constant 464 : index
    %get3A_3336 = tpu.vector_load %arg6[%get3A_3334, %get3A_3335] {strides = array<i32>} : memref<20x512xf32, #tpu.memory_space<vmem>>, vector<16xf32>,
    %get3A_3337 = arith.constant 12 : i32
    %get3A_3338 = arith.index_cast %get3A_3337 : i32 to index
    %get3A_3339 = arith.constant 464 : index
    %get3A_3340 = tpu.vector_load %arg6[%get3A_3338, %get3A_3339] {strides = array<i32>} : memref<20x512xf32, #tpu.memory_space<vmem>>, vector<16xf32>,
    %get3A_3341 = arith.constant 13 : i32
    %get3A_3342 = arith.index_cast %get3A_3341 : i32 to index
    %get3A_3343 = arith.constant 464 : index
    %get3A_3344 = tpu.vector_load %arg6[%get3A_3342, %get3A_3343] {strides = array<i32>} : memref<20x512xf32, #tpu.memory_space<vmem>>, vector<16xf32>,
    %get3A_3345 = arith.constant 14 : i32
    %get3A_3346 = arith.index_cast %get3A_3345 : i32 to index
    %get3A_3347 = arith.constant 464 : index
    %get3A_3348 = tpu.vector_load %arg6[%get3A_3346, %get3A_3347] {strides = array<i32>} : memref<20x512xf32, #tpu.memory_space<vmem>>, vector<16xf32>,
    %get3A_3349 = arith.constant 15 : i32
    %get3A_3350 = arith.index_cast %get3A_3349 : i32 to index
    %get3A_3351 = arith.constant 464 : index
    %get3A_3352 = tpu.vector_load %arg6[%get3A_3350, %get3A_3351] {strides = array<i32>} : memref<20x512xf32, #tpu.memory_space<vmem>>, vector<16xf32>,
    %get3A_3353 = arith.constant 16 : i32
    %get3A_3354 = arith.index_cast %get3A_3353 : i32 to index
    %get3A_3355 = arith.constant 464 : index
    %get3A_3356 = tpu.vector_load %arg6[%get3A_3354, %get3A_3355] {strides = array<i32>} : memref<20x512xf32, #tpu.memory_space<vmem>>, vector<16xf32>,
    %get3A_3357 = arith.constant 17 : i32
    %get3A_3358 = arith.index_cast %get3A_3357 : i32 to index
    %get3A_3359 = arith.constant 464 : index
    %get3A_3360 = tpu.vector_load %arg6[%get3A_3358, %get3A_3359] {strides = array<i32>} : memref<20x512xf32, #tpu.memory_space<vmem>>, vector<16xf32>,
    %get3A_3361 = arith.constant 18 : i32
    %get3A_3362 = arith.index_cast %get3A_3361 : i32 to index
    %get3A_3363 = arith.constant 464 : index
    %get3A_3364 = tpu.vector_load %arg6[%get3A_3362, %get3A_3363] {strides = array<i32>} : memref<20x512xf32, #tpu.memory_space<vmem>>, vector<16xf32>,
    %max3A_3365 = arith.maximumf %get3A_3292, %get3A_3296 : vector<16xf32>
    %max3A_3366 = arith.maximumf %get3A_3300, %get3A_3304 : vector<16xf32>
    %max3A_3367 = arith.maximumf %get3A_3308, %get3A_3312 : vector<16xf32>
    %max3A_3368 = arith.maximumf %get3A_3316, %get3A_3320 : vector<16xf32>
    %max3A_3369 = arith.maximumf %get3A_3324, %get3A_3328 : vector<16xf32>
    %max3A_3370 = arith.maximumf %get3A_3332, %get3A_3336 : vector<16xf32>
    %max3A_3371 = arith.maximumf %get3A_3340, %get3A_3344 : vector<16xf32>
    %max3A_3372 = arith.maximumf %get3A_3348, %get3A_3352 : vector<16xf32>
    %max3A_3373 = arith.maximumf %get3A_3356, %get3A_3360 : vector<16xf32>
    %max3A_3374 = arith.maximumf %max3A_3365, %max3A_3366 : vector<16xf32>
    %max3A_3375 = arith.maximumf %max3A_3367, %max3A_3368 : vector<16xf32>
    %max3A_3376 = arith.maximumf %max3A_3369, %max3A_3370 : vector<16xf32>
    %max3A_3377 = arith.maximumf %max3A_3371, %max3A_3372 : vector<16xf32>
    %max3A_3378 = arith.maximumf %max3A_3373, %get3A_3364 : vector<16xf32>
    %max3A_3379 = arith.maximumf %max3A_3374, %max3A_3375 : vector<16xf32>
    %max3A_3380 = arith.maximumf %max3A_3376, %max3A_3377 : vector<16xf32>
    %max3A_3381 = arith.maximumf %max3A_3379, %max3A_3380 : vector<16xf32>
    %max3A_3382 = arith.maximumf %max3A_3381, %max3A_3378 : vector<16xf32>
    %get3A_3383 = arith.constant 19 : i32
    %get3A_3384 = arith.index_cast %get3A_3383 : i32 to index
    %get3A_3385 = arith.constant 464 : index
    %get3A_3386 = tpu.vector_load %arg6[%get3A_3384, %get3A_3385] {strides = array<i32>} : memref<20x512xf32, #tpu.memory_space<vmem>>, vector<16xf32>,
    %gt3A_3387 = arith.constant 0.000000e+00 : f32
    %gt3A_3388 = vector.broadcast %gt3A_3387 : f32 to vector<16xf32>
    %gt3A_3389 = arith.cmpf ogt, %max3A_3382, %gt3A_3388 : vector<16xf32>
    %gt3A_3390 = arith.constant 0.000000e+00 : f32
    %gt3A_3391 = vector.broadcast %gt3A_3390 : f32 to vector<16xf32>
    %gt3A_3392 = arith.cmpf ogt, %get3A_3386, %gt3A_3391 : vector<16xf32>
    %select_n3A_3393 = arith.select %gt3A_3392, %gather3A_48, %gather3A : vector<16xi1>, vector<16xi32>
    %select_n3A_3394 = arith.select %gt3A_3389, %broadcast_in_dim3A_44, %select_n3A_3393 : vector<16xi1>, vector<16xi32>
    %swap3A_3395 = arith.constant 464 : index
    %swap3A_3396 = tpu.vector_load %arg10[%swap3A_3395] {strides = array<i32>} : memref<512xi32, #tpu.memory_space<vmem>>, vector<16xi32>,
    tpu.vector_store %arg10[%swap3A_3395], %select_n3A_3394 {strides = array<i32>} : memref<512xi32, #tpu.memory_space<vmem>>, vector<16xi32>,
    %get3A_3397 = arith.constant 0 : i32
    %get3A_3398 = arith.index_cast %get3A_3397 : i32 to index
    %get3A_3399 = arith.constant 480 : index
    %get3A_3400 = tpu.vector_load %arg6[%get3A_3398, %get3A_3399] {strides = array<i32>} : memref<20x512xf32, #tpu.memory_space<vmem>>, vector<16xf32>,
    %get3A_3401 = arith.constant 1 : i32
    %get3A_3402 = arith.index_cast %get3A_3401 : i32 to index
    %get3A_3403 = arith.constant 480 : index
    %get3A_3404 = tpu.vector_load %arg6[%get3A_3402, %get3A_3403] {strides = array<i32>} : memref<20x512xf32, #tpu.memory_space<vmem>>, vector<16xf32>,
    %get3A_3405 = arith.constant 2 : i32
    %get3A_3406 = arith.index_cast %get3A_3405 : i32 to index
    %get3A_3407 = arith.constant 480 : index
    %get3A_3408 = tpu.vector_load %arg6[%get3A_3406, %get3A_3407] {strides = array<i32>} : memref<20x512xf32, #tpu.memory_space<vmem>>, vector<16xf32>,
    %get3A_3409 = arith.constant 3 : i32
    %get3A_3410 = arith.index_cast %get3A_3409 : i32 to index
    %get3A_3411 = arith.constant 480 : index
    %get3A_3412 = tpu.vector_load %arg6[%get3A_3410, %get3A_3411] {strides = array<i32>} : memref<20x512xf32, #tpu.memory_space<vmem>>, vector<16xf32>,
    %get3A_3413 = arith.constant 4 : i32
    %get3A_3414 = arith.index_cast %get3A_3413 : i32 to index
    %get3A_3415 = arith.constant 480 : index
    %get3A_3416 = tpu.vector_load %arg6[%get3A_3414, %get3A_3415] {strides = array<i32>} : memref<20x512xf32, #tpu.memory_space<vmem>>, vector<16xf32>,
    %get3A_3417 = arith.constant 5 : i32
    %get3A_3418 = arith.index_cast %get3A_3417 : i32 to index
    %get3A_3419 = arith.constant 480 : index
    %get3A_3420 = tpu.vector_load %arg6[%get3A_3418, %get3A_3419] {strides = array<i32>} : memref<20x512xf32, #tpu.memory_space<vmem>>, vector<16xf32>,
    %get3A_3421 = arith.constant 6 : i32
    %get3A_3422 = arith.index_cast %get3A_3421 : i32 to index
    %get3A_3423 = arith.constant 480 : index
    %get3A_3424 = tpu.vector_load %arg6[%get3A_3422, %get3A_3423] {strides = array<i32>} : memref<20x512xf32, #tpu.memory_space<vmem>>, vector<16xf32>,
    %get3A_3425 = arith.constant 7 : i32
    %get3A_3426 = arith.index_cast %get3A_3425 : i32 to index
    %get3A_3427 = arith.constant 480 : index
    %get3A_3428 = tpu.vector_load %arg6[%get3A_3426, %get3A_3427] {strides = array<i32>} : memref<20x512xf32, #tpu.memory_space<vmem>>, vector<16xf32>,
    %get3A_3429 = arith.constant 8 : i32
    %get3A_3430 = arith.index_cast %get3A_3429 : i32 to index
    %get3A_3431 = arith.constant 480 : index
    %get3A_3432 = tpu.vector_load %arg6[%get3A_3430, %get3A_3431] {strides = array<i32>} : memref<20x512xf32, #tpu.memory_space<vmem>>, vector<16xf32>,
    %get3A_3433 = arith.constant 9 : i32
    %get3A_3434 = arith.index_cast %get3A_3433 : i32 to index
    %get3A_3435 = arith.constant 480 : index
    %get3A_3436 = tpu.vector_load %arg6[%get3A_3434, %get3A_3435] {strides = array<i32>} : memref<20x512xf32, #tpu.memory_space<vmem>>, vector<16xf32>,
    %get3A_3437 = arith.constant 10 : i32
    %get3A_3438 = arith.index_cast %get3A_3437 : i32 to index
    %get3A_3439 = arith.constant 480 : index
    %get3A_3440 = tpu.vector_load %arg6[%get3A_3438, %get3A_3439] {strides = array<i32>} : memref<20x512xf32, #tpu.memory_space<vmem>>, vector<16xf32>,
    %get3A_3441 = arith.constant 11 : i32
    %get3A_3442 = arith.index_cast %get3A_3441 : i32 to index
    %get3A_3443 = arith.constant 480 : index
    %get3A_3444 = tpu.vector_load %arg6[%get3A_3442, %get3A_3443] {strides = array<i32>} : memref<20x512xf32, #tpu.memory_space<vmem>>, vector<16xf32>,
    %get3A_3445 = arith.constant 12 : i32
    %get3A_3446 = arith.index_cast %get3A_3445 : i32 to index
    %get3A_3447 = arith.constant 480 : index
    %get3A_3448 = tpu.vector_load %arg6[%get3A_3446, %get3A_3447] {strides = array<i32>} : memref<20x512xf32, #tpu.memory_space<vmem>>, vector<16xf32>,
    %get3A_3449 = arith.constant 13 : i32
    %get3A_3450 = arith.index_cast %get3A_3449 : i32 to index
    %get3A_3451 = arith.constant 480 : index
    %get3A_3452 = tpu.vector_load %arg6[%get3A_3450, %get3A_3451] {strides = array<i32>} : memref<20x512xf32, #tpu.memory_space<vmem>>, vector<16xf32>,
    %get3A_3453 = arith.constant 14 : i32
    %get3A_3454 = arith.index_cast %get3A_3453 : i32 to index
    %get3A_3455 = arith.constant 480 : index
    %get3A_3456 = tpu.vector_load %arg6[%get3A_3454, %get3A_3455] {strides = array<i32>} : memref<20x512xf32, #tpu.memory_space<vmem>>, vector<16xf32>,
    %get3A_3457 = arith.constant 15 : i32
    %get3A_3458 = arith.index_cast %get3A_3457 : i32 to index
    %get3A_3459 = arith.constant 480 : index
    %get3A_3460 = tpu.vector_load %arg6[%get3A_3458, %get3A_3459] {strides = array<i32>} : memref<20x512xf32, #tpu.memory_space<vmem>>, vector<16xf32>,
    %get3A_3461 = arith.constant 16 : i32
    %get3A_3462 = arith.index_cast %get3A_3461 : i32 to index
    %get3A_3463 = arith.constant 480 : index
    %get3A_3464 = tpu.vector_load %arg6[%get3A_3462, %get3A_3463] {strides = array<i32>} : memref<20x512xf32, #tpu.memory_space<vmem>>, vector<16xf32>,
    %get3A_3465 = arith.constant 17 : i32
    %get3A_3466 = arith.index_cast %get3A_3465 : i32 to index
    %get3A_3467 = arith.constant 480 : index
    %get3A_3468 = tpu.vector_load %arg6[%get3A_3466, %get3A_3467] {strides = array<i32>} : memref<20x512xf32, #tpu.memory_space<vmem>>, vector<16xf32>,
    %get3A_3469 = arith.constant 18 : i32
    %get3A_3470 = arith.index_cast %get3A_3469 : i32 to index
    %get3A_3471 = arith.constant 480 : index
    %get3A_3472 = tpu.vector_load %arg6[%get3A_3470, %get3A_3471] {strides = array<i32>} : memref<20x512xf32, #tpu.memory_space<vmem>>, vector<16xf32>,
    %max3A_3473 = arith.maximumf %get3A_3400, %get3A_3404 : vector<16xf32>
    %max3A_3474 = arith.maximumf %get3A_3408, %get3A_3412 : vector<16xf32>
    %max3A_3475 = arith.maximumf %get3A_3416, %get3A_3420 : vector<16xf32>
    %max3A_3476 = arith.maximumf %get3A_3424, %get3A_3428 : vector<16xf32>
    %max3A_3477 = arith.maximumf %get3A_3432, %get3A_3436 : vector<16xf32>
    %max3A_3478 = arith.maximumf %get3A_3440, %get3A_3444 : vector<16xf32>
    %max3A_3479 = arith.maximumf %get3A_3448, %get3A_3452 : vector<16xf32>
    %max3A_3480 = arith.maximumf %get3A_3456, %get3A_3460 : vector<16xf32>
    %max3A_3481 = arith.maximumf %get3A_3464, %get3A_3468 : vector<16xf32>
    %max3A_3482 = arith.maximumf %max3A_3473, %max3A_3474 : vector<16xf32>
    %max3A_3483 = arith.maximumf %max3A_3475, %max3A_3476 : vector<16xf32>
    %max3A_3484 = arith.maximumf %max3A_3477, %max3A_3478 : vector<16xf32>
    %max3A_3485 = arith.maximumf %max3A_3479, %max3A_3480 : vector<16xf32>
    %max3A_3486 = arith.maximumf %max3A_3481, %get3A_3472 : vector<16xf32>
    %max3A_3487 = arith.maximumf %max3A_3482, %max3A_3483 : vector<16xf32>
    %max3A_3488 = arith.maximumf %max3A_3484, %max3A_3485 : vector<16xf32>
    %max3A_3489 = arith.maximumf %max3A_3487, %max3A_3488 : vector<16xf32>
    %max3A_3490 = arith.maximumf %max3A_3489, %max3A_3486 : vector<16xf32>
    %get3A_3491 = arith.constant 19 : i32
    %get3A_3492 = arith.index_cast %get3A_3491 : i32 to index
    %get3A_3493 = arith.constant 480 : index
    %get3A_3494 = tpu.vector_load %arg6[%get3A_3492, %get3A_3493] {strides = array<i32>} : memref<20x512xf32, #tpu.memory_space<vmem>>, vector<16xf32>,
    %gt3A_3495 = arith.constant 0.000000e+00 : f32
    %gt3A_3496 = vector.broadcast %gt3A_3495 : f32 to vector<16xf32>
    %gt3A_3497 = arith.cmpf ogt, %max3A_3490, %gt3A_3496 : vector<16xf32>
    %gt3A_3498 = arith.constant 0.000000e+00 : f32
    %gt3A_3499 = vector.broadcast %gt3A_3498 : f32 to vector<16xf32>
    %gt3A_3500 = arith.cmpf ogt, %get3A_3494, %gt3A_3499 : vector<16xf32>
    %select_n3A_3501 = arith.select %gt3A_3500, %gather3A_48, %gather3A : vector<16xi1>, vector<16xi32>
    %select_n3A_3502 = arith.select %gt3A_3497, %broadcast_in_dim3A_44, %select_n3A_3501 : vector<16xi1>, vector<16xi32>
    %swap3A_3503 = arith.constant 480 : index
    %swap3A_3504 = tpu.vector_load %arg10[%swap3A_3503] {strides = array<i32>} : memref<512xi32, #tpu.memory_space<vmem>>, vector<16xi32>,
    tpu.vector_store %arg10[%swap3A_3503], %select_n3A_3502 {strides = array<i32>} : memref<512xi32, #tpu.memory_space<vmem>>, vector<16xi32>,
    %get3A_3505 = arith.constant 0 : i32
    %get3A_3506 = arith.index_cast %get3A_3505 : i32 to index
    %get3A_3507 = arith.constant 496 : index
    %get3A_3508 = tpu.vector_load %arg6[%get3A_3506, %get3A_3507] {strides = array<i32>} : memref<20x512xf32, #tpu.memory_space<vmem>>, vector<16xf32>,
    %get3A_3509 = arith.constant 1 : i32
    %get3A_3510 = arith.index_cast %get3A_3509 : i32 to index
    %get3A_3511 = arith.constant 496 : index
    %get3A_3512 = tpu.vector_load %arg6[%get3A_3510, %get3A_3511] {strides = array<i32>} : memref<20x512xf32, #tpu.memory_space<vmem>>, vector<16xf32>,
    %get3A_3513 = arith.constant 2 : i32
    %get3A_3514 = arith.index_cast %get3A_3513 : i32 to index
    %get3A_3515 = arith.constant 496 : index
    %get3A_3516 = tpu.vector_load %arg6[%get3A_3514, %get3A_3515] {strides = array<i32>} : memref<20x512xf32, #tpu.memory_space<vmem>>, vector<16xf32>,
    %get3A_3517 = arith.constant 3 : i32
    %get3A_3518 = arith.index_cast %get3A_3517 : i32 to index
    %get3A_3519 = arith.constant 496 : index
    %get3A_3520 = tpu.vector_load %arg6[%get3A_3518, %get3A_3519] {strides = array<i32>} : memref<20x512xf32, #tpu.memory_space<vmem>>, vector<16xf32>,
    %get3A_3521 = arith.constant 4 : i32
    %get3A_3522 = arith.index_cast %get3A_3521 : i32 to index
    %get3A_3523 = arith.constant 496 : index
    %get3A_3524 = tpu.vector_load %arg6[%get3A_3522, %get3A_3523] {strides = array<i32>} : memref<20x512xf32, #tpu.memory_space<vmem>>, vector<16xf32>,
    %get3A_3525 = arith.constant 5 : i32
    %get3A_3526 = arith.index_cast %get3A_3525 : i32 to index
    %get3A_3527 = arith.constant 496 : index
    %get3A_3528 = tpu.vector_load %arg6[%get3A_3526, %get3A_3527] {strides = array<i32>} : memref<20x512xf32, #tpu.memory_space<vmem>>, vector<16xf32>,
    %get3A_3529 = arith.constant 6 : i32
    %get3A_3530 = arith.index_cast %get3A_3529 : i32 to index
    %get3A_3531 = arith.constant 496 : index
    %get3A_3532 = tpu.vector_load %arg6[%get3A_3530, %get3A_3531] {strides = array<i32>} : memref<20x512xf32, #tpu.memory_space<vmem>>, vector<16xf32>,
    %get3A_3533 = arith.constant 7 : i32
    %get3A_3534 = arith.index_cast %get3A_3533 : i32 to index
    %get3A_3535 = arith.constant 496 : index
    %get3A_3536 = tpu.vector_load %arg6[%get3A_3534, %get3A_3535] {strides = array<i32>} : memref<20x512xf32, #tpu.memory_space<vmem>>, vector<16xf32>,
    %get3A_3537 = arith.constant 8 : i32
    %get3A_3538 = arith.index_cast %get3A_3537 : i32 to index
    %get3A_3539 = arith.constant 496 : index
    %get3A_3540 = tpu.vector_load %arg6[%get3A_3538, %get3A_3539] {strides = array<i32>} : memref<20x512xf32, #tpu.memory_space<vmem>>, vector<16xf32>,
    %get3A_3541 = arith.constant 9 : i32
    %get3A_3542 = arith.index_cast %get3A_3541 : i32 to index
    %get3A_3543 = arith.constant 496 : index
    %get3A_3544 = tpu.vector_load %arg6[%get3A_3542, %get3A_3543] {strides = array<i32>} : memref<20x512xf32, #tpu.memory_space<vmem>>, vector<16xf32>,
    %get3A_3545 = arith.constant 10 : i32
    %get3A_3546 = arith.index_cast %get3A_3545 : i32 to index
    %get3A_3547 = arith.constant 496 : index
    %get3A_3548 = tpu.vector_load %arg6[%get3A_3546, %get3A_3547] {strides = array<i32>} : memref<20x512xf32, #tpu.memory_space<vmem>>, vector<16xf32>,
    %get3A_3549 = arith.constant 11 : i32
    %get3A_3550 = arith.index_cast %get3A_3549 : i32 to index
    %get3A_3551 = arith.constant 496 : index
    %get3A_3552 = tpu.vector_load %arg6[%get3A_3550, %get3A_3551] {strides = array<i32>} : memref<20x512xf32, #tpu.memory_space<vmem>>, vector<16xf32>,
    %get3A_3553 = arith.constant 12 : i32
    %get3A_3554 = arith.index_cast %get3A_3553 : i32 to index
    %get3A_3555 = arith.constant 496 : index
    %get3A_3556 = tpu.vector_load %arg6[%get3A_3554, %get3A_3555] {strides = array<i32>} : memref<20x512xf32, #tpu.memory_space<vmem>>, vector<16xf32>,
    %get3A_3557 = arith.constant 13 : i32
    %get3A_3558 = arith.index_cast %get3A_3557 : i32 to index
    %get3A_3559 = arith.constant 496 : index
    %get3A_3560 = tpu.vector_load %arg6[%get3A_3558, %get3A_3559] {strides = array<i32>} : memref<20x512xf32, #tpu.memory_space<vmem>>, vector<16xf32>,
    %get3A_3561 = arith.constant 14 : i32
    %get3A_3562 = arith.index_cast %get3A_3561 : i32 to index
    %get3A_3563 = arith.constant 496 : index
    %get3A_3564 = tpu.vector_load %arg6[%get3A_3562, %get3A_3563] {strides = array<i32>} : memref<20x512xf32, #tpu.memory_space<vmem>>, vector<16xf32>,
    %get3A_3565 = arith.constant 15 : i32
    %get3A_3566 = arith.index_cast %get3A_3565 : i32 to index
    %get3A_3567 = arith.constant 496 : index
    %get3A_3568 = tpu.vector_load %arg6[%get3A_3566, %get3A_3567] {strides = array<i32>} : memref<20x512xf32, #tpu.memory_space<vmem>>, vector<16xf32>,
    %get3A_3569 = arith.constant 16 : i32
    %get3A_3570 = arith.index_cast %get3A_3569 : i32 to index
    %get3A_3571 = arith.constant 496 : index
    %get3A_3572 = tpu.vector_load %arg6[%get3A_3570, %get3A_3571] {strides = array<i32>} : memref<20x512xf32, #tpu.memory_space<vmem>>, vector<16xf32>,
    %get3A_3573 = arith.constant 17 : i32
    %get3A_3574 = arith.index_cast %get3A_3573 : i32 to index
    %get3A_3575 = arith.constant 496 : index
    %get3A_3576 = tpu.vector_load %arg6[%get3A_3574, %get3A_3575] {strides = array<i32>} : memref<20x512xf32, #tpu.memory_space<vmem>>, vector<16xf32>,
    %get3A_3577 = arith.constant 18 : i32
    %get3A_3578 = arith.index_cast %get3A_3577 : i32 to index
    %get3A_3579 = arith.constant 496 : index
    %get3A_3580 = tpu.vector_load %arg6[%get3A_3578, %get3A_3579] {strides = array<i32>} : memref<20x512xf32, #tpu.memory_space<vmem>>, vector<16xf32>,
    %max3A_3581 = arith.maximumf %get3A_3508, %get3A_3512 : vector<16xf32>
    %max3A_3582 = arith.maximumf %get3A_3516, %get3A_3520 : vector<16xf32>
    %max3A_3583 = arith.maximumf %get3A_3524, %get3A_3528 : vector<16xf32>
    %max3A_3584 = arith.maximumf %get3A_3532, %get3A_3536 : vector<16xf32>
    %max3A_3585 = arith.maximumf %get3A_3540, %get3A_3544 : vector<16xf32>
    %max3A_3586 = arith.maximumf %get3A_3548, %get3A_3552 : vector<16xf32>
    %max3A_3587 = arith.maximumf %get3A_3556, %get3A_3560 : vector<16xf32>
    %max3A_3588 = arith.maximumf %get3A_3564, %get3A_3568 : vector<16xf32>
    %max3A_3589 = arith.maximumf %get3A_3572, %get3A_3576 : vector<16xf32>
    %max3A_3590 = arith.maximumf %max3A_3581, %max3A_3582 : vector<16xf32>
    %max3A_3591 = arith.maximumf %max3A_3583, %max3A_3584 : vector<16xf32>
    %max3A_3592 = arith.maximumf %max3A_3585, %max3A_3586 : vector<16xf32>
    %max3A_3593 = arith.maximumf %max3A_3587, %max3A_3588 : vector<16xf32>
    %max3A_3594 = arith.maximumf %max3A_3589, %get3A_3580 : vector<16xf32>
    %max3A_3595 = arith.maximumf %max3A_3590, %max3A_3591 : vector<16xf32>
    %max3A_3596 = arith.maximumf %max3A_3592, %max3A_3593 : vector<16xf32>
    %max3A_3597 = arith.maximumf %max3A_3595, %max3A_3596 : vector<16xf32>
    %max3A_3598 = arith.maximumf %max3A_3597, %max3A_3594 : vector<16xf32>
    %get3A_3599 = arith.constant 19 : i32
    %get3A_3600 = arith.index_cast %get3A_3599 : i32 to index
    %get3A_3601 = arith.constant 496 : index
    %get3A_3602 = tpu.vector_load %arg6[%get3A_3600, %get3A_3601] {strides = array<i32>} : memref<20x512xf32, #tpu.memory_space<vmem>>, vector<16xf32>,
    %gt3A_3603 = arith.constant 0.000000e+00 : f32
    %gt3A_3604 = vector.broadcast %gt3A_3603 : f32 to vector<16xf32>
    %gt3A_3605 = arith.cmpf ogt, %max3A_3598, %gt3A_3604 : vector<16xf32>
    %gt3A_3606 = arith.constant 0.000000e+00 : f32
    %gt3A_3607 = vector.broadcast %gt3A_3606 : f32 to vector<16xf32>
    %gt3A_3608 = arith.cmpf ogt, %get3A_3602, %gt3A_3607 : vector<16xf32>
    %select_n3A_3609 = arith.select %gt3A_3608, %gather3A_48, %gather3A : vector<16xi1>, vector<16xi32>
    %select_n3A_3610 = arith.select %gt3A_3605, %broadcast_in_dim3A_44, %select_n3A_3609 : vector<16xi1>, vector<16xi32>
    %swap3A_3611 = arith.constant 496 : index
    %swap3A_3612 = tpu.vector_load %arg10[%swap3A_3611] {strides = array<i32>} : memref<512xi32, #tpu.memory_space<vmem>>, vector<16xi32>,
    tpu.vector_store %arg10[%swap3A_3611], %select_n3A_3610 {strides = array<i32>} : memref<512xi32, #tpu.memory_space<vmem>>, vector<16xi32>,
    %add3A_3613 = arith.constant 384 : i32
    %add3A_3614 = arith.addi %mul3A_2, %add3A_3613 : i32
    %dma_start3A_3615 = arith.constant 384 : i32
    %dma_start3A_3616 = tpu.memref_slice %arg10[%dma_start3A_3615] : memref<512xi32, #tpu.memory_space<vmem>> -> memref<128xi32, #tpu.memory_space<vmem>>
    %dma_start3A_3617 = tpu.memref_slice %arg5[%add3A_3614] : memref<16384xi32, #tpu.memory_space<hbm>> -> memref<128xi32, #tpu.memory_space<hbm>>
    %dma_start3A_3618 = tpu.memref_slice %arg5[%add3A_3614] : memref<16384xi32, #tpu.memory_space<hbm>> -> memref<128xi32, #tpu.memory_space<hbm>>
    %dma_start3A_3619 = arith.constant 384 : i32
    %dma_start3A_3620 = tpu.memref_slice %arg10[%dma_start3A_3619] : memref<512xi32, #tpu.memory_space<vmem>> -> memref<128xi32, #tpu.memory_space<vmem>>
    tpu.enqueue_dma source(%dma_start3A_3620 : memref<128xi32, #tpu.memory_space<vmem>>) target(%dma_start3A_3618 : memref<128xi32, #tpu.memory_space<hbm>>) target_semaphore(%arg13 : memref<!tpu.dma_semaphore, #tpu.memory_space<semaphore_mem>>)
    %dma_wait3A_3621 = arith.constant 0 : i32
    %dma_wait3A_3622 = tpu.memref_slice %arg10[%dma_wait3A_3621] : memref<512xi32, #tpu.memory_space<vmem>> -> memref<128xi32, #tpu.memory_space<vmem>>
    %dma_wait3A_3623 = tpu.memref_slice %arg5[%add3A_977] : memref<16384xi32, #tpu.memory_space<hbm>> -> memref<128xi32, #tpu.memory_space<hbm>>
    %dma_wait3A_3624 = tpu.memref_slice %arg5[%add3A_977] : memref<16384xi32, #tpu.memory_space<hbm>> -> memref<128xi32, #tpu.memory_space<hbm>>
    %dma_wait3A_3625 = arith.constant 0 : i32
    %dma_wait3A_3626 = tpu.memref_slice %arg10[%dma_wait3A_3625] : memref<512xi32, #tpu.memory_space<vmem>> -> memref<128xi32, #tpu.memory_space<vmem>>
    tpu.wait_dma2 semaphore(%arg13 : memref<!tpu.dma_semaphore, #tpu.memory_space<semaphore_mem>>) src(%dma_wait3A_3626 : memref<128xi32, #tpu.memory_space<vmem>>) dst(%dma_wait3A_3624 : memref<128xi32, #tpu.memory_space<hbm>>)
    %dma_wait3A_3627 = arith.constant 128 : i32
    %dma_wait3A_3628 = tpu.memref_slice %arg10[%dma_wait3A_3627] : memref<512xi32, #tpu.memory_space<vmem>> -> memref<128xi32, #tpu.memory_space<vmem>>
    %dma_wait3A_3629 = tpu.memref_slice %arg5[%add3A_1856] : memref<16384xi32, #tpu.memory_space<hbm>> -> memref<128xi32, #tpu.memory_space<hbm>>
    %dma_wait3A_3630 = tpu.memref_slice %arg5[%add3A_1856] : memref<16384xi32, #tpu.memory_space<hbm>> -> memref<128xi32, #tpu.memory_space<hbm>>
    %dma_wait3A_3631 = arith.constant 128 : i32
    %dma_wait3A_3632 = tpu.memref_slice %arg10[%dma_wait3A_3631] : memref<512xi32, #tpu.memory_space<vmem>> -> memref<128xi32, #tpu.memory_space<vmem>>
    tpu.wait_dma2 semaphore(%arg13 : memref<!tpu.dma_semaphore, #tpu.memory_space<semaphore_mem>>) src(%dma_wait3A_3632 : memref<128xi32, #tpu.memory_space<vmem>>) dst(%dma_wait3A_3630 : memref<128xi32, #tpu.memory_space<hbm>>)
    %dma_wait3A_3633 = arith.constant 256 : i32
    %dma_wait3A_3634 = tpu.memref_slice %arg10[%dma_wait3A_3633] : memref<512xi32, #tpu.memory_space<vmem>> -> memref<128xi32, #tpu.memory_space<vmem>>
    %dma_wait3A_3635 = tpu.memref_slice %arg5[%add3A_2735] : memref<16384xi32, #tpu.memory_space<hbm>> -> memref<128xi32, #tpu.memory_space<hbm>>
    %dma_wait3A_3636 = tpu.memref_slice %arg5[%add3A_2735] : memref<16384xi32, #tpu.memory_space<hbm>> -> memref<128xi32, #tpu.memory_space<hbm>>
    %dma_wait3A_3637 = arith.constant 256 : i32
    %dma_wait3A_3638 = tpu.memref_slice %arg10[%dma_wait3A_3637] : memref<512xi32, #tpu.memory_space<vmem>> -> memref<128xi32, #tpu.memory_space<vmem>>
    tpu.wait_dma2 semaphore(%arg13 : memref<!tpu.dma_semaphore, #tpu.memory_space<semaphore_mem>>) src(%dma_wait3A_3638 : memref<128xi32, #tpu.memory_space<vmem>>) dst(%dma_wait3A_3636 : memref<128xi32, #tpu.memory_space<hbm>>)
    %dma_wait3A_3639 = arith.constant 384 : i32
    %dma_wait3A_3640 = tpu.memref_slice %arg10[%dma_wait3A_3639] : memref<512xi32, #tpu.memory_space<vmem>> -> memref<128xi32, #tpu.memory_space<vmem>>
    %dma_wait3A_3641 = tpu.memref_slice %arg5[%add3A_3614] : memref<16384xi32, #tpu.memory_space<hbm>> -> memref<128xi32, #tpu.memory_space<hbm>>
    %dma_wait3A_3642 = tpu.memref_slice %arg5[%add3A_3614] : memref<16384xi32, #tpu.memory_space<hbm>> -> memref<128xi32, #tpu.memory_space<hbm>>
    %dma_wait3A_3643 = arith.constant 384 : i32
    %dma_wait3A_3644 = tpu.memref_slice %arg10[%dma_wait3A_3643] : memref<512xi32, #tpu.memory_space<vmem>> -> memref<128xi32, #tpu.memory_space<vmem>>
    tpu.wait_dma2 semaphore(%arg13 : memref<!tpu.dma_semaphore, #tpu.memory_space<semaphore_mem>>) src(%dma_wait3A_3644 : memref<128xi32, #tpu.memory_space<vmem>>) dst(%dma_wait3A_3642 : memref<128xi32, #tpu.memory_space<hbm>>)
    return
  }
}

</mosaic_0001>

<sc_bundles>
// kernel: _tree_sc.3.cloned.1.call-start
scs
__scs_entry_jumppad:
0x0: {  	(pc) =	sbr.rel $0x88, $3  }
0x1: {  	(tag) =	ssettag $0x0;
	lr =	simm.s32 $0x1  }
0x2: {  	[smem:$0x3F9E] =	sst lr;
	_ =	strace $0xD0000000  }
0x3: {  	_ = 	snop  }
0x4: {  	_ = 	snop  }
0x5: {  	_ = 	snop  }
0x6: {  	_ = 	snop  }
0x7: {  	_ = 	snop  }
__scs_overlays_trampoline_lowered:
0x8: {  	[smem:$0x3FAD] =	sst s0  }
0x9: {  	[smem:$0x3FAE] =	sst s1  }
0xa: {  	[smem:$0x3FAF] =	sst s2  }
0xb: {  	[smem:$0x3FB0] =	sst s3  }
0xc: {  	[smem:$0x3FB1] =	sst s4  }
0xd: {  	[smem:$0x3FB2] =	sst s5  }
0xe: {  	[smem:$0x3FB3] =	sst s6  }
0xf: {  	[smem:$0x3FB4] =	sst s7  }
0x10: {  	[smem:$0x3FB5] =	sst s8  }
0x11: {  	[smem:$0x3FB6] =	sst s9;
	s0 =	simm.s32 @!p0 $0x0  }
0x12: {  	s1 =	sld [smem:$0x3F9C];
	s0 =	simm.s32 @p0 $0x1  }
0x13: {  	[smem:$0x3FB7] =	sst s0;
	s0 =	simm.s32 @!p1 $0x0  }
0x14: {  	s2 =	sld [smem:$0x3F9B];
	s0 =	simm.s32 @p1 $0x1  }
0x15: {  	[smem:$0x3FB8] =	sst s0;
	s0 =	simm.s32 @!p2 $0x0  }
0x16: {  	s3 =	sld [smem:$0x3FDB];
	s0 =	simm.s32 @p2 $0x1  }
0x17: {  	s4 =	simm.s32 $0x1BF5;
	[smem:$0x3FBA] =	sst s0  }
0x18: {  	s0 =	sld [smem:$0x3F9D];
	_ =	swait.ge [sflag:s4], $0x0  }
0x19: {  	s7 =	sld [smem:$0x3F9E]  }
0x1a: {  	s8 =	sadd.s32 $0xFFFFE003, lr  }
0x1b: {  	s9 =	sadd.s32 $0xFFFFFEF7, lr;
	s5 =	simm.s32 $0xFFFFFFFF;
	p2 =	slt.u32 s8, $0xFFFFF086  }
0x1c: {  	p1 =	slt.u32 s9, $0xF7A;
	s5 =	simm.s32 @!p2 $0x0  }
0x1d: {  	s5 =	simm.s32 @p1 $0x1;
	p0 =	seq.s32 s7, s2  }
0x1e: {  	s7 =	smul.u32 @!p0 $0xF7A, s2;
	p2 =	seq.s32 @!p0 s5, $0x0  }
0x1f: {  	s9 =	smul.u32 $0xF7A, s1;
	s8 =	simm.s32 @!p0 $0x1BF5;
	p2 =	por !p2, p0  }
0x20: {  	[sflag:s8] =	ssyncset.s32 @!p0 $0xFFFFF086;
	s6 =	sadd.s32 @!p0 s3, s7;
	s7 =	simm.s32 @!p0 $0x108  }
0x21: {  	s3 =	sadd.s32 s3, s9;
	s6 =	sadd.s32 @!p0 $0x88, s6;
	s7 =	simm.s32 @p2 $0x1082  }
0x22: {  	[simem:s7], [sflag:s8] =	dma.local @!p0 [hbm:s6], $0xF7A  }
0x23: {  	s9 =	sor.u32 $0xD0000000, s2;
	s6 =	simm.s32 $0x108;
	_ =	swait.ge @!p0 [sflag:s8], $0x0  }
0x24: {  	s3 =	sadd.s32 $0x88, s3;
	s6 =	simm.s32 @!p1 $0x1082;
	[sflag:s4] =	ssyncset.s32 $0xFFFFF086  }
0x25: {  	[simem:s6], [sflag:s4] =	dma.local [hbm:s3], $0xF7A  }
0x26: {  	[smem:$0x3F9E] =	sst s1;
	(tag) =	ssettag s2;
	_ =	strace s9  }
0x27: {  	s1 =	sld [smem:$0x3FAE]  }
0x28: {  	s2 =	sld [smem:$0x3FAF]  }
0x29: {  	s4 =	sld [smem:$0x3FB1]  }
0x2a: {  	p0 =	seq.s32 s5, $0x0;
	s5 =	sld [smem:$0x3FB2]  }
0x2b: {  	s6 =	sld [smem:$0x3FB3]  }
0x2c: {  	s7 =	sld [smem:$0x3FB4]  }
0x2d: {  	s3 =	simm.s32 $0x108;
	s8 =	sld [smem:$0x3FB5]  }
0x2e: {  	s3 =	simm.s32 @!p0 $0x1082;
	s9 =	sld [smem:$0x3FB6]  }
0x2f: {  	lr =	sadd.s32 s0, s3;
	s0 =	sld [smem:$0x3FAD]  }
0x30: {  	s3 =	sld [smem:$0x3FB0]  }
0x31: {  	[smem:$0x3FB9] =	sst s10  }
0x32: {  	s10 =	sld [smem:$0x3FB7];
	_ =	sdelay $0x3  }
0x33: {  	p0 =	seq.s32 s10, $0x1;
	s10 =	sld [smem:$0x3FB9];
	_ =	sdelay $0x3  }
0x34: {  	[smem:$0x3FB9] =	sst s10  }
0x35: {  	s10 =	sld [smem:$0x3FB8];
	_ =	sdelay $0x3  }
0x36: {  	p1 =	seq.s32 s10, $0x1;
	s10 =	sld [smem:$0x3FB9];
	_ =	sdelay $0x3  }
0x37: {  	[smem:$0x3FB9] =	sst s10  }
0x38: {  	s10 =	sld [smem:$0x3FBA]  }
0x39: {  	_ = 	snop;
	(pc) =	sbr.ind lr, $3  }
0x3a: {  	_ = 	snop  }
0x3b: {  	_ = 	snop  }
0x3c: {  	p2 =	seq.s32 s10, $0x1;
	s10 =	sld [smem:$0x3FB9]  }
0x3d: {  	_ =	shalt  }
0x3e: {  	_ =	shalt  }
0x3f: {  	_ =	shalt  }
0x40: {  	_ =	shalt  }
0x41: {  	_ =	shalt  }
0x42: {  	_ =	shalt  }
0x43: {  	_ =	shalt  }
0x44: {  	_ =	shalt  }
0x45: {  	_ =	shalt  }
0x46: {  	_ =	shalt  }
0x47: {  	_ =	shalt  }
0x48: {  	_ =	shalt  }
0x49: {  	_ =	shalt  }
0x4a: {  	_ =	shalt  }
0x4b: {  	_ =	shalt  }
0x4c: {  	_ =	shalt  }
0x4d: {  	_ =	shalt  }
0x4e: {  	_ =	shalt  }
0x4f: {  	_ =	shalt  }
0x50: {  	_ =	shalt  }
0x51: {  	_ =	shalt  }
0x52: {  	_ =	shalt  }
0x53: {  	_ =	shalt  }
0x54: {  	_ =	shalt  }
0x55: {  	_ =	shalt  }
0x56: {  	_ =	shalt  }
0x57: {  	_ =	shalt  }
0x58: {  	_ =	shalt  }
0x59: {  	_ =	shalt  }
0x5a: {  	_ =	shalt  }
0x5b: {  	_ =	shalt  }
0x5c: {  	_ =	shalt  }
0x5d: {  	_ =	shalt  }
0x5e: {  	_ =	shalt  }
0x5f: {  	_ =	shalt  }
0x60: {  	_ =	shalt  }
0x61: {  	_ =	shalt  }
0x62: {  	_ =	shalt  }
0x63: {  	_ =	shalt  }
0x64: {  	_ =	shalt  }
0x65: {  	_ =	shalt  }
0x66: {  	_ =	shalt  }
0x67: {  	_ =	shalt  }
0x68: {  	_ =	shalt  }
0x69: {  	_ =	shalt  }
0x6a: {  	_ =	shalt  }
0x6b: {  	_ =	shalt  }
0x6c: {  	_ =	shalt  }
0x6d: {  	_ =	shalt  }
0x6e: {  	_ =	shalt  }
0x6f: {  	_ =	shalt  }
0x70: {  	_ =	shalt  }
0x71: {  	_ =	shalt  }
0x72: {  	_ =	shalt  }
0x73: {  	_ =	shalt  }
0x74: {  	_ =	shalt  }
0x75: {  	_ =	shalt  }
0x76: {  	_ =	shalt  }
0x77: {  	_ =	shalt  }
0x78: {  	_ =	shalt  }
0x79: {  	_ =	shalt  }
0x7a: {  	_ =	shalt  }
0x7b: {  	_ =	shalt  }
0x7c: {  	_ =	shalt  }
0x7d: {  	_ =	shalt  }
0x7e: {  	_ =	shalt  }
0x7f: {  	_ =	shalt  }
0x80: {  	_ =	shalt  }
0x81: {  	_ =	shalt  }
0x82: {  	_ =	shalt  }
0x83: {  	_ =	shalt  }
0x84: {  	_ =	shalt  }
0x85: {  	_ =	shalt  }
0x86: {  	_ =	shalt  }
0x87: {  	_ =	shalt  }
.Lfunc_end0:
.L_simem_size_0:
called_computation_lowered:
.L_overlay_start_0:
0x88: {  	s2 =	sld [smem:$0x3FD9]  }
0x89: {  	s3 =	sld [smem:$0x3FFE];
	_ =	sdelay $0x1  }
0x8a: {  	s1 =	srdreg.scid  }
0x8b: {  	s0 =	sand.u32 $0x1, s1  }
0x8c: {  	s18 =	sshll.u32 s0, $0xA;
	s2 =	sadd.s32 s3, s2  }
0x8d: {  	s2 =	sadd.s32 s2, s18  }
0x8e: {  	[smem:$0x3FC5] =	sst s2  }
0x8f: {  	_ = 	snop  }
0x90: {  	s2 =	sld [smem:$0x3FC9]  }
0x91: {  	s19 =	sld [smem:$0x3FC8]  }
0x92: {  	s4 =	sld [smem:$0x3FC7]  }
0x93: {  	s5 =	sld [smem:$0x3FD0];
	(tm) =	ssettm $0x1  }
0x94: {  	s6 =	sld [smem:$0x3FFB];
	_ =	sdelay $0x3  }
0x95: {  	_ =	strace s6  }
0x96: {  	s6 =	sld [smem:$0x3FFC];
	_ =	sdelay $0x3  }
0x97: {  	_ =	strace s6  }
0x98: {  	s6 =	sld [smem:$0x3FFD];
	_ =	sdelay $0x3  }
0x99: {  	_ =	strace s6  }
0x9a: {  	_ =	strace $0x8FFFFFFF  }
0x9b: {  	s20 =	sld [smem:$0x3FDB];
	_ =	sdelay $0x1  }
0x9c: {  	s7 =	simm.s32 $_scs_section_size  }
0x9d: {  	s8 =	simm.s32 $_size__tile_overlayer_lowered;
	s9 =	simm.s32 $_tile_overlayer_lowered  }
0x9e: {  	s23 =	simm.s32 $0x1BFF;
	s22 =	sshll.u32 s9, $0x1;
	s6 =	sadd.s32 s7, s20  }
0x9f: {  	s10 =	simm.s32 $0x0;
	s21 =	sshll.u32 s8, $0x1;
	s8 =	sadd.s32 s22, s6  }
0xa0: {  	[timem:s10], [sflag:s23] =	dma.local [hbm:s8], s21  }
0xa1: {  	_ =	swait.ge [sflag:s23], s21  }
0xa2: {  	s7 =	ssub.s32 $0x0, s21;
	[sflag:s23] =	ssyncset.done $0x0  }
0xa3: {  	[sflag:s23] =	ssyncadd.s32 s7;
	_ =	sdelay $0x1  }
0xa4: {  	s24 =	simm.s32 $0x1B8B  }
0xa5: {  	_ =	swait.ge [sflag:s24], $0x1  }
0xa6: {  	[sflag:s24] =	ssyncset.done $0x0  }
0xa7: {  	s25 =	simm.s32 $0x1B8E;
	[sflag:s24] =	ssyncadd.s32 $0xFFFFFFFF  }
0xa8: {  	s26 =	simm.s32 $execute0_lowered;
	[smem:$0x3FD2] =	sst s25  }
0xa9: {  	s7 =	sshll.u32 s26, $0x1;
	_ =	strace $0x80000046;
	[dreg:$0x1] =	wrdreg $0xFFFFFFFF  }
0xaa: {  	s28 =	simm.s32 $_size_execute0_lowered;
	s6 =	sadd.s32 s6, s7;
	[dreg:$0x0] =	wrdreg $0x0  }
0xab: {  	s7 =	sshll.u32 s28, $0x1;
	[dreg:$0x2] =	wrdreg s6  }
0xac: {  	[dreg:$0x3] =	wrdreg s7  }
0xad: {  	[dreg:$0x4] =	wrdreg $0xC0  }
0xae: {  	_ =	task [dreg:s10], $0x5FFFF  }
0xaf: {  	[dreg:$0x1] =	wrdreg $0xFFFFFFFF  }
0xb0: {  	[dreg:$0x0] =	wrdreg $0x60  }
0xb1: {  	[dreg:$0x2] =	wrdreg s2  }
0xb2: {  	[dreg:$0x3] =	wrdreg s19  }
0xb3: {  	[dreg:$0x4] =	wrdreg s4  }
0xb4: {  	[dreg:$0x5] =	wrdreg s5  }
0xb5: {  	[dreg:$0x6] =	wrdreg $0x9  }
0xb6: {  	_ =	task.clear_ibuf [dreg:s10], $0x7FFFF;
	_ =	strace $0x90000046  }
0xb7: {  	s29 =	simm.s32 $0x9;
	_ =	strace $0x80000048  }
0xb8: {  	_ =	swait.ge [sflag:s29], $0x1  }
0xb9: {  	[sflag:s29] =	ssyncadd.s32 $0xFFFFFFFF  }
0xba: {  	_ =	strace $0x90000048  }
0xbb: {  	_ =	sfence  }
0xbc: {  	s30 =	sld [smem:$0x0];
	_ =	sdelay $0x2  }
0xbd: {  	s31 =	sshll.u32 s1, $0xD;
	s1 =	sshrl.u32 s1, $0x2  }
0xbe: {  	s3 =	sand.u32 $0x4000, s31;
	s1 =	sadd.s32 s1, s30  }
0xbf: {  	s0 =	sor.u32 s3, s0;
	s1 =	sshll.u32 s1, $0x11  }
0xc0: {  	s0 =	sor.u32 s1, s0  }
0xc1: {  	s0 =	sadd.s32 $0x8F2B, s0  }
0xc2: {  	[sflag:s0] =	ssyncadd.remote.s32 $0x1  }
0xc3: {  	_ =	sfence.sel $0xFFFF  }
0xc4: {  	[dreg:$0x0] =	wrdreg $0xFFFFFFFF;
	(pc) =	sbr.abs _section_cstart, $3  }
0xc5: {  	[dreg:$0x1] =	wrdreg $0xFFFFFFFF  }
0xc6: {  	_ =	task.clear_ibuf [dreg:s10], $0x2FFFF;
	_ =	strace $0x9FFFFFFF  }
0xc7: {  	(tm) =	ssettm $0x7FFFFFFF  }
tec
execute0_lowered:
.L_overlay_start_1:
0x0: {  	(tag) =	ssettag $0x1  }
0x1: {  	s0 =	rddreg [dreg:$0x0]  }
0x2: {  	s1 =	rddreg [dreg:$0x1]  }
0x3: {  	s2 =	rddreg [dreg:$0x2]  }
0x4: {  	s8 =	rddreg [dreg:$0x3];
	s3 =	srdreg.scid  }
0x5: {  	s19 =	stileid.u32;
	s13 =	simm.s32 $0x4;
	s14 =	simm.s32 $0x3  }
0x6: {  	s15 =	simm.s32 $0x1000;
	s16 =	simm.s32 $0x2000;
	s17 =	simm.s32 $0x400  }
0x7: {  	v0 =	vimm.s32 $0xF73100;
	s18 =	simm.s32 $0x1400;
	s28 =	simm.s32 $0x3180;
	s29 =	simm.s32 $0x2  }
0x8: {  	s30 =	simm.s32 $0x3200;
	s31 =	simm.s32 $0x3280;
	[dreg:$0x5] =	wrdreg s2;
	v0 =	vunpack.c.l.s4.s8 v0  }
0x9: {  	v1 =	vimm.s32 $0x3F1FFF7F;
	s4 =	sand.u32 $0x1, s3;
	s3 =	simm.s32 $0x0;
	s6 =	sshll.u32 s19, $0x9  }
0xa: {  	vm0 =	vcmask $0x1700;
	vm1 =	vcmask $0x300;
	s19 =	simm.s32 $0x2400;
	s5 =	sshll.u32 s4, $0xD;
	s4 =	ssub.s32 $0x2, s4;
	v0 =	vunpack.c.0.s8.s32 v0  }
0xb: {  	v57 =	vimm.s32 $0x0;
	v8 =	vlaneseq.u32;
	v1 =	vunpack.c.0.s8.s32 v1;
	[smem:$0x7FF] =	sst s3;
	s7 =	sor.u32 s6, s5;
	s20 =	sshrl.u32 s4, $0x1  }
0xc: {  	v59 =	vadd.s32 $0x1, v8;
	v7 =	vshrl.u32 v8, $0x3;
	_ =	strace $0x80000047;
	s9 =	sshrl.u32 s7, $0x7;
	s10 =	ssub.s32 s4, s20;
	v0 =	vand.u32 $0xF, v0  }
0xd: {  	v1 =	vand.u32 $0xFF, v1;
	s4 =	sadd.s32 s0, s7;
	s7 =	sshrl.u32 s7, $0x3;
	s20 =	simm.s32 $0x800;
	v0 =	vnsel vm0, $0x3FFF, v0;
	vm0 =	vcmask $0x2718  }
0xe: {  	v60 =	vadd.s32 $0x9, v8;
	s11 =	sor.u32 $0x1, s9;
	s12 =	sor.u32 $0x2, s9;
	s9 =	sor.u32 $0x3, s9;
	v0 =	vsel vm0, v1, v0;
	vm0 =	vcmask $0x2B28  }
0xf: {  	v61 =	vand.u32 $0x7, v8;
	s7 =	sadd.s32 s8, s7;
	s21 =	sshll.u32 s11, $0x7;
	s22 =	sshll.u32 s12, $0x7;
	v0 =	vsel vm0, $0x1FF, v0;
	vm0 =	vcmask $0x2F2C  }
0x10: {  	v63 =	vor.u32 $0x8, v8;
	s11 =	sshll.u32 s11, $0x4;
	[dreg:$0x6] =	wrdreg s7;
	s24 =	sshll.u32 s12, $0x4;
	v0 =	vsel vm0, $0x3FF, v0;
	vm0 =	vcmask $0x3330  }
0x11: {  	v62 =	vmul.u32 $0x8, v7;
	[tilespmem:$0x1FFB0] =	vst v59;
	s25 =	sshll.u32 s9, $0x7;
	s26 =	sshll.u32 s9, $0x4;
	s9 =	smax.u32 s10, $0x1;
	v0 =	vsel vm0, $0x7FF, v0;
	vm0 =	vcmask $0x3734  }
0x12: {  	[tilespmem:$0x1FFC0] =	vst v60;
	s10 =	simm.s32 $0x3080;
	s12 =	simm.s32 $0x3100;
	s5 =	sadd.s32 s0, s21;
	v1 =	vsel vm1, $0x7FFF, v57;
	v0 =	vsel vm0, $0xFFF, v0;
	vm0 =	vcmask $0x704  }
0x13: {  	[tilespmem:$0x1FFD0] =	vst v61;
	s6 =	sadd.s32 s0, s22;
	s23 =	sadd.s32 s8, s11;
	s11 =	sadd.s32 s8, s24;
	vm1 =	vcmask $0x3B38;
	v1 =	vsel vm0, $0xFFFF, v1;
	vm0 =	vcmask $0xB08  }
0x14: {  	[tilespmem:$0x1FFF0] =	vst v63;
	s7 =	sadd.s32 s0, s25;
	s8 =	sadd.s32 s8, s26;
	s21 =	simm.s32 $0x1800;
	v0 =	vsel vm1, $0x1FFF, v0;
	vm1 =	vcmask $0xF0C;
	v1 =	vsel vm0, $0x1FFFF, v1  }
0x15: {  	[tilespmem:$0x1FFE0] =	vst v62;
	s22 =	simm.s32 $0x2800;
	s24 =	simm.s32 $0x1C00;
	s25 =	simm.s32 $0x2C00;
	v1 =	vsel vm1, $0x3FFFF, v1;
	vm1 =	vcmask $0x1310  }
0x16: {  	s26 =	simm.s32 $0x1;
	s0 =	simm.s32 $0x3300;
	[dreg:$0x7] =	wrdreg s23;
	[tilespmem:$0x1FF90] =	vst v0;
	v58 =	vsel vm1, $0x7FFFF, v1  }
0x17: {  	vm2 =	vmmov $0xf;
	[dreg:$0x8] =	wrdreg s11;
	s11 =	simm.s32 $0x3090;
	s23 =	simm.s32 $0xC00;
	vm0 =	vmmov $0xffff;
	vm1 =	vmmov $0xff;
	[tilespmem:$0x1FFA0] =	vst v58  }
.LBB2_1:
0x18: {  	v0 =	vld [tilespmem:$0x1FF90];
	_ =	sdelay $0x1  }
0x19: {  	v29 =	vld [tilespmem:$0x1FFA0];
	_ =	sdelay $0x5  }
0x1a: {  	[tilespmem:s10], [sflag:$0x3] =	stream.indirect_vreg.gather [hbm4b:s1+s3], $0x1, v0, vm0, $0xb8;
	[tilespmem:$0x3380] =	vst v63  }
0x1b: {  	_ = 	snop  }
0x1c: {  	[tilespmem:s11], [sflag:$0x3] =	stream.indirect_vreg.gather [hbm4b:s1+s3], $0x1, v29, vm0, $0xb8;
	[tilespmem:$0x3380] =	vst v63  }
0x1d: {  	s2 =	rddreg [dreg:$0x5]  }
0x1e: {  	[tilespmem:s12], [sflag:$0x4] =	stream.linear.gather [hbm4b:s2+s3], $0x80, $0x38;
	[tilespmem:$0x3380] =	vst v63  }
0x1f: {  	_ =	swait.ge [sflag:s13], $0x80  }
0x20: {  	[sflag:s13] =	ssyncset.done $0x0  }
0x21: {  	[sflag:s13] =	ssyncadd.s32 $0xFFFFFF80  }
0x22: {  	_ =	swait.ge [sflag:s14], $0x10  }
0x23: {  	[sflag:s14] =	ssyncset.done $0x0  }
0x24: {  	[sflag:s14] =	ssyncadd.s32 $0xFFFFFFF0  }
0x25: {  	_ =	swait.ge [sflag:s14], $0x10  }
0x26: {  	v30 =	vld [tilespmem:$0x1FFB0]  }
0x27: {  	v31 =	vld [tilespmem:$0x1FFC0];
	_ =	sdelay $0x4  }
0x28: {  	[sflag:s14] =	ssyncset.done $0x0  }
0x29: {  	[sflag:s14] =	ssyncadd.s32 $0xFFFFFFF0  }
0x2a: {  	v10 =	vld.idx.msk [tilespmem:v30+s10+$0x0], $0xffff  }
0x2b: {  	v11 =	vld.idx.msk [tilespmem:v31+s10+$0x0], $0xffff  }
0x2c: {  	v32 =	vimm.s32 $0x1  }
0x2d: {  	v33 =	vimm.s32 $0x2;
	_ =	sdelay $0x1  }
0x2e: {  	vm3 =	vgt.s32 v10, $0x0  }
0x2f: {  	v12 =	vnsel vm3, $0x0, v10;
	vm3 =	vgt.s32 v11, $0x0  }
0x30: {  	v9 =	vld.idx.msk [tilespmem:v32+s12+$0x0], $0xffff;
	v12 =	vmin.u32 v12, $0x63;
	v11 =	vnsel vm3, $0x0, v11  }
0x31: {  	v10 =	vld.idx.msk [tilespmem:v33+s12+$0x0], $0xffff;
	v11 =	vmin.u32 v11, $0x63;
	[tilespmem:$0x3000] =	vst v12  }
0x32: {  	[tilespmem:$0x3008] =	vst v11  }
0x33: {  	v11 =	vld [tilespmem:$0x3000];
	_ =	sdelay $0x2  }
0x34: {  	v35 =	vld [tilespmem:$0x1FFD0]  }
0x35: {  	v1 =	vld [tilespmem:$0x1FFE0]  }
0x36: {  	v2 =	vld [tilespmem:$0x1FFF0];
	v34 =	vshll.u32 v11, $0x7  }
0x37: {  	v11 =	vand.u32 $0x7, v11;
	v12 =	vand.u32 $0xFFFFFC00, v34  }
0x38: {  	v11 =	vor.u32 v11, v12  }
0x39: {  	v12 =	vperm.xlane v11, v35;
	_ =	sdelay $0x1  }
0x3a: {  	v11 =	vperm.xlane v11, v2;
	v12 =	vadd.s32 v1, v12;
	_ =	sdelay $0x1  }
0x3b: {  	v11 =	vadd.s32 v1, v11;
	_ =	sdelay $0x2  }
0x3c: {  	[tilespmem:s3], [sflag:$0x1] =	stream.indirect_vreg.gather [hbm4b:s4+s3], $0x80, v12, vm1, $0xb8;
	[tilespmem:$0x3380] =	vst v63  }
0x3d: {  	_ = 	snop  }
0x3e: {  	[tilespmem:s15], [sflag:$0x1] =	stream.indirect_vreg.gather [hbm4b:s4+s3], $0x80, v11, vm1, $0xb8;
	[tilespmem:$0x3380] =	vst v63  }
0x3f: {  	v11 =	vld.msk [tilespmem:$0x3010], $0xf;
	_ =	sdelay $0x4  }
0x40: {  	v36 =	vshll.u32 v11, $0x7  }
0x41: {  	v11 =	vand.u32 $0x7, v11;
	v12 =	vand.u32 $0xFFFFFC00, v36  }
0x42: {  	v11 =	vor.u32 v11, v12  }
0x43: {  	v11 =	vperm.xlane v11, v35;
	_ =	sdelay $0x1  }
0x44: {  	v11 =	vadd.s32 v1, v11;
	_ =	sdelay $0x4  }
0x45: {  	[tilespmem:s16], [sflag:$0x1] =	stream.indirect_vreg.gather [hbm4b:s4+s3], $0x80, v11, vm2, $0xb8;
	[tilespmem:$0x3380] =	vst v63  }
0x46: {  	v11 =	vld [tilespmem:$0x3000];
	_ =	sdelay $0x4  }
0x47: {  	v37 =	vshll.u32 v11, $0x7  }
0x48: {  	v11 =	vand.u32 $0x7, v11;
	v12 =	vand.u32 $0xFFFFFC00, v37  }
0x49: {  	v11 =	vor.u32 v11, v12  }
0x4a: {  	v12 =	vperm.xlane v11, v35;
	_ =	sdelay $0x1  }
0x4b: {  	v11 =	vperm.xlane v11, v2;
	v12 =	vadd.s32 v1, v12;
	_ =	sdelay $0x1  }
0x4c: {  	v11 =	vadd.s32 v1, v11;
	_ =	sdelay $0x2  }
0x4d: {  	[tilespmem:s17], [sflag:$0x2] =	stream.indirect_vreg.gather [hbm4b:s5+s3], $0x80, v12, vm1, $0xb8;
	[tilespmem:$0x3380] =	vst v63  }
0x4e: {  	_ = 	snop  }
0x4f: {  	[tilespmem:s18], [sflag:$0x2] =	stream.indirect_vreg.gather [hbm4b:s5+s3], $0x80, v11, vm1, $0xb8;
	[tilespmem:$0x3380] =	vst v63  }
0x50: {  	v11 =	vld.msk [tilespmem:$0x3010], $0xf;
	_ =	sdelay $0x4  }
0x51: {  	v38 =	vshll.u32 v11, $0x7  }
0x52: {  	v11 =	vand.u32 $0x7, v11;
	v12 =	vand.u32 $0xFFFFFC00, v38  }
0x53: {  	v11 =	vor.u32 v11, v12  }
0x54: {  	v11 =	vperm.xlane v11, v35;
	_ =	sdelay $0x1  }
0x55: {  	v11 =	vadd.s32 v1, v11;
	_ =	sdelay $0x4  }
0x56: {  	[tilespmem:s19], [sflag:$0x2] =	stream.indirect_vreg.gather [hbm4b:s5+s3], $0x80, v11, vm2, $0xb8;
	[tilespmem:$0x3380] =	vst v63  }
0x57: {  	v11 =	vld [tilespmem:$0x3000];
	_ =	sdelay $0x4  }
0x58: {  	v39 =	vshll.u32 v11, $0x7  }
0x59: {  	v11 =	vand.u32 $0x7, v11;
	v12 =	vand.u32 $0xFFFFFC00, v39  }
0x5a: {  	v11 =	vor.u32 v11, v12  }
0x5b: {  	v12 =	vperm.xlane v11, v35;
	_ =	sdelay $0x1  }
0x5c: {  	v11 =	vperm.xlane v11, v2;
	v12 =	vadd.s32 v1, v12;
	_ =	sdelay $0x1  }
0x5d: {  	v11 =	vadd.s32 v1, v11;
	_ =	sdelay $0x2  }
0x5e: {  	[tilespmem:s20], [sflag:$0x1] =	stream.indirect_vreg.gather [hbm4b:s6+s3], $0x80, v12, vm1, $0xb8;
	[tilespmem:$0x3380] =	vst v63  }
0x5f: {  	_ = 	snop  }
0x60: {  	[tilespmem:s21], [sflag:$0x1] =	stream.indirect_vreg.gather [hbm4b:s6+s3], $0x80, v11, vm1, $0xb8;
	[tilespmem:$0x3380] =	vst v63  }
0x61: {  	v11 =	vld.msk [tilespmem:$0x3010], $0xf;
	_ =	sdelay $0x4  }
0x62: {  	v40 =	vshll.u32 v11, $0x7  }
0x63: {  	v11 =	vand.u32 $0x7, v11;
	v12 =	vand.u32 $0xFFFFFC00, v40  }
0x64: {  	v11 =	vor.u32 v11, v12  }
0x65: {  	v11 =	vperm.xlane v11, v35;
	_ =	sdelay $0x1  }
0x66: {  	v11 =	vadd.s32 v1, v11;
	_ =	sdelay $0x4  }
0x67: {  	[tilespmem:s22], [sflag:$0x1] =	stream.indirect_vreg.gather [hbm4b:s6+s3], $0x80, v11, vm2, $0xb8;
	[tilespmem:$0x3380] =	vst v63  }
0x68: {  	v11 =	vld [tilespmem:$0x3000];
	_ =	sdelay $0x4  }
0x69: {  	v41 =	vshll.u32 v11, $0x7  }
0x6a: {  	v11 =	vand.u32 $0x7, v11;
	v12 =	vand.u32 $0xFFFFFC00, v41  }
0x6b: {  	v11 =	vor.u32 v11, v12  }
0x6c: {  	v12 =	vperm.xlane v11, v35;
	_ =	sdelay $0x1  }
0x6d: {  	v11 =	vperm.xlane v11, v2;
	v12 =	vadd.s32 v1, v12;
	_ =	sdelay $0x1  }
0x6e: {  	v11 =	vadd.s32 v1, v11;
	_ =	sdelay $0x2  }
0x6f: {  	[tilespmem:s23], [sflag:$0x2] =	stream.indirect_vreg.gather [hbm4b:s7+s3], $0x80, v12, vm1, $0xb8;
	[tilespmem:$0x3380] =	vst v63  }
0x70: {  	_ = 	snop  }
0x71: {  	[tilespmem:s24], [sflag:$0x2] =	stream.indirect_vreg.gather [hbm4b:s7+s3], $0x80, v11, vm1, $0xb8;
	[tilespmem:$0x3380] =	vst v63  }
0x72: {  	v11 =	vld.msk [tilespmem:$0x3010], $0xf;
	_ =	sdelay $0x4  }
0x73: {  	v42 =	vshll.u32 v11, $0x7  }
0x74: {  	v11 =	vand.u32 $0x7, v11;
	v12 =	vand.u32 $0xFFFFFC00, v42  }
0x75: {  	v11 =	vor.u32 v11, v12  }
0x76: {  	v11 =	vperm.xlane v11, v35;
	_ =	sdelay $0x1  }
0x77: {  	v11 =	vadd.s32 v1, v11;
	_ =	sdelay $0x4  }
0x78: {  	[tilespmem:s25], [sflag:$0x2] =	stream.indirect_vreg.gather [hbm4b:s7+s3], $0x80, v11, vm2, $0xb8;
	[tilespmem:$0x3380] =	vst v63  }
0x79: {  	_ =	swait.ge [sflag:s26], $0xA00  }
0x7a: {  	[sflag:s26] =	ssyncset.done $0x0  }
0x7b: {  	[sflag:s26] =	ssyncadd.s32 $0xFFFFF600  }
0x7c: {  	v20 =	vld [tilespmem:$0x0]  }
0x7d: {  	v29 =	vld [tilespmem:$0x80]  }
0x7e: {  	v39 =	vld [tilespmem:$0x100]  }
0x7f: {  	v44 =	vld [tilespmem:$0x180]  }
0x80: {  	v46 =	vld [tilespmem:$0x200]  }
0x81: {  	v47 =	vld [tilespmem:$0x280]  }
0x82: {  	v48 =	vld [tilespmem:$0x300]  }
0x83: {  	v49 =	vld [tilespmem:$0x380]  }
0x84: {  	v50 =	vld [tilespmem:$0x1000]  }
0x85: {  	v51 =	vld [tilespmem:$0x1080]  }
0x86: {  	v52 =	vld [tilespmem:$0x1100]  }
0x87: {  	v53 =	vld [tilespmem:$0x1180]  }
0x88: {  	v54 =	vld [tilespmem:$0x1200]  }
0x89: {  	v55 =	vld [tilespmem:$0x1280]  }
0x8a: {  	v56 =	vld [tilespmem:$0x1300]  }
0x8b: {  	v57 =	vld [tilespmem:$0x1380]  }
0x8c: {  	v58 =	vld [tilespmem:$0x2000]  }
0x8d: {  	v59 =	vld [tilespmem:$0x2080]  }
0x8e: {  	v60 =	vld [tilespmem:$0x2100]  }
0x8f: {  	v43 =	vld [tilespmem:$0x2180]  }
0x90: {  	v61 =	vld [tilespmem:$0x10]  }
0x91: {  	v62 =	vld [tilespmem:$0x90]  }
0x92: {  	v63 =	vld [tilespmem:$0x110]  }
0x93: {  	v12 =	vld [tilespmem:$0x190]  }
0x94: {  	v13 =	vld [tilespmem:$0x210]  }
0x95: {  	v11 =	vld [tilespmem:$0x290]  }
0x96: {  	v14 =	vld [tilespmem:$0x310]  }
0x97: {  	v4 =	vld [tilespmem:$0x390];
	[tilespmem:$0x1F510] =	vst v43  }
0x98: {  	v5 =	vld [tilespmem:$0x1010]  }
0x99: {  	v42 =	vld [tilespmem:$0x1B0];
	_ =	sdelay $0x4  }
0x9a: {  	[tilespmem:$0x1F560] =	vst v42;
	v42 =	vld [tilespmem:$0x3B0];
	_ =	sdelay $0x4  }
0x9b: {  	[tilespmem:$0x1F5A0] =	vst v42;
	v42 =	vld [tilespmem:$0x1230];
	_ =	sdelay $0x4  }
0x9c: {  	[tilespmem:$0x1F5E0] =	vst v42;
	v42 =	vld [tilespmem:$0x2130];
	_ =	sdelay $0x4  }
0x9d: {  	[tilespmem:$0x1F610] =	vst v42;
	v42 =	vld [tilespmem:$0x21B0];
	_ =	sdelay $0x4  }
0x9e: {  	[tilespmem:$0x1F630] =	vst v42;
	v42 =	vld [tilespmem:$0x40];
	_ =	sdelay $0x4  }
0x9f: {  	[tilespmem:$0x1F640] =	vst v42;
	v42 =	vld [tilespmem:$0xC0];
	_ =	sdelay $0x4  }
0xa0: {  	[tilespmem:$0x1F650] =	vst v42;
	v42 =	vld [tilespmem:$0x140];
	_ =	sdelay $0x4  }
0xa1: {  	[tilespmem:$0x1F660] =	vst v42;
	v42 =	vld [tilespmem:$0x1C0];
	_ =	sdelay $0x4  }
0xa2: {  	[tilespmem:$0x1F670] =	vst v42;
	v42 =	vld [tilespmem:$0x240];
	_ =	sdelay $0x4  }
0xa3: {  	[tilespmem:$0x1F680] =	vst v42;
	v42 =	vld [tilespmem:$0x2C0];
	_ =	sdelay $0x1  }
0xa4: {  	v8 =	vld [tilespmem:$0x1090]  }
0xa5: {  	v6 =	vld [tilespmem:$0x1110]  }
0xa6: {  	v7 =	vld [tilespmem:$0x1190]  }
0xa7: {  	[tilespmem:$0x1F690] =	vst v42;
	v42 =	vld [tilespmem:$0x340]  }
0xa8: {  	v3 =	vld [tilespmem:$0x1210]  }
0xa9: {  	v2 =	vld [tilespmem:$0x1290]  }
0xaa: {  	v1 =	vld [tilespmem:$0x1310]  }
0xab: {  	v0 =	vld [tilespmem:$0x1390]  }
0xac: {  	[tilespmem:$0x1F6A0] =	vst v42;
	v42 =	vld [tilespmem:$0x3C0]  }
0xad: {  	v24 =	vld [tilespmem:$0x2010]  }
0xae: {  	v19 =	vld [tilespmem:$0x2090]  }
0xaf: {  	v34 =	vld [tilespmem:$0x2110]  }
0xb0: {  	v15 =	vld [tilespmem:$0x2190]  }
0xb1: {  	[tilespmem:$0x1F6B0] =	vst v42;
	v42 =	vld [tilespmem:$0x1040]  }
0xb2: {  	v37 =	vld [tilespmem:$0x20]  }
0xb3: {  	v32 =	vld [tilespmem:$0xA0]  }
0xb4: {  	v33 =	vld [tilespmem:$0x120]  }
0xb5: {  	v30 =	vld [tilespmem:$0x1A0]  }
0xb6: {  	[tilespmem:$0x1F6C0] =	vst v42;
	v42 =	vld [tilespmem:$0x10C0]  }
0xb7: {  	v28 =	vld [tilespmem:$0x220]  }
0xb8: {  	v27 =	vld [tilespmem:$0x2A0]  }
0xb9: {  	v31 =	vld [tilespmem:$0x320]  }
0xba: {  	v25 =	vld [tilespmem:$0x3A0]  }
0xbb: {  	[tilespmem:$0x1F6D0] =	vst v42;
	v42 =	vld [tilespmem:$0x1140]  }
0xbc: {  	v26 =	vld [tilespmem:$0x1020]  }
0xbd: {  	v22 =	vld [tilespmem:$0x10A0]  }
0xbe: {  	v23 =	vld [tilespmem:$0x1120]  }
0xbf: {  	v16 =	vld [tilespmem:$0x11A0]  }
0xc0: {  	[tilespmem:$0x1F6E0] =	vst v42;
	v42 =	vld [tilespmem:$0x11C0]  }
0xc1: {  	v21 =	vld [tilespmem:$0x1220]  }
0xc2: {  	v17 =	vld [tilespmem:$0x12A0]  }
0xc3: {  	v18 =	vld [tilespmem:$0x1320]  }
0xc4: {  	v36 =	vld [tilespmem:$0x2020]  }
0xc5: {  	[tilespmem:$0x1F6F0] =	vst v42;
	v42 =	vld [tilespmem:$0x1240]  }
0xc6: {  	v35 =	vld [tilespmem:$0x20A0]  }
0xc7: {  	v43 =	vld [tilespmem:$0x2120]  }
0xc8: {  	v38 =	vld [tilespmem:$0x21A0]  }
0xc9: {  	v45 =	vld [tilespmem:$0x30]  }
0xca: {  	[tilespmem:$0x1F700] =	vst v42;
	v42 =	vld [tilespmem:$0x12C0]  }
0xcb: {  	v40 =	vld [tilespmem:$0xB0]  }
0xcc: {  	v41 =	vld [tilespmem:$0x130]  }
0xcd: {  	v39 =	vmax.f32 v39, v44;
	v44 =	vmax.f32 v46, v47;
	v47 =	vld [tilespmem:$0x350]  }
0xce: {  	v20 =	vmax.f32 v20, v29;
	v29 =	vld [tilespmem:$0x3D0]  }
0xcf: {  	[tilespmem:$0x1F710] =	vst v42;
	v42 =	vld [tilespmem:$0x1340]  }
0xd0: {  	v46 =	vmax.f32 v48, v49;
	v20 =	vmax.f32 v20, v39;
	v39 =	vld [tilespmem:$0x1050]  }
0xd1: {  	v46 =	vmax.f32 v44, v46;
	v44 =	vld [tilespmem:$0x10D0]  }
0xd2: {  	v49 =	vld [tilespmem:$0x1250]  }
0xd3: {  	v11 =	vmax.f32 v13, v11;
	v13 =	vld [tilespmem:$0x1350]  }
0xd4: {  	v62 =	vmax.f32 v61, v62;
	v12 =	vmax.f32 v63, v12;
	[tilespmem:$0x1F720] =	vst v42;
	v42 =	vld [tilespmem:$0x13C0]  }
0xd5: {  	v4 =	vmax.f32 v14, v4;
	v14 =	vmax.f32 v62, v12;
	v12 =	vld [tilespmem:$0x60]  }
0xd6: {  	v20 =	vmax.f32 v20, v46;
	v46 =	vld [tilespmem:$0x1150]  }
0xd7: {  	[tilespmem:$0x1F520] =	vst v15;
	v15 =	vld [tilespmem:$0x13A0]  }
0xd8: {  	[tilespmem:$0x1F530] =	vst v45;
	v45 =	vld [tilespmem:$0x230]  }
0xd9: {  	[tilespmem:$0x1F730] =	vst v42;
	v42 =	vld [tilespmem:$0x2040]  }
0xda: {  	[tilespmem:$0x1F540] =	vst v40;
	v40 =	vld [tilespmem:$0x2B0]  }
0xdb: {  	[tilespmem:$0x1F550] =	vst v41;
	v41 =	vld [tilespmem:$0x330]  }
0xdc: {  	[tilespmem:$0x1F620] =	vst v38;
	v38 =	vld [tilespmem:$0x20B0]  }
0xdd: {  	v6 =	vmax.f32 v6, v7;
	v7 =	vld [tilespmem:$0x13D0]  }
0xde: {  	[tilespmem:$0x1F740] =	vst v42;
	v42 =	vld [tilespmem:$0x20C0]  }
0xdf: {  	v4 =	vmax.f32 v11, v4;
	v2 =	vmax.f32 v3, v2;
	v3 =	vld [tilespmem:$0x2050]  }
0xe0: {  	v0 =	vmax.f32 v1, v0;
	v1 =	vmax.f32 v14, v4;
	v4 =	vld [tilespmem:$0x2150]  }
0xe1: {  	v19 =	vmax.f32 v24, v19;
	v24 =	vld [tilespmem:$0x1F510]  }
0xe2: {  	v5 =	vmax.f32 v5, v8;
	v8 =	vld [tilespmem:$0x160]  }
0xe3: {  	[tilespmem:$0x1F750] =	vst v42;
	v42 =	vld [tilespmem:$0x2140]  }
0xe4: {  	v14 =	vld [tilespmem:$0x260]  }
0xe5: {  	v39 =	vmax.f32 v39, v44;
	v44 =	vld [tilespmem:$0x270]  }
0xe6: {  	v29 =	vmax.f32 v47, v29;
	v47 =	vld [tilespmem:$0x11F0]  }
0xe7: {  	v0 =	vmax.f32 v2, v0;
	v2 =	vld [tilespmem:$0x20D0]  }
0xe8: {  	[tilespmem:$0x1F760] =	vst v42;
	v42 =	vld [tilespmem:$0x21C0]  }
0xe9: {  	v59 =	vmax.f32 v58, v59;
	v58 =	vld [tilespmem:$0x1F520]  }
0xea: {  	v61 =	vld [tilespmem:$0x1F540]  }
0xeb: {  	v62 =	vld [tilespmem:$0x1F550]  }
0xec: {  	v63 =	vld [tilespmem:$0x1F560]  }
0xed: {  	v5 =	vmax.f32 v5, v6;
	[tilespmem:$0x1F7D0] =	vst v42;
	v42 =	vld [tilespmem:$0x50]  }
0xee: {  	v0 =	vmax.f32 v5, v0;
	v5 =	vld [tilespmem:$0x360]  }
0xef: {  	v1 =	vmax.f32 v1, v0;
	v0 =	vld [tilespmem:$0x21D0]  }
0xf0: {  	[tilespmem:$0x1F570] =	vst v45;
	v45 =	vld [tilespmem:$0x1030]  }
0xf1: {  	[tilespmem:$0x1F580] =	vst v40;
	v40 =	vld [tilespmem:$0x10B0]  }
0xf2: {  	[tilespmem:$0x1F780] =	vst v42;
	v42 =	vld [tilespmem:$0xD0]  }
0xf3: {  	v34 =	vmax.f32 v19, v34;
	[tilespmem:$0x1F590] =	vst v41;
	v41 =	vld [tilespmem:$0x1130]  }
0xf4: {  	v1 =	vmax.f32 v1, v34;
	v15 =	vmax.f32 v18, v15;
	v18 =	vld [tilespmem:$0x3E0]  }
0xf5: {  	vm5 =	vgt.f32 v1, $0.0e+00;
	v1 =	vld [tilespmem:$0x13E0]  }
0xf6: {  	v7 =	vmax.f32 v13, v7;
	v13 =	vld [tilespmem:$0x3F0]  }
0xf7: {  	[tilespmem:$0x1F770] =	vst v42;
	v42 =	vld [tilespmem:$0x150]  }
0xf8: {  	v17 =	vmax.f32 v21, v17;
	v21 =	vld [tilespmem:$0x1F570]  }
0xf9: {  	v16 =	vmax.f32 v23, v16;
	v23 =	vld [tilespmem:$0x1F580]  }
0xfa: {  	vm4 =	vgt.f32 v24, $0.0e+00;
	v24 =	vld [tilespmem:$0x1F590]  }
0xfb: {  	[tilespmem:$0x1F5B0] =	vst v45;
	v45 =	vld [tilespmem:$0x11B0]  }
0xfc: {  	[tilespmem:$0x1F7A0] =	vst v42;
	v42 =	vld [tilespmem:$0x1D0]  }
0xfd: {  	[tilespmem:$0x1F5C0] =	vst v40;
	v40 =	vld [tilespmem:$0x12B0]  }
0xfe: {  	[tilespmem:$0x1F5D0] =	vst v41;
	v41 =	vld [tilespmem:$0x1330]  }
0xff: {  	v48 =	vmax.f32 v50, v51;
	v51 =	vmax.f32 v28, v27;
	v27 =	vld [tilespmem:$0x1F5C0]  }
0x100: {  	v28 =	vld [tilespmem:$0x1F5D0]  }
0x101: {  	[tilespmem:$0x1F790] =	vst v42;
	v42 =	vld [tilespmem:$0x250]  }
0x102: {  	[tilespmem:$0x1F5F0] =	vst v40;
	v40 =	vld [tilespmem:$0x2030]  }
0x103: {  	v50 =	vmax.f32 v33, v30;
	v30 =	vld [tilespmem:$0x1F5E0]  }
0x104: {  	[tilespmem:$0x1F600] =	vst v41;
	v41 =	vld [tilespmem:$0x13B0]  }
0x105: {  	v15 =	vmax.f32 v17, v15;
	v17 =	vmax.f32 v21, v23;
	v23 =	vmax.f32 v28, v45;
	v28 =	vld [tilespmem:$0x10E0]  }
0x106: {  	[tilespmem:$0x1F7C0] =	vst v42;
	v42 =	vld [tilespmem:$0x2D0]  }
0x107: {  	v33 =	vmax.f32 v40, v38;
	v38 =	vld [tilespmem:$0x1F610]  }
0x108: {  	v40 =	vld [tilespmem:$0x1F620]  }
0x109: {  	v45 =	vld [tilespmem:$0x1F650]  }
0x10a: {  	vm6 =	vgt.f32 v58, $0.0e+00;
	v58 =	vld [tilespmem:$0x1F6E0]  }
0x10b: {  	[tilespmem:$0x1F7B0] =	vst v42;
	v42 =	vmax.f32 v52, v53;
	v53 =	vmax.f32 v26, v22;
	v22 =	vld [tilespmem:$0xE0]  }
0x10c: {  	v52 =	vmax.f32 v31, v25;
	v25 =	vld [tilespmem:$0x1F5A0]  }
0x10d: {  	v26 =	vld [tilespmem:$0x1F5B0]  }
0x10e: {  	v31 =	vld [tilespmem:$0x1F5F0]  }
0x10f: {  	v55 =	vmax.f32 v54, v55;
	v54 =	vmax.f32 v53, v16;
	v16 =	vld [tilespmem:$0x1E0]  }
0x110: {  	v48 =	vmax.f32 v48, v42;
	v42 =	vmax.f32 v37, v32;
	v32 =	vld [tilespmem:$0x1F600]  }
0x111: {  	v11 =	vmax.f32 v51, v52;
	v51 =	vld [tilespmem:$0x1F670]  }
0x112: {  	v52 =	vld [tilespmem:$0x1F680]  }
0x113: {  	v56 =	vmax.f32 v56, v57;
	v53 =	vld [tilespmem:$0x1F690]  }
0x114: {  	v57 =	vmax.f32 v55, v56;
	v55 =	vmax.f32 v36, v35;
	v6 =	vmax.f32 v42, v50;
	v42 =	vld [tilespmem:$0x1F630]  }
0x115: {  	v48 =	vmax.f32 v48, v57;
	v57 =	vmax.f32 v55, v43;
	v43 =	vld [tilespmem:$0x1F640]  }
0x116: {  	v50 =	vld [tilespmem:$0x1F660]  }
0x117: {  	v56 =	vmax.f32 v54, v15;
	v54 =	vld [tilespmem:$0x1F6A0]  }
0x118: {  	v55 =	vld [tilespmem:$0x1F6B0]  }
0x119: {  	v15 =	vmax.f32 v62, v63;
	v62 =	vld [tilespmem:$0x1F720]  }
0x11a: {  	v63 =	vld [tilespmem:$0x1F730]  }
0x11b: {  	v20 =	vmax.f32 v20, v48;
	v48 =	vld [tilespmem:$0x11D0]  }
0x11c: {  	v60 =	vmax.f32 v59, v60;
	v6 =	vmax.f32 v6, v11;
	v11 =	vld [tilespmem:$0x2E0]  }
0x11d: {  	v20 =	vmax.f32 v20, v60;
	v60 =	vld [tilespmem:$0x1F530]  }
0x11e: {  	v6 =	vmax.f32 v6, v56;
	v56 =	vld [tilespmem:$0x1F6C0]  }
0x11f: {  	vm3 =	vgt.f32 v20, $0.0e+00;
	v20 =	vld [tilespmem:$0x12D0]  }
0x120: {  	v19 =	vmax.f32 v24, v25;
	v24 =	vld [tilespmem:$0x1060]  }
0x121: {  	v59 =	vmax.f32 v6, v57;
	v57 =	vld [tilespmem:$0x1F6D0]  }
0x122: {  	v21 =	vmax.f32 v26, v27;
	v34 =	vmax.f32 v17, v19;
	v19 =	vld [tilespmem:$0x1160]  }
0x123: {  	v21 =	vmax.f32 v21, v23;
	v23 =	vld [tilespmem:$0x1260]  }
0x124: {  	v35 =	vsel vm4, v10, v9;
	v26 =	vmax.f32 v32, v41;
	v32 =	vld [tilespmem:$0x2060]  }
0x125: {  	v17 =	vsel vm3, $0x1, v35;
	vm3 =	vgt.f32 v59, $0.0e+00;
	v59 =	vld [tilespmem:$0x1F6F0]  }
0x126: {  	v25 =	vmax.f32 v30, v31;
	v31 =	vmax.f32 v52, v53;
	v53 =	vld [tilespmem:$0x1F760]  }
0x127: {  	v36 =	vmax.f32 v25, v26;
	v25 =	vld [tilespmem:$0x11E0]  }
0x128: {  	v27 =	vmax.f32 v43, v45;
	v45 =	vld [tilespmem:$0x1F740]  }
0x129: {  	v30 =	vmax.f32 v50, v51;
	v50 =	vld [tilespmem:$0x1F750]  }
0x12a: {  	v26 =	vmax.f32 v33, v38;
	v33 =	vmax.f32 v54, v55;
	v54 =	vld [tilespmem:$0x1F770]  }
0x12b: {  	v55 =	vld [tilespmem:$0x1F780]  }
0x12c: {  	v38 =	vmax.f32 v62, v63;
	v63 =	vld [tilespmem:$0x1F7D0]  }
0x12d: {  	v21 =	vmax.f32 v21, v36;
	v36 =	vld [tilespmem:$0x20E0]  }
0x12e: {  	v27 =	vmax.f32 v27, v30;
	v30 =	vld [tilespmem:$0x2160]  }
0x12f: {  	v31 =	vmax.f32 v31, v33;
	v33 =	vld [tilespmem:$0x70]  }
0x130: {  	v2 =	vmax.f32 v3, v2;
	v6 =	vmax.f32 v60, v61;
	v60 =	vld [tilespmem:$0x1F700]  }
0x131: {  	v2 =	vmax.f32 v2, v4;
	v5 =	vmax.f32 v5, v18;
	v61 =	vld [tilespmem:$0x1F710]  }
0x132: {  	vm13 =	vgt.f32 v40, $0.0e+00;
	v37 =	vsel vm6, v10, v9;
	v27 =	vmax.f32 v27, v31;
	v31 =	vld [tilespmem:$0xF0]  }
0x133: {  	v12 =	vmax.f32 v12, v22;
	v6 =	vmax.f32 v6, v15;
	v20 =	vmax.f32 v49, v20;
	v49 =	vld [tilespmem:$0x1270]  }
0x134: {  	vm15 =	vgt.f32 v42, $0.0e+00;
	v6 =	vmax.f32 v6, v34;
	v34 =	vmax.f32 v56, v57;
	v56 =	vld [tilespmem:$0x1F790]  }
0x135: {  	v8 =	vmax.f32 v8, v16;
	v52 =	vsel vm15, v10, v9;
	v11 =	vmax.f32 v14, v11;
	v57 =	vld [tilespmem:$0x1F7A0]  }
0x136: {  	v5 =	vmax.f32 v11, v5;
	v35 =	vmax.f32 v58, v59;
	v58 =	vld [tilespmem:$0x1F7B0];
	v6 =	vmax.f32 v6, v21  }
0x137: {  	v15 =	vsel vm5, $0x1, v37;
	v59 =	vld [tilespmem:$0x1F7C0];
	v7 =	vmax.f32 v20, v7;
	v41 =	vmax.f32 v6, v26  }
0x138: {  	v20 =	vld [tilespmem:$0x370];
	v42 =	vmax.f32 v34, v35;
	v26 =	vsel vm13, v10, v9;
	vm14 =	vgt.f32 v41, $0.0e+00  }
0x139: {  	v21 =	vld [tilespmem:$0x12E0];
	v37 =	vmax.f32 v60, v61;
	v26 =	vsel vm3, $0x1, v26;
	v60 =	vmax.f32 v46, v48  }
0x13a: {  	v35 =	vld [tilespmem:$0x21E0];
	vm3 =	vgt.f32 v63, $0.0e+00;
	v46 =	vmax.f32 v19, v25;
	v48 =	vmax.f32 v12, v8  }
0x13b: {  	v6 =	vld [tilespmem:$0x1360];
	v43 =	vmax.f32 v37, v38;
	v37 =	vmax.f32 v45, v50;
	v34 =	vsel vm14, $0x1, v52  }
0x13c: {  	v38 =	vmax.f32 v55, v54;
	v39 =	vmax.f32 v39, v60;
	v45 =	vmax.f32 v24, v28;
	v55 =	vld [tilespmem:$0x13F0]  }
0x13d: {  	v52 =	vmax.f32 v32, v36;
	v5 =	vmax.f32 v48, v5;
	v51 =	vmax.f32 v42, v43;
	v42 =	vld [tilespmem:$0x1F0]  }
0x13e: {  	v60 =	vmax.f32 v33, v31;
	v37 =	vmax.f32 v37, v53;
	v7 =	vmax.f32 v39, v7;
	v39 =	vld [tilespmem:$0x1070]  }
0x13f: {  	v40 =	vmax.f32 v57, v56;
	v41 =	vmax.f32 v59, v58;
	v43 =	vld [tilespmem:$0x1170];
	v50 =	vmax.f32 v45, v46  }
0x140: {  	v53 =	vld [tilespmem:$0x1370];
	v54 =	vmax.f32 v52, v30;
	v13 =	vmax.f32 v20, v13;
	v27 =	vmax.f32 v27, v51  }
0x141: {  	v61 =	vmax.f32 v38, v40;
	v38 =	vld [tilespmem:$0x2F0];
	v29 =	vmax.f32 v41, v29;
	v40 =	vsel vm3, v10, v9  }
0x142: {  	v41 =	vld [tilespmem:$0x10F0];
	v21 =	vmax.f32 v23, v21;
	vm3 =	vgt.f32 v0, $0.0e+00;
	vm10 =	vgt.f32 v35, $0.0e+00  }
0x143: {  	v51 =	vld [tilespmem:$0x12F0];
	v27 =	vmax.f32 v27, v37;
	v62 =	vmax.f32 v61, v29;
	v1 =	vmax.f32 v6, v1  }
0x144: {  	v37 =	vld [tilespmem:$0x170];
	v56 =	vsel vm3, v10, v9;
	v24 =	vsel vm10, v10, v9;
	v1 =	vmax.f32 v21, v1  }
0x145: {  	v57 =	vld [tilespmem:$0x2070];
	v3 =	vmax.f32 v62, v7;
	vm8 =	vgt.f32 v27, $0.0e+00;
	v1 =	vmax.f32 v50, v1  }
0x146: {  	v58 =	vld [tilespmem:$0x20F0];
	v2 =	vmax.f32 v3, v2;
	v7 =	vsel vm8, $0x1, v40;
	v1 =	vmax.f32 v5, v1  }
0x147: {  	v59 =	vld [tilespmem:$0x2170];
	v63 =	vmax.f32 v43, v47;
	v5 =	vmax.f32 v53, v55;
	v0 =	vmax.f32 v1, v54  }
0x148: {  	v19 =	vld [tilespmem:$0x21F0];
	v62 =	vmax.f32 v44, v38;
	v3 =	vmax.f32 v39, v41;
	v8 =	vmax.f32 v49, v51  }
0x149: {  	[tilespmem:$0x3180] =	vst v17;
	vm3 =	vgt.f32 v0, $0.0e+00;
	v61 =	vmax.f32 v37, v42;
	v21 =	vmax.f32 v62, v13  }
0x14a: {  	[tilespmem:$0x3190] =	vst v15;
	v3 =	vmax.f32 v3, v63;
	v22 =	vmax.f32 v8, v5;
	v20 =	vmax.f32 v60, v61  }
0x14b: {  	[tilespmem:$0x31A0] =	vst v26;
	v0 =	vmax.f32 v57, v58;
	v3 =	vmax.f32 v3, v22;
	v23 =	vmax.f32 v20, v21  }
0x14c: {  	[tilespmem:$0x31B0] =	vst v34;
	vm9 =	vgt.f32 v2, $0.0e+00;
	v0 =	vmax.f32 v0, v59;
	v1 =	vmax.f32 v23, v3  }
0x14d: {  	vm11 =	vgt.f32 v19, $0.0e+00;
	[tilespmem:$0x31C0] =	vst v7;
	v2 =	vsel vm9, $0x1, v56;
	v0 =	vmax.f32 v1, v0  }
0x14e: {  	v26 =	vsel vm11, v10, v9;
	[tilespmem:$0x31D0] =	vst v2;
	v25 =	vsel vm3, $0x1, v24;
	vm3 =	vgt.f32 v0, $0.0e+00  }
0x14f: {  	[tilespmem:$0x31E0] =	vst v25;
	v0 =	vsel vm3, $0x1, v26  }
0x150: {  	s2 =	rddreg [dreg:$0x6];
	[tilespmem:$0x31F0] =	vst v0  }
0x151: {  	[hbm4b:s2+s3] =	stream.linear.scatter [tilespmem:s28], [sflag:$0x3], $0x80, $0x38;
	[tilespmem:$0x3380] =	vst v63  }
0x152: {  	_ =	swait.ge [sflag:s29], $0xA00  }
0x153: {  	[sflag:s29] =	ssyncset.done $0x0  }
0x154: {  	[sflag:s29] =	ssyncadd.s32 $0xFFFFF600  }
0x155: {  	v27 =	vld [tilespmem:$0x400]  }
0x156: {  	v28 =	vld [tilespmem:$0x480]  }
0x157: {  	v29 =	vld [tilespmem:$0x500]  }
0x158: {  	v30 =	vld [tilespmem:$0x580]  }
0x159: {  	v31 =	vld [tilespmem:$0x600]  }
0x15a: {  	v32 =	vld [tilespmem:$0x680]  }
0x15b: {  	v33 =	vld [tilespmem:$0x700]  }
0x15c: {  	v34 =	vld [tilespmem:$0x780]  }
0x15d: {  	v35 =	vld [tilespmem:$0x1400]  }
0x15e: {  	v36 =	vld [tilespmem:$0x1480]  }
0x15f: {  	v37 =	vld [tilespmem:$0x1500]  }
0x160: {  	v38 =	vld [tilespmem:$0x1580]  }
0x161: {  	v39 =	vld [tilespmem:$0x1600]  }
0x162: {  	v40 =	vld [tilespmem:$0x1680]  }
0x163: {  	v41 =	vld [tilespmem:$0x1700]  }
0x164: {  	v42 =	vld [tilespmem:$0x1780]  }
0x165: {  	v43 =	vld [tilespmem:$0x2400]  }
0x166: {  	v44 =	vld [tilespmem:$0x2480]  }
0x167: {  	v45 =	vld [tilespmem:$0x2500]  }
0x168: {  	v51 =	vld [tilespmem:$0x2580]  }
0x169: {  	v1 =	vld [tilespmem:$0x490]  }
0x16a: {  	v2 =	vld [tilespmem:$0x510]  }
0x16b: {  	v3 =	vld [tilespmem:$0x590]  }
0x16c: {  	v4 =	vld [tilespmem:$0x610]  }
0x16d: {  	v5 =	vld [tilespmem:$0x690]  }
0x16e: {  	v6 =	vld [tilespmem:$0x710]  }
0x16f: {  	v7 =	vld [tilespmem:$0x790]  }
0x170: {  	v8 =	vld [tilespmem:$0x1410]  }
0x171: {  	v12 =	vld [tilespmem:$0x1490]  }
0x172: {  	v14 =	vld [tilespmem:$0x1510]  }
0x173: {  	v15 =	vld [tilespmem:$0x1590]  }
0x174: {  	v16 =	vld [tilespmem:$0x1610]  }
0x175: {  	v17 =	vld [tilespmem:$0x1690]  }
0x176: {  	v18 =	vld [tilespmem:$0x1710]  }
0x177: {  	v19 =	vld [tilespmem:$0x1790]  }
0x178: {  	v20 =	vld [tilespmem:$0x2410]  }
0x179: {  	v21 =	vld [tilespmem:$0x2490]  }
0x17a: {  	v22 =	vld [tilespmem:$0x2510]  }
0x17b: {  	v23 =	vld [tilespmem:$0x2590]  }
0x17c: {  	v24 =	vld [tilespmem:$0x420]  }
0x17d: {  	v25 =	vld [tilespmem:$0x4A0]  }
0x17e: {  	v26 =	vld [tilespmem:$0x520]  }
0x17f: {  	v61 =	vld [tilespmem:$0x25A0]  }
0x180: {  	v62 =	vld [tilespmem:$0x25B0]  }
0x181: {  	v63 =	vld [tilespmem:$0x440]  }
0x182: {  	v13 =	vld [tilespmem:$0x4C0]  }
0x183: {  	v11 =	vld [tilespmem:$0x17C0]  }
0x184: {  	v0 =	vmax.f32 v27, v28;
	v27 =	vld [tilespmem:$0x5A0]  }
0x185: {  	v28 =	vld [tilespmem:$0x620]  }
0x186: {  	v46 =	vmax.f32 v29, v30;
	v29 =	vld [tilespmem:$0x6A0]  }
0x187: {  	v30 =	vld [tilespmem:$0x720]  }
0x188: {  	v47 =	vmax.f32 v31, v32;
	v31 =	vld [tilespmem:$0x7A0]  }
0x189: {  	v32 =	vld [tilespmem:$0x1420]  }
0x18a: {  	v48 =	vmax.f32 v33, v34;
	v33 =	vld [tilespmem:$0x14A0]  }
0x18b: {  	v34 =	vld [tilespmem:$0x1520]  }
0x18c: {  	v49 =	vmax.f32 v35, v36;
	v35 =	vld [tilespmem:$0x15A0]  }
0x18d: {  	v36 =	vld [tilespmem:$0x1620]  }
0x18e: {  	v50 =	vmax.f32 v37, v38;
	v37 =	vld [tilespmem:$0x16A0]  }
0x18f: {  	v38 =	vld [tilespmem:$0x1720]  }
0x190: {  	v52 =	vmax.f32 v39, v40;
	v39 =	vld [tilespmem:$0x17A0]  }
0x191: {  	v40 =	vld [tilespmem:$0x2420]  }
0x192: {  	v53 =	vmax.f32 v41, v42;
	v41 =	vld [tilespmem:$0x24A0]  }
0x193: {  	v42 =	vld [tilespmem:$0x2520]  }
0x194: {  	v57 =	vmax.f32 v43, v44;
	v43 =	vld [tilespmem:$0x430]  }
0x195: {  	v44 =	vld [tilespmem:$0x4B0]  }
0x196: {  	vm3 =	vgt.f32 v51, $0.0e+00;
	v51 =	vld [tilespmem:$0x1430]  }
0x197: {  	[tilespmem:$0x1F7E0] =	vst v61;
	v61 =	vld [tilespmem:$0x2530]  }
0x198: {  	[tilespmem:$0x1F7F0] =	vst v62;
	v62 =	vld [tilespmem:$0x540]  }
0x199: {  	[tilespmem:$0x1F800] =	vst v63;
	v63 =	vld [tilespmem:$0x5C0]  }
0x19a: {  	[tilespmem:$0x1F810] =	vst v13;
	v13 =	vld [tilespmem:$0x640]  }
0x19b: {  	v59 =	vmax.f32 v57, v45;
	v45 =	vld [tilespmem:$0x530]  }
0x19c: {  	v0 =	vmax.f32 v0, v46;
	v46 =	vld [tilespmem:$0x5B0]  }
0x19d: {  	v54 =	vmax.f32 v47, v48;
	v47 =	vld [tilespmem:$0x630]  }
0x19e: {  	v48 =	vld [tilespmem:$0x6B0]  }
0x19f: {  	v55 =	vmax.f32 v49, v50;
	v49 =	vld [tilespmem:$0x730]  }
0x1a0: {  	[tilespmem:$0x1F840] =	vst v13;
	v13 =	vld [tilespmem:$0x7C0]  }
0x1a1: {  	v50 =	vld [tilespmem:$0x7B0]  }
0x1a2: {  	v56 =	vmax.f32 v52, v53;
	v52 =	vld [tilespmem:$0x14B0]  }
0x1a3: {  	v53 =	vld [tilespmem:$0x1530]  }
0x1a4: {  	v57 =	vld [tilespmem:$0x1730]  }
0x1a5: {  	v16 =	vmax.f32 v16, v17;
	v17 =	vmax.f32 v18, v19;
	[tilespmem:$0x1F870] =	vst v13;
	v13 =	vld [tilespmem:$0x1540]  }
0x1a6: {  	v20 =	vmax.f32 v20, v21;
	v19 =	vmax.f32 v16, v17;
	v16 =	vld [tilespmem:$0x560]  }
0x1a7: {  	v22 =	vmax.f32 v20, v22;
	v20 =	vld [tilespmem:$0x5E0]  }
0x1a8: {  	v0 =	vmax.f32 v0, v54;
	v54 =	vld [tilespmem:$0x15B0]  }
0x1a9: {  	v58 =	vmax.f32 v55, v56;
	v55 =	vld [tilespmem:$0x1630]  }
0x1aa: {  	[tilespmem:$0x1F8A0] =	vst v13;
	v13 =	vld [tilespmem:$0x16C0]  }
0x1ab: {  	v56 =	vld [tilespmem:$0x16B0]  }
0x1ac: {  	v0 =	vmax.f32 v0, v58;
	v58 =	vld [tilespmem:$0x17B0]  }
0x1ad: {  	v0 =	vmax.f32 v0, v59;
	v59 =	vld [tilespmem:$0x2430]  }
0x1ae: {  	[tilespmem:$0x1F820] =	vst v62;
	v62 =	vld [tilespmem:$0x6C0]  }
0x1af: {  	v60 =	vsel vm3, v10, v9;
	vm12 =	vgt.f32 v0, $0.0e+00;
	[tilespmem:$0x1F8C0] =	vst v13;
	v13 =	vld [tilespmem:$0x2440]  }
0x1b0: {  	[tilespmem:$0x1F830] =	vst v63;
	v63 =	vld [tilespmem:$0x740];
	v0 =	vsel vm12, $0x1, v60  }
0x1b1: {  	[tilespmem:$0x3200] =	vst v0;
	v0 =	vld [tilespmem:$0x410]  }
0x1b2: {  	v60 =	vld [tilespmem:$0x24B0]  }
0x1b3: {  	[tilespmem:$0x1F850] =	vst v62;
	v62 =	vld [tilespmem:$0x1440]  }
0x1b4: {  	[tilespmem:$0x1F8D0] =	vst v13;
	v13 =	vld [tilespmem:$0x24C0]  }
0x1b5: {  	[tilespmem:$0x1F860] =	vst v63;
	v63 =	vld [tilespmem:$0x14C0]  }
0x1b6: {  	v0 =	vmax.f32 v0, v1;
	v1 =	vmax.f32 v2, v3;
	v3 =	vld [tilespmem:$0x1750]  }
0x1b7: {  	v2 =	vmax.f32 v4, v5;
	v4 =	vmax.f32 v6, v7;
	v7 =	vld [tilespmem:$0x17D0]  }
0x1b8: {  	v5 =	vmax.f32 v8, v12;
	v12 =	vld [tilespmem:$0x25D0]  }
0x1b9: {  	[tilespmem:$0x1F8E0] =	vst v13;
	v13 =	vld [tilespmem:$0x2540]  }
0x1ba: {  	v6 =	vmax.f32 v14, v15;
	v15 =	vld [tilespmem:$0x760]  }
0x1bb: {  	v8 =	vmax.f32 v26, v27;
	v26 =	vmax.f32 v34, v35;
	v35 =	vmax.f32 v47, v48;
	v47 =	vld [tilespmem:$0x1F7E0]  }
0x1bc: {  	v27 =	vmax.f32 v36, v37;
	v36 =	vmax.f32 v49, v50;
	v50 =	vld [tilespmem:$0x1F7F0]  }
0x1bd: {  	v37 =	vmax.f32 v51, v52;
	v51 =	vld [tilespmem:$0x1F800]  }
0x1be: {  	[tilespmem:$0x1F8F0] =	vst v13;
	v13 =	vld [tilespmem:$0x25C0]  }
0x1bf: {  	v52 =	vld [tilespmem:$0x1F810]  }
0x1c0: {  	v14 =	vmax.f32 v28, v29;
	v28 =	vmax.f32 v38, v39;
	v38 =	vmax.f32 v53, v54;
	v53 =	vld [tilespmem:$0x1F820]  }
0x1c1: {  	v54 =	vld [tilespmem:$0x1F830]  }
0x1c2: {  	v39 =	vmax.f32 v55, v56;
	v55 =	vld [tilespmem:$0x1F840]  }
0x1c3: {  	[tilespmem:$0x1F9E0] =	vst v13;
	v13 =	vld [tilespmem:$0x450]  }
0x1c4: {  	v56 =	vld [tilespmem:$0x1F850]  }
0x1c5: {  	v29 =	vmax.f32 v40, v41;
	v40 =	vmax.f32 v57, v58;
	v57 =	vld [tilespmem:$0x1F860]  }
0x1c6: {  	v58 =	vld [tilespmem:$0x1F870]  }
0x1c7: {  	v0 =	vmax.f32 v0, v1;
	v1 =	vld [tilespmem:$0x2450]  }
0x1c8: {  	[tilespmem:$0x1F900] =	vst v13;
	v13 =	vld [tilespmem:$0x4D0]  }
0x1c9: {  	v18 =	vmax.f32 v5, v6;
	v6 =	vld [tilespmem:$0x24D0]  }
0x1ca: {  	v2 =	vmax.f32 v2, v4;
	v4 =	vld [tilespmem:$0x2550]  }
0x1cb: {  	v5 =	vld [tilespmem:$0x4E0]  }
0x1cc: {  	v0 =	vmax.f32 v0, v2;
	v2 =	vld [tilespmem:$0x460]  }
0x1cd: {  	[tilespmem:$0x1F910] =	vst v13;
	v13 =	vld [tilespmem:$0x550]  }
0x1ce: {  	v21 =	vmax.f32 v18, v19;
	v18 =	vld [tilespmem:$0x6E0]  }
0x1cf: {  	v19 =	vmax.f32 v29, v42;
	v29 =	vld [tilespmem:$0x14E0]  }
0x1d0: {  	v42 =	vmax.f32 v35, v36;
	v35 =	vld [tilespmem:$0x24E0]  }
0x1d1: {  	[tilespmem:$0x1F890] =	vst v63;
	v63 =	vld [tilespmem:$0x15C0]  }
0x1d2: {  	[tilespmem:$0x1F920] =	vst v13;
	v13 =	vld [tilespmem:$0x5D0]  }
0x1d3: {  	[tilespmem:$0x1F880] =	vst v62;
	v62 =	vld [tilespmem:$0x1640]  }
0x1d4: {  	v0 =	vmax.f32 v0, v21;
	v21 =	vld [tilespmem:$0x7E0]  }
0x1d5: {  	v0 =	vmax.f32 v0, v22;
	v22 =	vld [tilespmem:$0x1560]  }
0x1d6: {  	v41 =	vmax.f32 v59, v60;
	v59 =	vld [tilespmem:$0x1F880]  }
0x1d7: {  	[tilespmem:$0x1F930] =	vst v13;
	v13 =	vld [tilespmem:$0x650]  }
0x1d8: {  	v60 =	vld [tilespmem:$0x1F890]  }
0x1d9: {  	v34 =	vmax.f32 v45, v46;
	v46 =	vmax.f32 v41, v61;
	v61 =	vld [tilespmem:$0x1F8A0];
	vm3 =	vgt.f32 v0, $0.0e+00  }
0x1da: {  	v0 =	vmax.f32 v24, v25;
	v24 =	vmax.f32 v30, v31;
	v31 =	vmax.f32 v27, v28;
	v27 =	vld [tilespmem:$0x15E0]  }
0x1db: {  	v25 =	vmax.f32 v32, v33;
	v33 =	vmax.f32 v43, v44;
	v43 =	vmax.f32 v37, v38;
	v38 =	vld [tilespmem:$0x5F0]  }
0x1dc: {  	[tilespmem:$0x1F940] =	vst v13;
	v13 =	vld [tilespmem:$0x6D0]  }
0x1dd: {  	v0 =	vmax.f32 v0, v8;
	v8 =	vld [tilespmem:$0x660]  }
0x1de: {  	v30 =	vmax.f32 v25, v26;
	v25 =	vld [tilespmem:$0x1460]  }
0x1df: {  	v14 =	vmax.f32 v14, v24;
	v24 =	vld [tilespmem:$0x1660]  }
0x1e0: {  	v32 =	vmax.f32 v30, v31;
	v31 =	vld [tilespmem:$0x2460]  }
0x1e1: {  	v44 =	vmax.f32 v39, v40;
	v28 =	vmax.f32 v53, v54;
	v26 =	vmax.f32 v51, v52;
	[tilespmem:$0x1F950] =	vst v13;
	v13 =	vld [tilespmem:$0x750]  }
0x1e2: {  	v0 =	vmax.f32 v0, v14;
	v14 =	vmax.f32 v33, v34;
	v26 =	vmax.f32 v26, v28;
	v28 =	vld [tilespmem:$0x2560]  }
0x1e3: {  	vm13 =	vgt.f32 v23, $0.0e+00;
	v23 =	vmax.f32 v43, v44;
	[tilespmem:$0x1F8B0] =	vst v62;
	v62 =	vld [tilespmem:$0x1740];
	v14 =	vmax.f32 v14, v42  }
0x1e4: {  	v14 =	vmax.f32 v14, v23;
	v23 =	vld [tilespmem:$0x16E0]  }
0x1e5: {  	v40 =	vld [tilespmem:$0x1F8B0]  }
0x1e6: {  	[tilespmem:$0x1F960] =	vst v13;
	v13 =	vld [tilespmem:$0x7D0]  }
0x1e7: {  	v41 =	vld [tilespmem:$0x1F8C0]  }
0x1e8: {  	v48 =	vmax.f32 v14, v46;
	v14 =	vld [tilespmem:$0x1760]  }
0x1e9: {  	v43 =	vld [tilespmem:$0x1F8D0]  }
0x1ea: {  	v45 =	vsel vm13, v10, v9;
	v0 =	vmax.f32 v0, v32;
	v44 =	vld [tilespmem:$0x1F8E0]  }
0x1eb: {  	v30 =	vmax.f32 v55, v56;
	v32 =	vmax.f32 v57, v58;
	v0 =	vmax.f32 v0, v19;
	[tilespmem:$0x1F970] =	vst v13;
	v13 =	vld [tilespmem:$0x1450]  }
0x1ec: {  	v17 =	vsel vm3, $0x1, v45;
	v30 =	vmax.f32 v30, v32;
	vm3 =	vgt.f32 v0, $0.0e+00;
	v0 =	vld [tilespmem:$0x17E0]  }
0x1ed: {  	v26 =	vmax.f32 v26, v30;
	v30 =	vld [tilespmem:$0x470]  }
0x1ee: {  	v33 =	vmax.f32 v59, v60;
	v63 =	vmax.f32 v61, v63;
	v46 =	vld [tilespmem:$0x1F8F0]  }
0x1ef: {  	v42 =	vmax.f32 v33, v63;
	v33 =	vmax.f32 v43, v44;
	v44 =	vld [tilespmem:$0x770]  }
0x1f0: {  	[tilespmem:$0x1F980] =	vst v13;
	v13 =	vld [tilespmem:$0x14D0]  }
0x1f1: {  	vm14 =	vgt.f32 v47, $0.0e+00;
	v47 =	vld [tilespmem:$0x1F900]  }
0x1f2: {  	vm15 =	vgt.f32 v48, $0.0e+00;
	v48 =	vld [tilespmem:$0x1F910]  }
0x1f3: {  	v49 =	vsel vm14, v10, v9;
	v33 =	vmax.f32 v33, v46;
	v46 =	vld [tilespmem:$0x7F0]  }
0x1f4: {  	v19 =	vsel vm3, $0x1, v49;
	v49 =	vld [tilespmem:$0x1F920]  }
0x1f5: {  	[tilespmem:$0x1F990] =	vst v13;
	v13 =	vld [tilespmem:$0x1550]  }
0x1f6: {  	vm8 =	vgt.f32 v50, $0.0e+00;
	v50 =	vld [tilespmem:$0x1F930]  }
0x1f7: {  	v34 =	vmax.f32 v47, v48;
	v47 =	vld [tilespmem:$0x1F9E0]  }
0x1f8: {  	v48 =	vld [tilespmem:$0x1470]  }
0x1f9: {  	v51 =	vld [tilespmem:$0x1F940]  }
0x1fa: {  	[tilespmem:$0x1F9A0] =	vst v13;
	v13 =	vld [tilespmem:$0x15D0]  }
0x1fb: {  	v36 =	vmax.f32 v49, v50;
	v50 =	vld [tilespmem:$0x14F0]  }
0x1fc: {  	v52 =	vld [tilespmem:$0x1F950]  }
0x1fd: {  	v61 =	vmax.f32 v34, v36;
	v34 =	vld [tilespmem:$0x6F0]  }
0x1fe: {  	v53 =	vld [tilespmem:$0x1F960]  }
0x1ff: {  	[tilespmem:$0x1F9B0] =	vst v13;
	v13 =	vld [tilespmem:$0x1650]  }
0x200: {  	v54 =	vld [tilespmem:$0x1F970]  }
0x201: {  	v37 =	vmax.f32 v51, v52;
	v52 =	vld [tilespmem:$0x1570]  }
0x202: {  	v55 =	vld [tilespmem:$0x1F980]  }
0x203: {  	v1 =	vmax.f32 v1, v6;
	v56 =	vld [tilespmem:$0x1F990]  }
0x204: {  	v3 =	vmax.f32 v3, v7;
	v45 =	vsel vm8, v10, v9;
	v1 =	vmax.f32 v1, v4;
	[tilespmem:$0x1F9C0] =	vst v13;
	v13 =	vld [tilespmem:$0x16D0]  }
0x205: {  	v2 =	vmax.f32 v2, v5;
	v15 =	vmax.f32 v15, v21;
	v39 =	vmax.f32 v53, v54;
	v57 =	vld [tilespmem:$0x1F9A0]  }
0x206: {  	v8 =	vmax.f32 v8, v18;
	v11 =	vmax.f32 v62, v11;
	v62 =	vmax.f32 v37, v39;
	v58 =	vld [tilespmem:$0x1F9B0]  }
0x207: {  	v32 =	vsel vm15, $0x1, v45;
	v8 =	vmax.f32 v8, v15;
	v45 =	vmax.f32 v61, v62;
	v61 =	vld [tilespmem:$0x1770]  }
0x208: {  	v0 =	vmax.f32 v14, v0;
	v7 =	vmax.f32 v44, v46;
	vm3 =	vgt.f32 v47, $0.0e+00;
	v59 =	vld [tilespmem:$0x1F9C0]  }
0x209: {  	v51 =	vmax.f32 v16, v20;
	[tilespmem:$0x1F9D0] =	vst v13;
	v13 =	vmax.f32 v40, v41;
	v40 =	vmax.f32 v55, v56;
	v55 =	vld [tilespmem:$0x15F0]  }
0x20a: {  	v49 =	vsel vm3, v10, v9;
	vm3 =	vgt.f32 v12, $0.0e+00;
	v2 =	vmax.f32 v2, v51;
	v60 =	vld [tilespmem:$0x1F9D0]  }
0x20b: {  	v2 =	vmax.f32 v2, v8;
	v53 =	vmax.f32 v25, v29;
	v41 =	vmax.f32 v57, v58;
	v57 =	vld [tilespmem:$0x1670]  }
0x20c: {  	v54 =	vmax.f32 v22, v27;
	v56 =	vmax.f32 v24, v23;
	v11 =	vmax.f32 v13, v11;
	v13 =	vld [tilespmem:$0x25E0]  }
0x20d: {  	v58 =	vmax.f32 v53, v54;
	v24 =	vsel vm3, v10, v9;
	v11 =	vmax.f32 v42, v11;
	v42 =	vld [tilespmem:$0x670]  }
0x20e: {  	v63 =	vmax.f32 v40, v41;
	v0 =	vmax.f32 v56, v0;
	v11 =	vmax.f32 v26, v11;
	v26 =	vld [tilespmem:$0x4F0]  }
0x20f: {  	v0 =	vmax.f32 v58, v0;
	v11 =	vmax.f32 v11, v33;
	v33 =	vld [tilespmem:$0x570];
	v43 =	vmax.f32 v59, v60  }
0x210: {  	v0 =	vmax.f32 v2, v0;
	vm9 =	vgt.f32 v11, $0.0e+00;
	v59 =	vld [tilespmem:$0x16F0];
	v3 =	vmax.f32 v43, v3  }
0x211: {  	v60 =	vmax.f32 v31, v35;
	v6 =	vsel vm9, $0x1, v49;
	v3 =	vmax.f32 v63, v3;
	v63 =	vld [tilespmem:$0x17F0]  }
0x212: {  	v25 =	vld [tilespmem:$0x2470];
	vm11 =	vgt.f32 v13, $0.0e+00;
	v62 =	vmax.f32 v60, v28;
	v31 =	vmax.f32 v42, v34  }
0x213: {  	v27 =	vld [tilespmem:$0x24F0];
	v37 =	vsel vm11, v10, v9;
	v0 =	vmax.f32 v0, v62;
	v29 =	vmax.f32 v30, v26  }
0x214: {  	v28 =	vld [tilespmem:$0x2570];
	v7 =	vmax.f32 v31, v7;
	v3 =	vmax.f32 v45, v3;
	vm3 =	vgt.f32 v0, $0.0e+00  }
0x215: {  	v34 =	vld [tilespmem:$0x25F0];
	v30 =	vmax.f32 v33, v38;
	v33 =	vmax.f32 v52, v55;
	v1 =	vmax.f32 v3, v1  }
0x216: {  	v3 =	vmax.f32 v48, v50;
	v5 =	vmax.f32 v57, v59;
	v2 =	vmax.f32 v61, v63  }
0x217: {  	[tilespmem:$0x3210] =	vst v17;
	v35 =	vmax.f32 v29, v30;
	v3 =	vmax.f32 v3, v33;
	v2 =	vmax.f32 v5, v2  }
0x218: {  	[tilespmem:$0x3220] =	vst v19;
	v0 =	vmax.f32 v25, v27;
	v36 =	vmax.f32 v35, v7;
	v2 =	vmax.f32 v3, v2  }
0x219: {  	[tilespmem:$0x3230] =	vst v32;
	v38 =	vsel vm3, $0x1, v37;
	v0 =	vmax.f32 v0, v28;
	v2 =	vmax.f32 v36, v2  }
0x21a: {  	[tilespmem:$0x3240] =	vst v6;
	vm10 =	vgt.f32 v1, $0.0e+00;
	vm12 =	vgt.f32 v34, $0.0e+00;
	v0 =	vmax.f32 v2, v0  }
0x21b: {  	[tilespmem:$0x3260] =	vst v38;
	v1 =	vsel vm10, $0x1, v24;
	v39 =	vsel vm12, v10, v9;
	vm3 =	vgt.f32 v0, $0.0e+00  }
0x21c: {  	[tilespmem:$0x3250] =	vst v1;
	v0 =	vsel vm3, $0x1, v39  }
0x21d: {  	s2 =	rddreg [dreg:$0x7];
	[tilespmem:$0x3270] =	vst v0  }
0x21e: {  	[hbm4b:s2+s3] =	stream.linear.scatter [tilespmem:s30], [sflag:$0x3], $0x80, $0x38;
	[tilespmem:$0x3380] =	vst v63  }
0x21f: {  	_ =	swait.ge [sflag:s26], $0xA00  }
0x220: {  	[sflag:s26] =	ssyncset.done $0x0  }
0x221: {  	[sflag:s26] =	ssyncadd.s32 $0xFFFFF600  }
0x222: {  	v0 =	vld [tilespmem:$0x800]  }
0x223: {  	v1 =	vld [tilespmem:$0x880]  }
0x224: {  	v2 =	vld [tilespmem:$0x900]  }
0x225: {  	v3 =	vld [tilespmem:$0x980]  }
0x226: {  	v4 =	vld [tilespmem:$0xA00]  }
0x227: {  	v5 =	vld [tilespmem:$0xA80]  }
0x228: {  	v6 =	vld [tilespmem:$0xB00]  }
0x229: {  	v7 =	vld [tilespmem:$0xB80]  }
0x22a: {  	v8 =	vld [tilespmem:$0x1800]  }
0x22b: {  	v29 =	vld [tilespmem:$0x1880]  }
0x22c: {  	v39 =	vld [tilespmem:$0x1900]  }
0x22d: {  	v44 =	vld [tilespmem:$0x1980]  }
0x22e: {  	v46 =	vld [tilespmem:$0x1A00]  }
0x22f: {  	v47 =	vld [tilespmem:$0x1A80]  }
0x230: {  	v48 =	vld [tilespmem:$0x1B00]  }
0x231: {  	v49 =	vld [tilespmem:$0x1B80]  }
0x232: {  	v50 =	vld [tilespmem:$0x2800]  }
0x233: {  	v51 =	vld [tilespmem:$0x2880]  }
0x234: {  	v52 =	vld [tilespmem:$0x2900]  }
0x235: {  	v40 =	vld [tilespmem:$0x2980]  }
0x236: {  	v53 =	vld [tilespmem:$0x810]  }
0x237: {  	v54 =	vld [tilespmem:$0x890]  }
0x238: {  	v55 =	vld [tilespmem:$0x910]  }
0x239: {  	v56 =	vld [tilespmem:$0x990]  }
0x23a: {  	v57 =	vld [tilespmem:$0xA10]  }
0x23b: {  	v58 =	vld [tilespmem:$0xA90]  }
0x23c: {  	v59 =	vld [tilespmem:$0xB10]  }
0x23d: {  	v60 =	vld [tilespmem:$0xB90];
	[tilespmem:$0x1F9F0] =	vst v40  }
0x23e: {  	v61 =	vld [tilespmem:$0x1810]  }
0x23f: {  	v42 =	vld [tilespmem:$0x29A0];
	_ =	sdelay $0x4  }
0x240: {  	[tilespmem:$0x1FB00] =	vst v42;
	v42 =	vld [tilespmem:$0x9B0];
	_ =	sdelay $0x4  }
0x241: {  	[tilespmem:$0x1FA40] =	vst v42;
	v42 =	vld [tilespmem:$0xBB0];
	_ =	sdelay $0x4  }
0x242: {  	[tilespmem:$0x1FA80] =	vst v42;
	v42 =	vld [tilespmem:$0x1A30];
	_ =	sdelay $0x4  }
0x243: {  	[tilespmem:$0x1FAC0] =	vst v42;
	v42 =	vld [tilespmem:$0x2930];
	_ =	sdelay $0x4  }
0x244: {  	[tilespmem:$0x1FAF0] =	vst v42;
	v42 =	vld [tilespmem:$0x29B0];
	_ =	sdelay $0x4  }
0x245: {  	[tilespmem:$0x1FB10] =	vst v42;
	v42 =	vld [tilespmem:$0x840];
	_ =	sdelay $0x4  }
0x246: {  	[tilespmem:$0x1FB20] =	vst v42;
	v42 =	vld [tilespmem:$0x8C0];
	_ =	sdelay $0x4  }
0x247: {  	[tilespmem:$0x1FB30] =	vst v42;
	v42 =	vld [tilespmem:$0x940];
	_ =	sdelay $0x4  }
0x248: {  	[tilespmem:$0x1FB40] =	vst v42;
	v42 =	vld [tilespmem:$0x9C0];
	_ =	sdelay $0x4  }
0x249: {  	[tilespmem:$0x1FB50] =	vst v42;
	v42 =	vld [tilespmem:$0xA40];
	_ =	sdelay $0x4  }
0x24a: {  	[tilespmem:$0x1FB60] =	vst v42;
	v42 =	vld [tilespmem:$0xAC0];
	_ =	sdelay $0x4  }
0x24b: {  	[tilespmem:$0x1FB70] =	vst v42;
	v42 =	vld [tilespmem:$0xB40];
	_ =	sdelay $0x2  }
0x24c: {  	v62 =	vld [tilespmem:$0x1890]  }
0x24d: {  	v63 =	vld [tilespmem:$0x1910]  }
0x24e: {  	[tilespmem:$0x1FB80] =	vst v42;
	v42 =	vld [tilespmem:$0xBC0]  }
0x24f: {  	v13 =	vld [tilespmem:$0x1990]  }
0x250: {  	v14 =	vld [tilespmem:$0x1A10]  }
0x251: {  	v20 =	vld [tilespmem:$0x1A90]  }
0x252: {  	v12 =	vld [tilespmem:$0x1B10]  }
0x253: {  	[tilespmem:$0x1FB90] =	vst v42;
	v42 =	vld [tilespmem:$0x1840]  }
0x254: {  	v11 =	vld [tilespmem:$0x1B90]  }
0x255: {  	v24 =	vld [tilespmem:$0x2810]  }
0x256: {  	v19 =	vld [tilespmem:$0x2890]  }
0x257: {  	v34 =	vld [tilespmem:$0x2910]  }
0x258: {  	[tilespmem:$0x1FBA0] =	vst v42;
	v42 =	vld [tilespmem:$0x18C0]  }
0x259: {  	v41 =	vld [tilespmem:$0x2990]  }
0x25a: {  	v37 =	vld [tilespmem:$0x820]  }
0x25b: {  	v32 =	vld [tilespmem:$0x8A0]  }
0x25c: {  	v33 =	vld [tilespmem:$0x920]  }
0x25d: {  	[tilespmem:$0x1FBB0] =	vst v42;
	v42 =	vld [tilespmem:$0x1940]  }
0x25e: {  	v30 =	vld [tilespmem:$0x9A0]  }
0x25f: {  	v28 =	vld [tilespmem:$0xA20]  }
0x260: {  	v27 =	vld [tilespmem:$0xAA0]  }
0x261: {  	v31 =	vld [tilespmem:$0xB20]  }
0x262: {  	[tilespmem:$0x1FBC0] =	vst v42;
	v42 =	vld [tilespmem:$0x19C0]  }
0x263: {  	v25 =	vld [tilespmem:$0xBA0]  }
0x264: {  	v26 =	vld [tilespmem:$0x1820]  }
0x265: {  	v22 =	vld [tilespmem:$0x18A0]  }
0x266: {  	v23 =	vld [tilespmem:$0x1920]  }
0x267: {  	[tilespmem:$0x1FBD0] =	vst v42;
	v42 =	vld [tilespmem:$0x1A40]  }
0x268: {  	v16 =	vld [tilespmem:$0x19A0]  }
0x269: {  	v21 =	vld [tilespmem:$0x1A20]  }
0x26a: {  	v17 =	vld [tilespmem:$0x1AA0]  }
0x26b: {  	v18 =	vld [tilespmem:$0x1B20]  }
0x26c: {  	[tilespmem:$0x1FBE0] =	vst v42;
	v42 =	vld [tilespmem:$0x1AC0]  }
0x26d: {  	v15 =	vld [tilespmem:$0x1BA0]  }
0x26e: {  	v36 =	vld [tilespmem:$0x2820]  }
0x26f: {  	v35 =	vld [tilespmem:$0x28A0]  }
0x270: {  	v43 =	vld [tilespmem:$0x2920]  }
0x271: {  	[tilespmem:$0x1FBF0] =	vst v42;
	v42 =	vld [tilespmem:$0x1B40]  }
0x272: {  	v45 =	vld [tilespmem:$0x830]  }
0x273: {  	v40 =	vld [tilespmem:$0x8B0]  }
0x274: {  	v38 =	vld [tilespmem:$0x28B0]  }
0x275: {  	v1 =	vmax.f32 v0, v1;
	v0 =	vld [tilespmem:$0xB50]  }
0x276: {  	v2 =	vmax.f32 v2, v3;
	[tilespmem:$0x1FC00] =	vst v42;
	v42 =	vld [tilespmem:$0x1BC0]  }
0x277: {  	v44 =	vmax.f32 v39, v44;
	v46 =	vmax.f32 v46, v47;
	v47 =	vmax.f32 v48, v49;
	v39 =	vld [tilespmem:$0x1850]  }
0x278: {  	v3 =	vmax.f32 v4, v5;
	v4 =	vmax.f32 v6, v7;
	v49 =	vmax.f32 v46, v47;
	v46 =	vld [tilespmem:$0x1950]  }
0x279: {  	v1 =	vmax.f32 v1, v2;
	v2 =	vmax.f32 v3, v4;
	v3 =	vld [tilespmem:$0x1A50]  }
0x27a: {  	v4 =	vld [tilespmem:$0x1AD0]  }
0x27b: {  	[tilespmem:$0x1FC10] =	vst v42;
	v42 =	vld [tilespmem:$0x2840]  }
0x27c: {  	v7 =	vld [tilespmem:$0x1B50]  }
0x27d: {  	v5 =	vld [tilespmem:$0x2850]  }
0x27e: {  	v1 =	vmax.f32 v1, v2;
	v2 =	vld [tilespmem:$0x19D0]  }
0x27f: {  	[tilespmem:$0x1FA00] =	vst v41;
	v41 =	vld [tilespmem:$0x930]  }
0x280: {  	[tilespmem:$0x1FC20] =	vst v42;
	v42 =	vld [tilespmem:$0x28C0]  }
0x281: {  	[tilespmem:$0x1FA10] =	vst v45;
	v45 =	vld [tilespmem:$0xA30]  }
0x282: {  	[tilespmem:$0x1FA20] =	vst v40;
	v40 =	vld [tilespmem:$0xAB0]  }
0x283: {  	v11 =	vmax.f32 v12, v11;
	v12 =	vld [tilespmem:$0x28D0]  }
0x284: {  	v19 =	vmax.f32 v24, v19;
	v24 =	vld [tilespmem:$0x1F9F0]  }
0x285: {  	[tilespmem:$0x1FC30] =	vst v42;
	v42 =	vld [tilespmem:$0x2940]  }
0x286: {  	v16 =	vmax.f32 v23, v16;
	v23 =	vld [tilespmem:$0x8E0]  }
0x287: {  	v17 =	vmax.f32 v21, v17;
	v21 =	vld [tilespmem:$0xBE0]  }
0x288: {  	v14 =	vmax.f32 v14, v20;
	v22 =	vmax.f32 v26, v22;
	v26 =	vld [tilespmem:$0x1860]  }
0x289: {  	v11 =	vmax.f32 v14, v11;
	v14 =	vld [tilespmem:$0x960]  }
0x28a: {  	v15 =	vmax.f32 v18, v15;
	[tilespmem:$0x1FC40] =	vst v42;
	v42 =	vld [tilespmem:$0x29C0]  }
0x28b: {  	v15 =	vmax.f32 v17, v15;
	v17 =	vld [tilespmem:$0x9E0]  }
0x28c: {  	v56 =	vmax.f32 v55, v56;
	v55 =	vld [tilespmem:$0x1FA00]  }
0x28d: {  	v58 =	vmax.f32 v57, v58;
	v60 =	vmax.f32 v59, v60;
	v57 =	vld [tilespmem:$0x1FA10]  }
0x28e: {  	v6 =	vmax.f32 v58, v60;
	v58 =	vld [tilespmem:$0x1FA20]  }
0x28f: {  	v62 =	vmax.f32 v61, v62;
	v13 =	vmax.f32 v63, v13;
	v16 =	vmax.f32 v22, v16;
	[tilespmem:$0x1FCB0] =	vst v42;
	v42 =	vld [tilespmem:$0x850]  }
0x290: {  	v63 =	vmax.f32 v62, v13;
	v15 =	vmax.f32 v16, v15;
	v16 =	vld [tilespmem:$0xA60]  }
0x291: {  	v20 =	vmax.f32 v63, v11;
	v11 =	vld [tilespmem:$0xB60]  }
0x292: {  	[tilespmem:$0x1FA30] =	vst v41;
	v41 =	vld [tilespmem:$0xB30]  }
0x293: {  	[tilespmem:$0x1FA50] =	vst v45;
	v45 =	vld [tilespmem:$0x1830]  }
0x294: {  	[tilespmem:$0x1FC60] =	vst v42;
	v42 =	vld [tilespmem:$0x8D0]  }
0x295: {  	[tilespmem:$0x1FA60] =	vst v40;
	v40 =	vld [tilespmem:$0x18B0]  }
0x296: {  	v59 =	vld [tilespmem:$0x1FA30]  }
0x297: {  	v60 =	vld [tilespmem:$0x1FA40]  }
0x298: {  	v61 =	vld [tilespmem:$0x1FA50]  }
0x299: {  	[tilespmem:$0x1FC50] =	vst v42;
	v42 =	vld [tilespmem:$0x950]  }
0x29a: {  	v62 =	vld [tilespmem:$0x1FA60]  }
0x29b: {  	[tilespmem:$0x1FA70] =	vst v41;
	v41 =	vld [tilespmem:$0x1930]  }
0x29c: {  	[tilespmem:$0x1FA90] =	vst v45;
	v45 =	vld [tilespmem:$0x19B0]  }
0x29d: {  	[tilespmem:$0x1FAA0] =	vst v40;
	v40 =	vld [tilespmem:$0x1AB0]  }
0x29e: {  	[tilespmem:$0x1FC70] =	vst v42;
	v42 =	vld [tilespmem:$0x9D0]  }
0x29f: {  	v63 =	vld [tilespmem:$0x1FA70]  }
0x2a0: {  	v50 =	vmax.f32 v50, v51;
	[tilespmem:$0x1FAB0] =	vst v41;
	v41 =	vld [tilespmem:$0x1B30]  }
0x2a1: {  	v52 =	vmax.f32 v50, v52;
	v50 =	vmax.f32 v28, v27;
	v28 =	vld [tilespmem:$0x1FA80]  }
0x2a2: {  	[tilespmem:$0x1FAD0] =	vst v40;
	v40 =	vld [tilespmem:$0x2830]  }
0x2a3: {  	[tilespmem:$0x1FC80] =	vst v42;
	v42 =	vld [tilespmem:$0xA50]  }
0x2a4: {  	v47 =	vmax.f32 v37, v32;
	v32 =	vld [tilespmem:$0x1FAB0]  }
0x2a5: {  	[tilespmem:$0x1FAE0] =	vst v41;
	v41 =	vld [tilespmem:$0x1BB0]  }
0x2a6: {  	v54 =	vmax.f32 v53, v54;
	v53 =	vmax.f32 v36, v35;
	v35 =	vld [tilespmem:$0x1FAE0]  }
0x2a7: {  	vm15 =	vgt.f32 v55, $0.0e+00;
	v55 =	vld [tilespmem:$0x1FB80]  }
0x2a8: {  	[tilespmem:$0x1FC90] =	vst v42;
	v42 =	vld [tilespmem:$0xAD0]  }
0x2a9: {  	v18 =	vmax.f32 v59, v60;
	v59 =	vld [tilespmem:$0x1FBC0]  }
0x2aa: {  	v60 =	vld [tilespmem:$0x1FBD0]  }
0x2ab: {  	v22 =	vmax.f32 v63, v28;
	v63 =	vld [tilespmem:$0x1FC00]  }
0x2ac: {  	v2 =	vmax.f32 v46, v2;
	v46 =	vld [tilespmem:$0x1FCB0]  }
0x2ad: {  	[tilespmem:$0x1FCA0] =	vst v42;
	v42 =	vmax.f32 v8, v29;
	v29 =	vld [tilespmem:$0xBD0]  }
0x2ae: {  	v8 =	vld [tilespmem:$0x2950]  }
0x2af: {  	v48 =	vmax.f32 v42, v44;
	v44 =	vld [tilespmem:$0x18D0]  }
0x2b0: {  	v42 =	vmax.f32 v19, v34;
	v34 =	vld [tilespmem:$0x1FAD0]  }
0x2b1: {  	v19 =	vmax.f32 v61, v62;
	v61 =	vld [tilespmem:$0x1FBE0]  }
0x2b2: {  	v62 =	vld [tilespmem:$0x1FBF0]  }
0x2b3: {  	v51 =	vmax.f32 v48, v49;
	v48 =	vld [tilespmem:$0x1BD0]  }
0x2b4: {  	v49 =	vmax.f32 v33, v30;
	v30 =	vld [tilespmem:$0x1FA90]  }
0x2b5: {  	v33 =	vld [tilespmem:$0x1FAC0]  }
0x2b6: {  	v37 =	vmax.f32 v19, v22;
	v22 =	vld [tilespmem:$0x1960]  }
0x2b7: {  	v1 =	vmax.f32 v1, v51;
	v51 =	vmax.f32 v31, v25;
	v31 =	vld [tilespmem:$0x1FAA0]  }
0x2b8: {  	v13 =	vmax.f32 v47, v49;
	v47 =	vld [tilespmem:$0x1FB10]  }
0x2b9: {  	v49 =	vld [tilespmem:$0x1FB20]  }
0x2ba: {  	v1 =	vmax.f32 v1, v52;
	v52 =	vmax.f32 v50, v51;
	v50 =	vld [tilespmem:$0x1FB30]  }
0x2bb: {  	v51 =	vld [tilespmem:$0x1FB40]  }
0x2bc: {  	vm3 =	vgt.f32 v1, $0.0e+00;
	v1 =	vmax.f32 v54, v56;
	v54 =	vmax.f32 v53, v43;
	v43 =	vld [tilespmem:$0x1FB00]  }
0x2bd: {  	v13 =	vmax.f32 v13, v52;
	v52 =	vld [tilespmem:$0x1FB50]  }
0x2be: {  	vm13 =	vgt.f32 v24, $0.0e+00;
	v53 =	vld [tilespmem:$0x1FB60]  }
0x2bf: {  	v36 =	vmax.f32 v40, v38;
	v38 =	vsel vm13, v10, v9;
	v13 =	vmax.f32 v13, v15;
	v15 =	vld [tilespmem:$0xAE0]  }
0x2c0: {  	v1 =	vmax.f32 v1, v6;
	v19 =	vsel vm3, $0x1, v38;
	v38 =	vld [tilespmem:$0x28E0]  }
0x2c1: {  	v6 =	vmax.f32 v1, v20;
	v1 =	vld [tilespmem:$0x29D0]  }
0x2c2: {  	v20 =	vld [tilespmem:$0x860]  }
0x2c3: {  	v56 =	vmax.f32 v13, v54;
	v54 =	vld [tilespmem:$0x1FB70]  }
0x2c4: {  	v27 =	vmax.f32 v33, v34;
	v34 =	vld [tilespmem:$0x2860]  }
0x2c5: {  	v13 =	vmax.f32 v57, v58;
	v57 =	vld [tilespmem:$0x1FBA0]  }
0x2c6: {  	v58 =	vld [tilespmem:$0x1FBB0]  }
0x2c7: {  	v28 =	vmax.f32 v35, v41;
	v24 =	vmax.f32 v30, v31;
	v31 =	vld [tilespmem:$0x18E0]  }
0x2c8: {  	v40 =	vmax.f32 v27, v28;
	v27 =	vld [tilespmem:$0x19E0]  }
0x2c9: {  	v6 =	vmax.f32 v6, v42;
	v42 =	vld [tilespmem:$0x1FAF0]  }
0x2ca: {  	v25 =	vmax.f32 v32, v45;
	vm3 =	vgt.f32 v56, $0.0e+00;
	v56 =	vld [tilespmem:$0x1FB90]  }
0x2cb: {  	v24 =	vmax.f32 v24, v25;
	v25 =	vld [tilespmem:$0x1A60]  }
0x2cc: {  	vm14 =	vgt.f32 v6, $0.0e+00;
	v6 =	vld [tilespmem:$0x1BE0]  }
0x2cd: {  	v13 =	vmax.f32 v13, v18;
	v30 =	vmax.f32 v49, v50;
	v50 =	vld [tilespmem:$0x1FC20]  }
0x2ce: {  	v13 =	vmax.f32 v13, v37;
	v37 =	vmax.f32 v59, v60;
	v59 =	vld [tilespmem:$0x1FC90]  }
0x2cf: {  	v60 =	vld [tilespmem:$0x1FCA0]  }
0x2d0: {  	v32 =	vmax.f32 v51, v52;
	v51 =	vld [tilespmem:$0x1FC30]  }
0x2d1: {  	v24 =	vmax.f32 v24, v40;
	v40 =	vmax.f32 v61, v62;
	v61 =	vmax.f32 v39, v44;
	v39 =	vld [tilespmem:$0xA70]  }
0x2d2: {  	v44 =	vld [tilespmem:$0xBF0]  }
0x2d3: {  	v62 =	vmax.f32 v7, v48;
	v48 =	vld [tilespmem:$0x18F0]  }
0x2d4: {  	v13 =	vmax.f32 v13, v24;
	v24 =	vld [tilespmem:$0x1AE0]  }
0x2d5: {  	v30 =	vmax.f32 v30, v32;
	v32 =	vld [tilespmem:$0x2960]  }
0x2d6: {  	v2 =	vmax.f32 v61, v2;
	v61 =	vld [tilespmem:$0x1B70]  }
0x2d7: {  	v28 =	vmax.f32 v36, v42;
	v36 =	vmax.f32 v57, v58;
	v57 =	vld [tilespmem:$0x1FC70]  }
0x2d8: {  	v3 =	vmax.f32 v3, v4;
	v5 =	vmax.f32 v5, v12;
	v11 =	vmax.f32 v11, v21;
	v58 =	vld [tilespmem:$0x1FC80]  }
0x2d9: {  	v41 =	vsel vm15, v10, v9;
	vm10 =	vgt.f32 v47, $0.0e+00;
	v45 =	vmax.f32 v13, v28;
	v13 =	vld [tilespmem:$0x1B60]  }
0x2da: {  	v33 =	vmax.f32 v53, v54;
	v35 =	vmax.f32 v55, v56;
	v47 =	vmax.f32 v36, v37;
	v37 =	vld [tilespmem:$0x29E0]  }
0x2db: {  	v0 =	vmax.f32 v0, v29;
	v5 =	vmax.f32 v5, v8;
	v33 =	vmax.f32 v33, v35;
	v35 =	vld [tilespmem:$0x870]  }
0x2dc: {  	v18 =	vsel vm14, $0x1, v41;
	vm8 =	vgt.f32 v43, $0.0e+00;
	vm9 =	vgt.f32 v45, $0.0e+00;
	v45 =	vld [tilespmem:$0x1FC10]  }
0x2dd: {  	v3 =	vmax.f32 v3, v62;
	v43 =	vmax.f32 v59, v60;
	v30 =	vmax.f32 v30, v33;
	v33 =	vld [tilespmem:$0x8F0]  }
0x2de: {  	v53 =	vsel vm10, v10, v9;
	v28 =	vsel vm8, v10, v9;
	v0 =	vmax.f32 v43, v0;
	v43 =	vld [tilespmem:$0xB70]  }
0x2df: {  	v2 =	vmax.f32 v2, v3;
	v55 =	vld [tilespmem:$0x1FC50];
	v28 =	vsel vm3, $0x1, v28;
	vm3 =	vgt.f32 v46, $0.0e+00  }
0x2e0: {  	v56 =	vld [tilespmem:$0x1FC60];
	v60 =	vmax.f32 v34, v38;
	v36 =	vsel vm9, $0x1, v53;
	v7 =	vsel vm3, v10, v9  }
0x2e1: {  	v54 =	vld [tilespmem:$0x1FC40];
	v53 =	vmax.f32 v26, v31;
	vm3 =	vgt.f32 v1, $0.0e+00;
	v62 =	vmax.f32 v60, v32  }
0x2e2: {  	v59 =	vld [tilespmem:$0x1AF0];
	v42 =	vmax.f32 v57, v58;
	v6 =	vmax.f32 v13, v6;
	vm13 =	vgt.f32 v37, $0.0e+00  }
0x2e3: {  	v57 =	vld [tilespmem:$0x1A70];
	v41 =	vmax.f32 v63, v45;
	v29 =	vmax.f32 v35, v33;
	v3 =	vmax.f32 v43, v44  }
0x2e4: {  	[tilespmem:$0x32B0] =	vst v36;
	v45 =	vld [tilespmem:$0x9F0];
	v36 =	vsel vm13, v10, v9;
	v49 =	vmax.f32 v40, v41;
	v40 =	vmax.f32 v50, v51  }
0x2e5: {  	v41 =	vmax.f32 v56, v55;
	v50 =	vmax.f32 v14, v17;
	v51 =	vmax.f32 v16, v15;
	v55 =	vld [tilespmem:$0x19F0]  }
0x2e6: {  	v56 =	vmax.f32 v25, v24;
	v52 =	vmax.f32 v47, v49;
	v63 =	vmax.f32 v41, v42;
	v41 =	vld [tilespmem:$0xAF0]  }
0x2e7: {  	v40 =	vmax.f32 v40, v54;
	v47 =	vld [tilespmem:$0x1870];
	v49 =	vmax.f32 v20, v23;
	v54 =	vmax.f32 v22, v27  }
0x2e8: {  	v11 =	vmax.f32 v51, v11;
	v6 =	vmax.f32 v56, v6;
	v30 =	vmax.f32 v30, v52;
	v52 =	vld [tilespmem:$0x1970]  }
0x2e9: {  	v0 =	vmax.f32 v63, v0;
	v8 =	vmax.f32 v49, v50;
	v58 =	vmax.f32 v53, v54;
	v63 =	vld [tilespmem:$0x1BF0]  }
0x2ea: {  	v30 =	vmax.f32 v30, v40;
	v40 =	vld [tilespmem:$0x970];
	v8 =	vmax.f32 v8, v11;
	v6 =	vmax.f32 v58, v6  }
0x2eb: {  	v26 =	vld [tilespmem:$0x28F0];
	v24 =	vsel vm3, v10, v9;
	v0 =	vmax.f32 v0, v2;
	v6 =	vmax.f32 v8, v6  }
0x2ec: {  	v25 =	vld [tilespmem:$0x2870];
	v12 =	vmax.f32 v57, v59;
	v0 =	vmax.f32 v0, v5;
	v1 =	vmax.f32 v6, v62  }
0x2ed: {  	v27 =	vld [tilespmem:$0x2970];
	vm11 =	vgt.f32 v30, $0.0e+00;
	vm12 =	vgt.f32 v0, $0.0e+00;
	vm3 =	vgt.f32 v1, $0.0e+00  }
0x2ee: {  	v33 =	vld [tilespmem:$0x29F0];
	v31 =	vmax.f32 v39, v41;
	v2 =	vmax.f32 v47, v48;
	v32 =	vmax.f32 v52, v55  }
0x2ef: {  	v8 =	vmax.f32 v61, v63;
	v3 =	vmax.f32 v31, v3;
	v30 =	vmax.f32 v40, v45  }
0x2f0: {  	[tilespmem:$0x3280] =	vst v19;
	v2 =	vmax.f32 v2, v32;
	v35 =	vmax.f32 v12, v8;
	v34 =	vmax.f32 v29, v30  }
0x2f1: {  	[tilespmem:$0x3290] =	vst v18;
	v1 =	vmax.f32 v25, v26;
	v2 =	vmax.f32 v2, v35;
	v3 =	vmax.f32 v34, v3  }
0x2f2: {  	[tilespmem:$0x32A0] =	vst v28;
	v7 =	vsel vm11, $0x1, v7;
	v1 =	vmax.f32 v1, v27;
	v2 =	vmax.f32 v3, v2  }
0x2f3: {  	vm14 =	vgt.f32 v33, $0.0e+00;
	v0 =	vsel vm12, $0x1, v24;
	[tilespmem:$0x32C0] =	vst v7;
	v1 =	vmax.f32 v2, v1  }
0x2f4: {  	v38 =	vsel vm14, v10, v9;
	[tilespmem:$0x32D0] =	vst v0;
	v37 =	vsel vm3, $0x1, v36;
	vm3 =	vgt.f32 v1, $0.0e+00  }
0x2f5: {  	[tilespmem:$0x32E0] =	vst v37;
	v39 =	vsel vm3, $0x1, v38  }
0x2f6: {  	s2 =	rddreg [dreg:$0x8];
	[tilespmem:$0x32F0] =	vst v39  }
0x2f7: {  	[hbm4b:s2+s3] =	stream.linear.scatter [tilespmem:s31], [sflag:$0x3], $0x80, $0x38;
	[tilespmem:$0x3380] =	vst v63  }
0x2f8: {  	_ =	swait.ge [sflag:s29], $0xA00  }
0x2f9: {  	[sflag:s29] =	ssyncset.done $0x0  }
0x2fa: {  	[sflag:s29] =	ssyncadd.s32 $0xFFFFF600  }
0x2fb: {  	v42 =	vld [tilespmem:$0x2D20];
	_ =	sdelay $0x4  }
0x2fc: {  	[tilespmem:$0x1FCD0] =	vst v42;
	v42 =	vld [tilespmem:$0xDB0];
	_ =	sdelay $0x3  }
0x2fd: {  	v0 =	vld [tilespmem:$0xC00]  }
0x2fe: {  	[tilespmem:$0x1FD10] =	vst v42;
	v42 =	vld [tilespmem:$0x1C30]  }
0x2ff: {  	v1 =	vld [tilespmem:$0xC80]  }
0x300: {  	v2 =	vld [tilespmem:$0xD00]  }
0x301: {  	v3 =	vld [tilespmem:$0xD80]  }
0x302: {  	v4 =	vld [tilespmem:$0xE00]  }
0x303: {  	[tilespmem:$0x1FD60] =	vst v42;
	v42 =	vld [tilespmem:$0x2D30]  }
0x304: {  	v5 =	vld [tilespmem:$0xE80]  }
0x305: {  	v6 =	vld [tilespmem:$0xF00]  }
0x306: {  	v7 =	vld [tilespmem:$0xF80]  }
0x307: {  	v8 =	vld [tilespmem:$0x1C00]  }
0x308: {  	[tilespmem:$0x1FDD0] =	vst v42;
	v42 =	vld [tilespmem:$0x2DB0]  }
0x309: {  	v24 =	vld [tilespmem:$0x1C80]  }
0x30a: {  	v33 =	vld [tilespmem:$0x1D00]  }
0x30b: {  	v43 =	vld [tilespmem:$0x1D80]  }
0x30c: {  	v44 =	vld [tilespmem:$0x1E00]  }
0x30d: {  	[tilespmem:$0x1FF70] =	vst v42;
	v42 =	vld [tilespmem:$0xC40]  }
0x30e: {  	v45 =	vld [tilespmem:$0x1E80]  }
0x30f: {  	v46 =	vld [tilespmem:$0x1F00]  }
0x310: {  	v47 =	vld [tilespmem:$0x1F80]  }
0x311: {  	v48 =	vld [tilespmem:$0x2C00]  }
0x312: {  	[tilespmem:$0x1FDE0] =	vst v42;
	v42 =	vld [tilespmem:$0xCC0]  }
0x313: {  	v49 =	vld [tilespmem:$0x2C80]  }
0x314: {  	v50 =	vld [tilespmem:$0x2D00]  }
0x315: {  	v40 =	vld [tilespmem:$0x2D80]  }
0x316: {  	v51 =	vld [tilespmem:$0xC10]  }
0x317: {  	[tilespmem:$0x1FDF0] =	vst v42;
	v42 =	vld [tilespmem:$0xD40]  }
0x318: {  	v52 =	vld [tilespmem:$0xC90]  }
0x319: {  	v53 =	vld [tilespmem:$0xD10]  }
0x31a: {  	v54 =	vld [tilespmem:$0xD90]  }
0x31b: {  	v55 =	vld [tilespmem:$0xE10]  }
0x31c: {  	[tilespmem:$0x1FE00] =	vst v42;
	v42 =	vld [tilespmem:$0xDC0]  }
0x31d: {  	v56 =	vld [tilespmem:$0xE90]  }
0x31e: {  	v57 =	vld [tilespmem:$0xF10]  }
0x31f: {  	v58 =	vld [tilespmem:$0xF90]  }
0x320: {  	v59 =	vld [tilespmem:$0x1C10]  }
0x321: {  	[tilespmem:$0x1FE10] =	vst v42;
	v42 =	vld [tilespmem:$0xE40]  }
0x322: {  	v60 =	vld [tilespmem:$0x1C90]  }
0x323: {  	v61 =	vld [tilespmem:$0x1D10]  }
0x324: {  	v62 =	vld [tilespmem:$0x1D90]  }
0x325: {  	v63 =	vld [tilespmem:$0x1E10]  }
0x326: {  	[tilespmem:$0x1FE20] =	vst v42;
	v42 =	vld [tilespmem:$0xEC0]  }
0x327: {  	v11 =	vld [tilespmem:$0x1E90]  }
0x328: {  	v12 =	vld [tilespmem:$0x1F10]  }
0x329: {  	v22 =	vld [tilespmem:$0x1F90]  }
0x32a: {  	v21 =	vld [tilespmem:$0x2C10]  }
0x32b: {  	[tilespmem:$0x1FE30] =	vst v42;
	v42 =	vld [tilespmem:$0xF40]  }
0x32c: {  	v17 =	vld [tilespmem:$0x2C90]  }
0x32d: {  	v32 =	vld [tilespmem:$0x2D10]  }
0x32e: {  	v41 =	vld [tilespmem:$0x2D90]  }
0x32f: {  	v30 =	vld [tilespmem:$0xCA0]  }
0x330: {  	[tilespmem:$0x1FE40] =	vst v42;
	v42 =	vld [tilespmem:$0xFC0]  }
0x331: {  	v31 =	vld [tilespmem:$0xD20]  }
0x332: {  	v28 =	vld [tilespmem:$0xDA0]  }
0x333: {  	v27 =	vld [tilespmem:$0xE20]  }
0x334: {  	v26 =	vld [tilespmem:$0xEA0]  }
0x335: {  	[tilespmem:$0x1FE50] =	vst v42;
	v42 =	vld [tilespmem:$0x1C40]  }
0x336: {  	v29 =	vld [tilespmem:$0xF20]  }
0x337: {  	v23 =	vld [tilespmem:$0xFA0]  }
0x338: {  	v25 =	vld [tilespmem:$0x1C20]  }
0x339: {  	v19 =	vld [tilespmem:$0x1CA0]  }
0x33a: {  	[tilespmem:$0x1FE60] =	vst v42;
	v42 =	vld [tilespmem:$0x1CC0]  }
0x33b: {  	v20 =	vld [tilespmem:$0x1D20]  }
0x33c: {  	v14 =	vld [tilespmem:$0x1DA0]  }
0x33d: {  	v18 =	vld [tilespmem:$0x1E20]  }
0x33e: {  	v15 =	vld [tilespmem:$0x1EA0]  }
0x33f: {  	[tilespmem:$0x1FE70] =	vst v42;
	v42 =	vld [tilespmem:$0x1D40]  }
0x340: {  	v16 =	vld [tilespmem:$0x1F20]  }
0x341: {  	v13 =	vld [tilespmem:$0x1FA0]  }
0x342: {  	v39 =	vld [tilespmem:$0x2C20]  }
0x343: {  	v34 =	vld [tilespmem:$0x2CA0]  }
0x344: {  	[tilespmem:$0x1FE80] =	vst v42;
	v42 =	vld [tilespmem:$0x1DC0]  }
0x345: {  	v36 =	vld [tilespmem:$0x2DA0]  }
0x346: {  	v37 =	vld [tilespmem:$0xC30]  }
0x347: {  	v38 =	vld [tilespmem:$0xCB0]  }
0x348: {  	v35 =	vld [tilespmem:$0x1FB0]  }
0x349: {  	[tilespmem:$0x1FE90] =	vst v42;
	v42 =	vld [tilespmem:$0x1E40]  }
0x34a: {  	[tilespmem:$0x1FDB0] =	vst v41;
	v41 =	vld [tilespmem:$0xC20]  }
0x34b: {  	[tilespmem:$0x1FCC0] =	vst v40;
	v40 =	vld [tilespmem:$0xD30]  }
0x34c: {  	[tilespmem:$0x1FDC0] =	vst v36;
	v36 =	vld [tilespmem:$0xE30]  }
0x34d: {  	[tilespmem:$0x1FCE0] =	vst v37;
	v37 =	vld [tilespmem:$0xEB0]  }
0x34e: {  	[tilespmem:$0x1FEA0] =	vst v42;
	v42 =	vld [tilespmem:$0x1EC0]  }
0x34f: {  	[tilespmem:$0x1FCF0] =	vst v38;
	v38 =	vld [tilespmem:$0xF30]  }
0x350: {  	v1 =	vmax.f32 v0, v1;
	v0 =	vld [tilespmem:$0xF50]  }
0x351: {  	v2 =	vmax.f32 v2, v3;
	v3 =	vmax.f32 v4, v5;
	v5 =	vmax.f32 v8, v24;
	v24 =	vld [tilespmem:$0xFD0]  }
0x352: {  	v4 =	vmax.f32 v6, v7;
	v6 =	vmax.f32 v33, v43;
	v33 =	vld [tilespmem:$0x1C50]  }
0x353: {  	[tilespmem:$0x1FEB0] =	vst v42;
	v42 =	vld [tilespmem:$0x1F40]  }
0x354: {  	v7 =	vld [tilespmem:$0x2C50]  }
0x355: {  	v26 =	vmax.f32 v27, v26;
	v27 =	vld [tilespmem:$0xC60]  }
0x356: {  	v14 =	vmax.f32 v20, v14;
	v20 =	vld [tilespmem:$0xCE0]  }
0x357: {  	v15 =	vmax.f32 v18, v15;
	v18 =	vld [tilespmem:$0xD60]  }
0x358: {  	[tilespmem:$0x1FEC0] =	vst v42;
	v42 =	vld [tilespmem:$0x1FC0]  }
0x359: {  	v43 =	vmax.f32 v46, v47;
	v47 =	vmax.f32 v48, v49;
	v1 =	vmax.f32 v1, v2;
	v2 =	vld [tilespmem:$0x1DD0]  }
0x35a: {  	v11 =	vmax.f32 v63, v11;
	v12 =	vmax.f32 v12, v22;
	v49 =	vmax.f32 v47, v50;
	v47 =	vld [tilespmem:$0x1FD0]  }
0x35b: {  	v11 =	vmax.f32 v11, v12;
	v12 =	vld [tilespmem:$0x2CD0]  }
0x35c: {  	v50 =	vmax.f32 v51, v52;
	v51 =	vmax.f32 v53, v54;
	v53 =	vmax.f32 v57, v58;
	v58 =	vld [tilespmem:$0x1FCC0]  }
0x35d: {  	v13 =	vmax.f32 v16, v13;
	[tilespmem:$0x1FED0] =	vst v42;
	v42 =	vld [tilespmem:$0x2C40]  }
0x35e: {  	v13 =	vmax.f32 v15, v13;
	v15 =	vld [tilespmem:$0xDE0]  }
0x35f: {  	v17 =	vmax.f32 v21, v17;
	v21 =	vld [tilespmem:$0x1FCD0]  }
0x360: {  	v23 =	vmax.f32 v29, v23;
	v19 =	vmax.f32 v25, v19;
	v22 =	vld [tilespmem:$0x1FCE0]  }
0x361: {  	v52 =	vmax.f32 v55, v56;
	v55 =	vmax.f32 v61, v62;
	v62 =	vmax.f32 v26, v23;
	v23 =	vld [tilespmem:$0x1FCF0]  }
0x362: {  	v54 =	vmax.f32 v59, v60;
	v14 =	vmax.f32 v19, v14;
	[tilespmem:$0x1FEE0] =	vst v42;
	v42 =	vld [tilespmem:$0x2CC0]  }
0x363: {  	v56 =	vmax.f32 v54, v55;
	v13 =	vmax.f32 v14, v13;
	v14 =	vld [tilespmem:$0xE60]  }
0x364: {  	v57 =	vmax.f32 v56, v11;
	v11 =	vld [tilespmem:$0x2D50]  }
0x365: {  	[tilespmem:$0x1FD00] =	vst v40;
	v40 =	vld [tilespmem:$0xFB0]  }
0x366: {  	[tilespmem:$0x1FD20] =	vst v36;
	v36 =	vld [tilespmem:$0x1CB0]  }
0x367: {  	[tilespmem:$0x1FEF0] =	vst v42;
	v42 =	vld [tilespmem:$0x2D40]  }
0x368: {  	[tilespmem:$0x1FD30] =	vst v37;
	v37 =	vld [tilespmem:$0x1D30]  }
0x369: {  	[tilespmem:$0x1FD40] =	vst v38;
	v38 =	vld [tilespmem:$0x1DB0]  }
0x36a: {  	v0 =	vmax.f32 v0, v24;
	v24 =	vld [tilespmem:$0xDF0]  }
0x36b: {  	v25 =	vld [tilespmem:$0x1FD00]  }
0x36c: {  	[tilespmem:$0x1FF00] =	vst v42;
	v42 =	vld [tilespmem:$0x2DC0]  }
0x36d: {  	v26 =	vld [tilespmem:$0x1FD10]  }
0x36e: {  	v60 =	vmax.f32 v31, v28;
	v28 =	vld [tilespmem:$0x1FD20]  }
0x36f: {  	v59 =	vmax.f32 v41, v30;
	v29 =	vld [tilespmem:$0x1FD30]  }
0x370: {  	v61 =	vmax.f32 v59, v60;
	v30 =	vld [tilespmem:$0x1FD40]  }
0x371: {  	v16 =	vmax.f32 v61, v62;
	[tilespmem:$0x1FF80] =	vst v42;
	v42 =	vld [tilespmem:$0xC50]  }
0x372: {  	v13 =	vmax.f32 v16, v13;
	v16 =	vld [tilespmem:$0xEE0]  }
0x373: {  	[tilespmem:$0x1FD50] =	vst v40;
	v40 =	vld [tilespmem:$0x1E30]  }
0x374: {  	[tilespmem:$0x1FD80] =	vst v37;
	v37 =	vld [tilespmem:$0x1EB0]  }
0x375: {  	[tilespmem:$0x1FD90] =	vst v38;
	v38 =	vld [tilespmem:$0x1F30]  }
0x376: {  	[tilespmem:$0x1FF10] =	vst v42;
	v42 =	vld [tilespmem:$0xCD0]  }
0x377: {  	[tilespmem:$0x1FD70] =	vst v36;
	v36 =	vld [tilespmem:$0x2CB0]  }
0x378: {  	v31 =	vld [tilespmem:$0x1FD50]  }
0x379: {  	v17 =	vmax.f32 v17, v32;
	v32 =	vld [tilespmem:$0x1FD60]  }
0x37a: {  	v63 =	vmax.f32 v39, v34;
	v34 =	vld [tilespmem:$0x1FD70]  }
0x37b: {  	[tilespmem:$0x1FF20] =	vst v42;
	v42 =	vld [tilespmem:$0xD50]  }
0x37c: {  	v19 =	vmax.f32 v25, v26;
	v26 =	vld [tilespmem:$0xFE0]  }
0x37d: {  	v39 =	vld [tilespmem:$0x1FD80]  }
0x37e: {  	v41 =	vld [tilespmem:$0x1FD90]  }
0x37f: {  	[tilespmem:$0x1FDA0] =	vst v40;
	v40 =	vld [tilespmem:$0x2C30]  }
0x380: {  	[tilespmem:$0x1FF30] =	vst v42;
	v42 =	vld [tilespmem:$0xDD0]  }
0x381: {  	v8 =	vmax.f32 v52, v53;
	v52 =	vld [tilespmem:$0x1FDD0]  }
0x382: {  	v25 =	vmax.f32 v32, v34;
	v34 =	vld [tilespmem:$0x1F60]  }
0x383: {  	v53 =	vld [tilespmem:$0x1FDE0]  }
0x384: {  	v54 =	vld [tilespmem:$0x1FDF0]  }
0x385: {  	[tilespmem:$0x1FF40] =	vst v42;
	v42 =	vld [tilespmem:$0xE50]  }
0x386: {  	v55 =	vld [tilespmem:$0x1FE00]  }
0x387: {  	v56 =	vld [tilespmem:$0x1FE10]  }
0x388: {  	vm15 =	vgt.f32 v58, $0.0e+00;
	v58 =	vld [tilespmem:$0x1FE30]  }
0x389: {  	v59 =	vld [tilespmem:$0x1FE40]  }
0x38a: {  	[tilespmem:$0x1FF50] =	vst v42;
	v42 =	vld [tilespmem:$0xED0]  }
0x38b: {  	v60 =	vld [tilespmem:$0x1FE50]  }
0x38c: {  	v61 =	vld [tilespmem:$0x1FE60]  }
0x38d: {  	v62 =	vld [tilespmem:$0x1FE70]  }
0x38e: {  	v32 =	vmax.f32 v55, v56;
	v55 =	vld [tilespmem:$0x1FF00]  }
0x38f: {  	[tilespmem:$0x1FF60] =	vst v42;
	v42 =	vmax.f32 v44, v45;
	v45 =	vmax.f32 v5, v6;
	v5 =	vld [tilespmem:$0x1CD0]  }
0x390: {  	v44 =	vmax.f32 v3, v4;
	v3 =	vld [tilespmem:$0x1D50]  }
0x391: {  	v4 =	vld [tilespmem:$0x1E50]  }
0x392: {  	v6 =	vld [tilespmem:$0x1ED0]  }
0x393: {  	v46 =	vmax.f32 v42, v43;
	v43 =	vld [tilespmem:$0x1F50]  }
0x394: {  	v42 =	vld [tilespmem:$0x1FDA0]  }
0x395: {  	v1 =	vmax.f32 v1, v44;
	v44 =	vmax.f32 v38, v35;
	v38 =	vld [tilespmem:$0x1FE0];
	v48 =	vmax.f32 v45, v46  }
0x396: {  	v45 =	vmax.f32 v40, v36;
	v36 =	vmax.f32 v59, v60;
	v59 =	vld [tilespmem:$0x1FF20];
	v1 =	vmax.f32 v1, v48  }
0x397: {  	v60 =	vld [tilespmem:$0x1FF30];
	v1 =	vmax.f32 v1, v49  }
0x398: {  	v48 =	vld [tilespmem:$0x1FDB0];
	vm3 =	vgt.f32 v1, $0.0e+00;
	v1 =	vmax.f32 v50, v51  }
0x399: {  	v51 =	vld [tilespmem:$0x1FDC0];
	v1 =	vmax.f32 v1, v8  }
0x39a: {  	v8 =	vmax.f32 v1, v57;
	v1 =	vld [tilespmem:$0x2DD0]  }
0x39b: {  	v57 =	vld [tilespmem:$0x1FE20]  }
0x39c: {  	v8 =	vmax.f32 v8, v17;
	v17 =	vmax.f32 v63, v21;
	v21 =	vld [tilespmem:$0xF60]  }
0x39d: {  	v63 =	vld [tilespmem:$0x1FE80]  }
0x39e: {  	vm8 =	vgt.f32 v48, $0.0e+00;
	v48 =	vld [tilespmem:$0x1FEC0]  }
0x39f: {  	v13 =	vmax.f32 v13, v17;
	v17 =	vmax.f32 v22, v23;
	v23 =	vmax.f32 v30, v31;
	v31 =	vld [tilespmem:$0x1C60]  }
0x3a0: {  	v30 =	vmax.f32 v45, v52;
	v45 =	vld [tilespmem:$0x1FEA0]  }
0x3a1: {  	v22 =	vmax.f32 v28, v29;
	v29 =	vmax.f32 v42, v37;
	v42 =	vld [tilespmem:$0x2C60]  }
0x3a2: {  	v37 =	vmax.f32 v61, v62;
	v61 =	vld [tilespmem:$0x1FF40]  }
0x3a3: {  	v62 =	vld [tilespmem:$0x1FF50]  }
0x3a4: {  	v28 =	vmax.f32 v39, v41;
	v46 =	vmax.f32 v22, v23;
	v22 =	vld [tilespmem:$0x1CE0]  }
0x3a5: {  	v49 =	vmax.f32 v25, v28;
	v28 =	vld [tilespmem:$0x1D60]  }
0x3a6: {  	v17 =	vmax.f32 v17, v19;
	v19 =	vld [tilespmem:$0x1DE0]  }
0x3a7: {  	v50 =	vsel vm15, v10, v9;
	v29 =	vmax.f32 v29, v44;
	v44 =	vld [tilespmem:$0x1FE90]  }
0x3a8: {  	v25 =	vsel vm3, $0x1, v50;
	v50 =	vld [tilespmem:$0x1FEE0]  }
0x3a9: {  	vm9 =	vgt.f32 v51, $0.0e+00;
	v51 =	vld [tilespmem:$0x1FEF0]  }
0x3aa: {  	v23 =	vmax.f32 v49, v29;
	v29 =	vld [tilespmem:$0x1E60]  }
0x3ab: {  	v17 =	vmax.f32 v17, v46;
	v46 =	vld [tilespmem:$0x1FEB0]  }
0x3ac: {  	v49 =	vld [tilespmem:$0x1FED0]  }
0x3ad: {  	v17 =	vmax.f32 v17, v23;
	v23 =	vld [tilespmem:$0x1EE0]  }
0x3ae: {  	v35 =	vmax.f32 v57, v58;
	v58 =	vld [tilespmem:$0x1FF10]  }
0x3af: {  	v7 =	vmax.f32 v7, v12;
	v5 =	vmax.f32 v33, v5;
	v52 =	vmax.f32 v35, v36;
	v35 =	vld [tilespmem:$0x2CE0]  }
0x3b0: {  	v2 =	vmax.f32 v3, v2;
	v17 =	vmax.f32 v17, v30;
	v30 =	vmax.f32 v53, v54;
	v36 =	vld [tilespmem:$0xC70]  }
0x3b1: {  	v14 =	vmax.f32 v14, v16;
	v2 =	vmax.f32 v5, v2;
	v30 =	vmax.f32 v30, v32;
	v32 =	vld [tilespmem:$0xCF0]  }
0x3b2: {  	v33 =	vmax.f32 v34, v38;
	vm3 =	vgt.f32 v8, $0.0e+00;
	v39 =	vmax.f32 v63, v44;
	v63 =	vld [tilespmem:$0x1FF60]  }
0x3b3: {  	v8 =	vsel vm8, v10, v9;
	vm10 =	vgt.f32 v13, $0.0e+00;
	v44 =	vmax.f32 v50, v51;
	v51 =	vld [tilespmem:$0xEF0]  }
0x3b4: {  	v8 =	vsel vm3, $0x1, v8;
	v57 =	vsel vm9, v10, v9;
	v30 =	vmax.f32 v30, v52;
	v52 =	vld [tilespmem:$0xF70]  }
0x3b5: {  	vm13 =	vgt.f32 v1, $0.0e+00;
	vm3 =	vgt.f32 v17, $0.0e+00;
	v19 =	vmax.f32 v28, v19;
	v28 =	vld [tilespmem:$0x1DF0]  }
0x3b6: {  	v40 =	vmax.f32 v45, v46;
	v41 =	vmax.f32 v48, v49;
	v53 =	vmax.f32 v37, v39;
	v37 =	vld [tilespmem:$0xD70]  }
0x3b7: {  	v48 =	vmax.f32 v4, v6;
	v4 =	vld [tilespmem:$0xE70];
	v49 =	vmax.f32 v43, v47;
	v54 =	vmax.f32 v40, v41  }
0x3b8: {  	v39 =	vmax.f32 v44, v55;
	v55 =	vld [tilespmem:$0x1FF70];
	v3 =	vmax.f32 v48, v49;
	v56 =	vmax.f32 v53, v54  }
0x3b9: {  	v43 =	vld [tilespmem:$0x1F70];
	v53 =	vmax.f32 v7, v11;
	v2 =	vmax.f32 v2, v3;
	v7 =	vsel vm10, $0x1, v57  }
0x3ba: {  	v45 =	vld [tilespmem:$0x1FF0];
	v34 =	vmax.f32 v42, v35;
	v30 =	vmax.f32 v30, v56;
	v48 =	vmax.f32 v36, v32  }
0x3bb: {  	v47 =	vld [tilespmem:$0x2DE0];
	v17 =	vmax.f32 v30, v39;
	v30 =	vmax.f32 v58, v59;
	v39 =	vmax.f32 v60, v61  }
0x3bc: {  	v40 =	vld [tilespmem:$0x2D60];
	v41 =	vmax.f32 v62, v63;
	v59 =	vmax.f32 v27, v20;
	v60 =	vmax.f32 v18, v15  }
0x3bd: {  	v54 =	vld [tilespmem:$0xFF0];
	v62 =	vmax.f32 v21, v26;
	v63 =	vmax.f32 v31, v22;
	v31 =	vmax.f32 v29, v23  }
0x3be: {  	v57 =	vld [tilespmem:$0x1FF80];
	v50 =	vmax.f32 v30, v39;
	v0 =	vmax.f32 v41, v0;
	vm11 =	vgt.f32 v55, $0.0e+00  }
0x3bf: {  	v35 =	vld [tilespmem:$0x1E70];
	v12 =	vmax.f32 v59, v60;
	v38 =	vmax.f32 v14, v62;
	v39 =	vmax.f32 v63, v19  }
0x3c0: {  	v56 =	vld [tilespmem:$0x1C70];
	v42 =	vmax.f32 v31, v33;
	v49 =	vmax.f32 v37, v24;
	v4 =	vmax.f32 v4, v51  }
0x3c1: {  	v58 =	vld [tilespmem:$0x1CF0];
	v55 =	vsel vm13, v10, v9;
	v13 =	vmax.f32 v43, v45;
	v0 =	vmax.f32 v50, v0  }
0x3c2: {  	v61 =	vld [tilespmem:$0x1D70];
	v11 =	vsel vm11, v10, v9;
	v12 =	vmax.f32 v12, v38;
	v14 =	vmax.f32 v39, v42  }
0x3c3: {  	v41 =	vld [tilespmem:$0x1EF0];
	v46 =	vmax.f32 v34, v40;
	v0 =	vmax.f32 v0, v2;
	vm12 =	vgt.f32 v57, $0.0e+00  }
0x3c4: {  	v51 =	vld [tilespmem:$0x2CF0];
	v11 =	vsel vm3, $0x1, v11;
	vm3 =	vgt.f32 v17, $0.0e+00;
	v12 =	vmax.f32 v12, v14  }
0x3c5: {  	v50 =	vld [tilespmem:$0x2C70];
	v3 =	vmax.f32 v52, v54;
	v57 =	vmax.f32 v48, v49;
	v0 =	vmax.f32 v0, v53  }
0x3c6: {  	v54 =	vld [tilespmem:$0x2D70];
	v44 =	vsel vm12, v10, v9;
	v1 =	vmax.f32 v12, v46;
	v3 =	vmax.f32 v4, v3  }
0x3c7: {  	v2 =	vmax.f32 v56, v58;
	v53 =	vsel vm3, $0x1, v44;
	vm3 =	vgt.f32 v0, $0.0e+00;
	v56 =	vld [tilespmem:$0x2DF0]  }
0x3c8: {  	[tilespmem:$0x3300] =	vst v25;
	v52 =	vmax.f32 v61, v28;
	v16 =	vmax.f32 v35, v41;
	v0 =	vsel vm3, $0x1, v55  }
0x3c9: {  	[tilespmem:$0x3310] =	vst v8;
	vm3 =	vgt.f32 v1, $0.0e+00;
	v2 =	vmax.f32 v2, v52;
	v58 =	vmax.f32 v16, v13  }
0x3ca: {  	[tilespmem:$0x3320] =	vst v7;
	v1 =	vmax.f32 v57, v3;
	v5 =	vmax.f32 v50, v51;
	v2 =	vmax.f32 v2, v58  }
0x3cb: {  	vm14 =	vgt.f32 v47, $0.0e+00;
	[tilespmem:$0x3330] =	vst v11;
	v59 =	vmax.f32 v5, v54;
	v1 =	vmax.f32 v1, v2  }
0x3cc: {  	v60 =	vsel vm14, v10, v9;
	[tilespmem:$0x3340] =	vst v53;
	v1 =	vmax.f32 v1, v59;
	vm15 =	vgt.f32 v56, $0.0e+00  }
0x3cd: {  	[tilespmem:$0x3350] =	vst v0;
	v61 =	vsel vm3, $0x1, v60;
	vm3 =	vgt.f32 v1, $0.0e+00;
	v62 =	vsel vm15, v10, v9  }
0x3ce: {  	[tilespmem:$0x3360] =	vst v61;
	v63 =	vsel vm3, $0x1, v62  }
0x3cf: {  	[tilespmem:$0x3370] =	vst v63  }
0x3d0: {  	[hbm4b:s8+s3] =	stream.linear.scatter [tilespmem:s0], [sflag:$0x3], $0x80, $0x38;
	[tilespmem:$0x3380] =	vst v63  }
0x3d1: {  	_ =	swait.ge [sflag:s14], $0x80  }
0x3d2: {  	[sflag:s14] =	ssyncset.done $0x0  }
0x3d3: {  	[sflag:s14] =	ssyncadd.s32 $0xFFFFFF80  }
0x3d4: {  	_ =	swait.ge [sflag:s14], $0x80  }
0x3d5: {  	[sflag:s14] =	ssyncset.done $0x0  }
0x3d6: {  	[sflag:s14] =	ssyncadd.s32 $0xFFFFFF80  }
0x3d7: {  	p0 =	sne.s32 s9, $0x1;
	_ =	swait.ge [sflag:s14], $0x80  }
.Ltmp0:
0x3d8: {  	[sflag:s14] =	ssyncset.done $0x0;
	(pc) =	sbr.rel @p0 .LBB2_1-.Ltmp0, $4  }
0x3d9: {  	[sflag:s14] =	ssyncadd.s32 $0xFFFFFF80  }
0x3da: {  	_ =	swait.ge [sflag:s14], $0x80  }
0x3db: {  	[sflag:s14] =	ssyncset.done $0x0  }
0x3dc: {  	s9 =	sadd.s32 $0xFFFFFFFF, s9;
	[sflag:s14] =	ssyncadd.s32 $0xFFFFFF80  }
0x3dd: {  	_ =	sfence.sel $0x180000  }
0x3de: {  	[bflag:$0x0] =	sbarrier.arrive $0xFFFF  }
0x3df: {  	_ =	strace $0x90000047  }
0x3e0: {  	s0 =	stileid.u32;
	[bflag:$0x2] =	sbarrier.arrive $0xFFFF  }
0x3e1: {  	p0 =	sne.s32 s0, $0x0;
	s0 =	rddreg [dreg:$0x4]  }
0x3e2: {  	s0 =	sadd.s32 @!p0 $0x100000, s0  }
0x3e3: {  	[sflag:s0] =	ssyncadd.tile.s32 @!p0 $0x1;
	_ =	shalt  }
.Lfunc_end2:
_tile_overlayer_lowered:
.L_overlay_start_2:
0x3e4: {  	(tag) =	ssettag $0x2  }
0x3e5: {  	s0 =	rddreg [dreg:$0x0];
	s2 =	stileid.u32  }
0x3e6: {  	s1 =	rddreg [dreg:$0x1];
	p0 =	sne.s32 s2, $0x0  }
0x3e7: {  	s3 =	rddreg [dreg:$0x2];
	[bflag:$0x3] =	sbarrier.arrive $0xFFFF;
	s2 =	simm.s32 @!p0 $0x1C04  }
0x3e8: {  	[timem:s3], [sflag:s2] =	dma.local @!p0 [hbm:s0], s1  }
0x3e9: {  	s0 =	simm.s32 @!p0 $0x4  }
0x3ea: {  	_ =	swait.ge @!p0 [sflag:s0], s1  }
0x3eb: {  	s1 =	ssub.s32 @!p0 $0x0, s1;
	[sflag:s0] =	ssyncset.done @!p0 $0x0  }
0x3ec: {  	[sflag:s0] =	ssyncadd.s32 @!p0 s1  }
0x3ed: {  	[bflag:$0x3] =	sbarrier.arrive $0xFFFF  }
0x3ee: {  	_ =	shalt  }

</sc_bundles>
